<compile_context>
chip_gen: v7x
topology: tpu7x:2x2x1
jax: 0.10.2.dev20260603
libtpu: 0.0.44.dev20260713+nightly
codegen_flags: <defaults>
</compile_context>

<pallas_src>
import functools

import jax
import jax.numpy as jnp
from jax import lax
from jax.experimental import pallas as pl
from jax.experimental.pallas import tpu as pltpu
from jax.experimental.pallas import tpu_sc as plsc

NC = 2
NS = 16
L = 16
NW = NC * NS
B = 16384
D = 32
BPW = B // NW
NBLK = BPW // L
SUB = 2
NSETS = 4
AHEAD = 3


def _mf_body(uid_h, iid_h, uembT_h, iembT_h, ub_h, ib_h, out_h,
             uid_v, iid_v, buf_u, buf_i, pcols, bb_u, bb_i, out_v,
             sem0, sem1, sem2, sem3, bsem):
    cid = lax.axis_index("c")
    sid = lax.axis_index("s")
    wid = sid * NC + cid
    base = wid * BPW

    pltpu.sync_copy(uid_h.at[pl.ds(base, BPW)], uid_v)
    pltpu.sync_copy(iid_h.at[pl.ds(base, BPW)], iid_v)

    iota = lax.iota(jnp.int32, L)
    sems = [sem0, sem1, sem2, sem3]

    def fire(uvec, ivec, h):
        par = h % NSETS
        for t in range(SUB):
            u = uvec[h * SUB + t]
            i = ivec[h * SUB + t]
            ucol = lax.shift_right_logical(u, 7)
            icol = lax.shift_right_logical(i, 7)
            dst = pl.ds((par * SUB + t) * D, D)
            pltpu.async_copy(uembT_h.at[:, pl.ds(ucol * 128, 128)],
                             buf_u.at[dst], sems[par])
            pltpu.async_copy(iembT_h.at[:, pl.ds(icol * 128, 128)],
                             buf_i.at[dst], sems[par])

    def fire_bias(uvec, ivec, g, h):
        for t in range(SUB):
            r = g * L + h * SUB + t
            u8 = pl.multiple_of(uvec[h * SUB + t] & ~7, 8)
            i8 = pl.multiple_of(ivec[h * SUB + t] & ~7, 8)
            pltpu.async_copy(ub_h.at[pl.ds(u8, 8)], bb_u.at[pl.ds(r * 8, 8)],
                             bsem)
            pltpu.async_copy(ib_h.at[pl.ds(i8, 8)], bb_i.at[pl.ds(r * 8, 8)],
                             bsem)

    def drain(h):
        par = h % NSETS
        for t in range(SUB):
            dst = pl.ds((par * SUB + t) * D, D)
            pltpu.make_async_copy(uembT_h.at[:, pl.ds(0, 128)],
                                  buf_u.at[dst], sems[par]).wait()
            pltpu.make_async_copy(iembT_h.at[:, pl.ds(0, 128)],
                                  buf_i.at[dst], sems[par]).wait()

    def extract(uvec, ivec, g, h):
        par = h % NSETS
        for t in range(SUB):
            r = g * L + h * SUB + t
            urem = uvec[h * SUB + t] & 127
            irem = ivec[h * SUB + t] & 127
            ucolv = jnp.zeros((L,), jnp.int32) + urem
            icolv = jnp.zeros((L,), jnp.int32) + irem
            row0 = (par * SUB + t) * D
            u0 = plsc.load_gather(buf_u, [row0 + iota, ucolv])
            u1 = plsc.load_gather(buf_u, [row0 + L + iota, ucolv])
            i0 = plsc.load_gather(buf_i, [row0 + iota, icolv])
            i1 = plsc.load_gather(buf_i, [row0 + L + iota, icolv])
            p = u0 * i0 + u1 * i1
            plsc.store_scatter(pcols, [iota * BPW + r], p)

    uvec0 = uid_v[pl.ds(0, L)]
    ivec0 = iid_v[pl.ds(0, L)]
    for s in range(AHEAD):
        fire(uvec0, ivec0, s)

    def idblock(g, carry):
        uvec = uid_v[pl.ds(g * L, L)]
        ivec = iid_v[pl.ds(g * L, L)]
        nxt_sl = pl.ds(jnp.minimum(g + 1, NBLK - 1) * L, L)
        uvec_n = uid_v[nxt_sl]
        ivec_n = iid_v[nxt_sl]
        nsub = L // SUB
        for h in range(nsub):
            if h + AHEAD < nsub:
                fire(uvec, ivec, h + AHEAD)
            else:
                fire(uvec_n, ivec_n, h + AHEAD - nsub)
            fire_bias(uvec, ivec, g, h)
            drain(h)
            extract(uvec, ivec, g, h)
        return carry

    lax.fori_loop(0, NBLK, idblock, 0)
    for s in range(AHEAD):
        drain(s)
    pltpu.make_async_copy(ub_h.at[pl.ds(0, BPW * 8)], bb_u, bsem).wait()
    pltpu.make_async_copy(ib_h.at[pl.ds(0, BPW * 8)], bb_i, bsem).wait()

    def outblock(j, carry):
        sl = pl.ds(j * L, L)
        uvec = uid_v[sl]
        ivec = iid_v[sl]
        ub16 = plsc.load_gather(bb_u, [(j * L + iota) * 8 + (uvec & 7)])
        ib16 = plsc.load_gather(bb_i, [(j * L + iota) * 8 + (ivec & 7)])
        accs = [ub16 + ib16,
                jnp.zeros((L,), jnp.float32),
                jnp.zeros((L,), jnp.float32),
                jnp.zeros((L,), jnp.float32)]
        for lane in range(L):
            accs[lane % 4] = accs[lane % 4] + pcols[pl.ds(lane * BPW + j * L, L)]
        acc = (accs[0] + accs[1]) + (accs[2] + accs[3])
        out_v[sl] = 1.0 / (1.0 + jnp.exp(-acc))
        return carry

    lax.fori_loop(0, NBLK, outblock, 0)
    pltpu.sync_copy(out_v, out_h.at[pl.ds(base, BPW)])


@jax.jit
def kernel(user_ids, item_ids, user_emb, item_emb, user_bias, item_bias):
    uid = user_ids.astype(jnp.int32)
    iid = item_ids.astype(jnp.int32)
    ub = user_bias.reshape(-1)
    ib = item_bias.reshape(-1)

    mesh = plsc.VectorSubcoreMesh(core_axis_name="c", subcore_axis_name="s",
                                  num_cores=NC, num_subcores=NS)
    run = pl.kernel(
        _mf_body,
        out_type=jax.ShapeDtypeStruct((B,), jnp.float32),
        mesh=mesh,
        compiler_params=pltpu.CompilerParams(needs_layout_passes=False,
                                             use_tc_tiling_on_sc=True),
        scratch_types=[
            pltpu.VMEM((BPW,), jnp.int32),
            pltpu.VMEM((BPW,), jnp.int32),
            pltpu.VMEM((NSETS * SUB * D, 128), jnp.float32),
            pltpu.VMEM((NSETS * SUB * D, 128), jnp.float32),
            pltpu.VMEM((L * BPW,), jnp.float32),
            pltpu.VMEM((BPW * 8,), jnp.float32),
            pltpu.VMEM((BPW * 8,), jnp.float32),
            pltpu.VMEM((BPW,), jnp.float32),
            pltpu.SemaphoreType.DMA,
            pltpu.SemaphoreType.DMA,
            pltpu.SemaphoreType.DMA,
            pltpu.SemaphoreType.DMA,
            pltpu.SemaphoreType.DMA,
        ],
    )
    return run(uid, iid, user_emb.T, item_emb.T, ub, ib)

# --- scband reference (transcript-rebuilt; emitter-appended) ---
"""Pipeline reference for scband-matrix-factorization-53506702574090 (READ-ONLY COPY).

The authoritative reference and input builder live on the scoring server;
editing this copy changes nothing except your own understanding.
"""

import jax, jax.numpy as jnp
import numpy as np

NUM_USERS = 1000000
NUM_ITEMS = 1000000
EMB_SIZE = 32
BATCH = 16384


def setup_inputs(seed: int = 0) -> dict:
    key = jax.random.key(seed)
    k1, k2, k3, k4, k5, k6 = jax.random.split(key, 6)
    user_ids = jax.random.randint(k1, (BATCH,), 0, NUM_USERS, dtype=jnp.int64 if jax.config.jax_enable_x64 else jnp.int32)
    item_ids = jax.random.randint(k2, (BATCH,), 0, NUM_ITEMS, dtype=jnp.int64 if jax.config.jax_enable_x64 else jnp.int32)
    user_emb = jax.random.uniform(k3, (NUM_USERS, EMB_SIZE), dtype=jnp.float32, minval=0.0, maxval=0.05)
    item_emb = jax.random.uniform(k4, (NUM_ITEMS, EMB_SIZE), dtype=jnp.float32, minval=0.0, maxval=0.05)
    user_bias = jax.random.uniform(k5, (NUM_USERS, 1), dtype=jnp.float32, minval=-0.01, maxval=0.01)
    item_bias = jax.random.uniform(k6, (NUM_ITEMS, 1), dtype=jnp.float32, minval=-0.01, maxval=0.01)
    return {
        "user_ids": user_ids,
        "item_ids": item_ids,
        "user_emb": user_emb,
        "item_emb": item_emb,
        "user_bias": user_bias,
        "item_bias": item_bias,
    }


def reference(user_ids, item_ids, user_emb, item_emb, user_bias, item_bias):
    user_embs = jnp.take(user_emb, user_ids, axis=0)          # [B, D]
    item_embs = jnp.take(item_emb, item_ids, axis=0)          # [B, D]
    user_biases = jnp.take(user_bias, user_ids, axis=0).squeeze(-1)  # [B]
    item_biases = jnp.take(item_bias, item_ids, axis=0).squeeze(-1)  # [B]
    rating = jax.nn.sigmoid((user_embs * item_embs).sum(axis=1) + user_biases + item_biases)
    return rating

if __name__ == "__main__":
    import jax
    _d = setup_inputs()
    print(jax.jit(kernel)(*tuple(_d.values())))

</pallas_src>

<mosaic_0001>
#map = affine_map<(d0, d1) -> (0)>
#map1 = affine_map<(d0, d1) -> (0, 0)>
module attributes {stable_mosaic.version = 14 : i64} {
  func.func @_mf_body(%arg0: i32, %arg1: i32, %arg2: memref<16384xi32, #tpu.memory_space<hbm>>, %arg3: memref<16384xi32, #tpu.memory_space<hbm>>, %arg4: memref<32x1000000xf32, #tpu.memory_space<hbm>>, %arg5: memref<32x1000000xf32, #tpu.memory_space<hbm>>, %arg6: memref<1000000xf32, #tpu.memory_space<hbm>>, %arg7: memref<1000000xf32, #tpu.memory_space<hbm>>, %arg8: memref<16384xf32, #tpu.memory_space<hbm>>, %arg9: memref<512xi32, #tpu.memory_space<vmem>>, %arg10: memref<512xi32, #tpu.memory_space<vmem>>, %arg11: memref<256x128xf32, #tpu.memory_space<vmem>>, %arg12: memref<256x128xf32, #tpu.memory_space<vmem>>, %arg13: memref<8192xf32, #tpu.memory_space<vmem>>, %arg14: memref<4096xf32, #tpu.memory_space<vmem>>, %arg15: memref<4096xf32, #tpu.memory_space<vmem>>, %arg16: memref<512xf32, #tpu.memory_space<vmem>>, %arg17: memref<!tpu.dma_semaphore, #tpu.memory_space<semaphore_mem>>, %arg18: memref<!tpu.dma_semaphore, #tpu.memory_space<semaphore_mem>>, %arg19: memref<!tpu.dma_semaphore, #tpu.memory_space<semaphore_mem>>, %arg20: memref<!tpu.dma_semaphore, #tpu.memory_space<semaphore_mem>>, %arg21: memref<!tpu.dma_semaphore, #tpu.memory_space<semaphore_mem>>) attributes {dimension_semantics = [#tpu.dimension_semantics<core_parallel>, #tpu.dimension_semantics<subcore_parallel>], iteration_bounds = array<i64: 2, 16>, scalar_prefetch = 0 : i64, scratch_operands = 13 : i64, tpu.core_type = #tpu.core_type<sc_vector_subcore>, window_params = [{transform_indices = #map}, {transform_indices = #map}, {transform_indices = #map1}, {transform_indices = #map1}, {transform_indices = #map}, {transform_indices = #map}, {transform_indices = #map}]} {
    %mul3A = arith.constant 2 : i32
    %mul3A_0 = arith.muli %arg1, %mul3A : i32
    %add3A = arith.addi %mul3A_0, %arg0 : i32
    %mul3A_1 = arith.constant 512 : i32
    %mul3A_2 = arith.muli %add3A, %mul3A_1 : i32
    "tpu.region"() ({
      %run_scoped3A = tpu.sem_alloc : memref<!tpu.dma_semaphore, #tpu.memory_space<semaphore_mem>>
      %dma_start3A_356 = tpu.memref_slice %arg2[%mul3A_2] : memref<16384xi32, #tpu.memory_space<hbm>> -> memref<512xi32, #tpu.memory_space<hbm>>
      %dma_start3A_357 = tpu.memref_slice %arg2[%mul3A_2] : memref<16384xi32, #tpu.memory_space<hbm>> -> memref<512xi32, #tpu.memory_space<hbm>>
      tpu.enqueue_dma source(%dma_start3A_357 : memref<512xi32, #tpu.memory_space<hbm>>) target(%arg9 : memref<512xi32, #tpu.memory_space<vmem>>) target_semaphore(%run_scoped3A : memref<!tpu.dma_semaphore, #tpu.memory_space<semaphore_mem>>)
      %dma_wait3A_358 = tpu.memref_slice %arg2[%mul3A_2] : memref<16384xi32, #tpu.memory_space<hbm>> -> memref<512xi32, #tpu.memory_space<hbm>>
      %dma_wait3A_359 = tpu.memref_slice %arg2[%mul3A_2] : memref<16384xi32, #tpu.memory_space<hbm>> -> memref<512xi32, #tpu.memory_space<hbm>>
      tpu.wait_dma2 semaphore(%run_scoped3A : memref<!tpu.dma_semaphore, #tpu.memory_space<semaphore_mem>>) src(%dma_wait3A_359 : memref<512xi32, #tpu.memory_space<hbm>>) dst(%arg9 : memref<512xi32, #tpu.memory_space<vmem>>)
      tpu.yield
    }) : () -> ()
    "tpu.region"() ({
      %run_scoped3A = tpu.sem_alloc : memref<!tpu.dma_semaphore, #tpu.memory_space<semaphore_mem>>
      %dma_start3A_356 = tpu.memref_slice %arg3[%mul3A_2] : memref<16384xi32, #tpu.memory_space<hbm>> -> memref<512xi32, #tpu.memory_space<hbm>>
      %dma_start3A_357 = tpu.memref_slice %arg3[%mul3A_2] : memref<16384xi32, #tpu.memory_space<hbm>> -> memref<512xi32, #tpu.memory_space<hbm>>
      tpu.enqueue_dma source(%dma_start3A_357 : memref<512xi32, #tpu.memory_space<hbm>>) target(%arg10 : memref<512xi32, #tpu.memory_space<vmem>>) target_semaphore(%run_scoped3A : memref<!tpu.dma_semaphore, #tpu.memory_space<semaphore_mem>>)
      %dma_wait3A_358 = tpu.memref_slice %arg3[%mul3A_2] : memref<16384xi32, #tpu.memory_space<hbm>> -> memref<512xi32, #tpu.memory_space<hbm>>
      %dma_wait3A_359 = tpu.memref_slice %arg3[%mul3A_2] : memref<16384xi32, #tpu.memory_space<hbm>> -> memref<512xi32, #tpu.memory_space<hbm>>
      tpu.wait_dma2 semaphore(%run_scoped3A : memref<!tpu.dma_semaphore, #tpu.memory_space<semaphore_mem>>) src(%dma_wait3A_359 : memref<512xi32, #tpu.memory_space<hbm>>) dst(%arg10 : memref<512xi32, #tpu.memory_space<vmem>>)
      tpu.yield
    }) : () -> ()
    %iota3A = tpu.iota {dimensions = array<i32: 0>} : vector<16xi32>
    %get3A = arith.constant 0 : index
    %get3A_3 = tpu.vector_load %arg9[%get3A] {strides = array<i32>} : memref<512xi32, #tpu.memory_space<vmem>>, vector<16xi32>,
    %get3A_4 = arith.constant 0 : index
    %get3A_5 = tpu.vector_load %arg10[%get3A_4] {strides = array<i32>} : memref<512xi32, #tpu.memory_space<vmem>>, vector<16xi32>,
    %slice3A = vector.extract_strided_slice %get3A_3 {offsets = [0], sizes = [1], strides = [1]} : vector<16xi32> to vector<1xi32>
    %squeeze3A = vector.extract %slice3A[0] : i32 from vector<1xi32>
    %slice3A_6 = vector.extract_strided_slice %get3A_5 {offsets = [0], sizes = [1], strides = [1]} : vector<16xi32> to vector<1xi32>
    %squeeze3A_7 = vector.extract %slice3A_6[0] : i32 from vector<1xi32>
    %shift_right_logical3A = arith.constant 7 : i32
    %shift_right_logical3A_8 = arith.shrui %squeeze3A, %shift_right_logical3A : i32
    %shift_right_logical3A_9 = arith.constant 7 : i32
    %shift_right_logical3A_10 = arith.shrui %squeeze3A_7, %shift_right_logical3A_9 : i32
    %mul3A_11 = arith.constant 128 : i32
    %mul3A_12 = arith.muli %shift_right_logical3A_8, %mul3A_11 : i32
    %dma_start3A = arith.constant 0 : i32
    %dma_start3A_13 = arith.constant 0 : i32
    %dma_start3A_14 = tpu.memref_slice %arg11[%dma_start3A, %dma_start3A_13] : memref<256x128xf32, #tpu.memory_space<vmem>> -> memref<32x128xf32, #tpu.memory_space<vmem>>
    %dma_start3A_15 = arith.constant 0 : i32
    %dma_start3A_16 = tpu.memref_slice %arg4[%dma_start3A_15, %mul3A_12] : memref<32x1000000xf32, #tpu.memory_space<hbm>> -> memref<32x128xf32, #tpu.memory_space<hbm>>
    %dma_start3A_17 = arith.constant 0 : i32
    %dma_start3A_18 = arith.constant 0 : i32
    %dma_start3A_19 = tpu.memref_slice %arg11[%dma_start3A_17, %dma_start3A_18] : memref<256x128xf32, #tpu.memory_space<vmem>> -> memref<32x128xf32, #tpu.memory_space<vmem>>
    %dma_start3A_20 = arith.constant 0 : i32
    %dma_start3A_21 = tpu.memref_slice %arg4[%dma_start3A_20, %mul3A_12] : memref<32x1000000xf32, #tpu.memory_space<hbm>> -> memref<32x128xf32, #tpu.memory_space<hbm>>
    tpu.enqueue_dma source(%dma_start3A_21 : memref<32x128xf32, #tpu.memory_space<hbm>>) target(%dma_start3A_19 : memref<32x128xf32, #tpu.memory_space<vmem>>) target_semaphore(%arg17 : memref<!tpu.dma_semaphore, #tpu.memory_space<semaphore_mem>>)
    %mul3A_22 = arith.constant 128 : i32
    %mul3A_23 = arith.muli %shift_right_logical3A_10, %mul3A_22 : i32
    %dma_start3A_24 = arith.constant 0 : i32
    %dma_start3A_25 = arith.constant 0 : i32
    %dma_start3A_26 = tpu.memref_slice %arg12[%dma_start3A_24, %dma_start3A_25] : memref<256x128xf32, #tpu.memory_space<vmem>> -> memref<32x128xf32, #tpu.memory_space<vmem>>
    %dma_start3A_27 = arith.constant 0 : i32
    %dma_start3A_28 = tpu.memref_slice %arg5[%dma_start3A_27, %mul3A_23] : memref<32x1000000xf32, #tpu.memory_space<hbm>> -> memref<32x128xf32, #tpu.memory_space<hbm>>
    %dma_start3A_29 = arith.constant 0 : i32
    %dma_start3A_30 = arith.constant 0 : i32
    %dma_start3A_31 = tpu.memref_slice %arg12[%dma_start3A_29, %dma_start3A_30] : memref<256x128xf32, #tpu.memory_space<vmem>> -> memref<32x128xf32, #tpu.memory_space<vmem>>
    %dma_start3A_32 = arith.constant 0 : i32
    %dma_start3A_33 = tpu.memref_slice %arg5[%dma_start3A_32, %mul3A_23] : memref<32x1000000xf32, #tpu.memory_space<hbm>> -> memref<32x128xf32, #tpu.memory_space<hbm>>
    tpu.enqueue_dma source(%dma_start3A_33 : memref<32x128xf32, #tpu.memory_space<hbm>>) target(%dma_start3A_31 : memref<32x128xf32, #tpu.memory_space<vmem>>) target_semaphore(%arg17 : memref<!tpu.dma_semaphore, #tpu.memory_space<semaphore_mem>>)
    %slice3A_34 = vector.extract_strided_slice %get3A_3 {offsets = [1], sizes = [1], strides = [1]} : vector<16xi32> to vector<1xi32>
    %squeeze3A_35 = vector.extract %slice3A_34[0] : i32 from vector<1xi32>
    %slice3A_36 = vector.extract_strided_slice %get3A_5 {offsets = [1], sizes = [1], strides = [1]} : vector<16xi32> to vector<1xi32>
    %squeeze3A_37 = vector.extract %slice3A_36[0] : i32 from vector<1xi32>
    %shift_right_logical3A_38 = arith.constant 7 : i32
    %shift_right_logical3A_39 = arith.shrui %squeeze3A_35, %shift_right_logical3A_38 : i32
    %shift_right_logical3A_40 = arith.constant 7 : i32
    %shift_right_logical3A_41 = arith.shrui %squeeze3A_37, %shift_right_logical3A_40 : i32
    %mul3A_42 = arith.constant 128 : i32
    %mul3A_43 = arith.muli %shift_right_logical3A_39, %mul3A_42 : i32
    %dma_start3A_44 = arith.constant 32 : i32
    %dma_start3A_45 = arith.constant 0 : i32
    %dma_start3A_46 = tpu.memref_slice %arg11[%dma_start3A_44, %dma_start3A_45] : memref<256x128xf32, #tpu.memory_space<vmem>> -> memref<32x128xf32, #tpu.memory_space<vmem>>
    %dma_start3A_47 = arith.constant 0 : i32
    %dma_start3A_48 = tpu.memref_slice %arg4[%dma_start3A_47, %mul3A_43] : memref<32x1000000xf32, #tpu.memory_space<hbm>> -> memref<32x128xf32, #tpu.memory_space<hbm>>
    %dma_start3A_49 = arith.constant 32 : i32
    %dma_start3A_50 = arith.constant 0 : i32
    %dma_start3A_51 = tpu.memref_slice %arg11[%dma_start3A_49, %dma_start3A_50] : memref<256x128xf32, #tpu.memory_space<vmem>> -> memref<32x128xf32, #tpu.memory_space<vmem>>
    %dma_start3A_52 = arith.constant 0 : i32
    %dma_start3A_53 = tpu.memref_slice %arg4[%dma_start3A_52, %mul3A_43] : memref<32x1000000xf32, #tpu.memory_space<hbm>> -> memref<32x128xf32, #tpu.memory_space<hbm>>
    tpu.enqueue_dma source(%dma_start3A_53 : memref<32x128xf32, #tpu.memory_space<hbm>>) target(%dma_start3A_51 : memref<32x128xf32, #tpu.memory_space<vmem>>) target_semaphore(%arg17 : memref<!tpu.dma_semaphore, #tpu.memory_space<semaphore_mem>>)
    %mul3A_54 = arith.constant 128 : i32
    %mul3A_55 = arith.muli %shift_right_logical3A_41, %mul3A_54 : i32
    %dma_start3A_56 = arith.constant 32 : i32
    %dma_start3A_57 = arith.constant 0 : i32
    %dma_start3A_58 = tpu.memref_slice %arg12[%dma_start3A_56, %dma_start3A_57] : memref<256x128xf32, #tpu.memory_space<vmem>> -> memref<32x128xf32, #tpu.memory_space<vmem>>
    %dma_start3A_59 = arith.constant 0 : i32
    %dma_start3A_60 = tpu.memref_slice %arg5[%dma_start3A_59, %mul3A_55] : memref<32x1000000xf32, #tpu.memory_space<hbm>> -> memref<32x128xf32, #tpu.memory_space<hbm>>
    %dma_start3A_61 = arith.constant 32 : i32
    %dma_start3A_62 = arith.constant 0 : i32
    %dma_start3A_63 = tpu.memref_slice %arg12[%dma_start3A_61, %dma_start3A_62] : memref<256x128xf32, #tpu.memory_space<vmem>> -> memref<32x128xf32, #tpu.memory_space<vmem>>
    %dma_start3A_64 = arith.constant 0 : i32
    %dma_start3A_65 = tpu.memref_slice %arg5[%dma_start3A_64, %mul3A_55] : memref<32x1000000xf32, #tpu.memory_space<hbm>> -> memref<32x128xf32, #tpu.memory_space<hbm>>
    tpu.enqueue_dma source(%dma_start3A_65 : memref<32x128xf32, #tpu.memory_space<hbm>>) target(%dma_start3A_63 : memref<32x128xf32, #tpu.memory_space<vmem>>) target_semaphore(%arg17 : memref<!tpu.dma_semaphore, #tpu.memory_space<semaphore_mem>>)
    %slice3A_66 = vector.extract_strided_slice %get3A_3 {offsets = [2], sizes = [1], strides = [1]} : vector<16xi32> to vector<1xi32>
    %squeeze3A_67 = vector.extract %slice3A_66[0] : i32 from vector<1xi32>
    %slice3A_68 = vector.extract_strided_slice %get3A_5 {offsets = [2], sizes = [1], strides = [1]} : vector<16xi32> to vector<1xi32>
    %squeeze3A_69 = vector.extract %slice3A_68[0] : i32 from vector<1xi32>
    %shift_right_logical3A_70 = arith.constant 7 : i32
    %shift_right_logical3A_71 = arith.shrui %squeeze3A_67, %shift_right_logical3A_70 : i32
    %shift_right_logical3A_72 = arith.constant 7 : i32
    %shift_right_logical3A_73 = arith.shrui %squeeze3A_69, %shift_right_logical3A_72 : i32
    %mul3A_74 = arith.constant 128 : i32
    %mul3A_75 = arith.muli %shift_right_logical3A_71, %mul3A_74 : i32
    %dma_start3A_76 = arith.constant 64 : i32
    %dma_start3A_77 = arith.constant 0 : i32
    %dma_start3A_78 = tpu.memref_slice %arg11[%dma_start3A_76, %dma_start3A_77] : memref<256x128xf32, #tpu.memory_space<vmem>> -> memref<32x128xf32, #tpu.memory_space<vmem>>
    %dma_start3A_79 = arith.constant 0 : i32
    %dma_start3A_80 = tpu.memref_slice %arg4[%dma_start3A_79, %mul3A_75] : memref<32x1000000xf32, #tpu.memory_space<hbm>> -> memref<32x128xf32, #tpu.memory_space<hbm>>
    %dma_start3A_81 = arith.constant 64 : i32
    %dma_start3A_82 = arith.constant 0 : i32
    %dma_start3A_83 = tpu.memref_slice %arg11[%dma_start3A_81, %dma_start3A_82] : memref<256x128xf32, #tpu.memory_space<vmem>> -> memref<32x128xf32, #tpu.memory_space<vmem>>
    %dma_start3A_84 = arith.constant 0 : i32
    %dma_start3A_85 = tpu.memref_slice %arg4[%dma_start3A_84, %mul3A_75] : memref<32x1000000xf32, #tpu.memory_space<hbm>> -> memref<32x128xf32, #tpu.memory_space<hbm>>
    tpu.enqueue_dma source(%dma_start3A_85 : memref<32x128xf32, #tpu.memory_space<hbm>>) target(%dma_start3A_83 : memref<32x128xf32, #tpu.memory_space<vmem>>) target_semaphore(%arg18 : memref<!tpu.dma_semaphore, #tpu.memory_space<semaphore_mem>>)
    %mul3A_86 = arith.constant 128 : i32
    %mul3A_87 = arith.muli %shift_right_logical3A_73, %mul3A_86 : i32
    %dma_start3A_88 = arith.constant 64 : i32
    %dma_start3A_89 = arith.constant 0 : i32
    %dma_start3A_90 = tpu.memref_slice %arg12[%dma_start3A_88, %dma_start3A_89] : memref<256x128xf32, #tpu.memory_space<vmem>> -> memref<32x128xf32, #tpu.memory_space<vmem>>
    %dma_start3A_91 = arith.constant 0 : i32
    %dma_start3A_92 = tpu.memref_slice %arg5[%dma_start3A_91, %mul3A_87] : memref<32x1000000xf32, #tpu.memory_space<hbm>> -> memref<32x128xf32, #tpu.memory_space<hbm>>
    %dma_start3A_93 = arith.constant 64 : i32
    %dma_start3A_94 = arith.constant 0 : i32
    %dma_start3A_95 = tpu.memref_slice %arg12[%dma_start3A_93, %dma_start3A_94] : memref<256x128xf32, #tpu.memory_space<vmem>> -> memref<32x128xf32, #tpu.memory_space<vmem>>
    %dma_start3A_96 = arith.constant 0 : i32
    %dma_start3A_97 = tpu.memref_slice %arg5[%dma_start3A_96, %mul3A_87] : memref<32x1000000xf32, #tpu.memory_space<hbm>> -> memref<32x128xf32, #tpu.memory_space<hbm>>
    tpu.enqueue_dma source(%dma_start3A_97 : memref<32x128xf32, #tpu.memory_space<hbm>>) target(%dma_start3A_95 : memref<32x128xf32, #tpu.memory_space<vmem>>) target_semaphore(%arg18 : memref<!tpu.dma_semaphore, #tpu.memory_space<semaphore_mem>>)
    %slice3A_98 = vector.extract_strided_slice %get3A_3 {offsets = [3], sizes = [1], strides = [1]} : vector<16xi32> to vector<1xi32>
    %squeeze3A_99 = vector.extract %slice3A_98[0] : i32 from vector<1xi32>
    %slice3A_100 = vector.extract_strided_slice %get3A_5 {offsets = [3], sizes = [1], strides = [1]} : vector<16xi32> to vector<1xi32>
    %squeeze3A_101 = vector.extract %slice3A_100[0] : i32 from vector<1xi32>
    %shift_right_logical3A_102 = arith.constant 7 : i32
    %shift_right_logical3A_103 = arith.shrui %squeeze3A_99, %shift_right_logical3A_102 : i32
    %shift_right_logical3A_104 = arith.constant 7 : i32
    %shift_right_logical3A_105 = arith.shrui %squeeze3A_101, %shift_right_logical3A_104 : i32
    %mul3A_106 = arith.constant 128 : i32
    %mul3A_107 = arith.muli %shift_right_logical3A_103, %mul3A_106 : i32
    %dma_start3A_108 = arith.constant 96 : i32
    %dma_start3A_109 = arith.constant 0 : i32
    %dma_start3A_110 = tpu.memref_slice %arg11[%dma_start3A_108, %dma_start3A_109] : memref<256x128xf32, #tpu.memory_space<vmem>> -> memref<32x128xf32, #tpu.memory_space<vmem>>
    %dma_start3A_111 = arith.constant 0 : i32
    %dma_start3A_112 = tpu.memref_slice %arg4[%dma_start3A_111, %mul3A_107] : memref<32x1000000xf32, #tpu.memory_space<hbm>> -> memref<32x128xf32, #tpu.memory_space<hbm>>
    %dma_start3A_113 = arith.constant 96 : i32
    %dma_start3A_114 = arith.constant 0 : i32
    %dma_start3A_115 = tpu.memref_slice %arg11[%dma_start3A_113, %dma_start3A_114] : memref<256x128xf32, #tpu.memory_space<vmem>> -> memref<32x128xf32, #tpu.memory_space<vmem>>
    %dma_start3A_116 = arith.constant 0 : i32
    %dma_start3A_117 = tpu.memref_slice %arg4[%dma_start3A_116, %mul3A_107] : memref<32x1000000xf32, #tpu.memory_space<hbm>> -> memref<32x128xf32, #tpu.memory_space<hbm>>
    tpu.enqueue_dma source(%dma_start3A_117 : memref<32x128xf32, #tpu.memory_space<hbm>>) target(%dma_start3A_115 : memref<32x128xf32, #tpu.memory_space<vmem>>) target_semaphore(%arg18 : memref<!tpu.dma_semaphore, #tpu.memory_space<semaphore_mem>>)
    %mul3A_118 = arith.constant 128 : i32
    %mul3A_119 = arith.muli %shift_right_logical3A_105, %mul3A_118 : i32
    %dma_start3A_120 = arith.constant 96 : i32
    %dma_start3A_121 = arith.constant 0 : i32
    %dma_start3A_122 = tpu.memref_slice %arg12[%dma_start3A_120, %dma_start3A_121] : memref<256x128xf32, #tpu.memory_space<vmem>> -> memref<32x128xf32, #tpu.memory_space<vmem>>
    %dma_start3A_123 = arith.constant 0 : i32
    %dma_start3A_124 = tpu.memref_slice %arg5[%dma_start3A_123, %mul3A_119] : memref<32x1000000xf32, #tpu.memory_space<hbm>> -> memref<32x128xf32, #tpu.memory_space<hbm>>
    %dma_start3A_125 = arith.constant 96 : i32
    %dma_start3A_126 = arith.constant 0 : i32
    %dma_start3A_127 = tpu.memref_slice %arg12[%dma_start3A_125, %dma_start3A_126] : memref<256x128xf32, #tpu.memory_space<vmem>> -> memref<32x128xf32, #tpu.memory_space<vmem>>
    %dma_start3A_128 = arith.constant 0 : i32
    %dma_start3A_129 = tpu.memref_slice %arg5[%dma_start3A_128, %mul3A_119] : memref<32x1000000xf32, #tpu.memory_space<hbm>> -> memref<32x128xf32, #tpu.memory_space<hbm>>
    tpu.enqueue_dma source(%dma_start3A_129 : memref<32x128xf32, #tpu.memory_space<hbm>>) target(%dma_start3A_127 : memref<32x128xf32, #tpu.memory_space<vmem>>) target_semaphore(%arg18 : memref<!tpu.dma_semaphore, #tpu.memory_space<semaphore_mem>>)
    %slice3A_130 = vector.extract_strided_slice %get3A_3 {offsets = [4], sizes = [1], strides = [1]} : vector<16xi32> to vector<1xi32>
    %squeeze3A_131 = vector.extract %slice3A_130[0] : i32 from vector<1xi32>
    %slice3A_132 = vector.extract_strided_slice %get3A_5 {offsets = [4], sizes = [1], strides = [1]} : vector<16xi32> to vector<1xi32>
    %squeeze3A_133 = vector.extract %slice3A_132[0] : i32 from vector<1xi32>
    %shift_right_logical3A_134 = arith.constant 7 : i32
    %shift_right_logical3A_135 = arith.shrui %squeeze3A_131, %shift_right_logical3A_134 : i32
    %shift_right_logical3A_136 = arith.constant 7 : i32
    %shift_right_logical3A_137 = arith.shrui %squeeze3A_133, %shift_right_logical3A_136 : i32
    %mul3A_138 = arith.constant 128 : i32
    %mul3A_139 = arith.muli %shift_right_logical3A_135, %mul3A_138 : i32
    %dma_start3A_140 = arith.constant 128 : i32
    %dma_start3A_141 = arith.constant 0 : i32
    %dma_start3A_142 = tpu.memref_slice %arg11[%dma_start3A_140, %dma_start3A_141] : memref<256x128xf32, #tpu.memory_space<vmem>> -> memref<32x128xf32, #tpu.memory_space<vmem>>
    %dma_start3A_143 = arith.constant 0 : i32
    %dma_start3A_144 = tpu.memref_slice %arg4[%dma_start3A_143, %mul3A_139] : memref<32x1000000xf32, #tpu.memory_space<hbm>> -> memref<32x128xf32, #tpu.memory_space<hbm>>
    %dma_start3A_145 = arith.constant 128 : i32
    %dma_start3A_146 = arith.constant 0 : i32
    %dma_start3A_147 = tpu.memref_slice %arg11[%dma_start3A_145, %dma_start3A_146] : memref<256x128xf32, #tpu.memory_space<vmem>> -> memref<32x128xf32, #tpu.memory_space<vmem>>
    %dma_start3A_148 = arith.constant 0 : i32
    %dma_start3A_149 = tpu.memref_slice %arg4[%dma_start3A_148, %mul3A_139] : memref<32x1000000xf32, #tpu.memory_space<hbm>> -> memref<32x128xf32, #tpu.memory_space<hbm>>
    tpu.enqueue_dma source(%dma_start3A_149 : memref<32x128xf32, #tpu.memory_space<hbm>>) target(%dma_start3A_147 : memref<32x128xf32, #tpu.memory_space<vmem>>) target_semaphore(%arg19 : memref<!tpu.dma_semaphore, #tpu.memory_space<semaphore_mem>>)
    %mul3A_150 = arith.constant 128 : i32
    %mul3A_151 = arith.muli %shift_right_logical3A_137, %mul3A_150 : i32
    %dma_start3A_152 = arith.constant 128 : i32
    %dma_start3A_153 = arith.constant 0 : i32
    %dma_start3A_154 = tpu.memref_slice %arg12[%dma_start3A_152, %dma_start3A_153] : memref<256x128xf32, #tpu.memory_space<vmem>> -> memref<32x128xf32, #tpu.memory_space<vmem>>
    %dma_start3A_155 = arith.constant 0 : i32
    %dma_start3A_156 = tpu.memref_slice %arg5[%dma_start3A_155, %mul3A_151] : memref<32x1000000xf32, #tpu.memory_space<hbm>> -> memref<32x128xf32, #tpu.memory_space<hbm>>
    %dma_start3A_157 = arith.constant 128 : i32
    %dma_start3A_158 = arith.constant 0 : i32
    %dma_start3A_159 = tpu.memref_slice %arg12[%dma_start3A_157, %dma_start3A_158] : memref<256x128xf32, #tpu.memory_space<vmem>> -> memref<32x128xf32, #tpu.memory_space<vmem>>
    %dma_start3A_160 = arith.constant 0 : i32
    %dma_start3A_161 = tpu.memref_slice %arg5[%dma_start3A_160, %mul3A_151] : memref<32x1000000xf32, #tpu.memory_space<hbm>> -> memref<32x128xf32, #tpu.memory_space<hbm>>
    tpu.enqueue_dma source(%dma_start3A_161 : memref<32x128xf32, #tpu.memory_space<hbm>>) target(%dma_start3A_159 : memref<32x128xf32, #tpu.memory_space<vmem>>) target_semaphore(%arg19 : memref<!tpu.dma_semaphore, #tpu.memory_space<semaphore_mem>>)
    %slice3A_162 = vector.extract_strided_slice %get3A_3 {offsets = [5], sizes = [1], strides = [1]} : vector<16xi32> to vector<1xi32>
    %squeeze3A_163 = vector.extract %slice3A_162[0] : i32 from vector<1xi32>
    %slice3A_164 = vector.extract_strided_slice %get3A_5 {offsets = [5], sizes = [1], strides = [1]} : vector<16xi32> to vector<1xi32>
    %squeeze3A_165 = vector.extract %slice3A_164[0] : i32 from vector<1xi32>
    %shift_right_logical3A_166 = arith.constant 7 : i32
    %shift_right_logical3A_167 = arith.shrui %squeeze3A_163, %shift_right_logical3A_166 : i32
    %shift_right_logical3A_168 = arith.constant 7 : i32
    %shift_right_logical3A_169 = arith.shrui %squeeze3A_165, %shift_right_logical3A_168 : i32
    %mul3A_170 = arith.constant 128 : i32
    %mul3A_171 = arith.muli %shift_right_logical3A_167, %mul3A_170 : i32
    %dma_start3A_172 = arith.constant 160 : i32
    %dma_start3A_173 = arith.constant 0 : i32
    %dma_start3A_174 = tpu.memref_slice %arg11[%dma_start3A_172, %dma_start3A_173] : memref<256x128xf32, #tpu.memory_space<vmem>> -> memref<32x128xf32, #tpu.memory_space<vmem>>
    %dma_start3A_175 = arith.constant 0 : i32
    %dma_start3A_176 = tpu.memref_slice %arg4[%dma_start3A_175, %mul3A_171] : memref<32x1000000xf32, #tpu.memory_space<hbm>> -> memref<32x128xf32, #tpu.memory_space<hbm>>
    %dma_start3A_177 = arith.constant 160 : i32
    %dma_start3A_178 = arith.constant 0 : i32
    %dma_start3A_179 = tpu.memref_slice %arg11[%dma_start3A_177, %dma_start3A_178] : memref<256x128xf32, #tpu.memory_space<vmem>> -> memref<32x128xf32, #tpu.memory_space<vmem>>
    %dma_start3A_180 = arith.constant 0 : i32
    %dma_start3A_181 = tpu.memref_slice %arg4[%dma_start3A_180, %mul3A_171] : memref<32x1000000xf32, #tpu.memory_space<hbm>> -> memref<32x128xf32, #tpu.memory_space<hbm>>
    tpu.enqueue_dma source(%dma_start3A_181 : memref<32x128xf32, #tpu.memory_space<hbm>>) target(%dma_start3A_179 : memref<32x128xf32, #tpu.memory_space<vmem>>) target_semaphore(%arg19 : memref<!tpu.dma_semaphore, #tpu.memory_space<semaphore_mem>>)
    %mul3A_182 = arith.constant 128 : i32
    %mul3A_183 = arith.muli %shift_right_logical3A_169, %mul3A_182 : i32
    %dma_start3A_184 = arith.constant 160 : i32
    %dma_start3A_185 = arith.constant 0 : i32
    %dma_start3A_186 = tpu.memref_slice %arg12[%dma_start3A_184, %dma_start3A_185] : memref<256x128xf32, #tpu.memory_space<vmem>> -> memref<32x128xf32, #tpu.memory_space<vmem>>
    %dma_start3A_187 = arith.constant 0 : i32
    %dma_start3A_188 = tpu.memref_slice %arg5[%dma_start3A_187, %mul3A_183] : memref<32x1000000xf32, #tpu.memory_space<hbm>> -> memref<32x128xf32, #tpu.memory_space<hbm>>
    %dma_start3A_189 = arith.constant 160 : i32
    %dma_start3A_190 = arith.constant 0 : i32
    %dma_start3A_191 = tpu.memref_slice %arg12[%dma_start3A_189, %dma_start3A_190] : memref<256x128xf32, #tpu.memory_space<vmem>> -> memref<32x128xf32, #tpu.memory_space<vmem>>
    %dma_start3A_192 = arith.constant 0 : i32
    %dma_start3A_193 = tpu.memref_slice %arg5[%dma_start3A_192, %mul3A_183] : memref<32x1000000xf32, #tpu.memory_space<hbm>> -> memref<32x128xf32, #tpu.memory_space<hbm>>
    tpu.enqueue_dma source(%dma_start3A_193 : memref<32x128xf32, #tpu.memory_space<hbm>>) target(%dma_start3A_191 : memref<32x128xf32, #tpu.memory_space<vmem>>) target_semaphore(%arg19 : memref<!tpu.dma_semaphore, #tpu.memory_space<semaphore_mem>>)
    %scan3A = arith.constant 0 : i32
    %scan3A_194 = arith.constant 0 : i32
    %scan3A_195 = arith.constant 32 : i32
    %scan3A_196 = arith.addi %scan3A_194, %scan3A_195 : i32
    %scan3A_197 = arith.constant 1 : i32
    scf.for %scan3A_356 = %scan3A_194 to %scan3A_196 step %scan3A_197  : i32 {
      %mul3A_357 = arith.constant 16 : i32
      %mul3A_358 = arith.muli %scan3A_356, %mul3A_357 : i32
      %get3A_359 = arith.index_cast %mul3A_358 : i32 to index
      %get3A_360 = tpu.vector_load %arg9[%get3A_359] {strides = array<i32>} : memref<512xi32, #tpu.memory_space<vmem>>, vector<16xi32>,
      %mul3A_361 = arith.constant 16 : i32
      %mul3A_362 = arith.muli %scan3A_356, %mul3A_361 : i32
      %get3A_363 = arith.index_cast %mul3A_362 : i32 to index
      %get3A_364 = tpu.vector_load %arg10[%get3A_363] {strides = array<i32>} : memref<512xi32, #tpu.memory_space<vmem>>, vector<16xi32>,
      %add3A_365 = arith.constant 1 : i32
      %add3A_366 = arith.addi %scan3A_356, %add3A_365 : i32
      %min3A = arith.constant 31 : i32
      %min3A_367 = arith.minsi %add3A_366, %min3A : i32
      %mul3A_368 = arith.constant 16 : i32
      %mul3A_369 = arith.muli %min3A_367, %mul3A_368 : i32
      %get3A_370 = arith.index_cast %mul3A_369 : i32 to index
      %get3A_371 = tpu.vector_load %arg9[%get3A_370] {strides = array<i32>} : memref<512xi32, #tpu.memory_space<vmem>>, vector<16xi32>,
      %get3A_372 = arith.index_cast %mul3A_369 : i32 to index
      %get3A_373 = tpu.vector_load %arg10[%get3A_372] {strides = array<i32>} : memref<512xi32, #tpu.memory_space<vmem>>, vector<16xi32>,
      %slice3A_374 = vector.extract_strided_slice %get3A_360 {offsets = [6], sizes = [1], strides = [1]} : vector<16xi32> to vector<1xi32>
      %squeeze3A_375 = vector.extract %slice3A_374[0] : i32 from vector<1xi32>
      %slice3A_376 = vector.extract_strided_slice %get3A_364 {offsets = [6], sizes = [1], strides = [1]} : vector<16xi32> to vector<1xi32>
      %squeeze3A_377 = vector.extract %slice3A_376[0] : i32 from vector<1xi32>
      %shift_right_logical3A_378 = arith.constant 7 : i32
      %shift_right_logical3A_379 = arith.shrui %squeeze3A_375, %shift_right_logical3A_378 : i32
      %shift_right_logical3A_380 = arith.constant 7 : i32
      %shift_right_logical3A_381 = arith.shrui %squeeze3A_377, %shift_right_logical3A_380 : i32
      %mul3A_382 = arith.constant 128 : i32
      %mul3A_383 = arith.muli %shift_right_logical3A_379, %mul3A_382 : i32
      %dma_start3A_384 = arith.constant 192 : i32
      %dma_start3A_385 = arith.constant 0 : i32
      %dma_start3A_386 = tpu.memref_slice %arg11[%dma_start3A_384, %dma_start3A_385] : memref<256x128xf32, #tpu.memory_space<vmem>> -> memref<32x128xf32, #tpu.memory_space<vmem>>
      %dma_start3A_387 = arith.constant 0 : i32
      %dma_start3A_388 = tpu.memref_slice %arg4[%dma_start3A_387, %mul3A_383] : memref<32x1000000xf32, #tpu.memory_space<hbm>> -> memref<32x128xf32, #tpu.memory_space<hbm>>
      %dma_start3A_389 = arith.constant 192 : i32
      %dma_start3A_390 = arith.constant 0 : i32
      %dma_start3A_391 = tpu.memref_slice %arg11[%dma_start3A_389, %dma_start3A_390] : memref<256x128xf32, #tpu.memory_space<vmem>> -> memref<32x128xf32, #tpu.memory_space<vmem>>
      %dma_start3A_392 = arith.constant 0 : i32
      %dma_start3A_393 = tpu.memref_slice %arg4[%dma_start3A_392, %mul3A_383] : memref<32x1000000xf32, #tpu.memory_space<hbm>> -> memref<32x128xf32, #tpu.memory_space<hbm>>
      tpu.enqueue_dma source(%dma_start3A_393 : memref<32x128xf32, #tpu.memory_space<hbm>>) target(%dma_start3A_391 : memref<32x128xf32, #tpu.memory_space<vmem>>) target_semaphore(%arg20 : memref<!tpu.dma_semaphore, #tpu.memory_space<semaphore_mem>>)
      %mul3A_394 = arith.constant 128 : i32
      %mul3A_395 = arith.muli %shift_right_logical3A_381, %mul3A_394 : i32
      %dma_start3A_396 = arith.constant 192 : i32
      %dma_start3A_397 = arith.constant 0 : i32
      %dma_start3A_398 = tpu.memref_slice %arg12[%dma_start3A_396, %dma_start3A_397] : memref<256x128xf32, #tpu.memory_space<vmem>> -> memref<32x128xf32, #tpu.memory_space<vmem>>
      %dma_start3A_399 = arith.constant 0 : i32
      %dma_start3A_400 = tpu.memref_slice %arg5[%dma_start3A_399, %mul3A_395] : memref<32x1000000xf32, #tpu.memory_space<hbm>> -> memref<32x128xf32, #tpu.memory_space<hbm>>
      %dma_start3A_401 = arith.constant 192 : i32
      %dma_start3A_402 = arith.constant 0 : i32
      %dma_start3A_403 = tpu.memref_slice %arg12[%dma_start3A_401, %dma_start3A_402] : memref<256x128xf32, #tpu.memory_space<vmem>> -> memref<32x128xf32, #tpu.memory_space<vmem>>
      %dma_start3A_404 = arith.constant 0 : i32
      %dma_start3A_405 = tpu.memref_slice %arg5[%dma_start3A_404, %mul3A_395] : memref<32x1000000xf32, #tpu.memory_space<hbm>> -> memref<32x128xf32, #tpu.memory_space<hbm>>
      tpu.enqueue_dma source(%dma_start3A_405 : memref<32x128xf32, #tpu.memory_space<hbm>>) target(%dma_start3A_403 : memref<32x128xf32, #tpu.memory_space<vmem>>) target_semaphore(%arg20 : memref<!tpu.dma_semaphore, #tpu.memory_space<semaphore_mem>>)
      %slice3A_406 = vector.extract_strided_slice %get3A_360 {offsets = [7], sizes = [1], strides = [1]} : vector<16xi32> to vector<1xi32>
      %squeeze3A_407 = vector.extract %slice3A_406[0] : i32 from vector<1xi32>
      %slice3A_408 = vector.extract_strided_slice %get3A_364 {offsets = [7], sizes = [1], strides = [1]} : vector<16xi32> to vector<1xi32>
      %squeeze3A_409 = vector.extract %slice3A_408[0] : i32 from vector<1xi32>
      %shift_right_logical3A_410 = arith.constant 7 : i32
      %shift_right_logical3A_411 = arith.shrui %squeeze3A_407, %shift_right_logical3A_410 : i32
      %shift_right_logical3A_412 = arith.constant 7 : i32
      %shift_right_logical3A_413 = arith.shrui %squeeze3A_409, %shift_right_logical3A_412 : i32
      %mul3A_414 = arith.constant 128 : i32
      %mul3A_415 = arith.muli %shift_right_logical3A_411, %mul3A_414 : i32
      %dma_start3A_416 = arith.constant 224 : i32
      %dma_start3A_417 = arith.constant 0 : i32
      %dma_start3A_418 = tpu.memref_slice %arg11[%dma_start3A_416, %dma_start3A_417] : memref<256x128xf32, #tpu.memory_space<vmem>> -> memref<32x128xf32, #tpu.memory_space<vmem>>
      %dma_start3A_419 = arith.constant 0 : i32
      %dma_start3A_420 = tpu.memref_slice %arg4[%dma_start3A_419, %mul3A_415] : memref<32x1000000xf32, #tpu.memory_space<hbm>> -> memref<32x128xf32, #tpu.memory_space<hbm>>
      %dma_start3A_421 = arith.constant 224 : i32
      %dma_start3A_422 = arith.constant 0 : i32
      %dma_start3A_423 = tpu.memref_slice %arg11[%dma_start3A_421, %dma_start3A_422] : memref<256x128xf32, #tpu.memory_space<vmem>> -> memref<32x128xf32, #tpu.memory_space<vmem>>
      %dma_start3A_424 = arith.constant 0 : i32
      %dma_start3A_425 = tpu.memref_slice %arg4[%dma_start3A_424, %mul3A_415] : memref<32x1000000xf32, #tpu.memory_space<hbm>> -> memref<32x128xf32, #tpu.memory_space<hbm>>
      tpu.enqueue_dma source(%dma_start3A_425 : memref<32x128xf32, #tpu.memory_space<hbm>>) target(%dma_start3A_423 : memref<32x128xf32, #tpu.memory_space<vmem>>) target_semaphore(%arg20 : memref<!tpu.dma_semaphore, #tpu.memory_space<semaphore_mem>>)
      %mul3A_426 = arith.constant 128 : i32
      %mul3A_427 = arith.muli %shift_right_logical3A_413, %mul3A_426 : i32
      %dma_start3A_428 = arith.constant 224 : i32
      %dma_start3A_429 = arith.constant 0 : i32
      %dma_start3A_430 = tpu.memref_slice %arg12[%dma_start3A_428, %dma_start3A_429] : memref<256x128xf32, #tpu.memory_space<vmem>> -> memref<32x128xf32, #tpu.memory_space<vmem>>
      %dma_start3A_431 = arith.constant 0 : i32
      %dma_start3A_432 = tpu.memref_slice %arg5[%dma_start3A_431, %mul3A_427] : memref<32x1000000xf32, #tpu.memory_space<hbm>> -> memref<32x128xf32, #tpu.memory_space<hbm>>
      %dma_start3A_433 = arith.constant 224 : i32
      %dma_start3A_434 = arith.constant 0 : i32
      %dma_start3A_435 = tpu.memref_slice %arg12[%dma_start3A_433, %dma_start3A_434] : memref<256x128xf32, #tpu.memory_space<vmem>> -> memref<32x128xf32, #tpu.memory_space<vmem>>
      %dma_start3A_436 = arith.constant 0 : i32
      %dma_start3A_437 = tpu.memref_slice %arg5[%dma_start3A_436, %mul3A_427] : memref<32x1000000xf32, #tpu.memory_space<hbm>> -> memref<32x128xf32, #tpu.memory_space<hbm>>
      tpu.enqueue_dma source(%dma_start3A_437 : memref<32x128xf32, #tpu.memory_space<hbm>>) target(%dma_start3A_435 : memref<32x128xf32, #tpu.memory_space<vmem>>) target_semaphore(%arg20 : memref<!tpu.dma_semaphore, #tpu.memory_space<semaphore_mem>>)
      %mul3A_438 = arith.constant 16 : i32
      %mul3A_439 = arith.muli %scan3A_356, %mul3A_438 : i32
      %add3A_440 = arith.constant 0 : i32
      %add3A_441 = arith.addi %mul3A_439, %add3A_440 : i32
      %add3A_442 = arith.constant 0 : i32
      %add3A_443 = arith.addi %add3A_441, %add3A_442 : i32
      %slice3A_444 = vector.extract_strided_slice %get3A_360 {offsets = [0], sizes = [1], strides = [1]} : vector<16xi32> to vector<1xi32>
      %squeeze3A_445 = vector.extract %slice3A_444[0] : i32 from vector<1xi32>
      %and3A = arith.constant -8 : i32
      %and3A_446 = arith.andi %squeeze3A_445, %and3A : i32
      %multiple_of3A = tpu.assume_multiple %and3A_446, 8 : i32
      %slice3A_447 = vector.extract_strided_slice %get3A_364 {offsets = [0], sizes = [1], strides = [1]} : vector<16xi32> to vector<1xi32>
      %squeeze3A_448 = vector.extract %slice3A_447[0] : i32 from vector<1xi32>
      %and3A_449 = arith.constant -8 : i32
      %and3A_450 = arith.andi %squeeze3A_448, %and3A_449 : i32
      %multiple_of3A_451 = tpu.assume_multiple %and3A_450, 8 : i32
      %mul3A_452 = arith.constant 8 : i32
      %mul3A_453 = arith.muli %add3A_443, %mul3A_452 : i32
      %dma_start3A_454 = tpu.memref_slice %arg14[%mul3A_453] : memref<4096xf32, #tpu.memory_space<vmem>> -> memref<8xf32, #tpu.memory_space<vmem>>
      %dma_start3A_455 = tpu.memref_slice %arg6[%multiple_of3A] : memref<1000000xf32, #tpu.memory_space<hbm>> -> memref<8xf32, #tpu.memory_space<hbm>>
      %dma_start3A_456 = tpu.memref_slice %arg14[%mul3A_453] : memref<4096xf32, #tpu.memory_space<vmem>> -> memref<8xf32, #tpu.memory_space<vmem>>
      %dma_start3A_457 = tpu.memref_slice %arg6[%multiple_of3A] : memref<1000000xf32, #tpu.memory_space<hbm>> -> memref<8xf32, #tpu.memory_space<hbm>>
      tpu.enqueue_dma source(%dma_start3A_457 : memref<8xf32, #tpu.memory_space<hbm>>) target(%dma_start3A_456 : memref<8xf32, #tpu.memory_space<vmem>>) target_semaphore(%arg21 : memref<!tpu.dma_semaphore, #tpu.memory_space<semaphore_mem>>)
      %mul3A_458 = arith.constant 8 : i32
      %mul3A_459 = arith.muli %add3A_443, %mul3A_458 : i32
      %dma_start3A_460 = tpu.memref_slice %arg15[%mul3A_459] : memref<4096xf32, #tpu.memory_space<vmem>> -> memref<8xf32, #tpu.memory_space<vmem>>
      %dma_start3A_461 = tpu.memref_slice %arg7[%multiple_of3A_451] : memref<1000000xf32, #tpu.memory_space<hbm>> -> memref<8xf32, #tpu.memory_space<hbm>>
      %dma_start3A_462 = tpu.memref_slice %arg15[%mul3A_459] : memref<4096xf32, #tpu.memory_space<vmem>> -> memref<8xf32, #tpu.memory_space<vmem>>
      %dma_start3A_463 = tpu.memref_slice %arg7[%multiple_of3A_451] : memref<1000000xf32, #tpu.memory_space<hbm>> -> memref<8xf32, #tpu.memory_space<hbm>>
      tpu.enqueue_dma source(%dma_start3A_463 : memref<8xf32, #tpu.memory_space<hbm>>) target(%dma_start3A_462 : memref<8xf32, #tpu.memory_space<vmem>>) target_semaphore(%arg21 : memref<!tpu.dma_semaphore, #tpu.memory_space<semaphore_mem>>)
      %mul3A_464 = arith.constant 16 : i32
      %mul3A_465 = arith.muli %scan3A_356, %mul3A_464 : i32
      %add3A_466 = arith.constant 0 : i32
      %add3A_467 = arith.addi %mul3A_465, %add3A_466 : i32
      %add3A_468 = arith.constant 1 : i32
      %add3A_469 = arith.addi %add3A_467, %add3A_468 : i32
      %slice3A_470 = vector.extract_strided_slice %get3A_360 {offsets = [1], sizes = [1], strides = [1]} : vector<16xi32> to vector<1xi32>
      %squeeze3A_471 = vector.extract %slice3A_470[0] : i32 from vector<1xi32>
      %and3A_472 = arith.constant -8 : i32
      %and3A_473 = arith.andi %squeeze3A_471, %and3A_472 : i32
      %multiple_of3A_474 = tpu.assume_multiple %and3A_473, 8 : i32
      %slice3A_475 = vector.extract_strided_slice %get3A_364 {offsets = [1], sizes = [1], strides = [1]} : vector<16xi32> to vector<1xi32>
      %squeeze3A_476 = vector.extract %slice3A_475[0] : i32 from vector<1xi32>
      %and3A_477 = arith.constant -8 : i32
      %and3A_478 = arith.andi %squeeze3A_476, %and3A_477 : i32
      %multiple_of3A_479 = tpu.assume_multiple %and3A_478, 8 : i32
      %mul3A_480 = arith.constant 8 : i32
      %mul3A_481 = arith.muli %add3A_469, %mul3A_480 : i32
      %dma_start3A_482 = tpu.memref_slice %arg14[%mul3A_481] : memref<4096xf32, #tpu.memory_space<vmem>> -> memref<8xf32, #tpu.memory_space<vmem>>
      %dma_start3A_483 = tpu.memref_slice %arg6[%multiple_of3A_474] : memref<1000000xf32, #tpu.memory_space<hbm>> -> memref<8xf32, #tpu.memory_space<hbm>>
      %dma_start3A_484 = tpu.memref_slice %arg14[%mul3A_481] : memref<4096xf32, #tpu.memory_space<vmem>> -> memref<8xf32, #tpu.memory_space<vmem>>
      %dma_start3A_485 = tpu.memref_slice %arg6[%multiple_of3A_474] : memref<1000000xf32, #tpu.memory_space<hbm>> -> memref<8xf32, #tpu.memory_space<hbm>>
      tpu.enqueue_dma source(%dma_start3A_485 : memref<8xf32, #tpu.memory_space<hbm>>) target(%dma_start3A_484 : memref<8xf32, #tpu.memory_space<vmem>>) target_semaphore(%arg21 : memref<!tpu.dma_semaphore, #tpu.memory_space<semaphore_mem>>)
      %mul3A_486 = arith.constant 8 : i32
      %mul3A_487 = arith.muli %add3A_469, %mul3A_486 : i32
      %dma_start3A_488 = tpu.memref_slice %arg15[%mul3A_487] : memref<4096xf32, #tpu.memory_space<vmem>> -> memref<8xf32, #tpu.memory_space<vmem>>
      %dma_start3A_489 = tpu.memref_slice %arg7[%multiple_of3A_479] : memref<1000000xf32, #tpu.memory_space<hbm>> -> memref<8xf32, #tpu.memory_space<hbm>>
      %dma_start3A_490 = tpu.memref_slice %arg15[%mul3A_487] : memref<4096xf32, #tpu.memory_space<vmem>> -> memref<8xf32, #tpu.memory_space<vmem>>
      %dma_start3A_491 = tpu.memref_slice %arg7[%multiple_of3A_479] : memref<1000000xf32, #tpu.memory_space<hbm>> -> memref<8xf32, #tpu.memory_space<hbm>>
      tpu.enqueue_dma source(%dma_start3A_491 : memref<8xf32, #tpu.memory_space<hbm>>) target(%dma_start3A_490 : memref<8xf32, #tpu.memory_space<vmem>>) target_semaphore(%arg21 : memref<!tpu.dma_semaphore, #tpu.memory_space<semaphore_mem>>)
      %dma_wait3A_492 = arith.constant 0 : i32
      %dma_wait3A_493 = arith.constant 0 : i32
      %dma_wait3A_494 = tpu.memref_slice %arg11[%dma_wait3A_492, %dma_wait3A_493] : memref<256x128xf32, #tpu.memory_space<vmem>> -> memref<32x128xf32, #tpu.memory_space<vmem>>
      %dma_wait3A_495 = arith.constant 0 : i32
      %dma_wait3A_496 = arith.constant 0 : i32
      %dma_wait3A_497 = tpu.memref_slice %arg4[%dma_wait3A_495, %dma_wait3A_496] : memref<32x1000000xf32, #tpu.memory_space<hbm>> -> memref<32x128xf32, #tpu.memory_space<hbm>>
      %dma_wait3A_498 = arith.constant 0 : i32
      %dma_wait3A_499 = arith.constant 0 : i32
      %dma_wait3A_500 = tpu.memref_slice %arg11[%dma_wait3A_498, %dma_wait3A_499] : memref<256x128xf32, #tpu.memory_space<vmem>> -> memref<32x128xf32, #tpu.memory_space<vmem>>
      %dma_wait3A_501 = arith.constant 0 : i32
      %dma_wait3A_502 = arith.constant 0 : i32
      %dma_wait3A_503 = tpu.memref_slice %arg4[%dma_wait3A_501, %dma_wait3A_502] : memref<32x1000000xf32, #tpu.memory_space<hbm>> -> memref<32x128xf32, #tpu.memory_space<hbm>>
      tpu.wait_dma2 semaphore(%arg17 : memref<!tpu.dma_semaphore, #tpu.memory_space<semaphore_mem>>) src(%dma_wait3A_503 : memref<32x128xf32, #tpu.memory_space<hbm>>) dst(%dma_wait3A_500 : memref<32x128xf32, #tpu.memory_space<vmem>>)
      %dma_wait3A_504 = arith.constant 0 : i32
      %dma_wait3A_505 = arith.constant 0 : i32
      %dma_wait3A_506 = tpu.memref_slice %arg12[%dma_wait3A_504, %dma_wait3A_505] : memref<256x128xf32, #tpu.memory_space<vmem>> -> memref<32x128xf32, #tpu.memory_space<vmem>>
      %dma_wait3A_507 = arith.constant 0 : i32
      %dma_wait3A_508 = arith.constant 0 : i32
      %dma_wait3A_509 = tpu.memref_slice %arg5[%dma_wait3A_507, %dma_wait3A_508] : memref<32x1000000xf32, #tpu.memory_space<hbm>> -> memref<32x128xf32, #tpu.memory_space<hbm>>
      %dma_wait3A_510 = arith.constant 0 : i32
      %dma_wait3A_511 = arith.constant 0 : i32
      %dma_wait3A_512 = tpu.memref_slice %arg12[%dma_wait3A_510, %dma_wait3A_511] : memref<256x128xf32, #tpu.memory_space<vmem>> -> memref<32x128xf32, #tpu.memory_space<vmem>>
      %dma_wait3A_513 = arith.constant 0 : i32
      %dma_wait3A_514 = arith.constant 0 : i32
      %dma_wait3A_515 = tpu.memref_slice %arg5[%dma_wait3A_513, %dma_wait3A_514] : memref<32x1000000xf32, #tpu.memory_space<hbm>> -> memref<32x128xf32, #tpu.memory_space<hbm>>
      tpu.wait_dma2 semaphore(%arg17 : memref<!tpu.dma_semaphore, #tpu.memory_space<semaphore_mem>>) src(%dma_wait3A_515 : memref<32x128xf32, #tpu.memory_space<hbm>>) dst(%dma_wait3A_512 : memref<32x128xf32, #tpu.memory_space<vmem>>)
      %dma_wait3A_516 = arith.constant 32 : i32
      %dma_wait3A_517 = arith.constant 0 : i32
      %dma_wait3A_518 = tpu.memref_slice %arg11[%dma_wait3A_516, %dma_wait3A_517] : memref<256x128xf32, #tpu.memory_space<vmem>> -> memref<32x128xf32, #tpu.memory_space<vmem>>
      %dma_wait3A_519 = arith.constant 0 : i32
      %dma_wait3A_520 = arith.constant 0 : i32
      %dma_wait3A_521 = tpu.memref_slice %arg4[%dma_wait3A_519, %dma_wait3A_520] : memref<32x1000000xf32, #tpu.memory_space<hbm>> -> memref<32x128xf32, #tpu.memory_space<hbm>>
      %dma_wait3A_522 = arith.constant 32 : i32
      %dma_wait3A_523 = arith.constant 0 : i32
      %dma_wait3A_524 = tpu.memref_slice %arg11[%dma_wait3A_522, %dma_wait3A_523] : memref<256x128xf32, #tpu.memory_space<vmem>> -> memref<32x128xf32, #tpu.memory_space<vmem>>
      %dma_wait3A_525 = arith.constant 0 : i32
      %dma_wait3A_526 = arith.constant 0 : i32
      %dma_wait3A_527 = tpu.memref_slice %arg4[%dma_wait3A_525, %dma_wait3A_526] : memref<32x1000000xf32, #tpu.memory_space<hbm>> -> memref<32x128xf32, #tpu.memory_space<hbm>>
      tpu.wait_dma2 semaphore(%arg17 : memref<!tpu.dma_semaphore, #tpu.memory_space<semaphore_mem>>) src(%dma_wait3A_527 : memref<32x128xf32, #tpu.memory_space<hbm>>) dst(%dma_wait3A_524 : memref<32x128xf32, #tpu.memory_space<vmem>>)
      %dma_wait3A_528 = arith.constant 32 : i32
      %dma_wait3A_529 = arith.constant 0 : i32
      %dma_wait3A_530 = tpu.memref_slice %arg12[%dma_wait3A_528, %dma_wait3A_529] : memref<256x128xf32, #tpu.memory_space<vmem>> -> memref<32x128xf32, #tpu.memory_space<vmem>>
      %dma_wait3A_531 = arith.constant 0 : i32
      %dma_wait3A_532 = arith.constant 0 : i32
      %dma_wait3A_533 = tpu.memref_slice %arg5[%dma_wait3A_531, %dma_wait3A_532] : memref<32x1000000xf32, #tpu.memory_space<hbm>> -> memref<32x128xf32, #tpu.memory_space<hbm>>
      %dma_wait3A_534 = arith.constant 32 : i32
      %dma_wait3A_535 = arith.constant 0 : i32
      %dma_wait3A_536 = tpu.memref_slice %arg12[%dma_wait3A_534, %dma_wait3A_535] : memref<256x128xf32, #tpu.memory_space<vmem>> -> memref<32x128xf32, #tpu.memory_space<vmem>>
      %dma_wait3A_537 = arith.constant 0 : i32
      %dma_wait3A_538 = arith.constant 0 : i32
      %dma_wait3A_539 = tpu.memref_slice %arg5[%dma_wait3A_537, %dma_wait3A_538] : memref<32x1000000xf32, #tpu.memory_space<hbm>> -> memref<32x128xf32, #tpu.memory_space<hbm>>
      tpu.wait_dma2 semaphore(%arg17 : memref<!tpu.dma_semaphore, #tpu.memory_space<semaphore_mem>>) src(%dma_wait3A_539 : memref<32x128xf32, #tpu.memory_space<hbm>>) dst(%dma_wait3A_536 : memref<32x128xf32, #tpu.memory_space<vmem>>)
      %mul3A_540 = arith.constant 16 : i32
      %mul3A_541 = arith.muli %scan3A_356, %mul3A_540 : i32
      %add3A_542 = arith.constant 0 : i32
      %add3A_543 = arith.addi %mul3A_541, %add3A_542 : i32
      %add3A_544 = arith.constant 0 : i32
      %add3A_545 = arith.addi %add3A_543, %add3A_544 : i32
      %slice3A_546 = vector.extract_strided_slice %get3A_360 {offsets = [0], sizes = [1], strides = [1]} : vector<16xi32> to vector<1xi32>
      %squeeze3A_547 = vector.extract %slice3A_546[0] : i32 from vector<1xi32>
      %and3A_548 = arith.constant 127 : i32
      %and3A_549 = arith.andi %squeeze3A_547, %and3A_548 : i32
      %slice3A_550 = vector.extract_strided_slice %get3A_364 {offsets = [0], sizes = [1], strides = [1]} : vector<16xi32> to vector<1xi32>
      %squeeze3A_551 = vector.extract %slice3A_550[0] : i32 from vector<1xi32>
      %and3A_552 = arith.constant 127 : i32
      %and3A_553 = arith.andi %squeeze3A_551, %and3A_552 : i32
      %broadcast_in_dim3A = arith.constant 0 : i32
      %broadcast_in_dim3A_554 = vector.broadcast %broadcast_in_dim3A : i32 to vector<16xi32>
      %add3A_555 = vector.broadcast %and3A_549 : i32 to vector<16xi32>
      %add3A_556 = arith.addi %broadcast_in_dim3A_554, %add3A_555 : vector<16xi32>
      %broadcast_in_dim3A_557 = arith.constant 0 : i32
      %broadcast_in_dim3A_558 = vector.broadcast %broadcast_in_dim3A_557 : i32 to vector<16xi32>
      %add3A_559 = vector.broadcast %and3A_553 : i32 to vector<16xi32>
      %add3A_560 = arith.addi %broadcast_in_dim3A_558, %add3A_559 : vector<16xi32>
      %add3A_561 = arith.constant 0 : i32
      %add3A_562 = vector.broadcast %add3A_561 : i32 to vector<16xi32>
      %add3A_563 = arith.addi %add3A_562, %iota3A : vector<16xi32>
      %gather3A = tpu.vector_load_idx %arg11[%add3A_563, %add3A_556] : memref<256x128xf32, #tpu.memory_space<vmem>>[vector<16xi32>, vector<16xi32>], vector<16xf32>,
      %add3A_564 = arith.constant 16 : i32
      %add3A_565 = vector.broadcast %add3A_564 : i32 to vector<16xi32>
      %add3A_566 = arith.addi %add3A_565, %iota3A : vector<16xi32>
      %gather3A_567 = tpu.vector_load_idx %arg11[%add3A_566, %add3A_556] : memref<256x128xf32, #tpu.memory_space<vmem>>[vector<16xi32>, vector<16xi32>], vector<16xf32>,
      %add3A_568 = arith.constant 0 : i32
      %add3A_569 = vector.broadcast %add3A_568 : i32 to vector<16xi32>
      %add3A_570 = arith.addi %add3A_569, %iota3A : vector<16xi32>
      %gather3A_571 = tpu.vector_load_idx %arg12[%add3A_570, %add3A_560] : memref<256x128xf32, #tpu.memory_space<vmem>>[vector<16xi32>, vector<16xi32>], vector<16xf32>,
      %add3A_572 = arith.constant 16 : i32
      %add3A_573 = vector.broadcast %add3A_572 : i32 to vector<16xi32>
      %add3A_574 = arith.addi %add3A_573, %iota3A : vector<16xi32>
      %gather3A_575 = tpu.vector_load_idx %arg12[%add3A_574, %add3A_560] : memref<256x128xf32, #tpu.memory_space<vmem>>[vector<16xi32>, vector<16xi32>], vector<16xf32>,
      %mul3A_576 = arith.mulf %gather3A, %gather3A_571 : vector<16xf32>
      %mul3A_577 = arith.mulf %gather3A_567, %gather3A_575 : vector<16xf32>
      %add3A_578 = arith.addf %mul3A_576, %mul3A_577 : vector<16xf32>
      %mul3A_579 = arith.constant 512 : i32
      %mul3A_580 = vector.broadcast %mul3A_579 : i32 to vector<16xi32>
      %mul3A_581 = arith.muli %iota3A, %mul3A_580 : vector<16xi32>
      %add3A_582 = vector.broadcast %add3A_545 : i32 to vector<16xi32>
      %add3A_583 = arith.addi %mul3A_581, %add3A_582 : vector<16xi32>
      tpu.vector_store_idx %arg13[%add3A_583], %add3A_578 : memref<8192xf32, #tpu.memory_space<vmem>>[vector<16xi32>], vector<16xf32>,
      %mul3A_584 = arith.constant 16 : i32
      %mul3A_585 = arith.muli %scan3A_356, %mul3A_584 : i32
      %add3A_586 = arith.constant 0 : i32
      %add3A_587 = arith.addi %mul3A_585, %add3A_586 : i32
      %add3A_588 = arith.constant 1 : i32
      %add3A_589 = arith.addi %add3A_587, %add3A_588 : i32
      %slice3A_590 = vector.extract_strided_slice %get3A_360 {offsets = [1], sizes = [1], strides = [1]} : vector<16xi32> to vector<1xi32>
      %squeeze3A_591 = vector.extract %slice3A_590[0] : i32 from vector<1xi32>
      %and3A_592 = arith.constant 127 : i32
      %and3A_593 = arith.andi %squeeze3A_591, %and3A_592 : i32
      %slice3A_594 = vector.extract_strided_slice %get3A_364 {offsets = [1], sizes = [1], strides = [1]} : vector<16xi32> to vector<1xi32>
      %squeeze3A_595 = vector.extract %slice3A_594[0] : i32 from vector<1xi32>
      %and3A_596 = arith.constant 127 : i32
      %and3A_597 = arith.andi %squeeze3A_595, %and3A_596 : i32
      %broadcast_in_dim3A_598 = arith.constant 0 : i32
      %broadcast_in_dim3A_599 = vector.broadcast %broadcast_in_dim3A_598 : i32 to vector<16xi32>
      %add3A_600 = vector.broadcast %and3A_593 : i32 to vector<16xi32>
      %add3A_601 = arith.addi %broadcast_in_dim3A_599, %add3A_600 : vector<16xi32>
      %broadcast_in_dim3A_602 = arith.constant 0 : i32
      %broadcast_in_dim3A_603 = vector.broadcast %broadcast_in_dim3A_602 : i32 to vector<16xi32>
      %add3A_604 = vector.broadcast %and3A_597 : i32 to vector<16xi32>
      %add3A_605 = arith.addi %broadcast_in_dim3A_603, %add3A_604 : vector<16xi32>
      %add3A_606 = arith.constant 32 : i32
      %add3A_607 = vector.broadcast %add3A_606 : i32 to vector<16xi32>
      %add3A_608 = arith.addi %add3A_607, %iota3A : vector<16xi32>
      %gather3A_609 = tpu.vector_load_idx %arg11[%add3A_608, %add3A_601] : memref<256x128xf32, #tpu.memory_space<vmem>>[vector<16xi32>, vector<16xi32>], vector<16xf32>,
      %add3A_610 = arith.constant 48 : i32
      %add3A_611 = vector.broadcast %add3A_610 : i32 to vector<16xi32>
      %add3A_612 = arith.addi %add3A_611, %iota3A : vector<16xi32>
      %gather3A_613 = tpu.vector_load_idx %arg11[%add3A_612, %add3A_601] : memref<256x128xf32, #tpu.memory_space<vmem>>[vector<16xi32>, vector<16xi32>], vector<16xf32>,
      %add3A_614 = arith.constant 32 : i32
      %add3A_615 = vector.broadcast %add3A_614 : i32 to vector<16xi32>
      %add3A_616 = arith.addi %add3A_615, %iota3A : vector<16xi32>
      %gather3A_617 = tpu.vector_load_idx %arg12[%add3A_616, %add3A_605] : memref<256x128xf32, #tpu.memory_space<vmem>>[vector<16xi32>, vector<16xi32>], vector<16xf32>,
      %add3A_618 = arith.constant 48 : i32
      %add3A_619 = vector.broadcast %add3A_618 : i32 to vector<16xi32>
      %add3A_620 = arith.addi %add3A_619, %iota3A : vector<16xi32>
      %gather3A_621 = tpu.vector_load_idx %arg12[%add3A_620, %add3A_605] : memref<256x128xf32, #tpu.memory_space<vmem>>[vector<16xi32>, vector<16xi32>], vector<16xf32>,
      %mul3A_622 = arith.mulf %gather3A_609, %gather3A_617 : vector<16xf32>
      %mul3A_623 = arith.mulf %gather3A_613, %gather3A_621 : vector<16xf32>
      %add3A_624 = arith.addf %mul3A_622, %mul3A_623 : vector<16xf32>
      %mul3A_625 = arith.constant 512 : i32
      %mul3A_626 = vector.broadcast %mul3A_625 : i32 to vector<16xi32>
      %mul3A_627 = arith.muli %iota3A, %mul3A_626 : vector<16xi32>
      %add3A_628 = vector.broadcast %add3A_589 : i32 to vector<16xi32>
      %add3A_629 = arith.addi %mul3A_627, %add3A_628 : vector<16xi32>
      tpu.vector_store_idx %arg13[%add3A_629], %add3A_624 : memref<8192xf32, #tpu.memory_space<vmem>>[vector<16xi32>], vector<16xf32>,
      %slice3A_630 = vector.extract_strided_slice %get3A_360 {offsets = [8], sizes = [1], strides = [1]} : vector<16xi32> to vector<1xi32>
      %squeeze3A_631 = vector.extract %slice3A_630[0] : i32 from vector<1xi32>
      %slice3A_632 = vector.extract_strided_slice %get3A_364 {offsets = [8], sizes = [1], strides = [1]} : vector<16xi32> to vector<1xi32>
      %squeeze3A_633 = vector.extract %slice3A_632[0] : i32 from vector<1xi32>
      %shift_right_logical3A_634 = arith.constant 7 : i32
      %shift_right_logical3A_635 = arith.shrui %squeeze3A_631, %shift_right_logical3A_634 : i32
      %shift_right_logical3A_636 = arith.constant 7 : i32
      %shift_right_logical3A_637 = arith.shrui %squeeze3A_633, %shift_right_logical3A_636 : i32
      %mul3A_638 = arith.constant 128 : i32
      %mul3A_639 = arith.muli %shift_right_logical3A_635, %mul3A_638 : i32
      %dma_start3A_640 = arith.constant 0 : i32
      %dma_start3A_641 = arith.constant 0 : i32
      %dma_start3A_642 = tpu.memref_slice %arg11[%dma_start3A_640, %dma_start3A_641] : memref<256x128xf32, #tpu.memory_space<vmem>> -> memref<32x128xf32, #tpu.memory_space<vmem>>
      %dma_start3A_643 = arith.constant 0 : i32
      %dma_start3A_644 = tpu.memref_slice %arg4[%dma_start3A_643, %mul3A_639] : memref<32x1000000xf32, #tpu.memory_space<hbm>> -> memref<32x128xf32, #tpu.memory_space<hbm>>
      %dma_start3A_645 = arith.constant 0 : i32
      %dma_start3A_646 = arith.constant 0 : i32
      %dma_start3A_647 = tpu.memref_slice %arg11[%dma_start3A_645, %dma_start3A_646] : memref<256x128xf32, #tpu.memory_space<vmem>> -> memref<32x128xf32, #tpu.memory_space<vmem>>
      %dma_start3A_648 = arith.constant 0 : i32
      %dma_start3A_649 = tpu.memref_slice %arg4[%dma_start3A_648, %mul3A_639] : memref<32x1000000xf32, #tpu.memory_space<hbm>> -> memref<32x128xf32, #tpu.memory_space<hbm>>
      tpu.enqueue_dma source(%dma_start3A_649 : memref<32x128xf32, #tpu.memory_space<hbm>>) target(%dma_start3A_647 : memref<32x128xf32, #tpu.memory_space<vmem>>) target_semaphore(%arg17 : memref<!tpu.dma_semaphore, #tpu.memory_space<semaphore_mem>>)
      %mul3A_650 = arith.constant 128 : i32
      %mul3A_651 = arith.muli %shift_right_logical3A_637, %mul3A_650 : i32
      %dma_start3A_652 = arith.constant 0 : i32
      %dma_start3A_653 = arith.constant 0 : i32
      %dma_start3A_654 = tpu.memref_slice %arg12[%dma_start3A_652, %dma_start3A_653] : memref<256x128xf32, #tpu.memory_space<vmem>> -> memref<32x128xf32, #tpu.memory_space<vmem>>
      %dma_start3A_655 = arith.constant 0 : i32
      %dma_start3A_656 = tpu.memref_slice %arg5[%dma_start3A_655, %mul3A_651] : memref<32x1000000xf32, #tpu.memory_space<hbm>> -> memref<32x128xf32, #tpu.memory_space<hbm>>
      %dma_start3A_657 = arith.constant 0 : i32
      %dma_start3A_658 = arith.constant 0 : i32
      %dma_start3A_659 = tpu.memref_slice %arg12[%dma_start3A_657, %dma_start3A_658] : memref<256x128xf32, #tpu.memory_space<vmem>> -> memref<32x128xf32, #tpu.memory_space<vmem>>
      %dma_start3A_660 = arith.constant 0 : i32
      %dma_start3A_661 = tpu.memref_slice %arg5[%dma_start3A_660, %mul3A_651] : memref<32x1000000xf32, #tpu.memory_space<hbm>> -> memref<32x128xf32, #tpu.memory_space<hbm>>
      tpu.enqueue_dma source(%dma_start3A_661 : memref<32x128xf32, #tpu.memory_space<hbm>>) target(%dma_start3A_659 : memref<32x128xf32, #tpu.memory_space<vmem>>) target_semaphore(%arg17 : memref<!tpu.dma_semaphore, #tpu.memory_space<semaphore_mem>>)
      %slice3A_662 = vector.extract_strided_slice %get3A_360 {offsets = [9], sizes = [1], strides = [1]} : vector<16xi32> to vector<1xi32>
      %squeeze3A_663 = vector.extract %slice3A_662[0] : i32 from vector<1xi32>
      %slice3A_664 = vector.extract_strided_slice %get3A_364 {offsets = [9], sizes = [1], strides = [1]} : vector<16xi32> to vector<1xi32>
      %squeeze3A_665 = vector.extract %slice3A_664[0] : i32 from vector<1xi32>
      %shift_right_logical3A_666 = arith.constant 7 : i32
      %shift_right_logical3A_667 = arith.shrui %squeeze3A_663, %shift_right_logical3A_666 : i32
      %shift_right_logical3A_668 = arith.constant 7 : i32
      %shift_right_logical3A_669 = arith.shrui %squeeze3A_665, %shift_right_logical3A_668 : i32
      %mul3A_670 = arith.constant 128 : i32
      %mul3A_671 = arith.muli %shift_right_logical3A_667, %mul3A_670 : i32
      %dma_start3A_672 = arith.constant 32 : i32
      %dma_start3A_673 = arith.constant 0 : i32
      %dma_start3A_674 = tpu.memref_slice %arg11[%dma_start3A_672, %dma_start3A_673] : memref<256x128xf32, #tpu.memory_space<vmem>> -> memref<32x128xf32, #tpu.memory_space<vmem>>
      %dma_start3A_675 = arith.constant 0 : i32
      %dma_start3A_676 = tpu.memref_slice %arg4[%dma_start3A_675, %mul3A_671] : memref<32x1000000xf32, #tpu.memory_space<hbm>> -> memref<32x128xf32, #tpu.memory_space<hbm>>
      %dma_start3A_677 = arith.constant 32 : i32
      %dma_start3A_678 = arith.constant 0 : i32
      %dma_start3A_679 = tpu.memref_slice %arg11[%dma_start3A_677, %dma_start3A_678] : memref<256x128xf32, #tpu.memory_space<vmem>> -> memref<32x128xf32, #tpu.memory_space<vmem>>
      %dma_start3A_680 = arith.constant 0 : i32
      %dma_start3A_681 = tpu.memref_slice %arg4[%dma_start3A_680, %mul3A_671] : memref<32x1000000xf32, #tpu.memory_space<hbm>> -> memref<32x128xf32, #tpu.memory_space<hbm>>
      tpu.enqueue_dma source(%dma_start3A_681 : memref<32x128xf32, #tpu.memory_space<hbm>>) target(%dma_start3A_679 : memref<32x128xf32, #tpu.memory_space<vmem>>) target_semaphore(%arg17 : memref<!tpu.dma_semaphore, #tpu.memory_space<semaphore_mem>>)
      %mul3A_682 = arith.constant 128 : i32
      %mul3A_683 = arith.muli %shift_right_logical3A_669, %mul3A_682 : i32
      %dma_start3A_684 = arith.constant 32 : i32
      %dma_start3A_685 = arith.constant 0 : i32
      %dma_start3A_686 = tpu.memref_slice %arg12[%dma_start3A_684, %dma_start3A_685] : memref<256x128xf32, #tpu.memory_space<vmem>> -> memref<32x128xf32, #tpu.memory_space<vmem>>
      %dma_start3A_687 = arith.constant 0 : i32
      %dma_start3A_688 = tpu.memref_slice %arg5[%dma_start3A_687, %mul3A_683] : memref<32x1000000xf32, #tpu.memory_space<hbm>> -> memref<32x128xf32, #tpu.memory_space<hbm>>
      %dma_start3A_689 = arith.constant 32 : i32
      %dma_start3A_690 = arith.constant 0 : i32
      %dma_start3A_691 = tpu.memref_slice %arg12[%dma_start3A_689, %dma_start3A_690] : memref<256x128xf32, #tpu.memory_space<vmem>> -> memref<32x128xf32, #tpu.memory_space<vmem>>
      %dma_start3A_692 = arith.constant 0 : i32
      %dma_start3A_693 = tpu.memref_slice %arg5[%dma_start3A_692, %mul3A_683] : memref<32x1000000xf32, #tpu.memory_space<hbm>> -> memref<32x128xf32, #tpu.memory_space<hbm>>
      tpu.enqueue_dma source(%dma_start3A_693 : memref<32x128xf32, #tpu.memory_space<hbm>>) target(%dma_start3A_691 : memref<32x128xf32, #tpu.memory_space<vmem>>) target_semaphore(%arg17 : memref<!tpu.dma_semaphore, #tpu.memory_space<semaphore_mem>>)
      %mul3A_694 = arith.constant 16 : i32
      %mul3A_695 = arith.muli %scan3A_356, %mul3A_694 : i32
      %add3A_696 = arith.constant 2 : i32
      %add3A_697 = arith.addi %mul3A_695, %add3A_696 : i32
      %add3A_698 = arith.constant 0 : i32
      %add3A_699 = arith.addi %add3A_697, %add3A_698 : i32
      %slice3A_700 = vector.extract_strided_slice %get3A_360 {offsets = [2], sizes = [1], strides = [1]} : vector<16xi32> to vector<1xi32>
      %squeeze3A_701 = vector.extract %slice3A_700[0] : i32 from vector<1xi32>
      %and3A_702 = arith.constant -8 : i32
      %and3A_703 = arith.andi %squeeze3A_701, %and3A_702 : i32
      %multiple_of3A_704 = tpu.assume_multiple %and3A_703, 8 : i32
      %slice3A_705 = vector.extract_strided_slice %get3A_364 {offsets = [2], sizes = [1], strides = [1]} : vector<16xi32> to vector<1xi32>
      %squeeze3A_706 = vector.extract %slice3A_705[0] : i32 from vector<1xi32>
      %and3A_707 = arith.constant -8 : i32
      %and3A_708 = arith.andi %squeeze3A_706, %and3A_707 : i32
      %multiple_of3A_709 = tpu.assume_multiple %and3A_708, 8 : i32
      %mul3A_710 = arith.constant 8 : i32
      %mul3A_711 = arith.muli %add3A_699, %mul3A_710 : i32
      %dma_start3A_712 = tpu.memref_slice %arg14[%mul3A_711] : memref<4096xf32, #tpu.memory_space<vmem>> -> memref<8xf32, #tpu.memory_space<vmem>>
      %dma_start3A_713 = tpu.memref_slice %arg6[%multiple_of3A_704] : memref<1000000xf32, #tpu.memory_space<hbm>> -> memref<8xf32, #tpu.memory_space<hbm>>
      %dma_start3A_714 = tpu.memref_slice %arg14[%mul3A_711] : memref<4096xf32, #tpu.memory_space<vmem>> -> memref<8xf32, #tpu.memory_space<vmem>>
      %dma_start3A_715 = tpu.memref_slice %arg6[%multiple_of3A_704] : memref<1000000xf32, #tpu.memory_space<hbm>> -> memref<8xf32, #tpu.memory_space<hbm>>
      tpu.enqueue_dma source(%dma_start3A_715 : memref<8xf32, #tpu.memory_space<hbm>>) target(%dma_start3A_714 : memref<8xf32, #tpu.memory_space<vmem>>) target_semaphore(%arg21 : memref<!tpu.dma_semaphore, #tpu.memory_space<semaphore_mem>>)
      %mul3A_716 = arith.constant 8 : i32
      %mul3A_717 = arith.muli %add3A_699, %mul3A_716 : i32
      %dma_start3A_718 = tpu.memref_slice %arg15[%mul3A_717] : memref<4096xf32, #tpu.memory_space<vmem>> -> memref<8xf32, #tpu.memory_space<vmem>>
      %dma_start3A_719 = tpu.memref_slice %arg7[%multiple_of3A_709] : memref<1000000xf32, #tpu.memory_space<hbm>> -> memref<8xf32, #tpu.memory_space<hbm>>
      %dma_start3A_720 = tpu.memref_slice %arg15[%mul3A_717] : memref<4096xf32, #tpu.memory_space<vmem>> -> memref<8xf32, #tpu.memory_space<vmem>>
      %dma_start3A_721 = tpu.memref_slice %arg7[%multiple_of3A_709] : memref<1000000xf32, #tpu.memory_space<hbm>> -> memref<8xf32, #tpu.memory_space<hbm>>
      tpu.enqueue_dma source(%dma_start3A_721 : memref<8xf32, #tpu.memory_space<hbm>>) target(%dma_start3A_720 : memref<8xf32, #tpu.memory_space<vmem>>) target_semaphore(%arg21 : memref<!tpu.dma_semaphore, #tpu.memory_space<semaphore_mem>>)
      %mul3A_722 = arith.constant 16 : i32
      %mul3A_723 = arith.muli %scan3A_356, %mul3A_722 : i32
      %add3A_724 = arith.constant 2 : i32
      %add3A_725 = arith.addi %mul3A_723, %add3A_724 : i32
      %add3A_726 = arith.constant 1 : i32
      %add3A_727 = arith.addi %add3A_725, %add3A_726 : i32
      %slice3A_728 = vector.extract_strided_slice %get3A_360 {offsets = [3], sizes = [1], strides = [1]} : vector<16xi32> to vector<1xi32>
      %squeeze3A_729 = vector.extract %slice3A_728[0] : i32 from vector<1xi32>
      %and3A_730 = arith.constant -8 : i32
      %and3A_731 = arith.andi %squeeze3A_729, %and3A_730 : i32
      %multiple_of3A_732 = tpu.assume_multiple %and3A_731, 8 : i32
      %slice3A_733 = vector.extract_strided_slice %get3A_364 {offsets = [3], sizes = [1], strides = [1]} : vector<16xi32> to vector<1xi32>
      %squeeze3A_734 = vector.extract %slice3A_733[0] : i32 from vector<1xi32>
      %and3A_735 = arith.constant -8 : i32
      %and3A_736 = arith.andi %squeeze3A_734, %and3A_735 : i32
      %multiple_of3A_737 = tpu.assume_multiple %and3A_736, 8 : i32
      %mul3A_738 = arith.constant 8 : i32
      %mul3A_739 = arith.muli %add3A_727, %mul3A_738 : i32
      %dma_start3A_740 = tpu.memref_slice %arg14[%mul3A_739] : memref<4096xf32, #tpu.memory_space<vmem>> -> memref<8xf32, #tpu.memory_space<vmem>>
      %dma_start3A_741 = tpu.memref_slice %arg6[%multiple_of3A_732] : memref<1000000xf32, #tpu.memory_space<hbm>> -> memref<8xf32, #tpu.memory_space<hbm>>
      %dma_start3A_742 = tpu.memref_slice %arg14[%mul3A_739] : memref<4096xf32, #tpu.memory_space<vmem>> -> memref<8xf32, #tpu.memory_space<vmem>>
      %dma_start3A_743 = tpu.memref_slice %arg6[%multiple_of3A_732] : memref<1000000xf32, #tpu.memory_space<hbm>> -> memref<8xf32, #tpu.memory_space<hbm>>
      tpu.enqueue_dma source(%dma_start3A_743 : memref<8xf32, #tpu.memory_space<hbm>>) target(%dma_start3A_742 : memref<8xf32, #tpu.memory_space<vmem>>) target_semaphore(%arg21 : memref<!tpu.dma_semaphore, #tpu.memory_space<semaphore_mem>>)
      %mul3A_744 = arith.constant 8 : i32
      %mul3A_745 = arith.muli %add3A_727, %mul3A_744 : i32
      %dma_start3A_746 = tpu.memref_slice %arg15[%mul3A_745] : memref<4096xf32, #tpu.memory_space<vmem>> -> memref<8xf32, #tpu.memory_space<vmem>>
      %dma_start3A_747 = tpu.memref_slice %arg7[%multiple_of3A_737] : memref<1000000xf32, #tpu.memory_space<hbm>> -> memref<8xf32, #tpu.memory_space<hbm>>
      %dma_start3A_748 = tpu.memref_slice %arg15[%mul3A_745] : memref<4096xf32, #tpu.memory_space<vmem>> -> memref<8xf32, #tpu.memory_space<vmem>>
      %dma_start3A_749 = tpu.memref_slice %arg7[%multiple_of3A_737] : memref<1000000xf32, #tpu.memory_space<hbm>> -> memref<8xf32, #tpu.memory_space<hbm>>
      tpu.enqueue_dma source(%dma_start3A_749 : memref<8xf32, #tpu.memory_space<hbm>>) target(%dma_start3A_748 : memref<8xf32, #tpu.memory_space<vmem>>) target_semaphore(%arg21 : memref<!tpu.dma_semaphore, #tpu.memory_space<semaphore_mem>>)
      %dma_wait3A_750 = arith.constant 64 : i32
      %dma_wait3A_751 = arith.constant 0 : i32
      %dma_wait3A_752 = tpu.memref_slice %arg11[%dma_wait3A_750, %dma_wait3A_751] : memref<256x128xf32, #tpu.memory_space<vmem>> -> memref<32x128xf32, #tpu.memory_space<vmem>>
      %dma_wait3A_753 = arith.constant 0 : i32
      %dma_wait3A_754 = arith.constant 0 : i32
      %dma_wait3A_755 = tpu.memref_slice %arg4[%dma_wait3A_753, %dma_wait3A_754] : memref<32x1000000xf32, #tpu.memory_space<hbm>> -> memref<32x128xf32, #tpu.memory_space<hbm>>
      %dma_wait3A_756 = arith.constant 64 : i32
      %dma_wait3A_757 = arith.constant 0 : i32
      %dma_wait3A_758 = tpu.memref_slice %arg11[%dma_wait3A_756, %dma_wait3A_757] : memref<256x128xf32, #tpu.memory_space<vmem>> -> memref<32x128xf32, #tpu.memory_space<vmem>>
      %dma_wait3A_759 = arith.constant 0 : i32
      %dma_wait3A_760 = arith.constant 0 : i32
      %dma_wait3A_761 = tpu.memref_slice %arg4[%dma_wait3A_759, %dma_wait3A_760] : memref<32x1000000xf32, #tpu.memory_space<hbm>> -> memref<32x128xf32, #tpu.memory_space<hbm>>
      tpu.wait_dma2 semaphore(%arg18 : memref<!tpu.dma_semaphore, #tpu.memory_space<semaphore_mem>>) src(%dma_wait3A_761 : memref<32x128xf32, #tpu.memory_space<hbm>>) dst(%dma_wait3A_758 : memref<32x128xf32, #tpu.memory_space<vmem>>)
      %dma_wait3A_762 = arith.constant 64 : i32
      %dma_wait3A_763 = arith.constant 0 : i32
      %dma_wait3A_764 = tpu.memref_slice %arg12[%dma_wait3A_762, %dma_wait3A_763] : memref<256x128xf32, #tpu.memory_space<vmem>> -> memref<32x128xf32, #tpu.memory_space<vmem>>
      %dma_wait3A_765 = arith.constant 0 : i32
      %dma_wait3A_766 = arith.constant 0 : i32
      %dma_wait3A_767 = tpu.memref_slice %arg5[%dma_wait3A_765, %dma_wait3A_766] : memref<32x1000000xf32, #tpu.memory_space<hbm>> -> memref<32x128xf32, #tpu.memory_space<hbm>>
      %dma_wait3A_768 = arith.constant 64 : i32
      %dma_wait3A_769 = arith.constant 0 : i32
      %dma_wait3A_770 = tpu.memref_slice %arg12[%dma_wait3A_768, %dma_wait3A_769] : memref<256x128xf32, #tpu.memory_space<vmem>> -> memref<32x128xf32, #tpu.memory_space<vmem>>
      %dma_wait3A_771 = arith.constant 0 : i32
      %dma_wait3A_772 = arith.constant 0 : i32
      %dma_wait3A_773 = tpu.memref_slice %arg5[%dma_wait3A_771, %dma_wait3A_772] : memref<32x1000000xf32, #tpu.memory_space<hbm>> -> memref<32x128xf32, #tpu.memory_space<hbm>>
      tpu.wait_dma2 semaphore(%arg18 : memref<!tpu.dma_semaphore, #tpu.memory_space<semaphore_mem>>) src(%dma_wait3A_773 : memref<32x128xf32, #tpu.memory_space<hbm>>) dst(%dma_wait3A_770 : memref<32x128xf32, #tpu.memory_space<vmem>>)
      %dma_wait3A_774 = arith.constant 96 : i32
      %dma_wait3A_775 = arith.constant 0 : i32
      %dma_wait3A_776 = tpu.memref_slice %arg11[%dma_wait3A_774, %dma_wait3A_775] : memref<256x128xf32, #tpu.memory_space<vmem>> -> memref<32x128xf32, #tpu.memory_space<vmem>>
      %dma_wait3A_777 = arith.constant 0 : i32
      %dma_wait3A_778 = arith.constant 0 : i32
      %dma_wait3A_779 = tpu.memref_slice %arg4[%dma_wait3A_777, %dma_wait3A_778] : memref<32x1000000xf32, #tpu.memory_space<hbm>> -> memref<32x128xf32, #tpu.memory_space<hbm>>
      %dma_wait3A_780 = arith.constant 96 : i32
      %dma_wait3A_781 = arith.constant 0 : i32
      %dma_wait3A_782 = tpu.memref_slice %arg11[%dma_wait3A_780, %dma_wait3A_781] : memref<256x128xf32, #tpu.memory_space<vmem>> -> memref<32x128xf32, #tpu.memory_space<vmem>>
      %dma_wait3A_783 = arith.constant 0 : i32
      %dma_wait3A_784 = arith.constant 0 : i32
      %dma_wait3A_785 = tpu.memref_slice %arg4[%dma_wait3A_783, %dma_wait3A_784] : memref<32x1000000xf32, #tpu.memory_space<hbm>> -> memref<32x128xf32, #tpu.memory_space<hbm>>
      tpu.wait_dma2 semaphore(%arg18 : memref<!tpu.dma_semaphore, #tpu.memory_space<semaphore_mem>>) src(%dma_wait3A_785 : memref<32x128xf32, #tpu.memory_space<hbm>>) dst(%dma_wait3A_782 : memref<32x128xf32, #tpu.memory_space<vmem>>)
      %dma_wait3A_786 = arith.constant 96 : i32
      %dma_wait3A_787 = arith.constant 0 : i32
      %dma_wait3A_788 = tpu.memref_slice %arg12[%dma_wait3A_786, %dma_wait3A_787] : memref<256x128xf32, #tpu.memory_space<vmem>> -> memref<32x128xf32, #tpu.memory_space<vmem>>
      %dma_wait3A_789 = arith.constant 0 : i32
      %dma_wait3A_790 = arith.constant 0 : i32
      %dma_wait3A_791 = tpu.memref_slice %arg5[%dma_wait3A_789, %dma_wait3A_790] : memref<32x1000000xf32, #tpu.memory_space<hbm>> -> memref<32x128xf32, #tpu.memory_space<hbm>>
      %dma_wait3A_792 = arith.constant 96 : i32
      %dma_wait3A_793 = arith.constant 0 : i32
      %dma_wait3A_794 = tpu.memref_slice %arg12[%dma_wait3A_792, %dma_wait3A_793] : memref<256x128xf32, #tpu.memory_space<vmem>> -> memref<32x128xf32, #tpu.memory_space<vmem>>
      %dma_wait3A_795 = arith.constant 0 : i32
      %dma_wait3A_796 = arith.constant 0 : i32
      %dma_wait3A_797 = tpu.memref_slice %arg5[%dma_wait3A_795, %dma_wait3A_796] : memref<32x1000000xf32, #tpu.memory_space<hbm>> -> memref<32x128xf32, #tpu.memory_space<hbm>>
      tpu.wait_dma2 semaphore(%arg18 : memref<!tpu.dma_semaphore, #tpu.memory_space<semaphore_mem>>) src(%dma_wait3A_797 : memref<32x128xf32, #tpu.memory_space<hbm>>) dst(%dma_wait3A_794 : memref<32x128xf32, #tpu.memory_space<vmem>>)
      %mul3A_798 = arith.constant 16 : i32
      %mul3A_799 = arith.muli %scan3A_356, %mul3A_798 : i32
      %add3A_800 = arith.constant 2 : i32
      %add3A_801 = arith.addi %mul3A_799, %add3A_800 : i32
      %add3A_802 = arith.constant 0 : i32
      %add3A_803 = arith.addi %add3A_801, %add3A_802 : i32
      %slice3A_804 = vector.extract_strided_slice %get3A_360 {offsets = [2], sizes = [1], strides = [1]} : vector<16xi32> to vector<1xi32>
      %squeeze3A_805 = vector.extract %slice3A_804[0] : i32 from vector<1xi32>
      %and3A_806 = arith.constant 127 : i32
      %and3A_807 = arith.andi %squeeze3A_805, %and3A_806 : i32
      %slice3A_808 = vector.extract_strided_slice %get3A_364 {offsets = [2], sizes = [1], strides = [1]} : vector<16xi32> to vector<1xi32>
      %squeeze3A_809 = vector.extract %slice3A_808[0] : i32 from vector<1xi32>
      %and3A_810 = arith.constant 127 : i32
      %and3A_811 = arith.andi %squeeze3A_809, %and3A_810 : i32
      %broadcast_in_dim3A_812 = arith.constant 0 : i32
      %broadcast_in_dim3A_813 = vector.broadcast %broadcast_in_dim3A_812 : i32 to vector<16xi32>
      %add3A_814 = vector.broadcast %and3A_807 : i32 to vector<16xi32>
      %add3A_815 = arith.addi %broadcast_in_dim3A_813, %add3A_814 : vector<16xi32>
      %broadcast_in_dim3A_816 = arith.constant 0 : i32
      %broadcast_in_dim3A_817 = vector.broadcast %broadcast_in_dim3A_816 : i32 to vector<16xi32>
      %add3A_818 = vector.broadcast %and3A_811 : i32 to vector<16xi32>
      %add3A_819 = arith.addi %broadcast_in_dim3A_817, %add3A_818 : vector<16xi32>
      %add3A_820 = arith.constant 64 : i32
      %add3A_821 = vector.broadcast %add3A_820 : i32 to vector<16xi32>
      %add3A_822 = arith.addi %add3A_821, %iota3A : vector<16xi32>
      %gather3A_823 = tpu.vector_load_idx %arg11[%add3A_822, %add3A_815] : memref<256x128xf32, #tpu.memory_space<vmem>>[vector<16xi32>, vector<16xi32>], vector<16xf32>,
      %add3A_824 = arith.constant 80 : i32
      %add3A_825 = vector.broadcast %add3A_824 : i32 to vector<16xi32>
      %add3A_826 = arith.addi %add3A_825, %iota3A : vector<16xi32>
      %gather3A_827 = tpu.vector_load_idx %arg11[%add3A_826, %add3A_815] : memref<256x128xf32, #tpu.memory_space<vmem>>[vector<16xi32>, vector<16xi32>], vector<16xf32>,
      %add3A_828 = arith.constant 64 : i32
      %add3A_829 = vector.broadcast %add3A_828 : i32 to vector<16xi32>
      %add3A_830 = arith.addi %add3A_829, %iota3A : vector<16xi32>
      %gather3A_831 = tpu.vector_load_idx %arg12[%add3A_830, %add3A_819] : memref<256x128xf32, #tpu.memory_space<vmem>>[vector<16xi32>, vector<16xi32>], vector<16xf32>,
      %add3A_832 = arith.constant 80 : i32
      %add3A_833 = vector.broadcast %add3A_832 : i32 to vector<16xi32>
      %add3A_834 = arith.addi %add3A_833, %iota3A : vector<16xi32>
      %gather3A_835 = tpu.vector_load_idx %arg12[%add3A_834, %add3A_819] : memref<256x128xf32, #tpu.memory_space<vmem>>[vector<16xi32>, vector<16xi32>], vector<16xf32>,
      %mul3A_836 = arith.mulf %gather3A_823, %gather3A_831 : vector<16xf32>
      %mul3A_837 = arith.mulf %gather3A_827, %gather3A_835 : vector<16xf32>
      %add3A_838 = arith.addf %mul3A_836, %mul3A_837 : vector<16xf32>
      %mul3A_839 = arith.constant 512 : i32
      %mul3A_840 = vector.broadcast %mul3A_839 : i32 to vector<16xi32>
      %mul3A_841 = arith.muli %iota3A, %mul3A_840 : vector<16xi32>
      %add3A_842 = vector.broadcast %add3A_803 : i32 to vector<16xi32>
      %add3A_843 = arith.addi %mul3A_841, %add3A_842 : vector<16xi32>
      tpu.vector_store_idx %arg13[%add3A_843], %add3A_838 : memref<8192xf32, #tpu.memory_space<vmem>>[vector<16xi32>], vector<16xf32>,
      %mul3A_844 = arith.constant 16 : i32
      %mul3A_845 = arith.muli %scan3A_356, %mul3A_844 : i32
      %add3A_846 = arith.constant 2 : i32
      %add3A_847 = arith.addi %mul3A_845, %add3A_846 : i32
      %add3A_848 = arith.constant 1 : i32
      %add3A_849 = arith.addi %add3A_847, %add3A_848 : i32
      %slice3A_850 = vector.extract_strided_slice %get3A_360 {offsets = [3], sizes = [1], strides = [1]} : vector<16xi32> to vector<1xi32>
      %squeeze3A_851 = vector.extract %slice3A_850[0] : i32 from vector<1xi32>
      %and3A_852 = arith.constant 127 : i32
      %and3A_853 = arith.andi %squeeze3A_851, %and3A_852 : i32
      %slice3A_854 = vector.extract_strided_slice %get3A_364 {offsets = [3], sizes = [1], strides = [1]} : vector<16xi32> to vector<1xi32>
      %squeeze3A_855 = vector.extract %slice3A_854[0] : i32 from vector<1xi32>
      %and3A_856 = arith.constant 127 : i32
      %and3A_857 = arith.andi %squeeze3A_855, %and3A_856 : i32
      %broadcast_in_dim3A_858 = arith.constant 0 : i32
      %broadcast_in_dim3A_859 = vector.broadcast %broadcast_in_dim3A_858 : i32 to vector<16xi32>
      %add3A_860 = vector.broadcast %and3A_853 : i32 to vector<16xi32>
      %add3A_861 = arith.addi %broadcast_in_dim3A_859, %add3A_860 : vector<16xi32>
      %broadcast_in_dim3A_862 = arith.constant 0 : i32
      %broadcast_in_dim3A_863 = vector.broadcast %broadcast_in_dim3A_862 : i32 to vector<16xi32>
      %add3A_864 = vector.broadcast %and3A_857 : i32 to vector<16xi32>
      %add3A_865 = arith.addi %broadcast_in_dim3A_863, %add3A_864 : vector<16xi32>
      %add3A_866 = arith.constant 96 : i32
      %add3A_867 = vector.broadcast %add3A_866 : i32 to vector<16xi32>
      %add3A_868 = arith.addi %add3A_867, %iota3A : vector<16xi32>
      %gather3A_869 = tpu.vector_load_idx %arg11[%add3A_868, %add3A_861] : memref<256x128xf32, #tpu.memory_space<vmem>>[vector<16xi32>, vector<16xi32>], vector<16xf32>,
      %add3A_870 = arith.constant 112 : i32
      %add3A_871 = vector.broadcast %add3A_870 : i32 to vector<16xi32>
      %add3A_872 = arith.addi %add3A_871, %iota3A : vector<16xi32>
      %gather3A_873 = tpu.vector_load_idx %arg11[%add3A_872, %add3A_861] : memref<256x128xf32, #tpu.memory_space<vmem>>[vector<16xi32>, vector<16xi32>], vector<16xf32>,
      %add3A_874 = arith.constant 96 : i32
      %add3A_875 = vector.broadcast %add3A_874 : i32 to vector<16xi32>
      %add3A_876 = arith.addi %add3A_875, %iota3A : vector<16xi32>
      %gather3A_877 = tpu.vector_load_idx %arg12[%add3A_876, %add3A_865] : memref<256x128xf32, #tpu.memory_space<vmem>>[vector<16xi32>, vector<16xi32>], vector<16xf32>,
      %add3A_878 = arith.constant 112 : i32
      %add3A_879 = vector.broadcast %add3A_878 : i32 to vector<16xi32>
      %add3A_880 = arith.addi %add3A_879, %iota3A : vector<16xi32>
      %gather3A_881 = tpu.vector_load_idx %arg12[%add3A_880, %add3A_865] : memref<256x128xf32, #tpu.memory_space<vmem>>[vector<16xi32>, vector<16xi32>], vector<16xf32>,
      %mul3A_882 = arith.mulf %gather3A_869, %gather3A_877 : vector<16xf32>
      %mul3A_883 = arith.mulf %gather3A_873, %gather3A_881 : vector<16xf32>
      %add3A_884 = arith.addf %mul3A_882, %mul3A_883 : vector<16xf32>
      %mul3A_885 = arith.constant 512 : i32
      %mul3A_886 = vector.broadcast %mul3A_885 : i32 to vector<16xi32>
      %mul3A_887 = arith.muli %iota3A, %mul3A_886 : vector<16xi32>
      %add3A_888 = vector.broadcast %add3A_849 : i32 to vector<16xi32>
      %add3A_889 = arith.addi %mul3A_887, %add3A_888 : vector<16xi32>
      tpu.vector_store_idx %arg13[%add3A_889], %add3A_884 : memref<8192xf32, #tpu.memory_space<vmem>>[vector<16xi32>], vector<16xf32>,
      %slice3A_890 = vector.extract_strided_slice %get3A_360 {offsets = [10], sizes = [1], strides = [1]} : vector<16xi32> to vector<1xi32>
      %squeeze3A_891 = vector.extract %slice3A_890[0] : i32 from vector<1xi32>
      %slice3A_892 = vector.extract_strided_slice %get3A_364 {offsets = [10], sizes = [1], strides = [1]} : vector<16xi32> to vector<1xi32>
      %squeeze3A_893 = vector.extract %slice3A_892[0] : i32 from vector<1xi32>
      %shift_right_logical3A_894 = arith.constant 7 : i32
      %shift_right_logical3A_895 = arith.shrui %squeeze3A_891, %shift_right_logical3A_894 : i32
      %shift_right_logical3A_896 = arith.constant 7 : i32
      %shift_right_logical3A_897 = arith.shrui %squeeze3A_893, %shift_right_logical3A_896 : i32
      %mul3A_898 = arith.constant 128 : i32
      %mul3A_899 = arith.muli %shift_right_logical3A_895, %mul3A_898 : i32
      %dma_start3A_900 = arith.constant 64 : i32
      %dma_start3A_901 = arith.constant 0 : i32
      %dma_start3A_902 = tpu.memref_slice %arg11[%dma_start3A_900, %dma_start3A_901] : memref<256x128xf32, #tpu.memory_space<vmem>> -> memref<32x128xf32, #tpu.memory_space<vmem>>
      %dma_start3A_903 = arith.constant 0 : i32
      %dma_start3A_904 = tpu.memref_slice %arg4[%dma_start3A_903, %mul3A_899] : memref<32x1000000xf32, #tpu.memory_space<hbm>> -> memref<32x128xf32, #tpu.memory_space<hbm>>
      %dma_start3A_905 = arith.constant 64 : i32
      %dma_start3A_906 = arith.constant 0 : i32
      %dma_start3A_907 = tpu.memref_slice %arg11[%dma_start3A_905, %dma_start3A_906] : memref<256x128xf32, #tpu.memory_space<vmem>> -> memref<32x128xf32, #tpu.memory_space<vmem>>
      %dma_start3A_908 = arith.constant 0 : i32
      %dma_start3A_909 = tpu.memref_slice %arg4[%dma_start3A_908, %mul3A_899] : memref<32x1000000xf32, #tpu.memory_space<hbm>> -> memref<32x128xf32, #tpu.memory_space<hbm>>
      tpu.enqueue_dma source(%dma_start3A_909 : memref<32x128xf32, #tpu.memory_space<hbm>>) target(%dma_start3A_907 : memref<32x128xf32, #tpu.memory_space<vmem>>) target_semaphore(%arg18 : memref<!tpu.dma_semaphore, #tpu.memory_space<semaphore_mem>>)
      %mul3A_910 = arith.constant 128 : i32
      %mul3A_911 = arith.muli %shift_right_logical3A_897, %mul3A_910 : i32
      %dma_start3A_912 = arith.constant 64 : i32
      %dma_start3A_913 = arith.constant 0 : i32
      %dma_start3A_914 = tpu.memref_slice %arg12[%dma_start3A_912, %dma_start3A_913] : memref<256x128xf32, #tpu.memory_space<vmem>> -> memref<32x128xf32, #tpu.memory_space<vmem>>
      %dma_start3A_915 = arith.constant 0 : i32
      %dma_start3A_916 = tpu.memref_slice %arg5[%dma_start3A_915, %mul3A_911] : memref<32x1000000xf32, #tpu.memory_space<hbm>> -> memref<32x128xf32, #tpu.memory_space<hbm>>
      %dma_start3A_917 = arith.constant 64 : i32
      %dma_start3A_918 = arith.constant 0 : i32
      %dma_start3A_919 = tpu.memref_slice %arg12[%dma_start3A_917, %dma_start3A_918] : memref<256x128xf32, #tpu.memory_space<vmem>> -> memref<32x128xf32, #tpu.memory_space<vmem>>
      %dma_start3A_920 = arith.constant 0 : i32
      %dma_start3A_921 = tpu.memref_slice %arg5[%dma_start3A_920, %mul3A_911] : memref<32x1000000xf32, #tpu.memory_space<hbm>> -> memref<32x128xf32, #tpu.memory_space<hbm>>
      tpu.enqueue_dma source(%dma_start3A_921 : memref<32x128xf32, #tpu.memory_space<hbm>>) target(%dma_start3A_919 : memref<32x128xf32, #tpu.memory_space<vmem>>) target_semaphore(%arg18 : memref<!tpu.dma_semaphore, #tpu.memory_space<semaphore_mem>>)
      %slice3A_922 = vector.extract_strided_slice %get3A_360 {offsets = [11], sizes = [1], strides = [1]} : vector<16xi32> to vector<1xi32>
      %squeeze3A_923 = vector.extract %slice3A_922[0] : i32 from vector<1xi32>
      %slice3A_924 = vector.extract_strided_slice %get3A_364 {offsets = [11], sizes = [1], strides = [1]} : vector<16xi32> to vector<1xi32>
      %squeeze3A_925 = vector.extract %slice3A_924[0] : i32 from vector<1xi32>
      %shift_right_logical3A_926 = arith.constant 7 : i32
      %shift_right_logical3A_927 = arith.shrui %squeeze3A_923, %shift_right_logical3A_926 : i32
      %shift_right_logical3A_928 = arith.constant 7 : i32
      %shift_right_logical3A_929 = arith.shrui %squeeze3A_925, %shift_right_logical3A_928 : i32
      %mul3A_930 = arith.constant 128 : i32
      %mul3A_931 = arith.muli %shift_right_logical3A_927, %mul3A_930 : i32
      %dma_start3A_932 = arith.constant 96 : i32
      %dma_start3A_933 = arith.constant 0 : i32
      %dma_start3A_934 = tpu.memref_slice %arg11[%dma_start3A_932, %dma_start3A_933] : memref<256x128xf32, #tpu.memory_space<vmem>> -> memref<32x128xf32, #tpu.memory_space<vmem>>
      %dma_start3A_935 = arith.constant 0 : i32
      %dma_start3A_936 = tpu.memref_slice %arg4[%dma_start3A_935, %mul3A_931] : memref<32x1000000xf32, #tpu.memory_space<hbm>> -> memref<32x128xf32, #tpu.memory_space<hbm>>
      %dma_start3A_937 = arith.constant 96 : i32
      %dma_start3A_938 = arith.constant 0 : i32
      %dma_start3A_939 = tpu.memref_slice %arg11[%dma_start3A_937, %dma_start3A_938] : memref<256x128xf32, #tpu.memory_space<vmem>> -> memref<32x128xf32, #tpu.memory_space<vmem>>
      %dma_start3A_940 = arith.constant 0 : i32
      %dma_start3A_941 = tpu.memref_slice %arg4[%dma_start3A_940, %mul3A_931] : memref<32x1000000xf32, #tpu.memory_space<hbm>> -> memref<32x128xf32, #tpu.memory_space<hbm>>
      tpu.enqueue_dma source(%dma_start3A_941 : memref<32x128xf32, #tpu.memory_space<hbm>>) target(%dma_start3A_939 : memref<32x128xf32, #tpu.memory_space<vmem>>) target_semaphore(%arg18 : memref<!tpu.dma_semaphore, #tpu.memory_space<semaphore_mem>>)
      %mul3A_942 = arith.constant 128 : i32
      %mul3A_943 = arith.muli %shift_right_logical3A_929, %mul3A_942 : i32
      %dma_start3A_944 = arith.constant 96 : i32
      %dma_start3A_945 = arith.constant 0 : i32
      %dma_start3A_946 = tpu.memref_slice %arg12[%dma_start3A_944, %dma_start3A_945] : memref<256x128xf32, #tpu.memory_space<vmem>> -> memref<32x128xf32, #tpu.memory_space<vmem>>
      %dma_start3A_947 = arith.constant 0 : i32
      %dma_start3A_948 = tpu.memref_slice %arg5[%dma_start3A_947, %mul3A_943] : memref<32x1000000xf32, #tpu.memory_space<hbm>> -> memref<32x128xf32, #tpu.memory_space<hbm>>
      %dma_start3A_949 = arith.constant 96 : i32
      %dma_start3A_950 = arith.constant 0 : i32
      %dma_start3A_951 = tpu.memref_slice %arg12[%dma_start3A_949, %dma_start3A_950] : memref<256x128xf32, #tpu.memory_space<vmem>> -> memref<32x128xf32, #tpu.memory_space<vmem>>
      %dma_start3A_952 = arith.constant 0 : i32
      %dma_start3A_953 = tpu.memref_slice %arg5[%dma_start3A_952, %mul3A_943] : memref<32x1000000xf32, #tpu.memory_space<hbm>> -> memref<32x128xf32, #tpu.memory_space<hbm>>
      tpu.enqueue_dma source(%dma_start3A_953 : memref<32x128xf32, #tpu.memory_space<hbm>>) target(%dma_start3A_951 : memref<32x128xf32, #tpu.memory_space<vmem>>) target_semaphore(%arg18 : memref<!tpu.dma_semaphore, #tpu.memory_space<semaphore_mem>>)
      %mul3A_954 = arith.constant 16 : i32
      %mul3A_955 = arith.muli %scan3A_356, %mul3A_954 : i32
      %add3A_956 = arith.constant 4 : i32
      %add3A_957 = arith.addi %mul3A_955, %add3A_956 : i32
      %add3A_958 = arith.constant 0 : i32
      %add3A_959 = arith.addi %add3A_957, %add3A_958 : i32
      %slice3A_960 = vector.extract_strided_slice %get3A_360 {offsets = [4], sizes = [1], strides = [1]} : vector<16xi32> to vector<1xi32>
      %squeeze3A_961 = vector.extract %slice3A_960[0] : i32 from vector<1xi32>
      %and3A_962 = arith.constant -8 : i32
      %and3A_963 = arith.andi %squeeze3A_961, %and3A_962 : i32
      %multiple_of3A_964 = tpu.assume_multiple %and3A_963, 8 : i32
      %slice3A_965 = vector.extract_strided_slice %get3A_364 {offsets = [4], sizes = [1], strides = [1]} : vector<16xi32> to vector<1xi32>
      %squeeze3A_966 = vector.extract %slice3A_965[0] : i32 from vector<1xi32>
      %and3A_967 = arith.constant -8 : i32
      %and3A_968 = arith.andi %squeeze3A_966, %and3A_967 : i32
      %multiple_of3A_969 = tpu.assume_multiple %and3A_968, 8 : i32
      %mul3A_970 = arith.constant 8 : i32
      %mul3A_971 = arith.muli %add3A_959, %mul3A_970 : i32
      %dma_start3A_972 = tpu.memref_slice %arg14[%mul3A_971] : memref<4096xf32, #tpu.memory_space<vmem>> -> memref<8xf32, #tpu.memory_space<vmem>>
      %dma_start3A_973 = tpu.memref_slice %arg6[%multiple_of3A_964] : memref<1000000xf32, #tpu.memory_space<hbm>> -> memref<8xf32, #tpu.memory_space<hbm>>
      %dma_start3A_974 = tpu.memref_slice %arg14[%mul3A_971] : memref<4096xf32, #tpu.memory_space<vmem>> -> memref<8xf32, #tpu.memory_space<vmem>>
      %dma_start3A_975 = tpu.memref_slice %arg6[%multiple_of3A_964] : memref<1000000xf32, #tpu.memory_space<hbm>> -> memref<8xf32, #tpu.memory_space<hbm>>
      tpu.enqueue_dma source(%dma_start3A_975 : memref<8xf32, #tpu.memory_space<hbm>>) target(%dma_start3A_974 : memref<8xf32, #tpu.memory_space<vmem>>) target_semaphore(%arg21 : memref<!tpu.dma_semaphore, #tpu.memory_space<semaphore_mem>>)
      %mul3A_976 = arith.constant 8 : i32
      %mul3A_977 = arith.muli %add3A_959, %mul3A_976 : i32
      %dma_start3A_978 = tpu.memref_slice %arg15[%mul3A_977] : memref<4096xf32, #tpu.memory_space<vmem>> -> memref<8xf32, #tpu.memory_space<vmem>>
      %dma_start3A_979 = tpu.memref_slice %arg7[%multiple_of3A_969] : memref<1000000xf32, #tpu.memory_space<hbm>> -> memref<8xf32, #tpu.memory_space<hbm>>
      %dma_start3A_980 = tpu.memref_slice %arg15[%mul3A_977] : memref<4096xf32, #tpu.memory_space<vmem>> -> memref<8xf32, #tpu.memory_space<vmem>>
      %dma_start3A_981 = tpu.memref_slice %arg7[%multiple_of3A_969] : memref<1000000xf32, #tpu.memory_space<hbm>> -> memref<8xf32, #tpu.memory_space<hbm>>
      tpu.enqueue_dma source(%dma_start3A_981 : memref<8xf32, #tpu.memory_space<hbm>>) target(%dma_start3A_980 : memref<8xf32, #tpu.memory_space<vmem>>) target_semaphore(%arg21 : memref<!tpu.dma_semaphore, #tpu.memory_space<semaphore_mem>>)
      %mul3A_982 = arith.constant 16 : i32
      %mul3A_983 = arith.muli %scan3A_356, %mul3A_982 : i32
      %add3A_984 = arith.constant 4 : i32
      %add3A_985 = arith.addi %mul3A_983, %add3A_984 : i32
      %add3A_986 = arith.constant 1 : i32
      %add3A_987 = arith.addi %add3A_985, %add3A_986 : i32
      %slice3A_988 = vector.extract_strided_slice %get3A_360 {offsets = [5], sizes = [1], strides = [1]} : vector<16xi32> to vector<1xi32>
      %squeeze3A_989 = vector.extract %slice3A_988[0] : i32 from vector<1xi32>
      %and3A_990 = arith.constant -8 : i32
      %and3A_991 = arith.andi %squeeze3A_989, %and3A_990 : i32
      %multiple_of3A_992 = tpu.assume_multiple %and3A_991, 8 : i32
      %slice3A_993 = vector.extract_strided_slice %get3A_364 {offsets = [5], sizes = [1], strides = [1]} : vector<16xi32> to vector<1xi32>
      %squeeze3A_994 = vector.extract %slice3A_993[0] : i32 from vector<1xi32>
      %and3A_995 = arith.constant -8 : i32
      %and3A_996 = arith.andi %squeeze3A_994, %and3A_995 : i32
      %multiple_of3A_997 = tpu.assume_multiple %and3A_996, 8 : i32
      %mul3A_998 = arith.constant 8 : i32
      %mul3A_999 = arith.muli %add3A_987, %mul3A_998 : i32
      %dma_start3A_1000 = tpu.memref_slice %arg14[%mul3A_999] : memref<4096xf32, #tpu.memory_space<vmem>> -> memref<8xf32, #tpu.memory_space<vmem>>
      %dma_start3A_1001 = tpu.memref_slice %arg6[%multiple_of3A_992] : memref<1000000xf32, #tpu.memory_space<hbm>> -> memref<8xf32, #tpu.memory_space<hbm>>
      %dma_start3A_1002 = tpu.memref_slice %arg14[%mul3A_999] : memref<4096xf32, #tpu.memory_space<vmem>> -> memref<8xf32, #tpu.memory_space<vmem>>
      %dma_start3A_1003 = tpu.memref_slice %arg6[%multiple_of3A_992] : memref<1000000xf32, #tpu.memory_space<hbm>> -> memref<8xf32, #tpu.memory_space<hbm>>
      tpu.enqueue_dma source(%dma_start3A_1003 : memref<8xf32, #tpu.memory_space<hbm>>) target(%dma_start3A_1002 : memref<8xf32, #tpu.memory_space<vmem>>) target_semaphore(%arg21 : memref<!tpu.dma_semaphore, #tpu.memory_space<semaphore_mem>>)
      %mul3A_1004 = arith.constant 8 : i32
      %mul3A_1005 = arith.muli %add3A_987, %mul3A_1004 : i32
      %dma_start3A_1006 = tpu.memref_slice %arg15[%mul3A_1005] : memref<4096xf32, #tpu.memory_space<vmem>> -> memref<8xf32, #tpu.memory_space<vmem>>
      %dma_start3A_1007 = tpu.memref_slice %arg7[%multiple_of3A_997] : memref<1000000xf32, #tpu.memory_space<hbm>> -> memref<8xf32, #tpu.memory_space<hbm>>
      %dma_start3A_1008 = tpu.memref_slice %arg15[%mul3A_1005] : memref<4096xf32, #tpu.memory_space<vmem>> -> memref<8xf32, #tpu.memory_space<vmem>>
      %dma_start3A_1009 = tpu.memref_slice %arg7[%multiple_of3A_997] : memref<1000000xf32, #tpu.memory_space<hbm>> -> memref<8xf32, #tpu.memory_space<hbm>>
      tpu.enqueue_dma source(%dma_start3A_1009 : memref<8xf32, #tpu.memory_space<hbm>>) target(%dma_start3A_1008 : memref<8xf32, #tpu.memory_space<vmem>>) target_semaphore(%arg21 : memref<!tpu.dma_semaphore, #tpu.memory_space<semaphore_mem>>)
      %dma_wait3A_1010 = arith.constant 128 : i32
      %dma_wait3A_1011 = arith.constant 0 : i32
      %dma_wait3A_1012 = tpu.memref_slice %arg11[%dma_wait3A_1010, %dma_wait3A_1011] : memref<256x128xf32, #tpu.memory_space<vmem>> -> memref<32x128xf32, #tpu.memory_space<vmem>>
      %dma_wait3A_1013 = arith.constant 0 : i32
      %dma_wait3A_1014 = arith.constant 0 : i32
      %dma_wait3A_1015 = tpu.memref_slice %arg4[%dma_wait3A_1013, %dma_wait3A_1014] : memref<32x1000000xf32, #tpu.memory_space<hbm>> -> memref<32x128xf32, #tpu.memory_space<hbm>>
      %dma_wait3A_1016 = arith.constant 128 : i32
      %dma_wait3A_1017 = arith.constant 0 : i32
      %dma_wait3A_1018 = tpu.memref_slice %arg11[%dma_wait3A_1016, %dma_wait3A_1017] : memref<256x128xf32, #tpu.memory_space<vmem>> -> memref<32x128xf32, #tpu.memory_space<vmem>>
      %dma_wait3A_1019 = arith.constant 0 : i32
      %dma_wait3A_1020 = arith.constant 0 : i32
      %dma_wait3A_1021 = tpu.memref_slice %arg4[%dma_wait3A_1019, %dma_wait3A_1020] : memref<32x1000000xf32, #tpu.memory_space<hbm>> -> memref<32x128xf32, #tpu.memory_space<hbm>>
      tpu.wait_dma2 semaphore(%arg19 : memref<!tpu.dma_semaphore, #tpu.memory_space<semaphore_mem>>) src(%dma_wait3A_1021 : memref<32x128xf32, #tpu.memory_space<hbm>>) dst(%dma_wait3A_1018 : memref<32x128xf32, #tpu.memory_space<vmem>>)
      %dma_wait3A_1022 = arith.constant 128 : i32
      %dma_wait3A_1023 = arith.constant 0 : i32
      %dma_wait3A_1024 = tpu.memref_slice %arg12[%dma_wait3A_1022, %dma_wait3A_1023] : memref<256x128xf32, #tpu.memory_space<vmem>> -> memref<32x128xf32, #tpu.memory_space<vmem>>
      %dma_wait3A_1025 = arith.constant 0 : i32
      %dma_wait3A_1026 = arith.constant 0 : i32
      %dma_wait3A_1027 = tpu.memref_slice %arg5[%dma_wait3A_1025, %dma_wait3A_1026] : memref<32x1000000xf32, #tpu.memory_space<hbm>> -> memref<32x128xf32, #tpu.memory_space<hbm>>
      %dma_wait3A_1028 = arith.constant 128 : i32
      %dma_wait3A_1029 = arith.constant 0 : i32
      %dma_wait3A_1030 = tpu.memref_slice %arg12[%dma_wait3A_1028, %dma_wait3A_1029] : memref<256x128xf32, #tpu.memory_space<vmem>> -> memref<32x128xf32, #tpu.memory_space<vmem>>
      %dma_wait3A_1031 = arith.constant 0 : i32
      %dma_wait3A_1032 = arith.constant 0 : i32
      %dma_wait3A_1033 = tpu.memref_slice %arg5[%dma_wait3A_1031, %dma_wait3A_1032] : memref<32x1000000xf32, #tpu.memory_space<hbm>> -> memref<32x128xf32, #tpu.memory_space<hbm>>
      tpu.wait_dma2 semaphore(%arg19 : memref<!tpu.dma_semaphore, #tpu.memory_space<semaphore_mem>>) src(%dma_wait3A_1033 : memref<32x128xf32, #tpu.memory_space<hbm>>) dst(%dma_wait3A_1030 : memref<32x128xf32, #tpu.memory_space<vmem>>)
      %dma_wait3A_1034 = arith.constant 160 : i32
      %dma_wait3A_1035 = arith.constant 0 : i32
      %dma_wait3A_1036 = tpu.memref_slice %arg11[%dma_wait3A_1034, %dma_wait3A_1035] : memref<256x128xf32, #tpu.memory_space<vmem>> -> memref<32x128xf32, #tpu.memory_space<vmem>>
      %dma_wait3A_1037 = arith.constant 0 : i32
      %dma_wait3A_1038 = arith.constant 0 : i32
      %dma_wait3A_1039 = tpu.memref_slice %arg4[%dma_wait3A_1037, %dma_wait3A_1038] : memref<32x1000000xf32, #tpu.memory_space<hbm>> -> memref<32x128xf32, #tpu.memory_space<hbm>>
      %dma_wait3A_1040 = arith.constant 160 : i32
      %dma_wait3A_1041 = arith.constant 0 : i32
      %dma_wait3A_1042 = tpu.memref_slice %arg11[%dma_wait3A_1040, %dma_wait3A_1041] : memref<256x128xf32, #tpu.memory_space<vmem>> -> memref<32x128xf32, #tpu.memory_space<vmem>>
      %dma_wait3A_1043 = arith.constant 0 : i32
      %dma_wait3A_1044 = arith.constant 0 : i32
      %dma_wait3A_1045 = tpu.memref_slice %arg4[%dma_wait3A_1043, %dma_wait3A_1044] : memref<32x1000000xf32, #tpu.memory_space<hbm>> -> memref<32x128xf32, #tpu.memory_space<hbm>>
      tpu.wait_dma2 semaphore(%arg19 : memref<!tpu.dma_semaphore, #tpu.memory_space<semaphore_mem>>) src(%dma_wait3A_1045 : memref<32x128xf32, #tpu.memory_space<hbm>>) dst(%dma_wait3A_1042 : memref<32x128xf32, #tpu.memory_space<vmem>>)
      %dma_wait3A_1046 = arith.constant 160 : i32
      %dma_wait3A_1047 = arith.constant 0 : i32
      %dma_wait3A_1048 = tpu.memref_slice %arg12[%dma_wait3A_1046, %dma_wait3A_1047] : memref<256x128xf32, #tpu.memory_space<vmem>> -> memref<32x128xf32, #tpu.memory_space<vmem>>
      %dma_wait3A_1049 = arith.constant 0 : i32
      %dma_wait3A_1050 = arith.constant 0 : i32
      %dma_wait3A_1051 = tpu.memref_slice %arg5[%dma_wait3A_1049, %dma_wait3A_1050] : memref<32x1000000xf32, #tpu.memory_space<hbm>> -> memref<32x128xf32, #tpu.memory_space<hbm>>
      %dma_wait3A_1052 = arith.constant 160 : i32
      %dma_wait3A_1053 = arith.constant 0 : i32
      %dma_wait3A_1054 = tpu.memref_slice %arg12[%dma_wait3A_1052, %dma_wait3A_1053] : memref<256x128xf32, #tpu.memory_space<vmem>> -> memref<32x128xf32, #tpu.memory_space<vmem>>
      %dma_wait3A_1055 = arith.constant 0 : i32
      %dma_wait3A_1056 = arith.constant 0 : i32
      %dma_wait3A_1057 = tpu.memref_slice %arg5[%dma_wait3A_1055, %dma_wait3A_1056] : memref<32x1000000xf32, #tpu.memory_space<hbm>> -> memref<32x128xf32, #tpu.memory_space<hbm>>
      tpu.wait_dma2 semaphore(%arg19 : memref<!tpu.dma_semaphore, #tpu.memory_space<semaphore_mem>>) src(%dma_wait3A_1057 : memref<32x128xf32, #tpu.memory_space<hbm>>) dst(%dma_wait3A_1054 : memref<32x128xf32, #tpu.memory_space<vmem>>)
      %mul3A_1058 = arith.constant 16 : i32
      %mul3A_1059 = arith.muli %scan3A_356, %mul3A_1058 : i32
      %add3A_1060 = arith.constant 4 : i32
      %add3A_1061 = arith.addi %mul3A_1059, %add3A_1060 : i32
      %add3A_1062 = arith.constant 0 : i32
      %add3A_1063 = arith.addi %add3A_1061, %add3A_1062 : i32
      %slice3A_1064 = vector.extract_strided_slice %get3A_360 {offsets = [4], sizes = [1], strides = [1]} : vector<16xi32> to vector<1xi32>
      %squeeze3A_1065 = vector.extract %slice3A_1064[0] : i32 from vector<1xi32>
      %and3A_1066 = arith.constant 127 : i32
      %and3A_1067 = arith.andi %squeeze3A_1065, %and3A_1066 : i32
      %slice3A_1068 = vector.extract_strided_slice %get3A_364 {offsets = [4], sizes = [1], strides = [1]} : vector<16xi32> to vector<1xi32>
      %squeeze3A_1069 = vector.extract %slice3A_1068[0] : i32 from vector<1xi32>
      %and3A_1070 = arith.constant 127 : i32
      %and3A_1071 = arith.andi %squeeze3A_1069, %and3A_1070 : i32
      %broadcast_in_dim3A_1072 = arith.constant 0 : i32
      %broadcast_in_dim3A_1073 = vector.broadcast %broadcast_in_dim3A_1072 : i32 to vector<16xi32>
      %add3A_1074 = vector.broadcast %and3A_1067 : i32 to vector<16xi32>
      %add3A_1075 = arith.addi %broadcast_in_dim3A_1073, %add3A_1074 : vector<16xi32>
      %broadcast_in_dim3A_1076 = arith.constant 0 : i32
      %broadcast_in_dim3A_1077 = vector.broadcast %broadcast_in_dim3A_1076 : i32 to vector<16xi32>
      %add3A_1078 = vector.broadcast %and3A_1071 : i32 to vector<16xi32>
      %add3A_1079 = arith.addi %broadcast_in_dim3A_1077, %add3A_1078 : vector<16xi32>
      %add3A_1080 = arith.constant 128 : i32
      %add3A_1081 = vector.broadcast %add3A_1080 : i32 to vector<16xi32>
      %add3A_1082 = arith.addi %add3A_1081, %iota3A : vector<16xi32>
      %gather3A_1083 = tpu.vector_load_idx %arg11[%add3A_1082, %add3A_1075] : memref<256x128xf32, #tpu.memory_space<vmem>>[vector<16xi32>, vector<16xi32>], vector<16xf32>,
      %add3A_1084 = arith.constant 144 : i32
      %add3A_1085 = vector.broadcast %add3A_1084 : i32 to vector<16xi32>
      %add3A_1086 = arith.addi %add3A_1085, %iota3A : vector<16xi32>
      %gather3A_1087 = tpu.vector_load_idx %arg11[%add3A_1086, %add3A_1075] : memref<256x128xf32, #tpu.memory_space<vmem>>[vector<16xi32>, vector<16xi32>], vector<16xf32>,
      %add3A_1088 = arith.constant 128 : i32
      %add3A_1089 = vector.broadcast %add3A_1088 : i32 to vector<16xi32>
      %add3A_1090 = arith.addi %add3A_1089, %iota3A : vector<16xi32>
      %gather3A_1091 = tpu.vector_load_idx %arg12[%add3A_1090, %add3A_1079] : memref<256x128xf32, #tpu.memory_space<vmem>>[vector<16xi32>, vector<16xi32>], vector<16xf32>,
      %add3A_1092 = arith.constant 144 : i32
      %add3A_1093 = vector.broadcast %add3A_1092 : i32 to vector<16xi32>
      %add3A_1094 = arith.addi %add3A_1093, %iota3A : vector<16xi32>
      %gather3A_1095 = tpu.vector_load_idx %arg12[%add3A_1094, %add3A_1079] : memref<256x128xf32, #tpu.memory_space<vmem>>[vector<16xi32>, vector<16xi32>], vector<16xf32>,
      %mul3A_1096 = arith.mulf %gather3A_1083, %gather3A_1091 : vector<16xf32>
      %mul3A_1097 = arith.mulf %gather3A_1087, %gather3A_1095 : vector<16xf32>
      %add3A_1098 = arith.addf %mul3A_1096, %mul3A_1097 : vector<16xf32>
      %mul3A_1099 = arith.constant 512 : i32
      %mul3A_1100 = vector.broadcast %mul3A_1099 : i32 to vector<16xi32>
      %mul3A_1101 = arith.muli %iota3A, %mul3A_1100 : vector<16xi32>
      %add3A_1102 = vector.broadcast %add3A_1063 : i32 to vector<16xi32>
      %add3A_1103 = arith.addi %mul3A_1101, %add3A_1102 : vector<16xi32>
      tpu.vector_store_idx %arg13[%add3A_1103], %add3A_1098 : memref<8192xf32, #tpu.memory_space<vmem>>[vector<16xi32>], vector<16xf32>,
      %mul3A_1104 = arith.constant 16 : i32
      %mul3A_1105 = arith.muli %scan3A_356, %mul3A_1104 : i32
      %add3A_1106 = arith.constant 4 : i32
      %add3A_1107 = arith.addi %mul3A_1105, %add3A_1106 : i32
      %add3A_1108 = arith.constant 1 : i32
      %add3A_1109 = arith.addi %add3A_1107, %add3A_1108 : i32
      %slice3A_1110 = vector.extract_strided_slice %get3A_360 {offsets = [5], sizes = [1], strides = [1]} : vector<16xi32> to vector<1xi32>
      %squeeze3A_1111 = vector.extract %slice3A_1110[0] : i32 from vector<1xi32>
      %and3A_1112 = arith.constant 127 : i32
      %and3A_1113 = arith.andi %squeeze3A_1111, %and3A_1112 : i32
      %slice3A_1114 = vector.extract_strided_slice %get3A_364 {offsets = [5], sizes = [1], strides = [1]} : vector<16xi32> to vector<1xi32>
      %squeeze3A_1115 = vector.extract %slice3A_1114[0] : i32 from vector<1xi32>
      %and3A_1116 = arith.constant 127 : i32
      %and3A_1117 = arith.andi %squeeze3A_1115, %and3A_1116 : i32
      %broadcast_in_dim3A_1118 = arith.constant 0 : i32
      %broadcast_in_dim3A_1119 = vector.broadcast %broadcast_in_dim3A_1118 : i32 to vector<16xi32>
      %add3A_1120 = vector.broadcast %and3A_1113 : i32 to vector<16xi32>
      %add3A_1121 = arith.addi %broadcast_in_dim3A_1119, %add3A_1120 : vector<16xi32>
      %broadcast_in_dim3A_1122 = arith.constant 0 : i32
      %broadcast_in_dim3A_1123 = vector.broadcast %broadcast_in_dim3A_1122 : i32 to vector<16xi32>
      %add3A_1124 = vector.broadcast %and3A_1117 : i32 to vector<16xi32>
      %add3A_1125 = arith.addi %broadcast_in_dim3A_1123, %add3A_1124 : vector<16xi32>
      %add3A_1126 = arith.constant 160 : i32
      %add3A_1127 = vector.broadcast %add3A_1126 : i32 to vector<16xi32>
      %add3A_1128 = arith.addi %add3A_1127, %iota3A : vector<16xi32>
      %gather3A_1129 = tpu.vector_load_idx %arg11[%add3A_1128, %add3A_1121] : memref<256x128xf32, #tpu.memory_space<vmem>>[vector<16xi32>, vector<16xi32>], vector<16xf32>,
      %add3A_1130 = arith.constant 176 : i32
      %add3A_1131 = vector.broadcast %add3A_1130 : i32 to vector<16xi32>
      %add3A_1132 = arith.addi %add3A_1131, %iota3A : vector<16xi32>
      %gather3A_1133 = tpu.vector_load_idx %arg11[%add3A_1132, %add3A_1121] : memref<256x128xf32, #tpu.memory_space<vmem>>[vector<16xi32>, vector<16xi32>], vector<16xf32>,
      %add3A_1134 = arith.constant 160 : i32
      %add3A_1135 = vector.broadcast %add3A_1134 : i32 to vector<16xi32>
      %add3A_1136 = arith.addi %add3A_1135, %iota3A : vector<16xi32>
      %gather3A_1137 = tpu.vector_load_idx %arg12[%add3A_1136, %add3A_1125] : memref<256x128xf32, #tpu.memory_space<vmem>>[vector<16xi32>, vector<16xi32>], vector<16xf32>,
      %add3A_1138 = arith.constant 176 : i32
      %add3A_1139 = vector.broadcast %add3A_1138 : i32 to vector<16xi32>
      %add3A_1140 = arith.addi %add3A_1139, %iota3A : vector<16xi32>
      %gather3A_1141 = tpu.vector_load_idx %arg12[%add3A_1140, %add3A_1125] : memref<256x128xf32, #tpu.memory_space<vmem>>[vector<16xi32>, vector<16xi32>], vector<16xf32>,
      %mul3A_1142 = arith.mulf %gather3A_1129, %gather3A_1137 : vector<16xf32>
      %mul3A_1143 = arith.mulf %gather3A_1133, %gather3A_1141 : vector<16xf32>
      %add3A_1144 = arith.addf %mul3A_1142, %mul3A_1143 : vector<16xf32>
      %mul3A_1145 = arith.constant 512 : i32
      %mul3A_1146 = vector.broadcast %mul3A_1145 : i32 to vector<16xi32>
      %mul3A_1147 = arith.muli %iota3A, %mul3A_1146 : vector<16xi32>
      %add3A_1148 = vector.broadcast %add3A_1109 : i32 to vector<16xi32>
      %add3A_1149 = arith.addi %mul3A_1147, %add3A_1148 : vector<16xi32>
      tpu.vector_store_idx %arg13[%add3A_1149], %add3A_1144 : memref<8192xf32, #tpu.memory_space<vmem>>[vector<16xi32>], vector<16xf32>,
      %slice3A_1150 = vector.extract_strided_slice %get3A_360 {offsets = [12], sizes = [1], strides = [1]} : vector<16xi32> to vector<1xi32>
      %squeeze3A_1151 = vector.extract %slice3A_1150[0] : i32 from vector<1xi32>
      %slice3A_1152 = vector.extract_strided_slice %get3A_364 {offsets = [12], sizes = [1], strides = [1]} : vector<16xi32> to vector<1xi32>
      %squeeze3A_1153 = vector.extract %slice3A_1152[0] : i32 from vector<1xi32>
      %shift_right_logical3A_1154 = arith.constant 7 : i32
      %shift_right_logical3A_1155 = arith.shrui %squeeze3A_1151, %shift_right_logical3A_1154 : i32
      %shift_right_logical3A_1156 = arith.constant 7 : i32
      %shift_right_logical3A_1157 = arith.shrui %squeeze3A_1153, %shift_right_logical3A_1156 : i32
      %mul3A_1158 = arith.constant 128 : i32
      %mul3A_1159 = arith.muli %shift_right_logical3A_1155, %mul3A_1158 : i32
      %dma_start3A_1160 = arith.constant 128 : i32
      %dma_start3A_1161 = arith.constant 0 : i32
      %dma_start3A_1162 = tpu.memref_slice %arg11[%dma_start3A_1160, %dma_start3A_1161] : memref<256x128xf32, #tpu.memory_space<vmem>> -> memref<32x128xf32, #tpu.memory_space<vmem>>
      %dma_start3A_1163 = arith.constant 0 : i32
      %dma_start3A_1164 = tpu.memref_slice %arg4[%dma_start3A_1163, %mul3A_1159] : memref<32x1000000xf32, #tpu.memory_space<hbm>> -> memref<32x128xf32, #tpu.memory_space<hbm>>
      %dma_start3A_1165 = arith.constant 128 : i32
      %dma_start3A_1166 = arith.constant 0 : i32
      %dma_start3A_1167 = tpu.memref_slice %arg11[%dma_start3A_1165, %dma_start3A_1166] : memref<256x128xf32, #tpu.memory_space<vmem>> -> memref<32x128xf32, #tpu.memory_space<vmem>>
      %dma_start3A_1168 = arith.constant 0 : i32
      %dma_start3A_1169 = tpu.memref_slice %arg4[%dma_start3A_1168, %mul3A_1159] : memref<32x1000000xf32, #tpu.memory_space<hbm>> -> memref<32x128xf32, #tpu.memory_space<hbm>>
      tpu.enqueue_dma source(%dma_start3A_1169 : memref<32x128xf32, #tpu.memory_space<hbm>>) target(%dma_start3A_1167 : memref<32x128xf32, #tpu.memory_space<vmem>>) target_semaphore(%arg19 : memref<!tpu.dma_semaphore, #tpu.memory_space<semaphore_mem>>)
      %mul3A_1170 = arith.constant 128 : i32
      %mul3A_1171 = arith.muli %shift_right_logical3A_1157, %mul3A_1170 : i32
      %dma_start3A_1172 = arith.constant 128 : i32
      %dma_start3A_1173 = arith.constant 0 : i32
      %dma_start3A_1174 = tpu.memref_slice %arg12[%dma_start3A_1172, %dma_start3A_1173] : memref<256x128xf32, #tpu.memory_space<vmem>> -> memref<32x128xf32, #tpu.memory_space<vmem>>
      %dma_start3A_1175 = arith.constant 0 : i32
      %dma_start3A_1176 = tpu.memref_slice %arg5[%dma_start3A_1175, %mul3A_1171] : memref<32x1000000xf32, #tpu.memory_space<hbm>> -> memref<32x128xf32, #tpu.memory_space<hbm>>
      %dma_start3A_1177 = arith.constant 128 : i32
      %dma_start3A_1178 = arith.constant 0 : i32
      %dma_start3A_1179 = tpu.memref_slice %arg12[%dma_start3A_1177, %dma_start3A_1178] : memref<256x128xf32, #tpu.memory_space<vmem>> -> memref<32x128xf32, #tpu.memory_space<vmem>>
      %dma_start3A_1180 = arith.constant 0 : i32
      %dma_start3A_1181 = tpu.memref_slice %arg5[%dma_start3A_1180, %mul3A_1171] : memref<32x1000000xf32, #tpu.memory_space<hbm>> -> memref<32x128xf32, #tpu.memory_space<hbm>>
      tpu.enqueue_dma source(%dma_start3A_1181 : memref<32x128xf32, #tpu.memory_space<hbm>>) target(%dma_start3A_1179 : memref<32x128xf32, #tpu.memory_space<vmem>>) target_semaphore(%arg19 : memref<!tpu.dma_semaphore, #tpu.memory_space<semaphore_mem>>)
      %slice3A_1182 = vector.extract_strided_slice %get3A_360 {offsets = [13], sizes = [1], strides = [1]} : vector<16xi32> to vector<1xi32>
      %squeeze3A_1183 = vector.extract %slice3A_1182[0] : i32 from vector<1xi32>
      %slice3A_1184 = vector.extract_strided_slice %get3A_364 {offsets = [13], sizes = [1], strides = [1]} : vector<16xi32> to vector<1xi32>
      %squeeze3A_1185 = vector.extract %slice3A_1184[0] : i32 from vector<1xi32>
      %shift_right_logical3A_1186 = arith.constant 7 : i32
      %shift_right_logical3A_1187 = arith.shrui %squeeze3A_1183, %shift_right_logical3A_1186 : i32
      %shift_right_logical3A_1188 = arith.constant 7 : i32
      %shift_right_logical3A_1189 = arith.shrui %squeeze3A_1185, %shift_right_logical3A_1188 : i32
      %mul3A_1190 = arith.constant 128 : i32
      %mul3A_1191 = arith.muli %shift_right_logical3A_1187, %mul3A_1190 : i32
      %dma_start3A_1192 = arith.constant 160 : i32
      %dma_start3A_1193 = arith.constant 0 : i32
      %dma_start3A_1194 = tpu.memref_slice %arg11[%dma_start3A_1192, %dma_start3A_1193] : memref<256x128xf32, #tpu.memory_space<vmem>> -> memref<32x128xf32, #tpu.memory_space<vmem>>
      %dma_start3A_1195 = arith.constant 0 : i32
      %dma_start3A_1196 = tpu.memref_slice %arg4[%dma_start3A_1195, %mul3A_1191] : memref<32x1000000xf32, #tpu.memory_space<hbm>> -> memref<32x128xf32, #tpu.memory_space<hbm>>
      %dma_start3A_1197 = arith.constant 160 : i32
      %dma_start3A_1198 = arith.constant 0 : i32
      %dma_start3A_1199 = tpu.memref_slice %arg11[%dma_start3A_1197, %dma_start3A_1198] : memref<256x128xf32, #tpu.memory_space<vmem>> -> memref<32x128xf32, #tpu.memory_space<vmem>>
      %dma_start3A_1200 = arith.constant 0 : i32
      %dma_start3A_1201 = tpu.memref_slice %arg4[%dma_start3A_1200, %mul3A_1191] : memref<32x1000000xf32, #tpu.memory_space<hbm>> -> memref<32x128xf32, #tpu.memory_space<hbm>>
      tpu.enqueue_dma source(%dma_start3A_1201 : memref<32x128xf32, #tpu.memory_space<hbm>>) target(%dma_start3A_1199 : memref<32x128xf32, #tpu.memory_space<vmem>>) target_semaphore(%arg19 : memref<!tpu.dma_semaphore, #tpu.memory_space<semaphore_mem>>)
      %mul3A_1202 = arith.constant 128 : i32
      %mul3A_1203 = arith.muli %shift_right_logical3A_1189, %mul3A_1202 : i32
      %dma_start3A_1204 = arith.constant 160 : i32
      %dma_start3A_1205 = arith.constant 0 : i32
      %dma_start3A_1206 = tpu.memref_slice %arg12[%dma_start3A_1204, %dma_start3A_1205] : memref<256x128xf32, #tpu.memory_space<vmem>> -> memref<32x128xf32, #tpu.memory_space<vmem>>
      %dma_start3A_1207 = arith.constant 0 : i32
      %dma_start3A_1208 = tpu.memref_slice %arg5[%dma_start3A_1207, %mul3A_1203] : memref<32x1000000xf32, #tpu.memory_space<hbm>> -> memref<32x128xf32, #tpu.memory_space<hbm>>
      %dma_start3A_1209 = arith.constant 160 : i32
      %dma_start3A_1210 = arith.constant 0 : i32
      %dma_start3A_1211 = tpu.memref_slice %arg12[%dma_start3A_1209, %dma_start3A_1210] : memref<256x128xf32, #tpu.memory_space<vmem>> -> memref<32x128xf32, #tpu.memory_space<vmem>>
      %dma_start3A_1212 = arith.constant 0 : i32
      %dma_start3A_1213 = tpu.memref_slice %arg5[%dma_start3A_1212, %mul3A_1203] : memref<32x1000000xf32, #tpu.memory_space<hbm>> -> memref<32x128xf32, #tpu.memory_space<hbm>>
      tpu.enqueue_dma source(%dma_start3A_1213 : memref<32x128xf32, #tpu.memory_space<hbm>>) target(%dma_start3A_1211 : memref<32x128xf32, #tpu.memory_space<vmem>>) target_semaphore(%arg19 : memref<!tpu.dma_semaphore, #tpu.memory_space<semaphore_mem>>)
      %mul3A_1214 = arith.constant 16 : i32
      %mul3A_1215 = arith.muli %scan3A_356, %mul3A_1214 : i32
      %add3A_1216 = arith.constant 6 : i32
      %add3A_1217 = arith.addi %mul3A_1215, %add3A_1216 : i32
      %add3A_1218 = arith.constant 0 : i32
      %add3A_1219 = arith.addi %add3A_1217, %add3A_1218 : i32
      %slice3A_1220 = vector.extract_strided_slice %get3A_360 {offsets = [6], sizes = [1], strides = [1]} : vector<16xi32> to vector<1xi32>
      %squeeze3A_1221 = vector.extract %slice3A_1220[0] : i32 from vector<1xi32>
      %and3A_1222 = arith.constant -8 : i32
      %and3A_1223 = arith.andi %squeeze3A_1221, %and3A_1222 : i32
      %multiple_of3A_1224 = tpu.assume_multiple %and3A_1223, 8 : i32
      %slice3A_1225 = vector.extract_strided_slice %get3A_364 {offsets = [6], sizes = [1], strides = [1]} : vector<16xi32> to vector<1xi32>
      %squeeze3A_1226 = vector.extract %slice3A_1225[0] : i32 from vector<1xi32>
      %and3A_1227 = arith.constant -8 : i32
      %and3A_1228 = arith.andi %squeeze3A_1226, %and3A_1227 : i32
      %multiple_of3A_1229 = tpu.assume_multiple %and3A_1228, 8 : i32
      %mul3A_1230 = arith.constant 8 : i32
      %mul3A_1231 = arith.muli %add3A_1219, %mul3A_1230 : i32
      %dma_start3A_1232 = tpu.memref_slice %arg14[%mul3A_1231] : memref<4096xf32, #tpu.memory_space<vmem>> -> memref<8xf32, #tpu.memory_space<vmem>>
      %dma_start3A_1233 = tpu.memref_slice %arg6[%multiple_of3A_1224] : memref<1000000xf32, #tpu.memory_space<hbm>> -> memref<8xf32, #tpu.memory_space<hbm>>
      %dma_start3A_1234 = tpu.memref_slice %arg14[%mul3A_1231] : memref<4096xf32, #tpu.memory_space<vmem>> -> memref<8xf32, #tpu.memory_space<vmem>>
      %dma_start3A_1235 = tpu.memref_slice %arg6[%multiple_of3A_1224] : memref<1000000xf32, #tpu.memory_space<hbm>> -> memref<8xf32, #tpu.memory_space<hbm>>
      tpu.enqueue_dma source(%dma_start3A_1235 : memref<8xf32, #tpu.memory_space<hbm>>) target(%dma_start3A_1234 : memref<8xf32, #tpu.memory_space<vmem>>) target_semaphore(%arg21 : memref<!tpu.dma_semaphore, #tpu.memory_space<semaphore_mem>>)
      %mul3A_1236 = arith.constant 8 : i32
      %mul3A_1237 = arith.muli %add3A_1219, %mul3A_1236 : i32
      %dma_start3A_1238 = tpu.memref_slice %arg15[%mul3A_1237] : memref<4096xf32, #tpu.memory_space<vmem>> -> memref<8xf32, #tpu.memory_space<vmem>>
      %dma_start3A_1239 = tpu.memref_slice %arg7[%multiple_of3A_1229] : memref<1000000xf32, #tpu.memory_space<hbm>> -> memref<8xf32, #tpu.memory_space<hbm>>
      %dma_start3A_1240 = tpu.memref_slice %arg15[%mul3A_1237] : memref<4096xf32, #tpu.memory_space<vmem>> -> memref<8xf32, #tpu.memory_space<vmem>>
      %dma_start3A_1241 = tpu.memref_slice %arg7[%multiple_of3A_1229] : memref<1000000xf32, #tpu.memory_space<hbm>> -> memref<8xf32, #tpu.memory_space<hbm>>
      tpu.enqueue_dma source(%dma_start3A_1241 : memref<8xf32, #tpu.memory_space<hbm>>) target(%dma_start3A_1240 : memref<8xf32, #tpu.memory_space<vmem>>) target_semaphore(%arg21 : memref<!tpu.dma_semaphore, #tpu.memory_space<semaphore_mem>>)
      %mul3A_1242 = arith.constant 16 : i32
      %mul3A_1243 = arith.muli %scan3A_356, %mul3A_1242 : i32
      %add3A_1244 = arith.constant 6 : i32
      %add3A_1245 = arith.addi %mul3A_1243, %add3A_1244 : i32
      %add3A_1246 = arith.constant 1 : i32
      %add3A_1247 = arith.addi %add3A_1245, %add3A_1246 : i32
      %slice3A_1248 = vector.extract_strided_slice %get3A_360 {offsets = [7], sizes = [1], strides = [1]} : vector<16xi32> to vector<1xi32>
      %squeeze3A_1249 = vector.extract %slice3A_1248[0] : i32 from vector<1xi32>
      %and3A_1250 = arith.constant -8 : i32
      %and3A_1251 = arith.andi %squeeze3A_1249, %and3A_1250 : i32
      %multiple_of3A_1252 = tpu.assume_multiple %and3A_1251, 8 : i32
      %slice3A_1253 = vector.extract_strided_slice %get3A_364 {offsets = [7], sizes = [1], strides = [1]} : vector<16xi32> to vector<1xi32>
      %squeeze3A_1254 = vector.extract %slice3A_1253[0] : i32 from vector<1xi32>
      %and3A_1255 = arith.constant -8 : i32
      %and3A_1256 = arith.andi %squeeze3A_1254, %and3A_1255 : i32
      %multiple_of3A_1257 = tpu.assume_multiple %and3A_1256, 8 : i32
      %mul3A_1258 = arith.constant 8 : i32
      %mul3A_1259 = arith.muli %add3A_1247, %mul3A_1258 : i32
      %dma_start3A_1260 = tpu.memref_slice %arg14[%mul3A_1259] : memref<4096xf32, #tpu.memory_space<vmem>> -> memref<8xf32, #tpu.memory_space<vmem>>
      %dma_start3A_1261 = tpu.memref_slice %arg6[%multiple_of3A_1252] : memref<1000000xf32, #tpu.memory_space<hbm>> -> memref<8xf32, #tpu.memory_space<hbm>>
      %dma_start3A_1262 = tpu.memref_slice %arg14[%mul3A_1259] : memref<4096xf32, #tpu.memory_space<vmem>> -> memref<8xf32, #tpu.memory_space<vmem>>
      %dma_start3A_1263 = tpu.memref_slice %arg6[%multiple_of3A_1252] : memref<1000000xf32, #tpu.memory_space<hbm>> -> memref<8xf32, #tpu.memory_space<hbm>>
      tpu.enqueue_dma source(%dma_start3A_1263 : memref<8xf32, #tpu.memory_space<hbm>>) target(%dma_start3A_1262 : memref<8xf32, #tpu.memory_space<vmem>>) target_semaphore(%arg21 : memref<!tpu.dma_semaphore, #tpu.memory_space<semaphore_mem>>)
      %mul3A_1264 = arith.constant 8 : i32
      %mul3A_1265 = arith.muli %add3A_1247, %mul3A_1264 : i32
      %dma_start3A_1266 = tpu.memref_slice %arg15[%mul3A_1265] : memref<4096xf32, #tpu.memory_space<vmem>> -> memref<8xf32, #tpu.memory_space<vmem>>
      %dma_start3A_1267 = tpu.memref_slice %arg7[%multiple_of3A_1257] : memref<1000000xf32, #tpu.memory_space<hbm>> -> memref<8xf32, #tpu.memory_space<hbm>>
      %dma_start3A_1268 = tpu.memref_slice %arg15[%mul3A_1265] : memref<4096xf32, #tpu.memory_space<vmem>> -> memref<8xf32, #tpu.memory_space<vmem>>
      %dma_start3A_1269 = tpu.memref_slice %arg7[%multiple_of3A_1257] : memref<1000000xf32, #tpu.memory_space<hbm>> -> memref<8xf32, #tpu.memory_space<hbm>>
      tpu.enqueue_dma source(%dma_start3A_1269 : memref<8xf32, #tpu.memory_space<hbm>>) target(%dma_start3A_1268 : memref<8xf32, #tpu.memory_space<vmem>>) target_semaphore(%arg21 : memref<!tpu.dma_semaphore, #tpu.memory_space<semaphore_mem>>)
      %dma_wait3A_1270 = arith.constant 192 : i32
      %dma_wait3A_1271 = arith.constant 0 : i32
      %dma_wait3A_1272 = tpu.memref_slice %arg11[%dma_wait3A_1270, %dma_wait3A_1271] : memref<256x128xf32, #tpu.memory_space<vmem>> -> memref<32x128xf32, #tpu.memory_space<vmem>>
      %dma_wait3A_1273 = arith.constant 0 : i32
      %dma_wait3A_1274 = arith.constant 0 : i32
      %dma_wait3A_1275 = tpu.memref_slice %arg4[%dma_wait3A_1273, %dma_wait3A_1274] : memref<32x1000000xf32, #tpu.memory_space<hbm>> -> memref<32x128xf32, #tpu.memory_space<hbm>>
      %dma_wait3A_1276 = arith.constant 192 : i32
      %dma_wait3A_1277 = arith.constant 0 : i32
      %dma_wait3A_1278 = tpu.memref_slice %arg11[%dma_wait3A_1276, %dma_wait3A_1277] : memref<256x128xf32, #tpu.memory_space<vmem>> -> memref<32x128xf32, #tpu.memory_space<vmem>>
      %dma_wait3A_1279 = arith.constant 0 : i32
      %dma_wait3A_1280 = arith.constant 0 : i32
      %dma_wait3A_1281 = tpu.memref_slice %arg4[%dma_wait3A_1279, %dma_wait3A_1280] : memref<32x1000000xf32, #tpu.memory_space<hbm>> -> memref<32x128xf32, #tpu.memory_space<hbm>>
      tpu.wait_dma2 semaphore(%arg20 : memref<!tpu.dma_semaphore, #tpu.memory_space<semaphore_mem>>) src(%dma_wait3A_1281 : memref<32x128xf32, #tpu.memory_space<hbm>>) dst(%dma_wait3A_1278 : memref<32x128xf32, #tpu.memory_space<vmem>>)
      %dma_wait3A_1282 = arith.constant 192 : i32
      %dma_wait3A_1283 = arith.constant 0 : i32
      %dma_wait3A_1284 = tpu.memref_slice %arg12[%dma_wait3A_1282, %dma_wait3A_1283] : memref<256x128xf32, #tpu.memory_space<vmem>> -> memref<32x128xf32, #tpu.memory_space<vmem>>
      %dma_wait3A_1285 = arith.constant 0 : i32
      %dma_wait3A_1286 = arith.constant 0 : i32
      %dma_wait3A_1287 = tpu.memref_slice %arg5[%dma_wait3A_1285, %dma_wait3A_1286] : memref<32x1000000xf32, #tpu.memory_space<hbm>> -> memref<32x128xf32, #tpu.memory_space<hbm>>
      %dma_wait3A_1288 = arith.constant 192 : i32
      %dma_wait3A_1289 = arith.constant 0 : i32
      %dma_wait3A_1290 = tpu.memref_slice %arg12[%dma_wait3A_1288, %dma_wait3A_1289] : memref<256x128xf32, #tpu.memory_space<vmem>> -> memref<32x128xf32, #tpu.memory_space<vmem>>
      %dma_wait3A_1291 = arith.constant 0 : i32
      %dma_wait3A_1292 = arith.constant 0 : i32
      %dma_wait3A_1293 = tpu.memref_slice %arg5[%dma_wait3A_1291, %dma_wait3A_1292] : memref<32x1000000xf32, #tpu.memory_space<hbm>> -> memref<32x128xf32, #tpu.memory_space<hbm>>
      tpu.wait_dma2 semaphore(%arg20 : memref<!tpu.dma_semaphore, #tpu.memory_space<semaphore_mem>>) src(%dma_wait3A_1293 : memref<32x128xf32, #tpu.memory_space<hbm>>) dst(%dma_wait3A_1290 : memref<32x128xf32, #tpu.memory_space<vmem>>)
      %dma_wait3A_1294 = arith.constant 224 : i32
      %dma_wait3A_1295 = arith.constant 0 : i32
      %dma_wait3A_1296 = tpu.memref_slice %arg11[%dma_wait3A_1294, %dma_wait3A_1295] : memref<256x128xf32, #tpu.memory_space<vmem>> -> memref<32x128xf32, #tpu.memory_space<vmem>>
      %dma_wait3A_1297 = arith.constant 0 : i32
      %dma_wait3A_1298 = arith.constant 0 : i32
      %dma_wait3A_1299 = tpu.memref_slice %arg4[%dma_wait3A_1297, %dma_wait3A_1298] : memref<32x1000000xf32, #tpu.memory_space<hbm>> -> memref<32x128xf32, #tpu.memory_space<hbm>>
      %dma_wait3A_1300 = arith.constant 224 : i32
      %dma_wait3A_1301 = arith.constant 0 : i32
      %dma_wait3A_1302 = tpu.memref_slice %arg11[%dma_wait3A_1300, %dma_wait3A_1301] : memref<256x128xf32, #tpu.memory_space<vmem>> -> memref<32x128xf32, #tpu.memory_space<vmem>>
      %dma_wait3A_1303 = arith.constant 0 : i32
      %dma_wait3A_1304 = arith.constant 0 : i32
      %dma_wait3A_1305 = tpu.memref_slice %arg4[%dma_wait3A_1303, %dma_wait3A_1304] : memref<32x1000000xf32, #tpu.memory_space<hbm>> -> memref<32x128xf32, #tpu.memory_space<hbm>>
      tpu.wait_dma2 semaphore(%arg20 : memref<!tpu.dma_semaphore, #tpu.memory_space<semaphore_mem>>) src(%dma_wait3A_1305 : memref<32x128xf32, #tpu.memory_space<hbm>>) dst(%dma_wait3A_1302 : memref<32x128xf32, #tpu.memory_space<vmem>>)
      %dma_wait3A_1306 = arith.constant 224 : i32
      %dma_wait3A_1307 = arith.constant 0 : i32
      %dma_wait3A_1308 = tpu.memref_slice %arg12[%dma_wait3A_1306, %dma_wait3A_1307] : memref<256x128xf32, #tpu.memory_space<vmem>> -> memref<32x128xf32, #tpu.memory_space<vmem>>
      %dma_wait3A_1309 = arith.constant 0 : i32
      %dma_wait3A_1310 = arith.constant 0 : i32
      %dma_wait3A_1311 = tpu.memref_slice %arg5[%dma_wait3A_1309, %dma_wait3A_1310] : memref<32x1000000xf32, #tpu.memory_space<hbm>> -> memref<32x128xf32, #tpu.memory_space<hbm>>
      %dma_wait3A_1312 = arith.constant 224 : i32
      %dma_wait3A_1313 = arith.constant 0 : i32
      %dma_wait3A_1314 = tpu.memref_slice %arg12[%dma_wait3A_1312, %dma_wait3A_1313] : memref<256x128xf32, #tpu.memory_space<vmem>> -> memref<32x128xf32, #tpu.memory_space<vmem>>
      %dma_wait3A_1315 = arith.constant 0 : i32
      %dma_wait3A_1316 = arith.constant 0 : i32
      %dma_wait3A_1317 = tpu.memref_slice %arg5[%dma_wait3A_1315, %dma_wait3A_1316] : memref<32x1000000xf32, #tpu.memory_space<hbm>> -> memref<32x128xf32, #tpu.memory_space<hbm>>
      tpu.wait_dma2 semaphore(%arg20 : memref<!tpu.dma_semaphore, #tpu.memory_space<semaphore_mem>>) src(%dma_wait3A_1317 : memref<32x128xf32, #tpu.memory_space<hbm>>) dst(%dma_wait3A_1314 : memref<32x128xf32, #tpu.memory_space<vmem>>)
      %mul3A_1318 = arith.constant 16 : i32
      %mul3A_1319 = arith.muli %scan3A_356, %mul3A_1318 : i32
      %add3A_1320 = arith.constant 6 : i32
      %add3A_1321 = arith.addi %mul3A_1319, %add3A_1320 : i32
      %add3A_1322 = arith.constant 0 : i32
      %add3A_1323 = arith.addi %add3A_1321, %add3A_1322 : i32
      %slice3A_1324 = vector.extract_strided_slice %get3A_360 {offsets = [6], sizes = [1], strides = [1]} : vector<16xi32> to vector<1xi32>
      %squeeze3A_1325 = vector.extract %slice3A_1324[0] : i32 from vector<1xi32>
      %and3A_1326 = arith.constant 127 : i32
      %and3A_1327 = arith.andi %squeeze3A_1325, %and3A_1326 : i32
      %slice3A_1328 = vector.extract_strided_slice %get3A_364 {offsets = [6], sizes = [1], strides = [1]} : vector<16xi32> to vector<1xi32>
      %squeeze3A_1329 = vector.extract %slice3A_1328[0] : i32 from vector<1xi32>
      %and3A_1330 = arith.constant 127 : i32
      %and3A_1331 = arith.andi %squeeze3A_1329, %and3A_1330 : i32
      %broadcast_in_dim3A_1332 = arith.constant 0 : i32
      %broadcast_in_dim3A_1333 = vector.broadcast %broadcast_in_dim3A_1332 : i32 to vector<16xi32>
      %add3A_1334 = vector.broadcast %and3A_1327 : i32 to vector<16xi32>
      %add3A_1335 = arith.addi %broadcast_in_dim3A_1333, %add3A_1334 : vector<16xi32>
      %broadcast_in_dim3A_1336 = arith.constant 0 : i32
      %broadcast_in_dim3A_1337 = vector.broadcast %broadcast_in_dim3A_1336 : i32 to vector<16xi32>
      %add3A_1338 = vector.broadcast %and3A_1331 : i32 to vector<16xi32>
      %add3A_1339 = arith.addi %broadcast_in_dim3A_1337, %add3A_1338 : vector<16xi32>
      %add3A_1340 = arith.constant 192 : i32
      %add3A_1341 = vector.broadcast %add3A_1340 : i32 to vector<16xi32>
      %add3A_1342 = arith.addi %add3A_1341, %iota3A : vector<16xi32>
      %gather3A_1343 = tpu.vector_load_idx %arg11[%add3A_1342, %add3A_1335] : memref<256x128xf32, #tpu.memory_space<vmem>>[vector<16xi32>, vector<16xi32>], vector<16xf32>,
      %add3A_1344 = arith.constant 208 : i32
      %add3A_1345 = vector.broadcast %add3A_1344 : i32 to vector<16xi32>
      %add3A_1346 = arith.addi %add3A_1345, %iota3A : vector<16xi32>
      %gather3A_1347 = tpu.vector_load_idx %arg11[%add3A_1346, %add3A_1335] : memref<256x128xf32, #tpu.memory_space<vmem>>[vector<16xi32>, vector<16xi32>], vector<16xf32>,
      %add3A_1348 = arith.constant 192 : i32
      %add3A_1349 = vector.broadcast %add3A_1348 : i32 to vector<16xi32>
      %add3A_1350 = arith.addi %add3A_1349, %iota3A : vector<16xi32>
      %gather3A_1351 = tpu.vector_load_idx %arg12[%add3A_1350, %add3A_1339] : memref<256x128xf32, #tpu.memory_space<vmem>>[vector<16xi32>, vector<16xi32>], vector<16xf32>,
      %add3A_1352 = arith.constant 208 : i32
      %add3A_1353 = vector.broadcast %add3A_1352 : i32 to vector<16xi32>
      %add3A_1354 = arith.addi %add3A_1353, %iota3A : vector<16xi32>
      %gather3A_1355 = tpu.vector_load_idx %arg12[%add3A_1354, %add3A_1339] : memref<256x128xf32, #tpu.memory_space<vmem>>[vector<16xi32>, vector<16xi32>], vector<16xf32>,
      %mul3A_1356 = arith.mulf %gather3A_1343, %gather3A_1351 : vector<16xf32>
      %mul3A_1357 = arith.mulf %gather3A_1347, %gather3A_1355 : vector<16xf32>
      %add3A_1358 = arith.addf %mul3A_1356, %mul3A_1357 : vector<16xf32>
      %mul3A_1359 = arith.constant 512 : i32
      %mul3A_1360 = vector.broadcast %mul3A_1359 : i32 to vector<16xi32>
      %mul3A_1361 = arith.muli %iota3A, %mul3A_1360 : vector<16xi32>
      %add3A_1362 = vector.broadcast %add3A_1323 : i32 to vector<16xi32>
      %add3A_1363 = arith.addi %mul3A_1361, %add3A_1362 : vector<16xi32>
      tpu.vector_store_idx %arg13[%add3A_1363], %add3A_1358 : memref<8192xf32, #tpu.memory_space<vmem>>[vector<16xi32>], vector<16xf32>,
      %mul3A_1364 = arith.constant 16 : i32
      %mul3A_1365 = arith.muli %scan3A_356, %mul3A_1364 : i32
      %add3A_1366 = arith.constant 6 : i32
      %add3A_1367 = arith.addi %mul3A_1365, %add3A_1366 : i32
      %add3A_1368 = arith.constant 1 : i32
      %add3A_1369 = arith.addi %add3A_1367, %add3A_1368 : i32
      %slice3A_1370 = vector.extract_strided_slice %get3A_360 {offsets = [7], sizes = [1], strides = [1]} : vector<16xi32> to vector<1xi32>
      %squeeze3A_1371 = vector.extract %slice3A_1370[0] : i32 from vector<1xi32>
      %and3A_1372 = arith.constant 127 : i32
      %and3A_1373 = arith.andi %squeeze3A_1371, %and3A_1372 : i32
      %slice3A_1374 = vector.extract_strided_slice %get3A_364 {offsets = [7], sizes = [1], strides = [1]} : vector<16xi32> to vector<1xi32>
      %squeeze3A_1375 = vector.extract %slice3A_1374[0] : i32 from vector<1xi32>
      %and3A_1376 = arith.constant 127 : i32
      %and3A_1377 = arith.andi %squeeze3A_1375, %and3A_1376 : i32
      %broadcast_in_dim3A_1378 = arith.constant 0 : i32
      %broadcast_in_dim3A_1379 = vector.broadcast %broadcast_in_dim3A_1378 : i32 to vector<16xi32>
      %add3A_1380 = vector.broadcast %and3A_1373 : i32 to vector<16xi32>
      %add3A_1381 = arith.addi %broadcast_in_dim3A_1379, %add3A_1380 : vector<16xi32>
      %broadcast_in_dim3A_1382 = arith.constant 0 : i32
      %broadcast_in_dim3A_1383 = vector.broadcast %broadcast_in_dim3A_1382 : i32 to vector<16xi32>
      %add3A_1384 = vector.broadcast %and3A_1377 : i32 to vector<16xi32>
      %add3A_1385 = arith.addi %broadcast_in_dim3A_1383, %add3A_1384 : vector<16xi32>
      %add3A_1386 = arith.constant 224 : i32
      %add3A_1387 = vector.broadcast %add3A_1386 : i32 to vector<16xi32>
      %add3A_1388 = arith.addi %add3A_1387, %iota3A : vector<16xi32>
      %gather3A_1389 = tpu.vector_load_idx %arg11[%add3A_1388, %add3A_1381] : memref<256x128xf32, #tpu.memory_space<vmem>>[vector<16xi32>, vector<16xi32>], vector<16xf32>,
      %add3A_1390 = arith.constant 240 : i32
      %add3A_1391 = vector.broadcast %add3A_1390 : i32 to vector<16xi32>
      %add3A_1392 = arith.addi %add3A_1391, %iota3A : vector<16xi32>
      %gather3A_1393 = tpu.vector_load_idx %arg11[%add3A_1392, %add3A_1381] : memref<256x128xf32, #tpu.memory_space<vmem>>[vector<16xi32>, vector<16xi32>], vector<16xf32>,
      %add3A_1394 = arith.constant 224 : i32
      %add3A_1395 = vector.broadcast %add3A_1394 : i32 to vector<16xi32>
      %add3A_1396 = arith.addi %add3A_1395, %iota3A : vector<16xi32>
      %gather3A_1397 = tpu.vector_load_idx %arg12[%add3A_1396, %add3A_1385] : memref<256x128xf32, #tpu.memory_space<vmem>>[vector<16xi32>, vector<16xi32>], vector<16xf32>,
      %add3A_1398 = arith.constant 240 : i32
      %add3A_1399 = vector.broadcast %add3A_1398 : i32 to vector<16xi32>
      %add3A_1400 = arith.addi %add3A_1399, %iota3A : vector<16xi32>
      %gather3A_1401 = tpu.vector_load_idx %arg12[%add3A_1400, %add3A_1385] : memref<256x128xf32, #tpu.memory_space<vmem>>[vector<16xi32>, vector<16xi32>], vector<16xf32>,
      %mul3A_1402 = arith.mulf %gather3A_1389, %gather3A_1397 : vector<16xf32>
      %mul3A_1403 = arith.mulf %gather3A_1393, %gather3A_1401 : vector<16xf32>
      %add3A_1404 = arith.addf %mul3A_1402, %mul3A_1403 : vector<16xf32>
      %mul3A_1405 = arith.constant 512 : i32
      %mul3A_1406 = vector.broadcast %mul3A_1405 : i32 to vector<16xi32>
      %mul3A_1407 = arith.muli %iota3A, %mul3A_1406 : vector<16xi32>
      %add3A_1408 = vector.broadcast %add3A_1369 : i32 to vector<16xi32>
      %add3A_1409 = arith.addi %mul3A_1407, %add3A_1408 : vector<16xi32>
      tpu.vector_store_idx %arg13[%add3A_1409], %add3A_1404 : memref<8192xf32, #tpu.memory_space<vmem>>[vector<16xi32>], vector<16xf32>,
      %slice3A_1410 = vector.extract_strided_slice %get3A_360 {offsets = [14], sizes = [1], strides = [1]} : vector<16xi32> to vector<1xi32>
      %squeeze3A_1411 = vector.extract %slice3A_1410[0] : i32 from vector<1xi32>
      %slice3A_1412 = vector.extract_strided_slice %get3A_364 {offsets = [14], sizes = [1], strides = [1]} : vector<16xi32> to vector<1xi32>
      %squeeze3A_1413 = vector.extract %slice3A_1412[0] : i32 from vector<1xi32>
      %shift_right_logical3A_1414 = arith.constant 7 : i32
      %shift_right_logical3A_1415 = arith.shrui %squeeze3A_1411, %shift_right_logical3A_1414 : i32
      %shift_right_logical3A_1416 = arith.constant 7 : i32
      %shift_right_logical3A_1417 = arith.shrui %squeeze3A_1413, %shift_right_logical3A_1416 : i32
      %mul3A_1418 = arith.constant 128 : i32
      %mul3A_1419 = arith.muli %shift_right_logical3A_1415, %mul3A_1418 : i32
      %dma_start3A_1420 = arith.constant 192 : i32
      %dma_start3A_1421 = arith.constant 0 : i32
      %dma_start3A_1422 = tpu.memref_slice %arg11[%dma_start3A_1420, %dma_start3A_1421] : memref<256x128xf32, #tpu.memory_space<vmem>> -> memref<32x128xf32, #tpu.memory_space<vmem>>
      %dma_start3A_1423 = arith.constant 0 : i32
      %dma_start3A_1424 = tpu.memref_slice %arg4[%dma_start3A_1423, %mul3A_1419] : memref<32x1000000xf32, #tpu.memory_space<hbm>> -> memref<32x128xf32, #tpu.memory_space<hbm>>
      %dma_start3A_1425 = arith.constant 192 : i32
      %dma_start3A_1426 = arith.constant 0 : i32
      %dma_start3A_1427 = tpu.memref_slice %arg11[%dma_start3A_1425, %dma_start3A_1426] : memref<256x128xf32, #tpu.memory_space<vmem>> -> memref<32x128xf32, #tpu.memory_space<vmem>>
      %dma_start3A_1428 = arith.constant 0 : i32
      %dma_start3A_1429 = tpu.memref_slice %arg4[%dma_start3A_1428, %mul3A_1419] : memref<32x1000000xf32, #tpu.memory_space<hbm>> -> memref<32x128xf32, #tpu.memory_space<hbm>>
      tpu.enqueue_dma source(%dma_start3A_1429 : memref<32x128xf32, #tpu.memory_space<hbm>>) target(%dma_start3A_1427 : memref<32x128xf32, #tpu.memory_space<vmem>>) target_semaphore(%arg20 : memref<!tpu.dma_semaphore, #tpu.memory_space<semaphore_mem>>)
      %mul3A_1430 = arith.constant 128 : i32
      %mul3A_1431 = arith.muli %shift_right_logical3A_1417, %mul3A_1430 : i32
      %dma_start3A_1432 = arith.constant 192 : i32
      %dma_start3A_1433 = arith.constant 0 : i32
      %dma_start3A_1434 = tpu.memref_slice %arg12[%dma_start3A_1432, %dma_start3A_1433] : memref<256x128xf32, #tpu.memory_space<vmem>> -> memref<32x128xf32, #tpu.memory_space<vmem>>
      %dma_start3A_1435 = arith.constant 0 : i32
      %dma_start3A_1436 = tpu.memref_slice %arg5[%dma_start3A_1435, %mul3A_1431] : memref<32x1000000xf32, #tpu.memory_space<hbm>> -> memref<32x128xf32, #tpu.memory_space<hbm>>
      %dma_start3A_1437 = arith.constant 192 : i32
      %dma_start3A_1438 = arith.constant 0 : i32
      %dma_start3A_1439 = tpu.memref_slice %arg12[%dma_start3A_1437, %dma_start3A_1438] : memref<256x128xf32, #tpu.memory_space<vmem>> -> memref<32x128xf32, #tpu.memory_space<vmem>>
      %dma_start3A_1440 = arith.constant 0 : i32
      %dma_start3A_1441 = tpu.memref_slice %arg5[%dma_start3A_1440, %mul3A_1431] : memref<32x1000000xf32, #tpu.memory_space<hbm>> -> memref<32x128xf32, #tpu.memory_space<hbm>>
      tpu.enqueue_dma source(%dma_start3A_1441 : memref<32x128xf32, #tpu.memory_space<hbm>>) target(%dma_start3A_1439 : memref<32x128xf32, #tpu.memory_space<vmem>>) target_semaphore(%arg20 : memref<!tpu.dma_semaphore, #tpu.memory_space<semaphore_mem>>)
      %slice3A_1442 = vector.extract_strided_slice %get3A_360 {offsets = [15], sizes = [1], strides = [1]} : vector<16xi32> to vector<1xi32>
      %squeeze3A_1443 = vector.extract %slice3A_1442[0] : i32 from vector<1xi32>
      %slice3A_1444 = vector.extract_strided_slice %get3A_364 {offsets = [15], sizes = [1], strides = [1]} : vector<16xi32> to vector<1xi32>
      %squeeze3A_1445 = vector.extract %slice3A_1444[0] : i32 from vector<1xi32>
      %shift_right_logical3A_1446 = arith.constant 7 : i32
      %shift_right_logical3A_1447 = arith.shrui %squeeze3A_1443, %shift_right_logical3A_1446 : i32
      %shift_right_logical3A_1448 = arith.constant 7 : i32
      %shift_right_logical3A_1449 = arith.shrui %squeeze3A_1445, %shift_right_logical3A_1448 : i32
      %mul3A_1450 = arith.constant 128 : i32
      %mul3A_1451 = arith.muli %shift_right_logical3A_1447, %mul3A_1450 : i32
      %dma_start3A_1452 = arith.constant 224 : i32
      %dma_start3A_1453 = arith.constant 0 : i32
      %dma_start3A_1454 = tpu.memref_slice %arg11[%dma_start3A_1452, %dma_start3A_1453] : memref<256x128xf32, #tpu.memory_space<vmem>> -> memref<32x128xf32, #tpu.memory_space<vmem>>
      %dma_start3A_1455 = arith.constant 0 : i32
      %dma_start3A_1456 = tpu.memref_slice %arg4[%dma_start3A_1455, %mul3A_1451] : memref<32x1000000xf32, #tpu.memory_space<hbm>> -> memref<32x128xf32, #tpu.memory_space<hbm>>
      %dma_start3A_1457 = arith.constant 224 : i32
      %dma_start3A_1458 = arith.constant 0 : i32
      %dma_start3A_1459 = tpu.memref_slice %arg11[%dma_start3A_1457, %dma_start3A_1458] : memref<256x128xf32, #tpu.memory_space<vmem>> -> memref<32x128xf32, #tpu.memory_space<vmem>>
      %dma_start3A_1460 = arith.constant 0 : i32
      %dma_start3A_1461 = tpu.memref_slice %arg4[%dma_start3A_1460, %mul3A_1451] : memref<32x1000000xf32, #tpu.memory_space<hbm>> -> memref<32x128xf32, #tpu.memory_space<hbm>>
      tpu.enqueue_dma source(%dma_start3A_1461 : memref<32x128xf32, #tpu.memory_space<hbm>>) target(%dma_start3A_1459 : memref<32x128xf32, #tpu.memory_space<vmem>>) target_semaphore(%arg20 : memref<!tpu.dma_semaphore, #tpu.memory_space<semaphore_mem>>)
      %mul3A_1462 = arith.constant 128 : i32
      %mul3A_1463 = arith.muli %shift_right_logical3A_1449, %mul3A_1462 : i32
      %dma_start3A_1464 = arith.constant 224 : i32
      %dma_start3A_1465 = arith.constant 0 : i32
      %dma_start3A_1466 = tpu.memref_slice %arg12[%dma_start3A_1464, %dma_start3A_1465] : memref<256x128xf32, #tpu.memory_space<vmem>> -> memref<32x128xf32, #tpu.memory_space<vmem>>
      %dma_start3A_1467 = arith.constant 0 : i32
      %dma_start3A_1468 = tpu.memref_slice %arg5[%dma_start3A_1467, %mul3A_1463] : memref<32x1000000xf32, #tpu.memory_space<hbm>> -> memref<32x128xf32, #tpu.memory_space<hbm>>
      %dma_start3A_1469 = arith.constant 224 : i32
      %dma_start3A_1470 = arith.constant 0 : i32
      %dma_start3A_1471 = tpu.memref_slice %arg12[%dma_start3A_1469, %dma_start3A_1470] : memref<256x128xf32, #tpu.memory_space<vmem>> -> memref<32x128xf32, #tpu.memory_space<vmem>>
      %dma_start3A_1472 = arith.constant 0 : i32
      %dma_start3A_1473 = tpu.memref_slice %arg5[%dma_start3A_1472, %mul3A_1463] : memref<32x1000000xf32, #tpu.memory_space<hbm>> -> memref<32x128xf32, #tpu.memory_space<hbm>>
      tpu.enqueue_dma source(%dma_start3A_1473 : memref<32x128xf32, #tpu.memory_space<hbm>>) target(%dma_start3A_1471 : memref<32x128xf32, #tpu.memory_space<vmem>>) target_semaphore(%arg20 : memref<!tpu.dma_semaphore, #tpu.memory_space<semaphore_mem>>)
      %mul3A_1474 = arith.constant 16 : i32
      %mul3A_1475 = arith.muli %scan3A_356, %mul3A_1474 : i32
      %add3A_1476 = arith.constant 8 : i32
      %add3A_1477 = arith.addi %mul3A_1475, %add3A_1476 : i32
      %add3A_1478 = arith.constant 0 : i32
      %add3A_1479 = arith.addi %add3A_1477, %add3A_1478 : i32
      %slice3A_1480 = vector.extract_strided_slice %get3A_360 {offsets = [8], sizes = [1], strides = [1]} : vector<16xi32> to vector<1xi32>
      %squeeze3A_1481 = vector.extract %slice3A_1480[0] : i32 from vector<1xi32>
      %and3A_1482 = arith.constant -8 : i32
      %and3A_1483 = arith.andi %squeeze3A_1481, %and3A_1482 : i32
      %multiple_of3A_1484 = tpu.assume_multiple %and3A_1483, 8 : i32
      %slice3A_1485 = vector.extract_strided_slice %get3A_364 {offsets = [8], sizes = [1], strides = [1]} : vector<16xi32> to vector<1xi32>
      %squeeze3A_1486 = vector.extract %slice3A_1485[0] : i32 from vector<1xi32>
      %and3A_1487 = arith.constant -8 : i32
      %and3A_1488 = arith.andi %squeeze3A_1486, %and3A_1487 : i32
      %multiple_of3A_1489 = tpu.assume_multiple %and3A_1488, 8 : i32
      %mul3A_1490 = arith.constant 8 : i32
      %mul3A_1491 = arith.muli %add3A_1479, %mul3A_1490 : i32
      %dma_start3A_1492 = tpu.memref_slice %arg14[%mul3A_1491] : memref<4096xf32, #tpu.memory_space<vmem>> -> memref<8xf32, #tpu.memory_space<vmem>>
      %dma_start3A_1493 = tpu.memref_slice %arg6[%multiple_of3A_1484] : memref<1000000xf32, #tpu.memory_space<hbm>> -> memref<8xf32, #tpu.memory_space<hbm>>
      %dma_start3A_1494 = tpu.memref_slice %arg14[%mul3A_1491] : memref<4096xf32, #tpu.memory_space<vmem>> -> memref<8xf32, #tpu.memory_space<vmem>>
      %dma_start3A_1495 = tpu.memref_slice %arg6[%multiple_of3A_1484] : memref<1000000xf32, #tpu.memory_space<hbm>> -> memref<8xf32, #tpu.memory_space<hbm>>
      tpu.enqueue_dma source(%dma_start3A_1495 : memref<8xf32, #tpu.memory_space<hbm>>) target(%dma_start3A_1494 : memref<8xf32, #tpu.memory_space<vmem>>) target_semaphore(%arg21 : memref<!tpu.dma_semaphore, #tpu.memory_space<semaphore_mem>>)
      %mul3A_1496 = arith.constant 8 : i32
      %mul3A_1497 = arith.muli %add3A_1479, %mul3A_1496 : i32
      %dma_start3A_1498 = tpu.memref_slice %arg15[%mul3A_1497] : memref<4096xf32, #tpu.memory_space<vmem>> -> memref<8xf32, #tpu.memory_space<vmem>>
      %dma_start3A_1499 = tpu.memref_slice %arg7[%multiple_of3A_1489] : memref<1000000xf32, #tpu.memory_space<hbm>> -> memref<8xf32, #tpu.memory_space<hbm>>
      %dma_start3A_1500 = tpu.memref_slice %arg15[%mul3A_1497] : memref<4096xf32, #tpu.memory_space<vmem>> -> memref<8xf32, #tpu.memory_space<vmem>>
      %dma_start3A_1501 = tpu.memref_slice %arg7[%multiple_of3A_1489] : memref<1000000xf32, #tpu.memory_space<hbm>> -> memref<8xf32, #tpu.memory_space<hbm>>
      tpu.enqueue_dma source(%dma_start3A_1501 : memref<8xf32, #tpu.memory_space<hbm>>) target(%dma_start3A_1500 : memref<8xf32, #tpu.memory_space<vmem>>) target_semaphore(%arg21 : memref<!tpu.dma_semaphore, #tpu.memory_space<semaphore_mem>>)
      %mul3A_1502 = arith.constant 16 : i32
      %mul3A_1503 = arith.muli %scan3A_356, %mul3A_1502 : i32
      %add3A_1504 = arith.constant 8 : i32
      %add3A_1505 = arith.addi %mul3A_1503, %add3A_1504 : i32
      %add3A_1506 = arith.constant 1 : i32
      %add3A_1507 = arith.addi %add3A_1505, %add3A_1506 : i32
      %slice3A_1508 = vector.extract_strided_slice %get3A_360 {offsets = [9], sizes = [1], strides = [1]} : vector<16xi32> to vector<1xi32>
      %squeeze3A_1509 = vector.extract %slice3A_1508[0] : i32 from vector<1xi32>
      %and3A_1510 = arith.constant -8 : i32
      %and3A_1511 = arith.andi %squeeze3A_1509, %and3A_1510 : i32
      %multiple_of3A_1512 = tpu.assume_multiple %and3A_1511, 8 : i32
      %slice3A_1513 = vector.extract_strided_slice %get3A_364 {offsets = [9], sizes = [1], strides = [1]} : vector<16xi32> to vector<1xi32>
      %squeeze3A_1514 = vector.extract %slice3A_1513[0] : i32 from vector<1xi32>
      %and3A_1515 = arith.constant -8 : i32
      %and3A_1516 = arith.andi %squeeze3A_1514, %and3A_1515 : i32
      %multiple_of3A_1517 = tpu.assume_multiple %and3A_1516, 8 : i32
      %mul3A_1518 = arith.constant 8 : i32
      %mul3A_1519 = arith.muli %add3A_1507, %mul3A_1518 : i32
      %dma_start3A_1520 = tpu.memref_slice %arg14[%mul3A_1519] : memref<4096xf32, #tpu.memory_space<vmem>> -> memref<8xf32, #tpu.memory_space<vmem>>
      %dma_start3A_1521 = tpu.memref_slice %arg6[%multiple_of3A_1512] : memref<1000000xf32, #tpu.memory_space<hbm>> -> memref<8xf32, #tpu.memory_space<hbm>>
      %dma_start3A_1522 = tpu.memref_slice %arg14[%mul3A_1519] : memref<4096xf32, #tpu.memory_space<vmem>> -> memref<8xf32, #tpu.memory_space<vmem>>
      %dma_start3A_1523 = tpu.memref_slice %arg6[%multiple_of3A_1512] : memref<1000000xf32, #tpu.memory_space<hbm>> -> memref<8xf32, #tpu.memory_space<hbm>>
      tpu.enqueue_dma source(%dma_start3A_1523 : memref<8xf32, #tpu.memory_space<hbm>>) target(%dma_start3A_1522 : memref<8xf32, #tpu.memory_space<vmem>>) target_semaphore(%arg21 : memref<!tpu.dma_semaphore, #tpu.memory_space<semaphore_mem>>)
      %mul3A_1524 = arith.constant 8 : i32
      %mul3A_1525 = arith.muli %add3A_1507, %mul3A_1524 : i32
      %dma_start3A_1526 = tpu.memref_slice %arg15[%mul3A_1525] : memref<4096xf32, #tpu.memory_space<vmem>> -> memref<8xf32, #tpu.memory_space<vmem>>
      %dma_start3A_1527 = tpu.memref_slice %arg7[%multiple_of3A_1517] : memref<1000000xf32, #tpu.memory_space<hbm>> -> memref<8xf32, #tpu.memory_space<hbm>>
      %dma_start3A_1528 = tpu.memref_slice %arg15[%mul3A_1525] : memref<4096xf32, #tpu.memory_space<vmem>> -> memref<8xf32, #tpu.memory_space<vmem>>
      %dma_start3A_1529 = tpu.memref_slice %arg7[%multiple_of3A_1517] : memref<1000000xf32, #tpu.memory_space<hbm>> -> memref<8xf32, #tpu.memory_space<hbm>>
      tpu.enqueue_dma source(%dma_start3A_1529 : memref<8xf32, #tpu.memory_space<hbm>>) target(%dma_start3A_1528 : memref<8xf32, #tpu.memory_space<vmem>>) target_semaphore(%arg21 : memref<!tpu.dma_semaphore, #tpu.memory_space<semaphore_mem>>)
      %dma_wait3A_1530 = arith.constant 0 : i32
      %dma_wait3A_1531 = arith.constant 0 : i32
      %dma_wait3A_1532 = tpu.memref_slice %arg11[%dma_wait3A_1530, %dma_wait3A_1531] : memref<256x128xf32, #tpu.memory_space<vmem>> -> memref<32x128xf32, #tpu.memory_space<vmem>>
      %dma_wait3A_1533 = arith.constant 0 : i32
      %dma_wait3A_1534 = arith.constant 0 : i32
      %dma_wait3A_1535 = tpu.memref_slice %arg4[%dma_wait3A_1533, %dma_wait3A_1534] : memref<32x1000000xf32, #tpu.memory_space<hbm>> -> memref<32x128xf32, #tpu.memory_space<hbm>>
      %dma_wait3A_1536 = arith.constant 0 : i32
      %dma_wait3A_1537 = arith.constant 0 : i32
      %dma_wait3A_1538 = tpu.memref_slice %arg11[%dma_wait3A_1536, %dma_wait3A_1537] : memref<256x128xf32, #tpu.memory_space<vmem>> -> memref<32x128xf32, #tpu.memory_space<vmem>>
      %dma_wait3A_1539 = arith.constant 0 : i32
      %dma_wait3A_1540 = arith.constant 0 : i32
      %dma_wait3A_1541 = tpu.memref_slice %arg4[%dma_wait3A_1539, %dma_wait3A_1540] : memref<32x1000000xf32, #tpu.memory_space<hbm>> -> memref<32x128xf32, #tpu.memory_space<hbm>>
      tpu.wait_dma2 semaphore(%arg17 : memref<!tpu.dma_semaphore, #tpu.memory_space<semaphore_mem>>) src(%dma_wait3A_1541 : memref<32x128xf32, #tpu.memory_space<hbm>>) dst(%dma_wait3A_1538 : memref<32x128xf32, #tpu.memory_space<vmem>>)
      %dma_wait3A_1542 = arith.constant 0 : i32
      %dma_wait3A_1543 = arith.constant 0 : i32
      %dma_wait3A_1544 = tpu.memref_slice %arg12[%dma_wait3A_1542, %dma_wait3A_1543] : memref<256x128xf32, #tpu.memory_space<vmem>> -> memref<32x128xf32, #tpu.memory_space<vmem>>
      %dma_wait3A_1545 = arith.constant 0 : i32
      %dma_wait3A_1546 = arith.constant 0 : i32
      %dma_wait3A_1547 = tpu.memref_slice %arg5[%dma_wait3A_1545, %dma_wait3A_1546] : memref<32x1000000xf32, #tpu.memory_space<hbm>> -> memref<32x128xf32, #tpu.memory_space<hbm>>
      %dma_wait3A_1548 = arith.constant 0 : i32
      %dma_wait3A_1549 = arith.constant 0 : i32
      %dma_wait3A_1550 = tpu.memref_slice %arg12[%dma_wait3A_1548, %dma_wait3A_1549] : memref<256x128xf32, #tpu.memory_space<vmem>> -> memref<32x128xf32, #tpu.memory_space<vmem>>
      %dma_wait3A_1551 = arith.constant 0 : i32
      %dma_wait3A_1552 = arith.constant 0 : i32
      %dma_wait3A_1553 = tpu.memref_slice %arg5[%dma_wait3A_1551, %dma_wait3A_1552] : memref<32x1000000xf32, #tpu.memory_space<hbm>> -> memref<32x128xf32, #tpu.memory_space<hbm>>
      tpu.wait_dma2 semaphore(%arg17 : memref<!tpu.dma_semaphore, #tpu.memory_space<semaphore_mem>>) src(%dma_wait3A_1553 : memref<32x128xf32, #tpu.memory_space<hbm>>) dst(%dma_wait3A_1550 : memref<32x128xf32, #tpu.memory_space<vmem>>)
      %dma_wait3A_1554 = arith.constant 32 : i32
      %dma_wait3A_1555 = arith.constant 0 : i32
      %dma_wait3A_1556 = tpu.memref_slice %arg11[%dma_wait3A_1554, %dma_wait3A_1555] : memref<256x128xf32, #tpu.memory_space<vmem>> -> memref<32x128xf32, #tpu.memory_space<vmem>>
      %dma_wait3A_1557 = arith.constant 0 : i32
      %dma_wait3A_1558 = arith.constant 0 : i32
      %dma_wait3A_1559 = tpu.memref_slice %arg4[%dma_wait3A_1557, %dma_wait3A_1558] : memref<32x1000000xf32, #tpu.memory_space<hbm>> -> memref<32x128xf32, #tpu.memory_space<hbm>>
      %dma_wait3A_1560 = arith.constant 32 : i32
      %dma_wait3A_1561 = arith.constant 0 : i32
      %dma_wait3A_1562 = tpu.memref_slice %arg11[%dma_wait3A_1560, %dma_wait3A_1561] : memref<256x128xf32, #tpu.memory_space<vmem>> -> memref<32x128xf32, #tpu.memory_space<vmem>>
      %dma_wait3A_1563 = arith.constant 0 : i32
      %dma_wait3A_1564 = arith.constant 0 : i32
      %dma_wait3A_1565 = tpu.memref_slice %arg4[%dma_wait3A_1563, %dma_wait3A_1564] : memref<32x1000000xf32, #tpu.memory_space<hbm>> -> memref<32x128xf32, #tpu.memory_space<hbm>>
      tpu.wait_dma2 semaphore(%arg17 : memref<!tpu.dma_semaphore, #tpu.memory_space<semaphore_mem>>) src(%dma_wait3A_1565 : memref<32x128xf32, #tpu.memory_space<hbm>>) dst(%dma_wait3A_1562 : memref<32x128xf32, #tpu.memory_space<vmem>>)
      %dma_wait3A_1566 = arith.constant 32 : i32
      %dma_wait3A_1567 = arith.constant 0 : i32
      %dma_wait3A_1568 = tpu.memref_slice %arg12[%dma_wait3A_1566, %dma_wait3A_1567] : memref<256x128xf32, #tpu.memory_space<vmem>> -> memref<32x128xf32, #tpu.memory_space<vmem>>
      %dma_wait3A_1569 = arith.constant 0 : i32
      %dma_wait3A_1570 = arith.constant 0 : i32
      %dma_wait3A_1571 = tpu.memref_slice %arg5[%dma_wait3A_1569, %dma_wait3A_1570] : memref<32x1000000xf32, #tpu.memory_space<hbm>> -> memref<32x128xf32, #tpu.memory_space<hbm>>
      %dma_wait3A_1572 = arith.constant 32 : i32
      %dma_wait3A_1573 = arith.constant 0 : i32
      %dma_wait3A_1574 = tpu.memref_slice %arg12[%dma_wait3A_1572, %dma_wait3A_1573] : memref<256x128xf32, #tpu.memory_space<vmem>> -> memref<32x128xf32, #tpu.memory_space<vmem>>
      %dma_wait3A_1575 = arith.constant 0 : i32
      %dma_wait3A_1576 = arith.constant 0 : i32
      %dma_wait3A_1577 = tpu.memref_slice %arg5[%dma_wait3A_1575, %dma_wait3A_1576] : memref<32x1000000xf32, #tpu.memory_space<hbm>> -> memref<32x128xf32, #tpu.memory_space<hbm>>
      tpu.wait_dma2 semaphore(%arg17 : memref<!tpu.dma_semaphore, #tpu.memory_space<semaphore_mem>>) src(%dma_wait3A_1577 : memref<32x128xf32, #tpu.memory_space<hbm>>) dst(%dma_wait3A_1574 : memref<32x128xf32, #tpu.memory_space<vmem>>)
      %mul3A_1578 = arith.constant 16 : i32
      %mul3A_1579 = arith.muli %scan3A_356, %mul3A_1578 : i32
      %add3A_1580 = arith.constant 8 : i32
      %add3A_1581 = arith.addi %mul3A_1579, %add3A_1580 : i32
      %add3A_1582 = arith.constant 0 : i32
      %add3A_1583 = arith.addi %add3A_1581, %add3A_1582 : i32
      %slice3A_1584 = vector.extract_strided_slice %get3A_360 {offsets = [8], sizes = [1], strides = [1]} : vector<16xi32> to vector<1xi32>
      %squeeze3A_1585 = vector.extract %slice3A_1584[0] : i32 from vector<1xi32>
      %and3A_1586 = arith.constant 127 : i32
      %and3A_1587 = arith.andi %squeeze3A_1585, %and3A_1586 : i32
      %slice3A_1588 = vector.extract_strided_slice %get3A_364 {offsets = [8], sizes = [1], strides = [1]} : vector<16xi32> to vector<1xi32>
      %squeeze3A_1589 = vector.extract %slice3A_1588[0] : i32 from vector<1xi32>
      %and3A_1590 = arith.constant 127 : i32
      %and3A_1591 = arith.andi %squeeze3A_1589, %and3A_1590 : i32
      %broadcast_in_dim3A_1592 = arith.constant 0 : i32
      %broadcast_in_dim3A_1593 = vector.broadcast %broadcast_in_dim3A_1592 : i32 to vector<16xi32>
      %add3A_1594 = vector.broadcast %and3A_1587 : i32 to vector<16xi32>
      %add3A_1595 = arith.addi %broadcast_in_dim3A_1593, %add3A_1594 : vector<16xi32>
      %broadcast_in_dim3A_1596 = arith.constant 0 : i32
      %broadcast_in_dim3A_1597 = vector.broadcast %broadcast_in_dim3A_1596 : i32 to vector<16xi32>
      %add3A_1598 = vector.broadcast %and3A_1591 : i32 to vector<16xi32>
      %add3A_1599 = arith.addi %broadcast_in_dim3A_1597, %add3A_1598 : vector<16xi32>
      %add3A_1600 = arith.constant 0 : i32
      %add3A_1601 = vector.broadcast %add3A_1600 : i32 to vector<16xi32>
      %add3A_1602 = arith.addi %add3A_1601, %iota3A : vector<16xi32>
      %gather3A_1603 = tpu.vector_load_idx %arg11[%add3A_1602, %add3A_1595] : memref<256x128xf32, #tpu.memory_space<vmem>>[vector<16xi32>, vector<16xi32>], vector<16xf32>,
      %add3A_1604 = arith.constant 16 : i32
      %add3A_1605 = vector.broadcast %add3A_1604 : i32 to vector<16xi32>
      %add3A_1606 = arith.addi %add3A_1605, %iota3A : vector<16xi32>
      %gather3A_1607 = tpu.vector_load_idx %arg11[%add3A_1606, %add3A_1595] : memref<256x128xf32, #tpu.memory_space<vmem>>[vector<16xi32>, vector<16xi32>], vector<16xf32>,
      %add3A_1608 = arith.constant 0 : i32
      %add3A_1609 = vector.broadcast %add3A_1608 : i32 to vector<16xi32>
      %add3A_1610 = arith.addi %add3A_1609, %iota3A : vector<16xi32>
      %gather3A_1611 = tpu.vector_load_idx %arg12[%add3A_1610, %add3A_1599] : memref<256x128xf32, #tpu.memory_space<vmem>>[vector<16xi32>, vector<16xi32>], vector<16xf32>,
      %add3A_1612 = arith.constant 16 : i32
      %add3A_1613 = vector.broadcast %add3A_1612 : i32 to vector<16xi32>
      %add3A_1614 = arith.addi %add3A_1613, %iota3A : vector<16xi32>
      %gather3A_1615 = tpu.vector_load_idx %arg12[%add3A_1614, %add3A_1599] : memref<256x128xf32, #tpu.memory_space<vmem>>[vector<16xi32>, vector<16xi32>], vector<16xf32>,
      %mul3A_1616 = arith.mulf %gather3A_1603, %gather3A_1611 : vector<16xf32>
      %mul3A_1617 = arith.mulf %gather3A_1607, %gather3A_1615 : vector<16xf32>
      %add3A_1618 = arith.addf %mul3A_1616, %mul3A_1617 : vector<16xf32>
      %mul3A_1619 = arith.constant 512 : i32
      %mul3A_1620 = vector.broadcast %mul3A_1619 : i32 to vector<16xi32>
      %mul3A_1621 = arith.muli %iota3A, %mul3A_1620 : vector<16xi32>
      %add3A_1622 = vector.broadcast %add3A_1583 : i32 to vector<16xi32>
      %add3A_1623 = arith.addi %mul3A_1621, %add3A_1622 : vector<16xi32>
      tpu.vector_store_idx %arg13[%add3A_1623], %add3A_1618 : memref<8192xf32, #tpu.memory_space<vmem>>[vector<16xi32>], vector<16xf32>,
      %mul3A_1624 = arith.constant 16 : i32
      %mul3A_1625 = arith.muli %scan3A_356, %mul3A_1624 : i32
      %add3A_1626 = arith.constant 8 : i32
      %add3A_1627 = arith.addi %mul3A_1625, %add3A_1626 : i32
      %add3A_1628 = arith.constant 1 : i32
      %add3A_1629 = arith.addi %add3A_1627, %add3A_1628 : i32
      %slice3A_1630 = vector.extract_strided_slice %get3A_360 {offsets = [9], sizes = [1], strides = [1]} : vector<16xi32> to vector<1xi32>
      %squeeze3A_1631 = vector.extract %slice3A_1630[0] : i32 from vector<1xi32>
      %and3A_1632 = arith.constant 127 : i32
      %and3A_1633 = arith.andi %squeeze3A_1631, %and3A_1632 : i32
      %slice3A_1634 = vector.extract_strided_slice %get3A_364 {offsets = [9], sizes = [1], strides = [1]} : vector<16xi32> to vector<1xi32>
      %squeeze3A_1635 = vector.extract %slice3A_1634[0] : i32 from vector<1xi32>
      %and3A_1636 = arith.constant 127 : i32
      %and3A_1637 = arith.andi %squeeze3A_1635, %and3A_1636 : i32
      %broadcast_in_dim3A_1638 = arith.constant 0 : i32
      %broadcast_in_dim3A_1639 = vector.broadcast %broadcast_in_dim3A_1638 : i32 to vector<16xi32>
      %add3A_1640 = vector.broadcast %and3A_1633 : i32 to vector<16xi32>
      %add3A_1641 = arith.addi %broadcast_in_dim3A_1639, %add3A_1640 : vector<16xi32>
      %broadcast_in_dim3A_1642 = arith.constant 0 : i32
      %broadcast_in_dim3A_1643 = vector.broadcast %broadcast_in_dim3A_1642 : i32 to vector<16xi32>
      %add3A_1644 = vector.broadcast %and3A_1637 : i32 to vector<16xi32>
      %add3A_1645 = arith.addi %broadcast_in_dim3A_1643, %add3A_1644 : vector<16xi32>
      %add3A_1646 = arith.constant 32 : i32
      %add3A_1647 = vector.broadcast %add3A_1646 : i32 to vector<16xi32>
      %add3A_1648 = arith.addi %add3A_1647, %iota3A : vector<16xi32>
      %gather3A_1649 = tpu.vector_load_idx %arg11[%add3A_1648, %add3A_1641] : memref<256x128xf32, #tpu.memory_space<vmem>>[vector<16xi32>, vector<16xi32>], vector<16xf32>,
      %add3A_1650 = arith.constant 48 : i32
      %add3A_1651 = vector.broadcast %add3A_1650 : i32 to vector<16xi32>
      %add3A_1652 = arith.addi %add3A_1651, %iota3A : vector<16xi32>
      %gather3A_1653 = tpu.vector_load_idx %arg11[%add3A_1652, %add3A_1641] : memref<256x128xf32, #tpu.memory_space<vmem>>[vector<16xi32>, vector<16xi32>], vector<16xf32>,
      %add3A_1654 = arith.constant 32 : i32
      %add3A_1655 = vector.broadcast %add3A_1654 : i32 to vector<16xi32>
      %add3A_1656 = arith.addi %add3A_1655, %iota3A : vector<16xi32>
      %gather3A_1657 = tpu.vector_load_idx %arg12[%add3A_1656, %add3A_1645] : memref<256x128xf32, #tpu.memory_space<vmem>>[vector<16xi32>, vector<16xi32>], vector<16xf32>,
      %add3A_1658 = arith.constant 48 : i32
      %add3A_1659 = vector.broadcast %add3A_1658 : i32 to vector<16xi32>
      %add3A_1660 = arith.addi %add3A_1659, %iota3A : vector<16xi32>
      %gather3A_1661 = tpu.vector_load_idx %arg12[%add3A_1660, %add3A_1645] : memref<256x128xf32, #tpu.memory_space<vmem>>[vector<16xi32>, vector<16xi32>], vector<16xf32>,
      %mul3A_1662 = arith.mulf %gather3A_1649, %gather3A_1657 : vector<16xf32>
      %mul3A_1663 = arith.mulf %gather3A_1653, %gather3A_1661 : vector<16xf32>
      %add3A_1664 = arith.addf %mul3A_1662, %mul3A_1663 : vector<16xf32>
      %mul3A_1665 = arith.constant 512 : i32
      %mul3A_1666 = vector.broadcast %mul3A_1665 : i32 to vector<16xi32>
      %mul3A_1667 = arith.muli %iota3A, %mul3A_1666 : vector<16xi32>
      %add3A_1668 = vector.broadcast %add3A_1629 : i32 to vector<16xi32>
      %add3A_1669 = arith.addi %mul3A_1667, %add3A_1668 : vector<16xi32>
      tpu.vector_store_idx %arg13[%add3A_1669], %add3A_1664 : memref<8192xf32, #tpu.memory_space<vmem>>[vector<16xi32>], vector<16xf32>,
      %slice3A_1670 = vector.extract_strided_slice %get3A_371 {offsets = [0], sizes = [1], strides = [1]} : vector<16xi32> to vector<1xi32>
      %squeeze3A_1671 = vector.extract %slice3A_1670[0] : i32 from vector<1xi32>
      %slice3A_1672 = vector.extract_strided_slice %get3A_373 {offsets = [0], sizes = [1], strides = [1]} : vector<16xi32> to vector<1xi32>
      %squeeze3A_1673 = vector.extract %slice3A_1672[0] : i32 from vector<1xi32>
      %shift_right_logical3A_1674 = arith.constant 7 : i32
      %shift_right_logical3A_1675 = arith.shrui %squeeze3A_1671, %shift_right_logical3A_1674 : i32
      %shift_right_logical3A_1676 = arith.constant 7 : i32
      %shift_right_logical3A_1677 = arith.shrui %squeeze3A_1673, %shift_right_logical3A_1676 : i32
      %mul3A_1678 = arith.constant 128 : i32
      %mul3A_1679 = arith.muli %shift_right_logical3A_1675, %mul3A_1678 : i32
      %dma_start3A_1680 = arith.constant 0 : i32
      %dma_start3A_1681 = arith.constant 0 : i32
      %dma_start3A_1682 = tpu.memref_slice %arg11[%dma_start3A_1680, %dma_start3A_1681] : memref<256x128xf32, #tpu.memory_space<vmem>> -> memref<32x128xf32, #tpu.memory_space<vmem>>
      %dma_start3A_1683 = arith.constant 0 : i32
      %dma_start3A_1684 = tpu.memref_slice %arg4[%dma_start3A_1683, %mul3A_1679] : memref<32x1000000xf32, #tpu.memory_space<hbm>> -> memref<32x128xf32, #tpu.memory_space<hbm>>
      %dma_start3A_1685 = arith.constant 0 : i32
      %dma_start3A_1686 = arith.constant 0 : i32
      %dma_start3A_1687 = tpu.memref_slice %arg11[%dma_start3A_1685, %dma_start3A_1686] : memref<256x128xf32, #tpu.memory_space<vmem>> -> memref<32x128xf32, #tpu.memory_space<vmem>>
      %dma_start3A_1688 = arith.constant 0 : i32
      %dma_start3A_1689 = tpu.memref_slice %arg4[%dma_start3A_1688, %mul3A_1679] : memref<32x1000000xf32, #tpu.memory_space<hbm>> -> memref<32x128xf32, #tpu.memory_space<hbm>>
      tpu.enqueue_dma source(%dma_start3A_1689 : memref<32x128xf32, #tpu.memory_space<hbm>>) target(%dma_start3A_1687 : memref<32x128xf32, #tpu.memory_space<vmem>>) target_semaphore(%arg17 : memref<!tpu.dma_semaphore, #tpu.memory_space<semaphore_mem>>)
      %mul3A_1690 = arith.constant 128 : i32
      %mul3A_1691 = arith.muli %shift_right_logical3A_1677, %mul3A_1690 : i32
      %dma_start3A_1692 = arith.constant 0 : i32
      %dma_start3A_1693 = arith.constant 0 : i32
      %dma_start3A_1694 = tpu.memref_slice %arg12[%dma_start3A_1692, %dma_start3A_1693] : memref<256x128xf32, #tpu.memory_space<vmem>> -> memref<32x128xf32, #tpu.memory_space<vmem>>
      %dma_start3A_1695 = arith.constant 0 : i32
      %dma_start3A_1696 = tpu.memref_slice %arg5[%dma_start3A_1695, %mul3A_1691] : memref<32x1000000xf32, #tpu.memory_space<hbm>> -> memref<32x128xf32, #tpu.memory_space<hbm>>
      %dma_start3A_1697 = arith.constant 0 : i32
      %dma_start3A_1698 = arith.constant 0 : i32
      %dma_start3A_1699 = tpu.memref_slice %arg12[%dma_start3A_1697, %dma_start3A_1698] : memref<256x128xf32, #tpu.memory_space<vmem>> -> memref<32x128xf32, #tpu.memory_space<vmem>>
      %dma_start3A_1700 = arith.constant 0 : i32
      %dma_start3A_1701 = tpu.memref_slice %arg5[%dma_start3A_1700, %mul3A_1691] : memref<32x1000000xf32, #tpu.memory_space<hbm>> -> memref<32x128xf32, #tpu.memory_space<hbm>>
      tpu.enqueue_dma source(%dma_start3A_1701 : memref<32x128xf32, #tpu.memory_space<hbm>>) target(%dma_start3A_1699 : memref<32x128xf32, #tpu.memory_space<vmem>>) target_semaphore(%arg17 : memref<!tpu.dma_semaphore, #tpu.memory_space<semaphore_mem>>)
      %slice3A_1702 = vector.extract_strided_slice %get3A_371 {offsets = [1], sizes = [1], strides = [1]} : vector<16xi32> to vector<1xi32>
      %squeeze3A_1703 = vector.extract %slice3A_1702[0] : i32 from vector<1xi32>
      %slice3A_1704 = vector.extract_strided_slice %get3A_373 {offsets = [1], sizes = [1], strides = [1]} : vector<16xi32> to vector<1xi32>
      %squeeze3A_1705 = vector.extract %slice3A_1704[0] : i32 from vector<1xi32>
      %shift_right_logical3A_1706 = arith.constant 7 : i32
      %shift_right_logical3A_1707 = arith.shrui %squeeze3A_1703, %shift_right_logical3A_1706 : i32
      %shift_right_logical3A_1708 = arith.constant 7 : i32
      %shift_right_logical3A_1709 = arith.shrui %squeeze3A_1705, %shift_right_logical3A_1708 : i32
      %mul3A_1710 = arith.constant 128 : i32
      %mul3A_1711 = arith.muli %shift_right_logical3A_1707, %mul3A_1710 : i32
      %dma_start3A_1712 = arith.constant 32 : i32
      %dma_start3A_1713 = arith.constant 0 : i32
      %dma_start3A_1714 = tpu.memref_slice %arg11[%dma_start3A_1712, %dma_start3A_1713] : memref<256x128xf32, #tpu.memory_space<vmem>> -> memref<32x128xf32, #tpu.memory_space<vmem>>
      %dma_start3A_1715 = arith.constant 0 : i32
      %dma_start3A_1716 = tpu.memref_slice %arg4[%dma_start3A_1715, %mul3A_1711] : memref<32x1000000xf32, #tpu.memory_space<hbm>> -> memref<32x128xf32, #tpu.memory_space<hbm>>
      %dma_start3A_1717 = arith.constant 32 : i32
      %dma_start3A_1718 = arith.constant 0 : i32
      %dma_start3A_1719 = tpu.memref_slice %arg11[%dma_start3A_1717, %dma_start3A_1718] : memref<256x128xf32, #tpu.memory_space<vmem>> -> memref<32x128xf32, #tpu.memory_space<vmem>>
      %dma_start3A_1720 = arith.constant 0 : i32
      %dma_start3A_1721 = tpu.memref_slice %arg4[%dma_start3A_1720, %mul3A_1711] : memref<32x1000000xf32, #tpu.memory_space<hbm>> -> memref<32x128xf32, #tpu.memory_space<hbm>>
      tpu.enqueue_dma source(%dma_start3A_1721 : memref<32x128xf32, #tpu.memory_space<hbm>>) target(%dma_start3A_1719 : memref<32x128xf32, #tpu.memory_space<vmem>>) target_semaphore(%arg17 : memref<!tpu.dma_semaphore, #tpu.memory_space<semaphore_mem>>)
      %mul3A_1722 = arith.constant 128 : i32
      %mul3A_1723 = arith.muli %shift_right_logical3A_1709, %mul3A_1722 : i32
      %dma_start3A_1724 = arith.constant 32 : i32
      %dma_start3A_1725 = arith.constant 0 : i32
      %dma_start3A_1726 = tpu.memref_slice %arg12[%dma_start3A_1724, %dma_start3A_1725] : memref<256x128xf32, #tpu.memory_space<vmem>> -> memref<32x128xf32, #tpu.memory_space<vmem>>
      %dma_start3A_1727 = arith.constant 0 : i32
      %dma_start3A_1728 = tpu.memref_slice %arg5[%dma_start3A_1727, %mul3A_1723] : memref<32x1000000xf32, #tpu.memory_space<hbm>> -> memref<32x128xf32, #tpu.memory_space<hbm>>
      %dma_start3A_1729 = arith.constant 32 : i32
      %dma_start3A_1730 = arith.constant 0 : i32
      %dma_start3A_1731 = tpu.memref_slice %arg12[%dma_start3A_1729, %dma_start3A_1730] : memref<256x128xf32, #tpu.memory_space<vmem>> -> memref<32x128xf32, #tpu.memory_space<vmem>>
      %dma_start3A_1732 = arith.constant 0 : i32
      %dma_start3A_1733 = tpu.memref_slice %arg5[%dma_start3A_1732, %mul3A_1723] : memref<32x1000000xf32, #tpu.memory_space<hbm>> -> memref<32x128xf32, #tpu.memory_space<hbm>>
      tpu.enqueue_dma source(%dma_start3A_1733 : memref<32x128xf32, #tpu.memory_space<hbm>>) target(%dma_start3A_1731 : memref<32x128xf32, #tpu.memory_space<vmem>>) target_semaphore(%arg17 : memref<!tpu.dma_semaphore, #tpu.memory_space<semaphore_mem>>)
      %mul3A_1734 = arith.constant 16 : i32
      %mul3A_1735 = arith.muli %scan3A_356, %mul3A_1734 : i32
      %add3A_1736 = arith.constant 10 : i32
      %add3A_1737 = arith.addi %mul3A_1735, %add3A_1736 : i32
      %add3A_1738 = arith.constant 0 : i32
      %add3A_1739 = arith.addi %add3A_1737, %add3A_1738 : i32
      %slice3A_1740 = vector.extract_strided_slice %get3A_360 {offsets = [10], sizes = [1], strides = [1]} : vector<16xi32> to vector<1xi32>
      %squeeze3A_1741 = vector.extract %slice3A_1740[0] : i32 from vector<1xi32>
      %and3A_1742 = arith.constant -8 : i32
      %and3A_1743 = arith.andi %squeeze3A_1741, %and3A_1742 : i32
      %multiple_of3A_1744 = tpu.assume_multiple %and3A_1743, 8 : i32
      %slice3A_1745 = vector.extract_strided_slice %get3A_364 {offsets = [10], sizes = [1], strides = [1]} : vector<16xi32> to vector<1xi32>
      %squeeze3A_1746 = vector.extract %slice3A_1745[0] : i32 from vector<1xi32>
      %and3A_1747 = arith.constant -8 : i32
      %and3A_1748 = arith.andi %squeeze3A_1746, %and3A_1747 : i32
      %multiple_of3A_1749 = tpu.assume_multiple %and3A_1748, 8 : i32
      %mul3A_1750 = arith.constant 8 : i32
      %mul3A_1751 = arith.muli %add3A_1739, %mul3A_1750 : i32
      %dma_start3A_1752 = tpu.memref_slice %arg14[%mul3A_1751] : memref<4096xf32, #tpu.memory_space<vmem>> -> memref<8xf32, #tpu.memory_space<vmem>>
      %dma_start3A_1753 = tpu.memref_slice %arg6[%multiple_of3A_1744] : memref<1000000xf32, #tpu.memory_space<hbm>> -> memref<8xf32, #tpu.memory_space<hbm>>
      %dma_start3A_1754 = tpu.memref_slice %arg14[%mul3A_1751] : memref<4096xf32, #tpu.memory_space<vmem>> -> memref<8xf32, #tpu.memory_space<vmem>>
      %dma_start3A_1755 = tpu.memref_slice %arg6[%multiple_of3A_1744] : memref<1000000xf32, #tpu.memory_space<hbm>> -> memref<8xf32, #tpu.memory_space<hbm>>
      tpu.enqueue_dma source(%dma_start3A_1755 : memref<8xf32, #tpu.memory_space<hbm>>) target(%dma_start3A_1754 : memref<8xf32, #tpu.memory_space<vmem>>) target_semaphore(%arg21 : memref<!tpu.dma_semaphore, #tpu.memory_space<semaphore_mem>>)
      %mul3A_1756 = arith.constant 8 : i32
      %mul3A_1757 = arith.muli %add3A_1739, %mul3A_1756 : i32
      %dma_start3A_1758 = tpu.memref_slice %arg15[%mul3A_1757] : memref<4096xf32, #tpu.memory_space<vmem>> -> memref<8xf32, #tpu.memory_space<vmem>>
      %dma_start3A_1759 = tpu.memref_slice %arg7[%multiple_of3A_1749] : memref<1000000xf32, #tpu.memory_space<hbm>> -> memref<8xf32, #tpu.memory_space<hbm>>
      %dma_start3A_1760 = tpu.memref_slice %arg15[%mul3A_1757] : memref<4096xf32, #tpu.memory_space<vmem>> -> memref<8xf32, #tpu.memory_space<vmem>>
      %dma_start3A_1761 = tpu.memref_slice %arg7[%multiple_of3A_1749] : memref<1000000xf32, #tpu.memory_space<hbm>> -> memref<8xf32, #tpu.memory_space<hbm>>
      tpu.enqueue_dma source(%dma_start3A_1761 : memref<8xf32, #tpu.memory_space<hbm>>) target(%dma_start3A_1760 : memref<8xf32, #tpu.memory_space<vmem>>) target_semaphore(%arg21 : memref<!tpu.dma_semaphore, #tpu.memory_space<semaphore_mem>>)
      %mul3A_1762 = arith.constant 16 : i32
      %mul3A_1763 = arith.muli %scan3A_356, %mul3A_1762 : i32
      %add3A_1764 = arith.constant 10 : i32
      %add3A_1765 = arith.addi %mul3A_1763, %add3A_1764 : i32
      %add3A_1766 = arith.constant 1 : i32
      %add3A_1767 = arith.addi %add3A_1765, %add3A_1766 : i32
      %slice3A_1768 = vector.extract_strided_slice %get3A_360 {offsets = [11], sizes = [1], strides = [1]} : vector<16xi32> to vector<1xi32>
      %squeeze3A_1769 = vector.extract %slice3A_1768[0] : i32 from vector<1xi32>
      %and3A_1770 = arith.constant -8 : i32
      %and3A_1771 = arith.andi %squeeze3A_1769, %and3A_1770 : i32
      %multiple_of3A_1772 = tpu.assume_multiple %and3A_1771, 8 : i32
      %slice3A_1773 = vector.extract_strided_slice %get3A_364 {offsets = [11], sizes = [1], strides = [1]} : vector<16xi32> to vector<1xi32>
      %squeeze3A_1774 = vector.extract %slice3A_1773[0] : i32 from vector<1xi32>
      %and3A_1775 = arith.constant -8 : i32
      %and3A_1776 = arith.andi %squeeze3A_1774, %and3A_1775 : i32
      %multiple_of3A_1777 = tpu.assume_multiple %and3A_1776, 8 : i32
      %mul3A_1778 = arith.constant 8 : i32
      %mul3A_1779 = arith.muli %add3A_1767, %mul3A_1778 : i32
      %dma_start3A_1780 = tpu.memref_slice %arg14[%mul3A_1779] : memref<4096xf32, #tpu.memory_space<vmem>> -> memref<8xf32, #tpu.memory_space<vmem>>
      %dma_start3A_1781 = tpu.memref_slice %arg6[%multiple_of3A_1772] : memref<1000000xf32, #tpu.memory_space<hbm>> -> memref<8xf32, #tpu.memory_space<hbm>>
      %dma_start3A_1782 = tpu.memref_slice %arg14[%mul3A_1779] : memref<4096xf32, #tpu.memory_space<vmem>> -> memref<8xf32, #tpu.memory_space<vmem>>
      %dma_start3A_1783 = tpu.memref_slice %arg6[%multiple_of3A_1772] : memref<1000000xf32, #tpu.memory_space<hbm>> -> memref<8xf32, #tpu.memory_space<hbm>>
      tpu.enqueue_dma source(%dma_start3A_1783 : memref<8xf32, #tpu.memory_space<hbm>>) target(%dma_start3A_1782 : memref<8xf32, #tpu.memory_space<vmem>>) target_semaphore(%arg21 : memref<!tpu.dma_semaphore, #tpu.memory_space<semaphore_mem>>)
      %mul3A_1784 = arith.constant 8 : i32
      %mul3A_1785 = arith.muli %add3A_1767, %mul3A_1784 : i32
      %dma_start3A_1786 = tpu.memref_slice %arg15[%mul3A_1785] : memref<4096xf32, #tpu.memory_space<vmem>> -> memref<8xf32, #tpu.memory_space<vmem>>
      %dma_start3A_1787 = tpu.memref_slice %arg7[%multiple_of3A_1777] : memref<1000000xf32, #tpu.memory_space<hbm>> -> memref<8xf32, #tpu.memory_space<hbm>>
      %dma_start3A_1788 = tpu.memref_slice %arg15[%mul3A_1785] : memref<4096xf32, #tpu.memory_space<vmem>> -> memref<8xf32, #tpu.memory_space<vmem>>
      %dma_start3A_1789 = tpu.memref_slice %arg7[%multiple_of3A_1777] : memref<1000000xf32, #tpu.memory_space<hbm>> -> memref<8xf32, #tpu.memory_space<hbm>>
      tpu.enqueue_dma source(%dma_start3A_1789 : memref<8xf32, #tpu.memory_space<hbm>>) target(%dma_start3A_1788 : memref<8xf32, #tpu.memory_space<vmem>>) target_semaphore(%arg21 : memref<!tpu.dma_semaphore, #tpu.memory_space<semaphore_mem>>)
      %dma_wait3A_1790 = arith.constant 64 : i32
      %dma_wait3A_1791 = arith.constant 0 : i32
      %dma_wait3A_1792 = tpu.memref_slice %arg11[%dma_wait3A_1790, %dma_wait3A_1791] : memref<256x128xf32, #tpu.memory_space<vmem>> -> memref<32x128xf32, #tpu.memory_space<vmem>>
      %dma_wait3A_1793 = arith.constant 0 : i32
      %dma_wait3A_1794 = arith.constant 0 : i32
      %dma_wait3A_1795 = tpu.memref_slice %arg4[%dma_wait3A_1793, %dma_wait3A_1794] : memref<32x1000000xf32, #tpu.memory_space<hbm>> -> memref<32x128xf32, #tpu.memory_space<hbm>>
      %dma_wait3A_1796 = arith.constant 64 : i32
      %dma_wait3A_1797 = arith.constant 0 : i32
      %dma_wait3A_1798 = tpu.memref_slice %arg11[%dma_wait3A_1796, %dma_wait3A_1797] : memref<256x128xf32, #tpu.memory_space<vmem>> -> memref<32x128xf32, #tpu.memory_space<vmem>>
      %dma_wait3A_1799 = arith.constant 0 : i32
      %dma_wait3A_1800 = arith.constant 0 : i32
      %dma_wait3A_1801 = tpu.memref_slice %arg4[%dma_wait3A_1799, %dma_wait3A_1800] : memref<32x1000000xf32, #tpu.memory_space<hbm>> -> memref<32x128xf32, #tpu.memory_space<hbm>>
      tpu.wait_dma2 semaphore(%arg18 : memref<!tpu.dma_semaphore, #tpu.memory_space<semaphore_mem>>) src(%dma_wait3A_1801 : memref<32x128xf32, #tpu.memory_space<hbm>>) dst(%dma_wait3A_1798 : memref<32x128xf32, #tpu.memory_space<vmem>>)
      %dma_wait3A_1802 = arith.constant 64 : i32
      %dma_wait3A_1803 = arith.constant 0 : i32
      %dma_wait3A_1804 = tpu.memref_slice %arg12[%dma_wait3A_1802, %dma_wait3A_1803] : memref<256x128xf32, #tpu.memory_space<vmem>> -> memref<32x128xf32, #tpu.memory_space<vmem>>
      %dma_wait3A_1805 = arith.constant 0 : i32
      %dma_wait3A_1806 = arith.constant 0 : i32
      %dma_wait3A_1807 = tpu.memref_slice %arg5[%dma_wait3A_1805, %dma_wait3A_1806] : memref<32x1000000xf32, #tpu.memory_space<hbm>> -> memref<32x128xf32, #tpu.memory_space<hbm>>
      %dma_wait3A_1808 = arith.constant 64 : i32
      %dma_wait3A_1809 = arith.constant 0 : i32
      %dma_wait3A_1810 = tpu.memref_slice %arg12[%dma_wait3A_1808, %dma_wait3A_1809] : memref<256x128xf32, #tpu.memory_space<vmem>> -> memref<32x128xf32, #tpu.memory_space<vmem>>
      %dma_wait3A_1811 = arith.constant 0 : i32
      %dma_wait3A_1812 = arith.constant 0 : i32
      %dma_wait3A_1813 = tpu.memref_slice %arg5[%dma_wait3A_1811, %dma_wait3A_1812] : memref<32x1000000xf32, #tpu.memory_space<hbm>> -> memref<32x128xf32, #tpu.memory_space<hbm>>
      tpu.wait_dma2 semaphore(%arg18 : memref<!tpu.dma_semaphore, #tpu.memory_space<semaphore_mem>>) src(%dma_wait3A_1813 : memref<32x128xf32, #tpu.memory_space<hbm>>) dst(%dma_wait3A_1810 : memref<32x128xf32, #tpu.memory_space<vmem>>)
      %dma_wait3A_1814 = arith.constant 96 : i32
      %dma_wait3A_1815 = arith.constant 0 : i32
      %dma_wait3A_1816 = tpu.memref_slice %arg11[%dma_wait3A_1814, %dma_wait3A_1815] : memref<256x128xf32, #tpu.memory_space<vmem>> -> memref<32x128xf32, #tpu.memory_space<vmem>>
      %dma_wait3A_1817 = arith.constant 0 : i32
      %dma_wait3A_1818 = arith.constant 0 : i32
      %dma_wait3A_1819 = tpu.memref_slice %arg4[%dma_wait3A_1817, %dma_wait3A_1818] : memref<32x1000000xf32, #tpu.memory_space<hbm>> -> memref<32x128xf32, #tpu.memory_space<hbm>>
      %dma_wait3A_1820 = arith.constant 96 : i32
      %dma_wait3A_1821 = arith.constant 0 : i32
      %dma_wait3A_1822 = tpu.memref_slice %arg11[%dma_wait3A_1820, %dma_wait3A_1821] : memref<256x128xf32, #tpu.memory_space<vmem>> -> memref<32x128xf32, #tpu.memory_space<vmem>>
      %dma_wait3A_1823 = arith.constant 0 : i32
      %dma_wait3A_1824 = arith.constant 0 : i32
      %dma_wait3A_1825 = tpu.memref_slice %arg4[%dma_wait3A_1823, %dma_wait3A_1824] : memref<32x1000000xf32, #tpu.memory_space<hbm>> -> memref<32x128xf32, #tpu.memory_space<hbm>>
      tpu.wait_dma2 semaphore(%arg18 : memref<!tpu.dma_semaphore, #tpu.memory_space<semaphore_mem>>) src(%dma_wait3A_1825 : memref<32x128xf32, #tpu.memory_space<hbm>>) dst(%dma_wait3A_1822 : memref<32x128xf32, #tpu.memory_space<vmem>>)
      %dma_wait3A_1826 = arith.constant 96 : i32
      %dma_wait3A_1827 = arith.constant 0 : i32
      %dma_wait3A_1828 = tpu.memref_slice %arg12[%dma_wait3A_1826, %dma_wait3A_1827] : memref<256x128xf32, #tpu.memory_space<vmem>> -> memref<32x128xf32, #tpu.memory_space<vmem>>
      %dma_wait3A_1829 = arith.constant 0 : i32
      %dma_wait3A_1830 = arith.constant 0 : i32
      %dma_wait3A_1831 = tpu.memref_slice %arg5[%dma_wait3A_1829, %dma_wait3A_1830] : memref<32x1000000xf32, #tpu.memory_space<hbm>> -> memref<32x128xf32, #tpu.memory_space<hbm>>
      %dma_wait3A_1832 = arith.constant 96 : i32
      %dma_wait3A_1833 = arith.constant 0 : i32
      %dma_wait3A_1834 = tpu.memref_slice %arg12[%dma_wait3A_1832, %dma_wait3A_1833] : memref<256x128xf32, #tpu.memory_space<vmem>> -> memref<32x128xf32, #tpu.memory_space<vmem>>
      %dma_wait3A_1835 = arith.constant 0 : i32
      %dma_wait3A_1836 = arith.constant 0 : i32
      %dma_wait3A_1837 = tpu.memref_slice %arg5[%dma_wait3A_1835, %dma_wait3A_1836] : memref<32x1000000xf32, #tpu.memory_space<hbm>> -> memref<32x128xf32, #tpu.memory_space<hbm>>
      tpu.wait_dma2 semaphore(%arg18 : memref<!tpu.dma_semaphore, #tpu.memory_space<semaphore_mem>>) src(%dma_wait3A_1837 : memref<32x128xf32, #tpu.memory_space<hbm>>) dst(%dma_wait3A_1834 : memref<32x128xf32, #tpu.memory_space<vmem>>)
      %mul3A_1838 = arith.constant 16 : i32
      %mul3A_1839 = arith.muli %scan3A_356, %mul3A_1838 : i32
      %add3A_1840 = arith.constant 10 : i32
      %add3A_1841 = arith.addi %mul3A_1839, %add3A_1840 : i32
      %add3A_1842 = arith.constant 0 : i32
      %add3A_1843 = arith.addi %add3A_1841, %add3A_1842 : i32
      %slice3A_1844 = vector.extract_strided_slice %get3A_360 {offsets = [10], sizes = [1], strides = [1]} : vector<16xi32> to vector<1xi32>
      %squeeze3A_1845 = vector.extract %slice3A_1844[0] : i32 from vector<1xi32>
      %and3A_1846 = arith.constant 127 : i32
      %and3A_1847 = arith.andi %squeeze3A_1845, %and3A_1846 : i32
      %slice3A_1848 = vector.extract_strided_slice %get3A_364 {offsets = [10], sizes = [1], strides = [1]} : vector<16xi32> to vector<1xi32>
      %squeeze3A_1849 = vector.extract %slice3A_1848[0] : i32 from vector<1xi32>
      %and3A_1850 = arith.constant 127 : i32
      %and3A_1851 = arith.andi %squeeze3A_1849, %and3A_1850 : i32
      %broadcast_in_dim3A_1852 = arith.constant 0 : i32
      %broadcast_in_dim3A_1853 = vector.broadcast %broadcast_in_dim3A_1852 : i32 to vector<16xi32>
      %add3A_1854 = vector.broadcast %and3A_1847 : i32 to vector<16xi32>
      %add3A_1855 = arith.addi %broadcast_in_dim3A_1853, %add3A_1854 : vector<16xi32>
      %broadcast_in_dim3A_1856 = arith.constant 0 : i32
      %broadcast_in_dim3A_1857 = vector.broadcast %broadcast_in_dim3A_1856 : i32 to vector<16xi32>
      %add3A_1858 = vector.broadcast %and3A_1851 : i32 to vector<16xi32>
      %add3A_1859 = arith.addi %broadcast_in_dim3A_1857, %add3A_1858 : vector<16xi32>
      %add3A_1860 = arith.constant 64 : i32
      %add3A_1861 = vector.broadcast %add3A_1860 : i32 to vector<16xi32>
      %add3A_1862 = arith.addi %add3A_1861, %iota3A : vector<16xi32>
      %gather3A_1863 = tpu.vector_load_idx %arg11[%add3A_1862, %add3A_1855] : memref<256x128xf32, #tpu.memory_space<vmem>>[vector<16xi32>, vector<16xi32>], vector<16xf32>,
      %add3A_1864 = arith.constant 80 : i32
      %add3A_1865 = vector.broadcast %add3A_1864 : i32 to vector<16xi32>
      %add3A_1866 = arith.addi %add3A_1865, %iota3A : vector<16xi32>
      %gather3A_1867 = tpu.vector_load_idx %arg11[%add3A_1866, %add3A_1855] : memref<256x128xf32, #tpu.memory_space<vmem>>[vector<16xi32>, vector<16xi32>], vector<16xf32>,
      %add3A_1868 = arith.constant 64 : i32
      %add3A_1869 = vector.broadcast %add3A_1868 : i32 to vector<16xi32>
      %add3A_1870 = arith.addi %add3A_1869, %iota3A : vector<16xi32>
      %gather3A_1871 = tpu.vector_load_idx %arg12[%add3A_1870, %add3A_1859] : memref<256x128xf32, #tpu.memory_space<vmem>>[vector<16xi32>, vector<16xi32>], vector<16xf32>,
      %add3A_1872 = arith.constant 80 : i32
      %add3A_1873 = vector.broadcast %add3A_1872 : i32 to vector<16xi32>
      %add3A_1874 = arith.addi %add3A_1873, %iota3A : vector<16xi32>
      %gather3A_1875 = tpu.vector_load_idx %arg12[%add3A_1874, %add3A_1859] : memref<256x128xf32, #tpu.memory_space<vmem>>[vector<16xi32>, vector<16xi32>], vector<16xf32>,
      %mul3A_1876 = arith.mulf %gather3A_1863, %gather3A_1871 : vector<16xf32>
      %mul3A_1877 = arith.mulf %gather3A_1867, %gather3A_1875 : vector<16xf32>
      %add3A_1878 = arith.addf %mul3A_1876, %mul3A_1877 : vector<16xf32>
      %mul3A_1879 = arith.constant 512 : i32
      %mul3A_1880 = vector.broadcast %mul3A_1879 : i32 to vector<16xi32>
      %mul3A_1881 = arith.muli %iota3A, %mul3A_1880 : vector<16xi32>
      %add3A_1882 = vector.broadcast %add3A_1843 : i32 to vector<16xi32>
      %add3A_1883 = arith.addi %mul3A_1881, %add3A_1882 : vector<16xi32>
      tpu.vector_store_idx %arg13[%add3A_1883], %add3A_1878 : memref<8192xf32, #tpu.memory_space<vmem>>[vector<16xi32>], vector<16xf32>,
      %mul3A_1884 = arith.constant 16 : i32
      %mul3A_1885 = arith.muli %scan3A_356, %mul3A_1884 : i32
      %add3A_1886 = arith.constant 10 : i32
      %add3A_1887 = arith.addi %mul3A_1885, %add3A_1886 : i32
      %add3A_1888 = arith.constant 1 : i32
      %add3A_1889 = arith.addi %add3A_1887, %add3A_1888 : i32
      %slice3A_1890 = vector.extract_strided_slice %get3A_360 {offsets = [11], sizes = [1], strides = [1]} : vector<16xi32> to vector<1xi32>
      %squeeze3A_1891 = vector.extract %slice3A_1890[0] : i32 from vector<1xi32>
      %and3A_1892 = arith.constant 127 : i32
      %and3A_1893 = arith.andi %squeeze3A_1891, %and3A_1892 : i32
      %slice3A_1894 = vector.extract_strided_slice %get3A_364 {offsets = [11], sizes = [1], strides = [1]} : vector<16xi32> to vector<1xi32>
      %squeeze3A_1895 = vector.extract %slice3A_1894[0] : i32 from vector<1xi32>
      %and3A_1896 = arith.constant 127 : i32
      %and3A_1897 = arith.andi %squeeze3A_1895, %and3A_1896 : i32
      %broadcast_in_dim3A_1898 = arith.constant 0 : i32
      %broadcast_in_dim3A_1899 = vector.broadcast %broadcast_in_dim3A_1898 : i32 to vector<16xi32>
      %add3A_1900 = vector.broadcast %and3A_1893 : i32 to vector<16xi32>
      %add3A_1901 = arith.addi %broadcast_in_dim3A_1899, %add3A_1900 : vector<16xi32>
      %broadcast_in_dim3A_1902 = arith.constant 0 : i32
      %broadcast_in_dim3A_1903 = vector.broadcast %broadcast_in_dim3A_1902 : i32 to vector<16xi32>
      %add3A_1904 = vector.broadcast %and3A_1897 : i32 to vector<16xi32>
      %add3A_1905 = arith.addi %broadcast_in_dim3A_1903, %add3A_1904 : vector<16xi32>
      %add3A_1906 = arith.constant 96 : i32
      %add3A_1907 = vector.broadcast %add3A_1906 : i32 to vector<16xi32>
      %add3A_1908 = arith.addi %add3A_1907, %iota3A : vector<16xi32>
      %gather3A_1909 = tpu.vector_load_idx %arg11[%add3A_1908, %add3A_1901] : memref<256x128xf32, #tpu.memory_space<vmem>>[vector<16xi32>, vector<16xi32>], vector<16xf32>,
      %add3A_1910 = arith.constant 112 : i32
      %add3A_1911 = vector.broadcast %add3A_1910 : i32 to vector<16xi32>
      %add3A_1912 = arith.addi %add3A_1911, %iota3A : vector<16xi32>
      %gather3A_1913 = tpu.vector_load_idx %arg11[%add3A_1912, %add3A_1901] : memref<256x128xf32, #tpu.memory_space<vmem>>[vector<16xi32>, vector<16xi32>], vector<16xf32>,
      %add3A_1914 = arith.constant 96 : i32
      %add3A_1915 = vector.broadcast %add3A_1914 : i32 to vector<16xi32>
      %add3A_1916 = arith.addi %add3A_1915, %iota3A : vector<16xi32>
      %gather3A_1917 = tpu.vector_load_idx %arg12[%add3A_1916, %add3A_1905] : memref<256x128xf32, #tpu.memory_space<vmem>>[vector<16xi32>, vector<16xi32>], vector<16xf32>,
      %add3A_1918 = arith.constant 112 : i32
      %add3A_1919 = vector.broadcast %add3A_1918 : i32 to vector<16xi32>
      %add3A_1920 = arith.addi %add3A_1919, %iota3A : vector<16xi32>
      %gather3A_1921 = tpu.vector_load_idx %arg12[%add3A_1920, %add3A_1905] : memref<256x128xf32, #tpu.memory_space<vmem>>[vector<16xi32>, vector<16xi32>], vector<16xf32>,
      %mul3A_1922 = arith.mulf %gather3A_1909, %gather3A_1917 : vector<16xf32>
      %mul3A_1923 = arith.mulf %gather3A_1913, %gather3A_1921 : vector<16xf32>
      %add3A_1924 = arith.addf %mul3A_1922, %mul3A_1923 : vector<16xf32>
      %mul3A_1925 = arith.constant 512 : i32
      %mul3A_1926 = vector.broadcast %mul3A_1925 : i32 to vector<16xi32>
      %mul3A_1927 = arith.muli %iota3A, %mul3A_1926 : vector<16xi32>
      %add3A_1928 = vector.broadcast %add3A_1889 : i32 to vector<16xi32>
      %add3A_1929 = arith.addi %mul3A_1927, %add3A_1928 : vector<16xi32>
      tpu.vector_store_idx %arg13[%add3A_1929], %add3A_1924 : memref<8192xf32, #tpu.memory_space<vmem>>[vector<16xi32>], vector<16xf32>,
      %slice3A_1930 = vector.extract_strided_slice %get3A_371 {offsets = [2], sizes = [1], strides = [1]} : vector<16xi32> to vector<1xi32>
      %squeeze3A_1931 = vector.extract %slice3A_1930[0] : i32 from vector<1xi32>
      %slice3A_1932 = vector.extract_strided_slice %get3A_373 {offsets = [2], sizes = [1], strides = [1]} : vector<16xi32> to vector<1xi32>
      %squeeze3A_1933 = vector.extract %slice3A_1932[0] : i32 from vector<1xi32>
      %shift_right_logical3A_1934 = arith.constant 7 : i32
      %shift_right_logical3A_1935 = arith.shrui %squeeze3A_1931, %shift_right_logical3A_1934 : i32
      %shift_right_logical3A_1936 = arith.constant 7 : i32
      %shift_right_logical3A_1937 = arith.shrui %squeeze3A_1933, %shift_right_logical3A_1936 : i32
      %mul3A_1938 = arith.constant 128 : i32
      %mul3A_1939 = arith.muli %shift_right_logical3A_1935, %mul3A_1938 : i32
      %dma_start3A_1940 = arith.constant 64 : i32
      %dma_start3A_1941 = arith.constant 0 : i32
      %dma_start3A_1942 = tpu.memref_slice %arg11[%dma_start3A_1940, %dma_start3A_1941] : memref<256x128xf32, #tpu.memory_space<vmem>> -> memref<32x128xf32, #tpu.memory_space<vmem>>
      %dma_start3A_1943 = arith.constant 0 : i32
      %dma_start3A_1944 = tpu.memref_slice %arg4[%dma_start3A_1943, %mul3A_1939] : memref<32x1000000xf32, #tpu.memory_space<hbm>> -> memref<32x128xf32, #tpu.memory_space<hbm>>
      %dma_start3A_1945 = arith.constant 64 : i32
      %dma_start3A_1946 = arith.constant 0 : i32
      %dma_start3A_1947 = tpu.memref_slice %arg11[%dma_start3A_1945, %dma_start3A_1946] : memref<256x128xf32, #tpu.memory_space<vmem>> -> memref<32x128xf32, #tpu.memory_space<vmem>>
      %dma_start3A_1948 = arith.constant 0 : i32
      %dma_start3A_1949 = tpu.memref_slice %arg4[%dma_start3A_1948, %mul3A_1939] : memref<32x1000000xf32, #tpu.memory_space<hbm>> -> memref<32x128xf32, #tpu.memory_space<hbm>>
      tpu.enqueue_dma source(%dma_start3A_1949 : memref<32x128xf32, #tpu.memory_space<hbm>>) target(%dma_start3A_1947 : memref<32x128xf32, #tpu.memory_space<vmem>>) target_semaphore(%arg18 : memref<!tpu.dma_semaphore, #tpu.memory_space<semaphore_mem>>)
      %mul3A_1950 = arith.constant 128 : i32
      %mul3A_1951 = arith.muli %shift_right_logical3A_1937, %mul3A_1950 : i32
      %dma_start3A_1952 = arith.constant 64 : i32
      %dma_start3A_1953 = arith.constant 0 : i32
      %dma_start3A_1954 = tpu.memref_slice %arg12[%dma_start3A_1952, %dma_start3A_1953] : memref<256x128xf32, #tpu.memory_space<vmem>> -> memref<32x128xf32, #tpu.memory_space<vmem>>
      %dma_start3A_1955 = arith.constant 0 : i32
      %dma_start3A_1956 = tpu.memref_slice %arg5[%dma_start3A_1955, %mul3A_1951] : memref<32x1000000xf32, #tpu.memory_space<hbm>> -> memref<32x128xf32, #tpu.memory_space<hbm>>
      %dma_start3A_1957 = arith.constant 64 : i32
      %dma_start3A_1958 = arith.constant 0 : i32
      %dma_start3A_1959 = tpu.memref_slice %arg12[%dma_start3A_1957, %dma_start3A_1958] : memref<256x128xf32, #tpu.memory_space<vmem>> -> memref<32x128xf32, #tpu.memory_space<vmem>>
      %dma_start3A_1960 = arith.constant 0 : i32
      %dma_start3A_1961 = tpu.memref_slice %arg5[%dma_start3A_1960, %mul3A_1951] : memref<32x1000000xf32, #tpu.memory_space<hbm>> -> memref<32x128xf32, #tpu.memory_space<hbm>>
      tpu.enqueue_dma source(%dma_start3A_1961 : memref<32x128xf32, #tpu.memory_space<hbm>>) target(%dma_start3A_1959 : memref<32x128xf32, #tpu.memory_space<vmem>>) target_semaphore(%arg18 : memref<!tpu.dma_semaphore, #tpu.memory_space<semaphore_mem>>)
      %slice3A_1962 = vector.extract_strided_slice %get3A_371 {offsets = [3], sizes = [1], strides = [1]} : vector<16xi32> to vector<1xi32>
      %squeeze3A_1963 = vector.extract %slice3A_1962[0] : i32 from vector<1xi32>
      %slice3A_1964 = vector.extract_strided_slice %get3A_373 {offsets = [3], sizes = [1], strides = [1]} : vector<16xi32> to vector<1xi32>
      %squeeze3A_1965 = vector.extract %slice3A_1964[0] : i32 from vector<1xi32>
      %shift_right_logical3A_1966 = arith.constant 7 : i32
      %shift_right_logical3A_1967 = arith.shrui %squeeze3A_1963, %shift_right_logical3A_1966 : i32
      %shift_right_logical3A_1968 = arith.constant 7 : i32
      %shift_right_logical3A_1969 = arith.shrui %squeeze3A_1965, %shift_right_logical3A_1968 : i32
      %mul3A_1970 = arith.constant 128 : i32
      %mul3A_1971 = arith.muli %shift_right_logical3A_1967, %mul3A_1970 : i32
      %dma_start3A_1972 = arith.constant 96 : i32
      %dma_start3A_1973 = arith.constant 0 : i32
      %dma_start3A_1974 = tpu.memref_slice %arg11[%dma_start3A_1972, %dma_start3A_1973] : memref<256x128xf32, #tpu.memory_space<vmem>> -> memref<32x128xf32, #tpu.memory_space<vmem>>
      %dma_start3A_1975 = arith.constant 0 : i32
      %dma_start3A_1976 = tpu.memref_slice %arg4[%dma_start3A_1975, %mul3A_1971] : memref<32x1000000xf32, #tpu.memory_space<hbm>> -> memref<32x128xf32, #tpu.memory_space<hbm>>
      %dma_start3A_1977 = arith.constant 96 : i32
      %dma_start3A_1978 = arith.constant 0 : i32
      %dma_start3A_1979 = tpu.memref_slice %arg11[%dma_start3A_1977, %dma_start3A_1978] : memref<256x128xf32, #tpu.memory_space<vmem>> -> memref<32x128xf32, #tpu.memory_space<vmem>>
      %dma_start3A_1980 = arith.constant 0 : i32
      %dma_start3A_1981 = tpu.memref_slice %arg4[%dma_start3A_1980, %mul3A_1971] : memref<32x1000000xf32, #tpu.memory_space<hbm>> -> memref<32x128xf32, #tpu.memory_space<hbm>>
      tpu.enqueue_dma source(%dma_start3A_1981 : memref<32x128xf32, #tpu.memory_space<hbm>>) target(%dma_start3A_1979 : memref<32x128xf32, #tpu.memory_space<vmem>>) target_semaphore(%arg18 : memref<!tpu.dma_semaphore, #tpu.memory_space<semaphore_mem>>)
      %mul3A_1982 = arith.constant 128 : i32
      %mul3A_1983 = arith.muli %shift_right_logical3A_1969, %mul3A_1982 : i32
      %dma_start3A_1984 = arith.constant 96 : i32
      %dma_start3A_1985 = arith.constant 0 : i32
      %dma_start3A_1986 = tpu.memref_slice %arg12[%dma_start3A_1984, %dma_start3A_1985] : memref<256x128xf32, #tpu.memory_space<vmem>> -> memref<32x128xf32, #tpu.memory_space<vmem>>
      %dma_start3A_1987 = arith.constant 0 : i32
      %dma_start3A_1988 = tpu.memref_slice %arg5[%dma_start3A_1987, %mul3A_1983] : memref<32x1000000xf32, #tpu.memory_space<hbm>> -> memref<32x128xf32, #tpu.memory_space<hbm>>
      %dma_start3A_1989 = arith.constant 96 : i32
      %dma_start3A_1990 = arith.constant 0 : i32
      %dma_start3A_1991 = tpu.memref_slice %arg12[%dma_start3A_1989, %dma_start3A_1990] : memref<256x128xf32, #tpu.memory_space<vmem>> -> memref<32x128xf32, #tpu.memory_space<vmem>>
      %dma_start3A_1992 = arith.constant 0 : i32
      %dma_start3A_1993 = tpu.memref_slice %arg5[%dma_start3A_1992, %mul3A_1983] : memref<32x1000000xf32, #tpu.memory_space<hbm>> -> memref<32x128xf32, #tpu.memory_space<hbm>>
      tpu.enqueue_dma source(%dma_start3A_1993 : memref<32x128xf32, #tpu.memory_space<hbm>>) target(%dma_start3A_1991 : memref<32x128xf32, #tpu.memory_space<vmem>>) target_semaphore(%arg18 : memref<!tpu.dma_semaphore, #tpu.memory_space<semaphore_mem>>)
      %mul3A_1994 = arith.constant 16 : i32
      %mul3A_1995 = arith.muli %scan3A_356, %mul3A_1994 : i32
      %add3A_1996 = arith.constant 12 : i32
      %add3A_1997 = arith.addi %mul3A_1995, %add3A_1996 : i32
      %add3A_1998 = arith.constant 0 : i32
      %add3A_1999 = arith.addi %add3A_1997, %add3A_1998 : i32
      %slice3A_2000 = vector.extract_strided_slice %get3A_360 {offsets = [12], sizes = [1], strides = [1]} : vector<16xi32> to vector<1xi32>
      %squeeze3A_2001 = vector.extract %slice3A_2000[0] : i32 from vector<1xi32>
      %and3A_2002 = arith.constant -8 : i32
      %and3A_2003 = arith.andi %squeeze3A_2001, %and3A_2002 : i32
      %multiple_of3A_2004 = tpu.assume_multiple %and3A_2003, 8 : i32
      %slice3A_2005 = vector.extract_strided_slice %get3A_364 {offsets = [12], sizes = [1], strides = [1]} : vector<16xi32> to vector<1xi32>
      %squeeze3A_2006 = vector.extract %slice3A_2005[0] : i32 from vector<1xi32>
      %and3A_2007 = arith.constant -8 : i32
      %and3A_2008 = arith.andi %squeeze3A_2006, %and3A_2007 : i32
      %multiple_of3A_2009 = tpu.assume_multiple %and3A_2008, 8 : i32
      %mul3A_2010 = arith.constant 8 : i32
      %mul3A_2011 = arith.muli %add3A_1999, %mul3A_2010 : i32
      %dma_start3A_2012 = tpu.memref_slice %arg14[%mul3A_2011] : memref<4096xf32, #tpu.memory_space<vmem>> -> memref<8xf32, #tpu.memory_space<vmem>>
      %dma_start3A_2013 = tpu.memref_slice %arg6[%multiple_of3A_2004] : memref<1000000xf32, #tpu.memory_space<hbm>> -> memref<8xf32, #tpu.memory_space<hbm>>
      %dma_start3A_2014 = tpu.memref_slice %arg14[%mul3A_2011] : memref<4096xf32, #tpu.memory_space<vmem>> -> memref<8xf32, #tpu.memory_space<vmem>>
      %dma_start3A_2015 = tpu.memref_slice %arg6[%multiple_of3A_2004] : memref<1000000xf32, #tpu.memory_space<hbm>> -> memref<8xf32, #tpu.memory_space<hbm>>
      tpu.enqueue_dma source(%dma_start3A_2015 : memref<8xf32, #tpu.memory_space<hbm>>) target(%dma_start3A_2014 : memref<8xf32, #tpu.memory_space<vmem>>) target_semaphore(%arg21 : memref<!tpu.dma_semaphore, #tpu.memory_space<semaphore_mem>>)
      %mul3A_2016 = arith.constant 8 : i32
      %mul3A_2017 = arith.muli %add3A_1999, %mul3A_2016 : i32
      %dma_start3A_2018 = tpu.memref_slice %arg15[%mul3A_2017] : memref<4096xf32, #tpu.memory_space<vmem>> -> memref<8xf32, #tpu.memory_space<vmem>>
      %dma_start3A_2019 = tpu.memref_slice %arg7[%multiple_of3A_2009] : memref<1000000xf32, #tpu.memory_space<hbm>> -> memref<8xf32, #tpu.memory_space<hbm>>
      %dma_start3A_2020 = tpu.memref_slice %arg15[%mul3A_2017] : memref<4096xf32, #tpu.memory_space<vmem>> -> memref<8xf32, #tpu.memory_space<vmem>>
      %dma_start3A_2021 = tpu.memref_slice %arg7[%multiple_of3A_2009] : memref<1000000xf32, #tpu.memory_space<hbm>> -> memref<8xf32, #tpu.memory_space<hbm>>
      tpu.enqueue_dma source(%dma_start3A_2021 : memref<8xf32, #tpu.memory_space<hbm>>) target(%dma_start3A_2020 : memref<8xf32, #tpu.memory_space<vmem>>) target_semaphore(%arg21 : memref<!tpu.dma_semaphore, #tpu.memory_space<semaphore_mem>>)
      %mul3A_2022 = arith.constant 16 : i32
      %mul3A_2023 = arith.muli %scan3A_356, %mul3A_2022 : i32
      %add3A_2024 = arith.constant 12 : i32
      %add3A_2025 = arith.addi %mul3A_2023, %add3A_2024 : i32
      %add3A_2026 = arith.constant 1 : i32
      %add3A_2027 = arith.addi %add3A_2025, %add3A_2026 : i32
      %slice3A_2028 = vector.extract_strided_slice %get3A_360 {offsets = [13], sizes = [1], strides = [1]} : vector<16xi32> to vector<1xi32>
      %squeeze3A_2029 = vector.extract %slice3A_2028[0] : i32 from vector<1xi32>
      %and3A_2030 = arith.constant -8 : i32
      %and3A_2031 = arith.andi %squeeze3A_2029, %and3A_2030 : i32
      %multiple_of3A_2032 = tpu.assume_multiple %and3A_2031, 8 : i32
      %slice3A_2033 = vector.extract_strided_slice %get3A_364 {offsets = [13], sizes = [1], strides = [1]} : vector<16xi32> to vector<1xi32>
      %squeeze3A_2034 = vector.extract %slice3A_2033[0] : i32 from vector<1xi32>
      %and3A_2035 = arith.constant -8 : i32
      %and3A_2036 = arith.andi %squeeze3A_2034, %and3A_2035 : i32
      %multiple_of3A_2037 = tpu.assume_multiple %and3A_2036, 8 : i32
      %mul3A_2038 = arith.constant 8 : i32
      %mul3A_2039 = arith.muli %add3A_2027, %mul3A_2038 : i32
      %dma_start3A_2040 = tpu.memref_slice %arg14[%mul3A_2039] : memref<4096xf32, #tpu.memory_space<vmem>> -> memref<8xf32, #tpu.memory_space<vmem>>
      %dma_start3A_2041 = tpu.memref_slice %arg6[%multiple_of3A_2032] : memref<1000000xf32, #tpu.memory_space<hbm>> -> memref<8xf32, #tpu.memory_space<hbm>>
      %dma_start3A_2042 = tpu.memref_slice %arg14[%mul3A_2039] : memref<4096xf32, #tpu.memory_space<vmem>> -> memref<8xf32, #tpu.memory_space<vmem>>
      %dma_start3A_2043 = tpu.memref_slice %arg6[%multiple_of3A_2032] : memref<1000000xf32, #tpu.memory_space<hbm>> -> memref<8xf32, #tpu.memory_space<hbm>>
      tpu.enqueue_dma source(%dma_start3A_2043 : memref<8xf32, #tpu.memory_space<hbm>>) target(%dma_start3A_2042 : memref<8xf32, #tpu.memory_space<vmem>>) target_semaphore(%arg21 : memref<!tpu.dma_semaphore, #tpu.memory_space<semaphore_mem>>)
      %mul3A_2044 = arith.constant 8 : i32
      %mul3A_2045 = arith.muli %add3A_2027, %mul3A_2044 : i32
      %dma_start3A_2046 = tpu.memref_slice %arg15[%mul3A_2045] : memref<4096xf32, #tpu.memory_space<vmem>> -> memref<8xf32, #tpu.memory_space<vmem>>
      %dma_start3A_2047 = tpu.memref_slice %arg7[%multiple_of3A_2037] : memref<1000000xf32, #tpu.memory_space<hbm>> -> memref<8xf32, #tpu.memory_space<hbm>>
      %dma_start3A_2048 = tpu.memref_slice %arg15[%mul3A_2045] : memref<4096xf32, #tpu.memory_space<vmem>> -> memref<8xf32, #tpu.memory_space<vmem>>
      %dma_start3A_2049 = tpu.memref_slice %arg7[%multiple_of3A_2037] : memref<1000000xf32, #tpu.memory_space<hbm>> -> memref<8xf32, #tpu.memory_space<hbm>>
      tpu.enqueue_dma source(%dma_start3A_2049 : memref<8xf32, #tpu.memory_space<hbm>>) target(%dma_start3A_2048 : memref<8xf32, #tpu.memory_space<vmem>>) target_semaphore(%arg21 : memref<!tpu.dma_semaphore, #tpu.memory_space<semaphore_mem>>)
      %dma_wait3A_2050 = arith.constant 128 : i32
      %dma_wait3A_2051 = arith.constant 0 : i32
      %dma_wait3A_2052 = tpu.memref_slice %arg11[%dma_wait3A_2050, %dma_wait3A_2051] : memref<256x128xf32, #tpu.memory_space<vmem>> -> memref<32x128xf32, #tpu.memory_space<vmem>>
      %dma_wait3A_2053 = arith.constant 0 : i32
      %dma_wait3A_2054 = arith.constant 0 : i32
      %dma_wait3A_2055 = tpu.memref_slice %arg4[%dma_wait3A_2053, %dma_wait3A_2054] : memref<32x1000000xf32, #tpu.memory_space<hbm>> -> memref<32x128xf32, #tpu.memory_space<hbm>>
      %dma_wait3A_2056 = arith.constant 128 : i32
      %dma_wait3A_2057 = arith.constant 0 : i32
      %dma_wait3A_2058 = tpu.memref_slice %arg11[%dma_wait3A_2056, %dma_wait3A_2057] : memref<256x128xf32, #tpu.memory_space<vmem>> -> memref<32x128xf32, #tpu.memory_space<vmem>>
      %dma_wait3A_2059 = arith.constant 0 : i32
      %dma_wait3A_2060 = arith.constant 0 : i32
      %dma_wait3A_2061 = tpu.memref_slice %arg4[%dma_wait3A_2059, %dma_wait3A_2060] : memref<32x1000000xf32, #tpu.memory_space<hbm>> -> memref<32x128xf32, #tpu.memory_space<hbm>>
      tpu.wait_dma2 semaphore(%arg19 : memref<!tpu.dma_semaphore, #tpu.memory_space<semaphore_mem>>) src(%dma_wait3A_2061 : memref<32x128xf32, #tpu.memory_space<hbm>>) dst(%dma_wait3A_2058 : memref<32x128xf32, #tpu.memory_space<vmem>>)
      %dma_wait3A_2062 = arith.constant 128 : i32
      %dma_wait3A_2063 = arith.constant 0 : i32
      %dma_wait3A_2064 = tpu.memref_slice %arg12[%dma_wait3A_2062, %dma_wait3A_2063] : memref<256x128xf32, #tpu.memory_space<vmem>> -> memref<32x128xf32, #tpu.memory_space<vmem>>
      %dma_wait3A_2065 = arith.constant 0 : i32
      %dma_wait3A_2066 = arith.constant 0 : i32
      %dma_wait3A_2067 = tpu.memref_slice %arg5[%dma_wait3A_2065, %dma_wait3A_2066] : memref<32x1000000xf32, #tpu.memory_space<hbm>> -> memref<32x128xf32, #tpu.memory_space<hbm>>
      %dma_wait3A_2068 = arith.constant 128 : i32
      %dma_wait3A_2069 = arith.constant 0 : i32
      %dma_wait3A_2070 = tpu.memref_slice %arg12[%dma_wait3A_2068, %dma_wait3A_2069] : memref<256x128xf32, #tpu.memory_space<vmem>> -> memref<32x128xf32, #tpu.memory_space<vmem>>
      %dma_wait3A_2071 = arith.constant 0 : i32
      %dma_wait3A_2072 = arith.constant 0 : i32
      %dma_wait3A_2073 = tpu.memref_slice %arg5[%dma_wait3A_2071, %dma_wait3A_2072] : memref<32x1000000xf32, #tpu.memory_space<hbm>> -> memref<32x128xf32, #tpu.memory_space<hbm>>
      tpu.wait_dma2 semaphore(%arg19 : memref<!tpu.dma_semaphore, #tpu.memory_space<semaphore_mem>>) src(%dma_wait3A_2073 : memref<32x128xf32, #tpu.memory_space<hbm>>) dst(%dma_wait3A_2070 : memref<32x128xf32, #tpu.memory_space<vmem>>)
      %dma_wait3A_2074 = arith.constant 160 : i32
      %dma_wait3A_2075 = arith.constant 0 : i32
      %dma_wait3A_2076 = tpu.memref_slice %arg11[%dma_wait3A_2074, %dma_wait3A_2075] : memref<256x128xf32, #tpu.memory_space<vmem>> -> memref<32x128xf32, #tpu.memory_space<vmem>>
      %dma_wait3A_2077 = arith.constant 0 : i32
      %dma_wait3A_2078 = arith.constant 0 : i32
      %dma_wait3A_2079 = tpu.memref_slice %arg4[%dma_wait3A_2077, %dma_wait3A_2078] : memref<32x1000000xf32, #tpu.memory_space<hbm>> -> memref<32x128xf32, #tpu.memory_space<hbm>>
      %dma_wait3A_2080 = arith.constant 160 : i32
      %dma_wait3A_2081 = arith.constant 0 : i32
      %dma_wait3A_2082 = tpu.memref_slice %arg11[%dma_wait3A_2080, %dma_wait3A_2081] : memref<256x128xf32, #tpu.memory_space<vmem>> -> memref<32x128xf32, #tpu.memory_space<vmem>>
      %dma_wait3A_2083 = arith.constant 0 : i32
      %dma_wait3A_2084 = arith.constant 0 : i32
      %dma_wait3A_2085 = tpu.memref_slice %arg4[%dma_wait3A_2083, %dma_wait3A_2084] : memref<32x1000000xf32, #tpu.memory_space<hbm>> -> memref<32x128xf32, #tpu.memory_space<hbm>>
      tpu.wait_dma2 semaphore(%arg19 : memref<!tpu.dma_semaphore, #tpu.memory_space<semaphore_mem>>) src(%dma_wait3A_2085 : memref<32x128xf32, #tpu.memory_space<hbm>>) dst(%dma_wait3A_2082 : memref<32x128xf32, #tpu.memory_space<vmem>>)
      %dma_wait3A_2086 = arith.constant 160 : i32
      %dma_wait3A_2087 = arith.constant 0 : i32
      %dma_wait3A_2088 = tpu.memref_slice %arg12[%dma_wait3A_2086, %dma_wait3A_2087] : memref<256x128xf32, #tpu.memory_space<vmem>> -> memref<32x128xf32, #tpu.memory_space<vmem>>
      %dma_wait3A_2089 = arith.constant 0 : i32
      %dma_wait3A_2090 = arith.constant 0 : i32
      %dma_wait3A_2091 = tpu.memref_slice %arg5[%dma_wait3A_2089, %dma_wait3A_2090] : memref<32x1000000xf32, #tpu.memory_space<hbm>> -> memref<32x128xf32, #tpu.memory_space<hbm>>
      %dma_wait3A_2092 = arith.constant 160 : i32
      %dma_wait3A_2093 = arith.constant 0 : i32
      %dma_wait3A_2094 = tpu.memref_slice %arg12[%dma_wait3A_2092, %dma_wait3A_2093] : memref<256x128xf32, #tpu.memory_space<vmem>> -> memref<32x128xf32, #tpu.memory_space<vmem>>
      %dma_wait3A_2095 = arith.constant 0 : i32
      %dma_wait3A_2096 = arith.constant 0 : i32
      %dma_wait3A_2097 = tpu.memref_slice %arg5[%dma_wait3A_2095, %dma_wait3A_2096] : memref<32x1000000xf32, #tpu.memory_space<hbm>> -> memref<32x128xf32, #tpu.memory_space<hbm>>
      tpu.wait_dma2 semaphore(%arg19 : memref<!tpu.dma_semaphore, #tpu.memory_space<semaphore_mem>>) src(%dma_wait3A_2097 : memref<32x128xf32, #tpu.memory_space<hbm>>) dst(%dma_wait3A_2094 : memref<32x128xf32, #tpu.memory_space<vmem>>)
      %mul3A_2098 = arith.constant 16 : i32
      %mul3A_2099 = arith.muli %scan3A_356, %mul3A_2098 : i32
      %add3A_2100 = arith.constant 12 : i32
      %add3A_2101 = arith.addi %mul3A_2099, %add3A_2100 : i32
      %add3A_2102 = arith.constant 0 : i32
      %add3A_2103 = arith.addi %add3A_2101, %add3A_2102 : i32
      %slice3A_2104 = vector.extract_strided_slice %get3A_360 {offsets = [12], sizes = [1], strides = [1]} : vector<16xi32> to vector<1xi32>
      %squeeze3A_2105 = vector.extract %slice3A_2104[0] : i32 from vector<1xi32>
      %and3A_2106 = arith.constant 127 : i32
      %and3A_2107 = arith.andi %squeeze3A_2105, %and3A_2106 : i32
      %slice3A_2108 = vector.extract_strided_slice %get3A_364 {offsets = [12], sizes = [1], strides = [1]} : vector<16xi32> to vector<1xi32>
      %squeeze3A_2109 = vector.extract %slice3A_2108[0] : i32 from vector<1xi32>
      %and3A_2110 = arith.constant 127 : i32
      %and3A_2111 = arith.andi %squeeze3A_2109, %and3A_2110 : i32
      %broadcast_in_dim3A_2112 = arith.constant 0 : i32
      %broadcast_in_dim3A_2113 = vector.broadcast %broadcast_in_dim3A_2112 : i32 to vector<16xi32>
      %add3A_2114 = vector.broadcast %and3A_2107 : i32 to vector<16xi32>
      %add3A_2115 = arith.addi %broadcast_in_dim3A_2113, %add3A_2114 : vector<16xi32>
      %broadcast_in_dim3A_2116 = arith.constant 0 : i32
      %broadcast_in_dim3A_2117 = vector.broadcast %broadcast_in_dim3A_2116 : i32 to vector<16xi32>
      %add3A_2118 = vector.broadcast %and3A_2111 : i32 to vector<16xi32>
      %add3A_2119 = arith.addi %broadcast_in_dim3A_2117, %add3A_2118 : vector<16xi32>
      %add3A_2120 = arith.constant 128 : i32
      %add3A_2121 = vector.broadcast %add3A_2120 : i32 to vector<16xi32>
      %add3A_2122 = arith.addi %add3A_2121, %iota3A : vector<16xi32>
      %gather3A_2123 = tpu.vector_load_idx %arg11[%add3A_2122, %add3A_2115] : memref<256x128xf32, #tpu.memory_space<vmem>>[vector<16xi32>, vector<16xi32>], vector<16xf32>,
      %add3A_2124 = arith.constant 144 : i32
      %add3A_2125 = vector.broadcast %add3A_2124 : i32 to vector<16xi32>
      %add3A_2126 = arith.addi %add3A_2125, %iota3A : vector<16xi32>
      %gather3A_2127 = tpu.vector_load_idx %arg11[%add3A_2126, %add3A_2115] : memref<256x128xf32, #tpu.memory_space<vmem>>[vector<16xi32>, vector<16xi32>], vector<16xf32>,
      %add3A_2128 = arith.constant 128 : i32
      %add3A_2129 = vector.broadcast %add3A_2128 : i32 to vector<16xi32>
      %add3A_2130 = arith.addi %add3A_2129, %iota3A : vector<16xi32>
      %gather3A_2131 = tpu.vector_load_idx %arg12[%add3A_2130, %add3A_2119] : memref<256x128xf32, #tpu.memory_space<vmem>>[vector<16xi32>, vector<16xi32>], vector<16xf32>,
      %add3A_2132 = arith.constant 144 : i32
      %add3A_2133 = vector.broadcast %add3A_2132 : i32 to vector<16xi32>
      %add3A_2134 = arith.addi %add3A_2133, %iota3A : vector<16xi32>
      %gather3A_2135 = tpu.vector_load_idx %arg12[%add3A_2134, %add3A_2119] : memref<256x128xf32, #tpu.memory_space<vmem>>[vector<16xi32>, vector<16xi32>], vector<16xf32>,
      %mul3A_2136 = arith.mulf %gather3A_2123, %gather3A_2131 : vector<16xf32>
      %mul3A_2137 = arith.mulf %gather3A_2127, %gather3A_2135 : vector<16xf32>
      %add3A_2138 = arith.addf %mul3A_2136, %mul3A_2137 : vector<16xf32>
      %mul3A_2139 = arith.constant 512 : i32
      %mul3A_2140 = vector.broadcast %mul3A_2139 : i32 to vector<16xi32>
      %mul3A_2141 = arith.muli %iota3A, %mul3A_2140 : vector<16xi32>
      %add3A_2142 = vector.broadcast %add3A_2103 : i32 to vector<16xi32>
      %add3A_2143 = arith.addi %mul3A_2141, %add3A_2142 : vector<16xi32>
      tpu.vector_store_idx %arg13[%add3A_2143], %add3A_2138 : memref<8192xf32, #tpu.memory_space<vmem>>[vector<16xi32>], vector<16xf32>,
      %mul3A_2144 = arith.constant 16 : i32
      %mul3A_2145 = arith.muli %scan3A_356, %mul3A_2144 : i32
      %add3A_2146 = arith.constant 12 : i32
      %add3A_2147 = arith.addi %mul3A_2145, %add3A_2146 : i32
      %add3A_2148 = arith.constant 1 : i32
      %add3A_2149 = arith.addi %add3A_2147, %add3A_2148 : i32
      %slice3A_2150 = vector.extract_strided_slice %get3A_360 {offsets = [13], sizes = [1], strides = [1]} : vector<16xi32> to vector<1xi32>
      %squeeze3A_2151 = vector.extract %slice3A_2150[0] : i32 from vector<1xi32>
      %and3A_2152 = arith.constant 127 : i32
      %and3A_2153 = arith.andi %squeeze3A_2151, %and3A_2152 : i32
      %slice3A_2154 = vector.extract_strided_slice %get3A_364 {offsets = [13], sizes = [1], strides = [1]} : vector<16xi32> to vector<1xi32>
      %squeeze3A_2155 = vector.extract %slice3A_2154[0] : i32 from vector<1xi32>
      %and3A_2156 = arith.constant 127 : i32
      %and3A_2157 = arith.andi %squeeze3A_2155, %and3A_2156 : i32
      %broadcast_in_dim3A_2158 = arith.constant 0 : i32
      %broadcast_in_dim3A_2159 = vector.broadcast %broadcast_in_dim3A_2158 : i32 to vector<16xi32>
      %add3A_2160 = vector.broadcast %and3A_2153 : i32 to vector<16xi32>
      %add3A_2161 = arith.addi %broadcast_in_dim3A_2159, %add3A_2160 : vector<16xi32>
      %broadcast_in_dim3A_2162 = arith.constant 0 : i32
      %broadcast_in_dim3A_2163 = vector.broadcast %broadcast_in_dim3A_2162 : i32 to vector<16xi32>
      %add3A_2164 = vector.broadcast %and3A_2157 : i32 to vector<16xi32>
      %add3A_2165 = arith.addi %broadcast_in_dim3A_2163, %add3A_2164 : vector<16xi32>
      %add3A_2166 = arith.constant 160 : i32
      %add3A_2167 = vector.broadcast %add3A_2166 : i32 to vector<16xi32>
      %add3A_2168 = arith.addi %add3A_2167, %iota3A : vector<16xi32>
      %gather3A_2169 = tpu.vector_load_idx %arg11[%add3A_2168, %add3A_2161] : memref<256x128xf32, #tpu.memory_space<vmem>>[vector<16xi32>, vector<16xi32>], vector<16xf32>,
      %add3A_2170 = arith.constant 176 : i32
      %add3A_2171 = vector.broadcast %add3A_2170 : i32 to vector<16xi32>
      %add3A_2172 = arith.addi %add3A_2171, %iota3A : vector<16xi32>
      %gather3A_2173 = tpu.vector_load_idx %arg11[%add3A_2172, %add3A_2161] : memref<256x128xf32, #tpu.memory_space<vmem>>[vector<16xi32>, vector<16xi32>], vector<16xf32>,
      %add3A_2174 = arith.constant 160 : i32
      %add3A_2175 = vector.broadcast %add3A_2174 : i32 to vector<16xi32>
      %add3A_2176 = arith.addi %add3A_2175, %iota3A : vector<16xi32>
      %gather3A_2177 = tpu.vector_load_idx %arg12[%add3A_2176, %add3A_2165] : memref<256x128xf32, #tpu.memory_space<vmem>>[vector<16xi32>, vector<16xi32>], vector<16xf32>,
      %add3A_2178 = arith.constant 176 : i32
      %add3A_2179 = vector.broadcast %add3A_2178 : i32 to vector<16xi32>
      %add3A_2180 = arith.addi %add3A_2179, %iota3A : vector<16xi32>
      %gather3A_2181 = tpu.vector_load_idx %arg12[%add3A_2180, %add3A_2165] : memref<256x128xf32, #tpu.memory_space<vmem>>[vector<16xi32>, vector<16xi32>], vector<16xf32>,
      %mul3A_2182 = arith.mulf %gather3A_2169, %gather3A_2177 : vector<16xf32>
      %mul3A_2183 = arith.mulf %gather3A_2173, %gather3A_2181 : vector<16xf32>
      %add3A_2184 = arith.addf %mul3A_2182, %mul3A_2183 : vector<16xf32>
      %mul3A_2185 = arith.constant 512 : i32
      %mul3A_2186 = vector.broadcast %mul3A_2185 : i32 to vector<16xi32>
      %mul3A_2187 = arith.muli %iota3A, %mul3A_2186 : vector<16xi32>
      %add3A_2188 = vector.broadcast %add3A_2149 : i32 to vector<16xi32>
      %add3A_2189 = arith.addi %mul3A_2187, %add3A_2188 : vector<16xi32>
      tpu.vector_store_idx %arg13[%add3A_2189], %add3A_2184 : memref<8192xf32, #tpu.memory_space<vmem>>[vector<16xi32>], vector<16xf32>,
      %slice3A_2190 = vector.extract_strided_slice %get3A_371 {offsets = [4], sizes = [1], strides = [1]} : vector<16xi32> to vector<1xi32>
      %squeeze3A_2191 = vector.extract %slice3A_2190[0] : i32 from vector<1xi32>
      %slice3A_2192 = vector.extract_strided_slice %get3A_373 {offsets = [4], sizes = [1], strides = [1]} : vector<16xi32> to vector<1xi32>
      %squeeze3A_2193 = vector.extract %slice3A_2192[0] : i32 from vector<1xi32>
      %shift_right_logical3A_2194 = arith.constant 7 : i32
      %shift_right_logical3A_2195 = arith.shrui %squeeze3A_2191, %shift_right_logical3A_2194 : i32
      %shift_right_logical3A_2196 = arith.constant 7 : i32
      %shift_right_logical3A_2197 = arith.shrui %squeeze3A_2193, %shift_right_logical3A_2196 : i32
      %mul3A_2198 = arith.constant 128 : i32
      %mul3A_2199 = arith.muli %shift_right_logical3A_2195, %mul3A_2198 : i32
      %dma_start3A_2200 = arith.constant 128 : i32
      %dma_start3A_2201 = arith.constant 0 : i32
      %dma_start3A_2202 = tpu.memref_slice %arg11[%dma_start3A_2200, %dma_start3A_2201] : memref<256x128xf32, #tpu.memory_space<vmem>> -> memref<32x128xf32, #tpu.memory_space<vmem>>
      %dma_start3A_2203 = arith.constant 0 : i32
      %dma_start3A_2204 = tpu.memref_slice %arg4[%dma_start3A_2203, %mul3A_2199] : memref<32x1000000xf32, #tpu.memory_space<hbm>> -> memref<32x128xf32, #tpu.memory_space<hbm>>
      %dma_start3A_2205 = arith.constant 128 : i32
      %dma_start3A_2206 = arith.constant 0 : i32
      %dma_start3A_2207 = tpu.memref_slice %arg11[%dma_start3A_2205, %dma_start3A_2206] : memref<256x128xf32, #tpu.memory_space<vmem>> -> memref<32x128xf32, #tpu.memory_space<vmem>>
      %dma_start3A_2208 = arith.constant 0 : i32
      %dma_start3A_2209 = tpu.memref_slice %arg4[%dma_start3A_2208, %mul3A_2199] : memref<32x1000000xf32, #tpu.memory_space<hbm>> -> memref<32x128xf32, #tpu.memory_space<hbm>>
      tpu.enqueue_dma source(%dma_start3A_2209 : memref<32x128xf32, #tpu.memory_space<hbm>>) target(%dma_start3A_2207 : memref<32x128xf32, #tpu.memory_space<vmem>>) target_semaphore(%arg19 : memref<!tpu.dma_semaphore, #tpu.memory_space<semaphore_mem>>)
      %mul3A_2210 = arith.constant 128 : i32
      %mul3A_2211 = arith.muli %shift_right_logical3A_2197, %mul3A_2210 : i32
      %dma_start3A_2212 = arith.constant 128 : i32
      %dma_start3A_2213 = arith.constant 0 : i32
      %dma_start3A_2214 = tpu.memref_slice %arg12[%dma_start3A_2212, %dma_start3A_2213] : memref<256x128xf32, #tpu.memory_space<vmem>> -> memref<32x128xf32, #tpu.memory_space<vmem>>
      %dma_start3A_2215 = arith.constant 0 : i32
      %dma_start3A_2216 = tpu.memref_slice %arg5[%dma_start3A_2215, %mul3A_2211] : memref<32x1000000xf32, #tpu.memory_space<hbm>> -> memref<32x128xf32, #tpu.memory_space<hbm>>
      %dma_start3A_2217 = arith.constant 128 : i32
      %dma_start3A_2218 = arith.constant 0 : i32
      %dma_start3A_2219 = tpu.memref_slice %arg12[%dma_start3A_2217, %dma_start3A_2218] : memref<256x128xf32, #tpu.memory_space<vmem>> -> memref<32x128xf32, #tpu.memory_space<vmem>>
      %dma_start3A_2220 = arith.constant 0 : i32
      %dma_start3A_2221 = tpu.memref_slice %arg5[%dma_start3A_2220, %mul3A_2211] : memref<32x1000000xf32, #tpu.memory_space<hbm>> -> memref<32x128xf32, #tpu.memory_space<hbm>>
      tpu.enqueue_dma source(%dma_start3A_2221 : memref<32x128xf32, #tpu.memory_space<hbm>>) target(%dma_start3A_2219 : memref<32x128xf32, #tpu.memory_space<vmem>>) target_semaphore(%arg19 : memref<!tpu.dma_semaphore, #tpu.memory_space<semaphore_mem>>)
      %slice3A_2222 = vector.extract_strided_slice %get3A_371 {offsets = [5], sizes = [1], strides = [1]} : vector<16xi32> to vector<1xi32>
      %squeeze3A_2223 = vector.extract %slice3A_2222[0] : i32 from vector<1xi32>
      %slice3A_2224 = vector.extract_strided_slice %get3A_373 {offsets = [5], sizes = [1], strides = [1]} : vector<16xi32> to vector<1xi32>
      %squeeze3A_2225 = vector.extract %slice3A_2224[0] : i32 from vector<1xi32>
      %shift_right_logical3A_2226 = arith.constant 7 : i32
      %shift_right_logical3A_2227 = arith.shrui %squeeze3A_2223, %shift_right_logical3A_2226 : i32
      %shift_right_logical3A_2228 = arith.constant 7 : i32
      %shift_right_logical3A_2229 = arith.shrui %squeeze3A_2225, %shift_right_logical3A_2228 : i32
      %mul3A_2230 = arith.constant 128 : i32
      %mul3A_2231 = arith.muli %shift_right_logical3A_2227, %mul3A_2230 : i32
      %dma_start3A_2232 = arith.constant 160 : i32
      %dma_start3A_2233 = arith.constant 0 : i32
      %dma_start3A_2234 = tpu.memref_slice %arg11[%dma_start3A_2232, %dma_start3A_2233] : memref<256x128xf32, #tpu.memory_space<vmem>> -> memref<32x128xf32, #tpu.memory_space<vmem>>
      %dma_start3A_2235 = arith.constant 0 : i32
      %dma_start3A_2236 = tpu.memref_slice %arg4[%dma_start3A_2235, %mul3A_2231] : memref<32x1000000xf32, #tpu.memory_space<hbm>> -> memref<32x128xf32, #tpu.memory_space<hbm>>
      %dma_start3A_2237 = arith.constant 160 : i32
      %dma_start3A_2238 = arith.constant 0 : i32
      %dma_start3A_2239 = tpu.memref_slice %arg11[%dma_start3A_2237, %dma_start3A_2238] : memref<256x128xf32, #tpu.memory_space<vmem>> -> memref<32x128xf32, #tpu.memory_space<vmem>>
      %dma_start3A_2240 = arith.constant 0 : i32
      %dma_start3A_2241 = tpu.memref_slice %arg4[%dma_start3A_2240, %mul3A_2231] : memref<32x1000000xf32, #tpu.memory_space<hbm>> -> memref<32x128xf32, #tpu.memory_space<hbm>>
      tpu.enqueue_dma source(%dma_start3A_2241 : memref<32x128xf32, #tpu.memory_space<hbm>>) target(%dma_start3A_2239 : memref<32x128xf32, #tpu.memory_space<vmem>>) target_semaphore(%arg19 : memref<!tpu.dma_semaphore, #tpu.memory_space<semaphore_mem>>)
      %mul3A_2242 = arith.constant 128 : i32
      %mul3A_2243 = arith.muli %shift_right_logical3A_2229, %mul3A_2242 : i32
      %dma_start3A_2244 = arith.constant 160 : i32
      %dma_start3A_2245 = arith.constant 0 : i32
      %dma_start3A_2246 = tpu.memref_slice %arg12[%dma_start3A_2244, %dma_start3A_2245] : memref<256x128xf32, #tpu.memory_space<vmem>> -> memref<32x128xf32, #tpu.memory_space<vmem>>
      %dma_start3A_2247 = arith.constant 0 : i32
      %dma_start3A_2248 = tpu.memref_slice %arg5[%dma_start3A_2247, %mul3A_2243] : memref<32x1000000xf32, #tpu.memory_space<hbm>> -> memref<32x128xf32, #tpu.memory_space<hbm>>
      %dma_start3A_2249 = arith.constant 160 : i32
      %dma_start3A_2250 = arith.constant 0 : i32
      %dma_start3A_2251 = tpu.memref_slice %arg12[%dma_start3A_2249, %dma_start3A_2250] : memref<256x128xf32, #tpu.memory_space<vmem>> -> memref<32x128xf32, #tpu.memory_space<vmem>>
      %dma_start3A_2252 = arith.constant 0 : i32
      %dma_start3A_2253 = tpu.memref_slice %arg5[%dma_start3A_2252, %mul3A_2243] : memref<32x1000000xf32, #tpu.memory_space<hbm>> -> memref<32x128xf32, #tpu.memory_space<hbm>>
      tpu.enqueue_dma source(%dma_start3A_2253 : memref<32x128xf32, #tpu.memory_space<hbm>>) target(%dma_start3A_2251 : memref<32x128xf32, #tpu.memory_space<vmem>>) target_semaphore(%arg19 : memref<!tpu.dma_semaphore, #tpu.memory_space<semaphore_mem>>)
      %mul3A_2254 = arith.constant 16 : i32
      %mul3A_2255 = arith.muli %scan3A_356, %mul3A_2254 : i32
      %add3A_2256 = arith.constant 14 : i32
      %add3A_2257 = arith.addi %mul3A_2255, %add3A_2256 : i32
      %add3A_2258 = arith.constant 0 : i32
      %add3A_2259 = arith.addi %add3A_2257, %add3A_2258 : i32
      %slice3A_2260 = vector.extract_strided_slice %get3A_360 {offsets = [14], sizes = [1], strides = [1]} : vector<16xi32> to vector<1xi32>
      %squeeze3A_2261 = vector.extract %slice3A_2260[0] : i32 from vector<1xi32>
      %and3A_2262 = arith.constant -8 : i32
      %and3A_2263 = arith.andi %squeeze3A_2261, %and3A_2262 : i32
      %multiple_of3A_2264 = tpu.assume_multiple %and3A_2263, 8 : i32
      %slice3A_2265 = vector.extract_strided_slice %get3A_364 {offsets = [14], sizes = [1], strides = [1]} : vector<16xi32> to vector<1xi32>
      %squeeze3A_2266 = vector.extract %slice3A_2265[0] : i32 from vector<1xi32>
      %and3A_2267 = arith.constant -8 : i32
      %and3A_2268 = arith.andi %squeeze3A_2266, %and3A_2267 : i32
      %multiple_of3A_2269 = tpu.assume_multiple %and3A_2268, 8 : i32
      %mul3A_2270 = arith.constant 8 : i32
      %mul3A_2271 = arith.muli %add3A_2259, %mul3A_2270 : i32
      %dma_start3A_2272 = tpu.memref_slice %arg14[%mul3A_2271] : memref<4096xf32, #tpu.memory_space<vmem>> -> memref<8xf32, #tpu.memory_space<vmem>>
      %dma_start3A_2273 = tpu.memref_slice %arg6[%multiple_of3A_2264] : memref<1000000xf32, #tpu.memory_space<hbm>> -> memref<8xf32, #tpu.memory_space<hbm>>
      %dma_start3A_2274 = tpu.memref_slice %arg14[%mul3A_2271] : memref<4096xf32, #tpu.memory_space<vmem>> -> memref<8xf32, #tpu.memory_space<vmem>>
      %dma_start3A_2275 = tpu.memref_slice %arg6[%multiple_of3A_2264] : memref<1000000xf32, #tpu.memory_space<hbm>> -> memref<8xf32, #tpu.memory_space<hbm>>
      tpu.enqueue_dma source(%dma_start3A_2275 : memref<8xf32, #tpu.memory_space<hbm>>) target(%dma_start3A_2274 : memref<8xf32, #tpu.memory_space<vmem>>) target_semaphore(%arg21 : memref<!tpu.dma_semaphore, #tpu.memory_space<semaphore_mem>>)
      %mul3A_2276 = arith.constant 8 : i32
      %mul3A_2277 = arith.muli %add3A_2259, %mul3A_2276 : i32
      %dma_start3A_2278 = tpu.memref_slice %arg15[%mul3A_2277] : memref<4096xf32, #tpu.memory_space<vmem>> -> memref<8xf32, #tpu.memory_space<vmem>>
      %dma_start3A_2279 = tpu.memref_slice %arg7[%multiple_of3A_2269] : memref<1000000xf32, #tpu.memory_space<hbm>> -> memref<8xf32, #tpu.memory_space<hbm>>
      %dma_start3A_2280 = tpu.memref_slice %arg15[%mul3A_2277] : memref<4096xf32, #tpu.memory_space<vmem>> -> memref<8xf32, #tpu.memory_space<vmem>>
      %dma_start3A_2281 = tpu.memref_slice %arg7[%multiple_of3A_2269] : memref<1000000xf32, #tpu.memory_space<hbm>> -> memref<8xf32, #tpu.memory_space<hbm>>
      tpu.enqueue_dma source(%dma_start3A_2281 : memref<8xf32, #tpu.memory_space<hbm>>) target(%dma_start3A_2280 : memref<8xf32, #tpu.memory_space<vmem>>) target_semaphore(%arg21 : memref<!tpu.dma_semaphore, #tpu.memory_space<semaphore_mem>>)
      %mul3A_2282 = arith.constant 16 : i32
      %mul3A_2283 = arith.muli %scan3A_356, %mul3A_2282 : i32
      %add3A_2284 = arith.constant 14 : i32
      %add3A_2285 = arith.addi %mul3A_2283, %add3A_2284 : i32
      %add3A_2286 = arith.constant 1 : i32
      %add3A_2287 = arith.addi %add3A_2285, %add3A_2286 : i32
      %slice3A_2288 = vector.extract_strided_slice %get3A_360 {offsets = [15], sizes = [1], strides = [1]} : vector<16xi32> to vector<1xi32>
      %squeeze3A_2289 = vector.extract %slice3A_2288[0] : i32 from vector<1xi32>
      %and3A_2290 = arith.constant -8 : i32
      %and3A_2291 = arith.andi %squeeze3A_2289, %and3A_2290 : i32
      %multiple_of3A_2292 = tpu.assume_multiple %and3A_2291, 8 : i32
      %slice3A_2293 = vector.extract_strided_slice %get3A_364 {offsets = [15], sizes = [1], strides = [1]} : vector<16xi32> to vector<1xi32>
      %squeeze3A_2294 = vector.extract %slice3A_2293[0] : i32 from vector<1xi32>
      %and3A_2295 = arith.constant -8 : i32
      %and3A_2296 = arith.andi %squeeze3A_2294, %and3A_2295 : i32
      %multiple_of3A_2297 = tpu.assume_multiple %and3A_2296, 8 : i32
      %mul3A_2298 = arith.constant 8 : i32
      %mul3A_2299 = arith.muli %add3A_2287, %mul3A_2298 : i32
      %dma_start3A_2300 = tpu.memref_slice %arg14[%mul3A_2299] : memref<4096xf32, #tpu.memory_space<vmem>> -> memref<8xf32, #tpu.memory_space<vmem>>
      %dma_start3A_2301 = tpu.memref_slice %arg6[%multiple_of3A_2292] : memref<1000000xf32, #tpu.memory_space<hbm>> -> memref<8xf32, #tpu.memory_space<hbm>>
      %dma_start3A_2302 = tpu.memref_slice %arg14[%mul3A_2299] : memref<4096xf32, #tpu.memory_space<vmem>> -> memref<8xf32, #tpu.memory_space<vmem>>
      %dma_start3A_2303 = tpu.memref_slice %arg6[%multiple_of3A_2292] : memref<1000000xf32, #tpu.memory_space<hbm>> -> memref<8xf32, #tpu.memory_space<hbm>>
      tpu.enqueue_dma source(%dma_start3A_2303 : memref<8xf32, #tpu.memory_space<hbm>>) target(%dma_start3A_2302 : memref<8xf32, #tpu.memory_space<vmem>>) target_semaphore(%arg21 : memref<!tpu.dma_semaphore, #tpu.memory_space<semaphore_mem>>)
      %mul3A_2304 = arith.constant 8 : i32
      %mul3A_2305 = arith.muli %add3A_2287, %mul3A_2304 : i32
      %dma_start3A_2306 = tpu.memref_slice %arg15[%mul3A_2305] : memref<4096xf32, #tpu.memory_space<vmem>> -> memref<8xf32, #tpu.memory_space<vmem>>
      %dma_start3A_2307 = tpu.memref_slice %arg7[%multiple_of3A_2297] : memref<1000000xf32, #tpu.memory_space<hbm>> -> memref<8xf32, #tpu.memory_space<hbm>>
      %dma_start3A_2308 = tpu.memref_slice %arg15[%mul3A_2305] : memref<4096xf32, #tpu.memory_space<vmem>> -> memref<8xf32, #tpu.memory_space<vmem>>
      %dma_start3A_2309 = tpu.memref_slice %arg7[%multiple_of3A_2297] : memref<1000000xf32, #tpu.memory_space<hbm>> -> memref<8xf32, #tpu.memory_space<hbm>>
      tpu.enqueue_dma source(%dma_start3A_2309 : memref<8xf32, #tpu.memory_space<hbm>>) target(%dma_start3A_2308 : memref<8xf32, #tpu.memory_space<vmem>>) target_semaphore(%arg21 : memref<!tpu.dma_semaphore, #tpu.memory_space<semaphore_mem>>)
      %dma_wait3A_2310 = arith.constant 192 : i32
      %dma_wait3A_2311 = arith.constant 0 : i32
      %dma_wait3A_2312 = tpu.memref_slice %arg11[%dma_wait3A_2310, %dma_wait3A_2311] : memref<256x128xf32, #tpu.memory_space<vmem>> -> memref<32x128xf32, #tpu.memory_space<vmem>>
      %dma_wait3A_2313 = arith.constant 0 : i32
      %dma_wait3A_2314 = arith.constant 0 : i32
      %dma_wait3A_2315 = tpu.memref_slice %arg4[%dma_wait3A_2313, %dma_wait3A_2314] : memref<32x1000000xf32, #tpu.memory_space<hbm>> -> memref<32x128xf32, #tpu.memory_space<hbm>>
      %dma_wait3A_2316 = arith.constant 192 : i32
      %dma_wait3A_2317 = arith.constant 0 : i32
      %dma_wait3A_2318 = tpu.memref_slice %arg11[%dma_wait3A_2316, %dma_wait3A_2317] : memref<256x128xf32, #tpu.memory_space<vmem>> -> memref<32x128xf32, #tpu.memory_space<vmem>>
      %dma_wait3A_2319 = arith.constant 0 : i32
      %dma_wait3A_2320 = arith.constant 0 : i32
      %dma_wait3A_2321 = tpu.memref_slice %arg4[%dma_wait3A_2319, %dma_wait3A_2320] : memref<32x1000000xf32, #tpu.memory_space<hbm>> -> memref<32x128xf32, #tpu.memory_space<hbm>>
      tpu.wait_dma2 semaphore(%arg20 : memref<!tpu.dma_semaphore, #tpu.memory_space<semaphore_mem>>) src(%dma_wait3A_2321 : memref<32x128xf32, #tpu.memory_space<hbm>>) dst(%dma_wait3A_2318 : memref<32x128xf32, #tpu.memory_space<vmem>>)
      %dma_wait3A_2322 = arith.constant 192 : i32
      %dma_wait3A_2323 = arith.constant 0 : i32
      %dma_wait3A_2324 = tpu.memref_slice %arg12[%dma_wait3A_2322, %dma_wait3A_2323] : memref<256x128xf32, #tpu.memory_space<vmem>> -> memref<32x128xf32, #tpu.memory_space<vmem>>
      %dma_wait3A_2325 = arith.constant 0 : i32
      %dma_wait3A_2326 = arith.constant 0 : i32
      %dma_wait3A_2327 = tpu.memref_slice %arg5[%dma_wait3A_2325, %dma_wait3A_2326] : memref<32x1000000xf32, #tpu.memory_space<hbm>> -> memref<32x128xf32, #tpu.memory_space<hbm>>
      %dma_wait3A_2328 = arith.constant 192 : i32
      %dma_wait3A_2329 = arith.constant 0 : i32
      %dma_wait3A_2330 = tpu.memref_slice %arg12[%dma_wait3A_2328, %dma_wait3A_2329] : memref<256x128xf32, #tpu.memory_space<vmem>> -> memref<32x128xf32, #tpu.memory_space<vmem>>
      %dma_wait3A_2331 = arith.constant 0 : i32
      %dma_wait3A_2332 = arith.constant 0 : i32
      %dma_wait3A_2333 = tpu.memref_slice %arg5[%dma_wait3A_2331, %dma_wait3A_2332] : memref<32x1000000xf32, #tpu.memory_space<hbm>> -> memref<32x128xf32, #tpu.memory_space<hbm>>
      tpu.wait_dma2 semaphore(%arg20 : memref<!tpu.dma_semaphore, #tpu.memory_space<semaphore_mem>>) src(%dma_wait3A_2333 : memref<32x128xf32, #tpu.memory_space<hbm>>) dst(%dma_wait3A_2330 : memref<32x128xf32, #tpu.memory_space<vmem>>)
      %dma_wait3A_2334 = arith.constant 224 : i32
      %dma_wait3A_2335 = arith.constant 0 : i32
      %dma_wait3A_2336 = tpu.memref_slice %arg11[%dma_wait3A_2334, %dma_wait3A_2335] : memref<256x128xf32, #tpu.memory_space<vmem>> -> memref<32x128xf32, #tpu.memory_space<vmem>>
      %dma_wait3A_2337 = arith.constant 0 : i32
      %dma_wait3A_2338 = arith.constant 0 : i32
      %dma_wait3A_2339 = tpu.memref_slice %arg4[%dma_wait3A_2337, %dma_wait3A_2338] : memref<32x1000000xf32, #tpu.memory_space<hbm>> -> memref<32x128xf32, #tpu.memory_space<hbm>>
      %dma_wait3A_2340 = arith.constant 224 : i32
      %dma_wait3A_2341 = arith.constant 0 : i32
      %dma_wait3A_2342 = tpu.memref_slice %arg11[%dma_wait3A_2340, %dma_wait3A_2341] : memref<256x128xf32, #tpu.memory_space<vmem>> -> memref<32x128xf32, #tpu.memory_space<vmem>>
      %dma_wait3A_2343 = arith.constant 0 : i32
      %dma_wait3A_2344 = arith.constant 0 : i32
      %dma_wait3A_2345 = tpu.memref_slice %arg4[%dma_wait3A_2343, %dma_wait3A_2344] : memref<32x1000000xf32, #tpu.memory_space<hbm>> -> memref<32x128xf32, #tpu.memory_space<hbm>>
      tpu.wait_dma2 semaphore(%arg20 : memref<!tpu.dma_semaphore, #tpu.memory_space<semaphore_mem>>) src(%dma_wait3A_2345 : memref<32x128xf32, #tpu.memory_space<hbm>>) dst(%dma_wait3A_2342 : memref<32x128xf32, #tpu.memory_space<vmem>>)
      %dma_wait3A_2346 = arith.constant 224 : i32
      %dma_wait3A_2347 = arith.constant 0 : i32
      %dma_wait3A_2348 = tpu.memref_slice %arg12[%dma_wait3A_2346, %dma_wait3A_2347] : memref<256x128xf32, #tpu.memory_space<vmem>> -> memref<32x128xf32, #tpu.memory_space<vmem>>
      %dma_wait3A_2349 = arith.constant 0 : i32
      %dma_wait3A_2350 = arith.constant 0 : i32
      %dma_wait3A_2351 = tpu.memref_slice %arg5[%dma_wait3A_2349, %dma_wait3A_2350] : memref<32x1000000xf32, #tpu.memory_space<hbm>> -> memref<32x128xf32, #tpu.memory_space<hbm>>
      %dma_wait3A_2352 = arith.constant 224 : i32
      %dma_wait3A_2353 = arith.constant 0 : i32
      %dma_wait3A_2354 = tpu.memref_slice %arg12[%dma_wait3A_2352, %dma_wait3A_2353] : memref<256x128xf32, #tpu.memory_space<vmem>> -> memref<32x128xf32, #tpu.memory_space<vmem>>
      %dma_wait3A_2355 = arith.constant 0 : i32
      %dma_wait3A_2356 = arith.constant 0 : i32
      %dma_wait3A_2357 = tpu.memref_slice %arg5[%dma_wait3A_2355, %dma_wait3A_2356] : memref<32x1000000xf32, #tpu.memory_space<hbm>> -> memref<32x128xf32, #tpu.memory_space<hbm>>
      tpu.wait_dma2 semaphore(%arg20 : memref<!tpu.dma_semaphore, #tpu.memory_space<semaphore_mem>>) src(%dma_wait3A_2357 : memref<32x128xf32, #tpu.memory_space<hbm>>) dst(%dma_wait3A_2354 : memref<32x128xf32, #tpu.memory_space<vmem>>)
      %mul3A_2358 = arith.constant 16 : i32
      %mul3A_2359 = arith.muli %scan3A_356, %mul3A_2358 : i32
      %add3A_2360 = arith.constant 14 : i32
      %add3A_2361 = arith.addi %mul3A_2359, %add3A_2360 : i32
      %add3A_2362 = arith.constant 0 : i32
      %add3A_2363 = arith.addi %add3A_2361, %add3A_2362 : i32
      %slice3A_2364 = vector.extract_strided_slice %get3A_360 {offsets = [14], sizes = [1], strides = [1]} : vector<16xi32> to vector<1xi32>
      %squeeze3A_2365 = vector.extract %slice3A_2364[0] : i32 from vector<1xi32>
      %and3A_2366 = arith.constant 127 : i32
      %and3A_2367 = arith.andi %squeeze3A_2365, %and3A_2366 : i32
      %slice3A_2368 = vector.extract_strided_slice %get3A_364 {offsets = [14], sizes = [1], strides = [1]} : vector<16xi32> to vector<1xi32>
      %squeeze3A_2369 = vector.extract %slice3A_2368[0] : i32 from vector<1xi32>
      %and3A_2370 = arith.constant 127 : i32
      %and3A_2371 = arith.andi %squeeze3A_2369, %and3A_2370 : i32
      %broadcast_in_dim3A_2372 = arith.constant 0 : i32
      %broadcast_in_dim3A_2373 = vector.broadcast %broadcast_in_dim3A_2372 : i32 to vector<16xi32>
      %add3A_2374 = vector.broadcast %and3A_2367 : i32 to vector<16xi32>
      %add3A_2375 = arith.addi %broadcast_in_dim3A_2373, %add3A_2374 : vector<16xi32>
      %broadcast_in_dim3A_2376 = arith.constant 0 : i32
      %broadcast_in_dim3A_2377 = vector.broadcast %broadcast_in_dim3A_2376 : i32 to vector<16xi32>
      %add3A_2378 = vector.broadcast %and3A_2371 : i32 to vector<16xi32>
      %add3A_2379 = arith.addi %broadcast_in_dim3A_2377, %add3A_2378 : vector<16xi32>
      %add3A_2380 = arith.constant 192 : i32
      %add3A_2381 = vector.broadcast %add3A_2380 : i32 to vector<16xi32>
      %add3A_2382 = arith.addi %add3A_2381, %iota3A : vector<16xi32>
      %gather3A_2383 = tpu.vector_load_idx %arg11[%add3A_2382, %add3A_2375] : memref<256x128xf32, #tpu.memory_space<vmem>>[vector<16xi32>, vector<16xi32>], vector<16xf32>,
      %add3A_2384 = arith.constant 208 : i32
      %add3A_2385 = vector.broadcast %add3A_2384 : i32 to vector<16xi32>
      %add3A_2386 = arith.addi %add3A_2385, %iota3A : vector<16xi32>
      %gather3A_2387 = tpu.vector_load_idx %arg11[%add3A_2386, %add3A_2375] : memref<256x128xf32, #tpu.memory_space<vmem>>[vector<16xi32>, vector<16xi32>], vector<16xf32>,
      %add3A_2388 = arith.constant 192 : i32
      %add3A_2389 = vector.broadcast %add3A_2388 : i32 to vector<16xi32>
      %add3A_2390 = arith.addi %add3A_2389, %iota3A : vector<16xi32>
      %gather3A_2391 = tpu.vector_load_idx %arg12[%add3A_2390, %add3A_2379] : memref<256x128xf32, #tpu.memory_space<vmem>>[vector<16xi32>, vector<16xi32>], vector<16xf32>,
      %add3A_2392 = arith.constant 208 : i32
      %add3A_2393 = vector.broadcast %add3A_2392 : i32 to vector<16xi32>
      %add3A_2394 = arith.addi %add3A_2393, %iota3A : vector<16xi32>
      %gather3A_2395 = tpu.vector_load_idx %arg12[%add3A_2394, %add3A_2379] : memref<256x128xf32, #tpu.memory_space<vmem>>[vector<16xi32>, vector<16xi32>], vector<16xf32>,
      %mul3A_2396 = arith.mulf %gather3A_2383, %gather3A_2391 : vector<16xf32>
      %mul3A_2397 = arith.mulf %gather3A_2387, %gather3A_2395 : vector<16xf32>
      %add3A_2398 = arith.addf %mul3A_2396, %mul3A_2397 : vector<16xf32>
      %mul3A_2399 = arith.constant 512 : i32
      %mul3A_2400 = vector.broadcast %mul3A_2399 : i32 to vector<16xi32>
      %mul3A_2401 = arith.muli %iota3A, %mul3A_2400 : vector<16xi32>
      %add3A_2402 = vector.broadcast %add3A_2363 : i32 to vector<16xi32>
      %add3A_2403 = arith.addi %mul3A_2401, %add3A_2402 : vector<16xi32>
      tpu.vector_store_idx %arg13[%add3A_2403], %add3A_2398 : memref<8192xf32, #tpu.memory_space<vmem>>[vector<16xi32>], vector<16xf32>,
      %mul3A_2404 = arith.constant 16 : i32
      %mul3A_2405 = arith.muli %scan3A_356, %mul3A_2404 : i32
      %add3A_2406 = arith.constant 14 : i32
      %add3A_2407 = arith.addi %mul3A_2405, %add3A_2406 : i32
      %add3A_2408 = arith.constant 1 : i32
      %add3A_2409 = arith.addi %add3A_2407, %add3A_2408 : i32
      %slice3A_2410 = vector.extract_strided_slice %get3A_360 {offsets = [15], sizes = [1], strides = [1]} : vector<16xi32> to vector<1xi32>
      %squeeze3A_2411 = vector.extract %slice3A_2410[0] : i32 from vector<1xi32>
      %and3A_2412 = arith.constant 127 : i32
      %and3A_2413 = arith.andi %squeeze3A_2411, %and3A_2412 : i32
      %slice3A_2414 = vector.extract_strided_slice %get3A_364 {offsets = [15], sizes = [1], strides = [1]} : vector<16xi32> to vector<1xi32>
      %squeeze3A_2415 = vector.extract %slice3A_2414[0] : i32 from vector<1xi32>
      %and3A_2416 = arith.constant 127 : i32
      %and3A_2417 = arith.andi %squeeze3A_2415, %and3A_2416 : i32
      %broadcast_in_dim3A_2418 = arith.constant 0 : i32
      %broadcast_in_dim3A_2419 = vector.broadcast %broadcast_in_dim3A_2418 : i32 to vector<16xi32>
      %add3A_2420 = vector.broadcast %and3A_2413 : i32 to vector<16xi32>
      %add3A_2421 = arith.addi %broadcast_in_dim3A_2419, %add3A_2420 : vector<16xi32>
      %broadcast_in_dim3A_2422 = arith.constant 0 : i32
      %broadcast_in_dim3A_2423 = vector.broadcast %broadcast_in_dim3A_2422 : i32 to vector<16xi32>
      %add3A_2424 = vector.broadcast %and3A_2417 : i32 to vector<16xi32>
      %add3A_2425 = arith.addi %broadcast_in_dim3A_2423, %add3A_2424 : vector<16xi32>
      %add3A_2426 = arith.constant 224 : i32
      %add3A_2427 = vector.broadcast %add3A_2426 : i32 to vector<16xi32>
      %add3A_2428 = arith.addi %add3A_2427, %iota3A : vector<16xi32>
      %gather3A_2429 = tpu.vector_load_idx %arg11[%add3A_2428, %add3A_2421] : memref<256x128xf32, #tpu.memory_space<vmem>>[vector<16xi32>, vector<16xi32>], vector<16xf32>,
      %add3A_2430 = arith.constant 240 : i32
      %add3A_2431 = vector.broadcast %add3A_2430 : i32 to vector<16xi32>
      %add3A_2432 = arith.addi %add3A_2431, %iota3A : vector<16xi32>
      %gather3A_2433 = tpu.vector_load_idx %arg11[%add3A_2432, %add3A_2421] : memref<256x128xf32, #tpu.memory_space<vmem>>[vector<16xi32>, vector<16xi32>], vector<16xf32>,
      %add3A_2434 = arith.constant 224 : i32
      %add3A_2435 = vector.broadcast %add3A_2434 : i32 to vector<16xi32>
      %add3A_2436 = arith.addi %add3A_2435, %iota3A : vector<16xi32>
      %gather3A_2437 = tpu.vector_load_idx %arg12[%add3A_2436, %add3A_2425] : memref<256x128xf32, #tpu.memory_space<vmem>>[vector<16xi32>, vector<16xi32>], vector<16xf32>,
      %add3A_2438 = arith.constant 240 : i32
      %add3A_2439 = vector.broadcast %add3A_2438 : i32 to vector<16xi32>
      %add3A_2440 = arith.addi %add3A_2439, %iota3A : vector<16xi32>
      %gather3A_2441 = tpu.vector_load_idx %arg12[%add3A_2440, %add3A_2425] : memref<256x128xf32, #tpu.memory_space<vmem>>[vector<16xi32>, vector<16xi32>], vector<16xf32>,
      %mul3A_2442 = arith.mulf %gather3A_2429, %gather3A_2437 : vector<16xf32>
      %mul3A_2443 = arith.mulf %gather3A_2433, %gather3A_2441 : vector<16xf32>
      %add3A_2444 = arith.addf %mul3A_2442, %mul3A_2443 : vector<16xf32>
      %mul3A_2445 = arith.constant 512 : i32
      %mul3A_2446 = vector.broadcast %mul3A_2445 : i32 to vector<16xi32>
      %mul3A_2447 = arith.muli %iota3A, %mul3A_2446 : vector<16xi32>
      %add3A_2448 = vector.broadcast %add3A_2409 : i32 to vector<16xi32>
      %add3A_2449 = arith.addi %mul3A_2447, %add3A_2448 : vector<16xi32>
      tpu.vector_store_idx %arg13[%add3A_2449], %add3A_2444 : memref<8192xf32, #tpu.memory_space<vmem>>[vector<16xi32>], vector<16xf32>,
    }
    %scan3A_198 = arith.constant 32 : i32
    %dma_wait3A = arith.constant 0 : i32
    %dma_wait3A_199 = arith.constant 0 : i32
    %dma_wait3A_200 = tpu.memref_slice %arg11[%dma_wait3A, %dma_wait3A_199] : memref<256x128xf32, #tpu.memory_space<vmem>> -> memref<32x128xf32, #tpu.memory_space<vmem>>
    %dma_wait3A_201 = arith.constant 0 : i32
    %dma_wait3A_202 = arith.constant 0 : i32
    %dma_wait3A_203 = tpu.memref_slice %arg4[%dma_wait3A_201, %dma_wait3A_202] : memref<32x1000000xf32, #tpu.memory_space<hbm>> -> memref<32x128xf32, #tpu.memory_space<hbm>>
    %dma_wait3A_204 = arith.constant 0 : i32
    %dma_wait3A_205 = arith.constant 0 : i32
    %dma_wait3A_206 = tpu.memref_slice %arg11[%dma_wait3A_204, %dma_wait3A_205] : memref<256x128xf32, #tpu.memory_space<vmem>> -> memref<32x128xf32, #tpu.memory_space<vmem>>
    %dma_wait3A_207 = arith.constant 0 : i32
    %dma_wait3A_208 = arith.constant 0 : i32
    %dma_wait3A_209 = tpu.memref_slice %arg4[%dma_wait3A_207, %dma_wait3A_208] : memref<32x1000000xf32, #tpu.memory_space<hbm>> -> memref<32x128xf32, #tpu.memory_space<hbm>>
    tpu.wait_dma2 semaphore(%arg17 : memref<!tpu.dma_semaphore, #tpu.memory_space<semaphore_mem>>) src(%dma_wait3A_209 : memref<32x128xf32, #tpu.memory_space<hbm>>) dst(%dma_wait3A_206 : memref<32x128xf32, #tpu.memory_space<vmem>>)
    %dma_wait3A_210 = arith.constant 0 : i32
    %dma_wait3A_211 = arith.constant 0 : i32
    %dma_wait3A_212 = tpu.memref_slice %arg12[%dma_wait3A_210, %dma_wait3A_211] : memref<256x128xf32, #tpu.memory_space<vmem>> -> memref<32x128xf32, #tpu.memory_space<vmem>>
    %dma_wait3A_213 = arith.constant 0 : i32
    %dma_wait3A_214 = arith.constant 0 : i32
    %dma_wait3A_215 = tpu.memref_slice %arg5[%dma_wait3A_213, %dma_wait3A_214] : memref<32x1000000xf32, #tpu.memory_space<hbm>> -> memref<32x128xf32, #tpu.memory_space<hbm>>
    %dma_wait3A_216 = arith.constant 0 : i32
    %dma_wait3A_217 = arith.constant 0 : i32
    %dma_wait3A_218 = tpu.memref_slice %arg12[%dma_wait3A_216, %dma_wait3A_217] : memref<256x128xf32, #tpu.memory_space<vmem>> -> memref<32x128xf32, #tpu.memory_space<vmem>>
    %dma_wait3A_219 = arith.constant 0 : i32
    %dma_wait3A_220 = arith.constant 0 : i32
    %dma_wait3A_221 = tpu.memref_slice %arg5[%dma_wait3A_219, %dma_wait3A_220] : memref<32x1000000xf32, #tpu.memory_space<hbm>> -> memref<32x128xf32, #tpu.memory_space<hbm>>
    tpu.wait_dma2 semaphore(%arg17 : memref<!tpu.dma_semaphore, #tpu.memory_space<semaphore_mem>>) src(%dma_wait3A_221 : memref<32x128xf32, #tpu.memory_space<hbm>>) dst(%dma_wait3A_218 : memref<32x128xf32, #tpu.memory_space<vmem>>)
    %dma_wait3A_222 = arith.constant 32 : i32
    %dma_wait3A_223 = arith.constant 0 : i32
    %dma_wait3A_224 = tpu.memref_slice %arg11[%dma_wait3A_222, %dma_wait3A_223] : memref<256x128xf32, #tpu.memory_space<vmem>> -> memref<32x128xf32, #tpu.memory_space<vmem>>
    %dma_wait3A_225 = arith.constant 0 : i32
    %dma_wait3A_226 = arith.constant 0 : i32
    %dma_wait3A_227 = tpu.memref_slice %arg4[%dma_wait3A_225, %dma_wait3A_226] : memref<32x1000000xf32, #tpu.memory_space<hbm>> -> memref<32x128xf32, #tpu.memory_space<hbm>>
    %dma_wait3A_228 = arith.constant 32 : i32
    %dma_wait3A_229 = arith.constant 0 : i32
    %dma_wait3A_230 = tpu.memref_slice %arg11[%dma_wait3A_228, %dma_wait3A_229] : memref<256x128xf32, #tpu.memory_space<vmem>> -> memref<32x128xf32, #tpu.memory_space<vmem>>
    %dma_wait3A_231 = arith.constant 0 : i32
    %dma_wait3A_232 = arith.constant 0 : i32
    %dma_wait3A_233 = tpu.memref_slice %arg4[%dma_wait3A_231, %dma_wait3A_232] : memref<32x1000000xf32, #tpu.memory_space<hbm>> -> memref<32x128xf32, #tpu.memory_space<hbm>>
    tpu.wait_dma2 semaphore(%arg17 : memref<!tpu.dma_semaphore, #tpu.memory_space<semaphore_mem>>) src(%dma_wait3A_233 : memref<32x128xf32, #tpu.memory_space<hbm>>) dst(%dma_wait3A_230 : memref<32x128xf32, #tpu.memory_space<vmem>>)
    %dma_wait3A_234 = arith.constant 32 : i32
    %dma_wait3A_235 = arith.constant 0 : i32
    %dma_wait3A_236 = tpu.memref_slice %arg12[%dma_wait3A_234, %dma_wait3A_235] : memref<256x128xf32, #tpu.memory_space<vmem>> -> memref<32x128xf32, #tpu.memory_space<vmem>>
    %dma_wait3A_237 = arith.constant 0 : i32
    %dma_wait3A_238 = arith.constant 0 : i32
    %dma_wait3A_239 = tpu.memref_slice %arg5[%dma_wait3A_237, %dma_wait3A_238] : memref<32x1000000xf32, #tpu.memory_space<hbm>> -> memref<32x128xf32, #tpu.memory_space<hbm>>
    %dma_wait3A_240 = arith.constant 32 : i32
    %dma_wait3A_241 = arith.constant 0 : i32
    %dma_wait3A_242 = tpu.memref_slice %arg12[%dma_wait3A_240, %dma_wait3A_241] : memref<256x128xf32, #tpu.memory_space<vmem>> -> memref<32x128xf32, #tpu.memory_space<vmem>>
    %dma_wait3A_243 = arith.constant 0 : i32
    %dma_wait3A_244 = arith.constant 0 : i32
    %dma_wait3A_245 = tpu.memref_slice %arg5[%dma_wait3A_243, %dma_wait3A_244] : memref<32x1000000xf32, #tpu.memory_space<hbm>> -> memref<32x128xf32, #tpu.memory_space<hbm>>
    tpu.wait_dma2 semaphore(%arg17 : memref<!tpu.dma_semaphore, #tpu.memory_space<semaphore_mem>>) src(%dma_wait3A_245 : memref<32x128xf32, #tpu.memory_space<hbm>>) dst(%dma_wait3A_242 : memref<32x128xf32, #tpu.memory_space<vmem>>)
    %dma_wait3A_246 = arith.constant 64 : i32
    %dma_wait3A_247 = arith.constant 0 : i32
    %dma_wait3A_248 = tpu.memref_slice %arg11[%dma_wait3A_246, %dma_wait3A_247] : memref<256x128xf32, #tpu.memory_space<vmem>> -> memref<32x128xf32, #tpu.memory_space<vmem>>
    %dma_wait3A_249 = arith.constant 0 : i32
    %dma_wait3A_250 = arith.constant 0 : i32
    %dma_wait3A_251 = tpu.memref_slice %arg4[%dma_wait3A_249, %dma_wait3A_250] : memref<32x1000000xf32, #tpu.memory_space<hbm>> -> memref<32x128xf32, #tpu.memory_space<hbm>>
    %dma_wait3A_252 = arith.constant 64 : i32
    %dma_wait3A_253 = arith.constant 0 : i32
    %dma_wait3A_254 = tpu.memref_slice %arg11[%dma_wait3A_252, %dma_wait3A_253] : memref<256x128xf32, #tpu.memory_space<vmem>> -> memref<32x128xf32, #tpu.memory_space<vmem>>
    %dma_wait3A_255 = arith.constant 0 : i32
    %dma_wait3A_256 = arith.constant 0 : i32
    %dma_wait3A_257 = tpu.memref_slice %arg4[%dma_wait3A_255, %dma_wait3A_256] : memref<32x1000000xf32, #tpu.memory_space<hbm>> -> memref<32x128xf32, #tpu.memory_space<hbm>>
    tpu.wait_dma2 semaphore(%arg18 : memref<!tpu.dma_semaphore, #tpu.memory_space<semaphore_mem>>) src(%dma_wait3A_257 : memref<32x128xf32, #tpu.memory_space<hbm>>) dst(%dma_wait3A_254 : memref<32x128xf32, #tpu.memory_space<vmem>>)
    %dma_wait3A_258 = arith.constant 64 : i32
    %dma_wait3A_259 = arith.constant 0 : i32
    %dma_wait3A_260 = tpu.memref_slice %arg12[%dma_wait3A_258, %dma_wait3A_259] : memref<256x128xf32, #tpu.memory_space<vmem>> -> memref<32x128xf32, #tpu.memory_space<vmem>>
    %dma_wait3A_261 = arith.constant 0 : i32
    %dma_wait3A_262 = arith.constant 0 : i32
    %dma_wait3A_263 = tpu.memref_slice %arg5[%dma_wait3A_261, %dma_wait3A_262] : memref<32x1000000xf32, #tpu.memory_space<hbm>> -> memref<32x128xf32, #tpu.memory_space<hbm>>
    %dma_wait3A_264 = arith.constant 64 : i32
    %dma_wait3A_265 = arith.constant 0 : i32
    %dma_wait3A_266 = tpu.memref_slice %arg12[%dma_wait3A_264, %dma_wait3A_265] : memref<256x128xf32, #tpu.memory_space<vmem>> -> memref<32x128xf32, #tpu.memory_space<vmem>>
    %dma_wait3A_267 = arith.constant 0 : i32
    %dma_wait3A_268 = arith.constant 0 : i32
    %dma_wait3A_269 = tpu.memref_slice %arg5[%dma_wait3A_267, %dma_wait3A_268] : memref<32x1000000xf32, #tpu.memory_space<hbm>> -> memref<32x128xf32, #tpu.memory_space<hbm>>
    tpu.wait_dma2 semaphore(%arg18 : memref<!tpu.dma_semaphore, #tpu.memory_space<semaphore_mem>>) src(%dma_wait3A_269 : memref<32x128xf32, #tpu.memory_space<hbm>>) dst(%dma_wait3A_266 : memref<32x128xf32, #tpu.memory_space<vmem>>)
    %dma_wait3A_270 = arith.constant 96 : i32
    %dma_wait3A_271 = arith.constant 0 : i32
    %dma_wait3A_272 = tpu.memref_slice %arg11[%dma_wait3A_270, %dma_wait3A_271] : memref<256x128xf32, #tpu.memory_space<vmem>> -> memref<32x128xf32, #tpu.memory_space<vmem>>
    %dma_wait3A_273 = arith.constant 0 : i32
    %dma_wait3A_274 = arith.constant 0 : i32
    %dma_wait3A_275 = tpu.memref_slice %arg4[%dma_wait3A_273, %dma_wait3A_274] : memref<32x1000000xf32, #tpu.memory_space<hbm>> -> memref<32x128xf32, #tpu.memory_space<hbm>>
    %dma_wait3A_276 = arith.constant 96 : i32
    %dma_wait3A_277 = arith.constant 0 : i32
    %dma_wait3A_278 = tpu.memref_slice %arg11[%dma_wait3A_276, %dma_wait3A_277] : memref<256x128xf32, #tpu.memory_space<vmem>> -> memref<32x128xf32, #tpu.memory_space<vmem>>
    %dma_wait3A_279 = arith.constant 0 : i32
    %dma_wait3A_280 = arith.constant 0 : i32
    %dma_wait3A_281 = tpu.memref_slice %arg4[%dma_wait3A_279, %dma_wait3A_280] : memref<32x1000000xf32, #tpu.memory_space<hbm>> -> memref<32x128xf32, #tpu.memory_space<hbm>>
    tpu.wait_dma2 semaphore(%arg18 : memref<!tpu.dma_semaphore, #tpu.memory_space<semaphore_mem>>) src(%dma_wait3A_281 : memref<32x128xf32, #tpu.memory_space<hbm>>) dst(%dma_wait3A_278 : memref<32x128xf32, #tpu.memory_space<vmem>>)
    %dma_wait3A_282 = arith.constant 96 : i32
    %dma_wait3A_283 = arith.constant 0 : i32
    %dma_wait3A_284 = tpu.memref_slice %arg12[%dma_wait3A_282, %dma_wait3A_283] : memref<256x128xf32, #tpu.memory_space<vmem>> -> memref<32x128xf32, #tpu.memory_space<vmem>>
    %dma_wait3A_285 = arith.constant 0 : i32
    %dma_wait3A_286 = arith.constant 0 : i32
    %dma_wait3A_287 = tpu.memref_slice %arg5[%dma_wait3A_285, %dma_wait3A_286] : memref<32x1000000xf32, #tpu.memory_space<hbm>> -> memref<32x128xf32, #tpu.memory_space<hbm>>
    %dma_wait3A_288 = arith.constant 96 : i32
    %dma_wait3A_289 = arith.constant 0 : i32
    %dma_wait3A_290 = tpu.memref_slice %arg12[%dma_wait3A_288, %dma_wait3A_289] : memref<256x128xf32, #tpu.memory_space<vmem>> -> memref<32x128xf32, #tpu.memory_space<vmem>>
    %dma_wait3A_291 = arith.constant 0 : i32
    %dma_wait3A_292 = arith.constant 0 : i32
    %dma_wait3A_293 = tpu.memref_slice %arg5[%dma_wait3A_291, %dma_wait3A_292] : memref<32x1000000xf32, #tpu.memory_space<hbm>> -> memref<32x128xf32, #tpu.memory_space<hbm>>
    tpu.wait_dma2 semaphore(%arg18 : memref<!tpu.dma_semaphore, #tpu.memory_space<semaphore_mem>>) src(%dma_wait3A_293 : memref<32x128xf32, #tpu.memory_space<hbm>>) dst(%dma_wait3A_290 : memref<32x128xf32, #tpu.memory_space<vmem>>)
    %dma_wait3A_294 = arith.constant 128 : i32
    %dma_wait3A_295 = arith.constant 0 : i32
    %dma_wait3A_296 = tpu.memref_slice %arg11[%dma_wait3A_294, %dma_wait3A_295] : memref<256x128xf32, #tpu.memory_space<vmem>> -> memref<32x128xf32, #tpu.memory_space<vmem>>
    %dma_wait3A_297 = arith.constant 0 : i32
    %dma_wait3A_298 = arith.constant 0 : i32
    %dma_wait3A_299 = tpu.memref_slice %arg4[%dma_wait3A_297, %dma_wait3A_298] : memref<32x1000000xf32, #tpu.memory_space<hbm>> -> memref<32x128xf32, #tpu.memory_space<hbm>>
    %dma_wait3A_300 = arith.constant 128 : i32
    %dma_wait3A_301 = arith.constant 0 : i32
    %dma_wait3A_302 = tpu.memref_slice %arg11[%dma_wait3A_300, %dma_wait3A_301] : memref<256x128xf32, #tpu.memory_space<vmem>> -> memref<32x128xf32, #tpu.memory_space<vmem>>
    %dma_wait3A_303 = arith.constant 0 : i32
    %dma_wait3A_304 = arith.constant 0 : i32
    %dma_wait3A_305 = tpu.memref_slice %arg4[%dma_wait3A_303, %dma_wait3A_304] : memref<32x1000000xf32, #tpu.memory_space<hbm>> -> memref<32x128xf32, #tpu.memory_space<hbm>>
    tpu.wait_dma2 semaphore(%arg19 : memref<!tpu.dma_semaphore, #tpu.memory_space<semaphore_mem>>) src(%dma_wait3A_305 : memref<32x128xf32, #tpu.memory_space<hbm>>) dst(%dma_wait3A_302 : memref<32x128xf32, #tpu.memory_space<vmem>>)
    %dma_wait3A_306 = arith.constant 128 : i32
    %dma_wait3A_307 = arith.constant 0 : i32
    %dma_wait3A_308 = tpu.memref_slice %arg12[%dma_wait3A_306, %dma_wait3A_307] : memref<256x128xf32, #tpu.memory_space<vmem>> -> memref<32x128xf32, #tpu.memory_space<vmem>>
    %dma_wait3A_309 = arith.constant 0 : i32
    %dma_wait3A_310 = arith.constant 0 : i32
    %dma_wait3A_311 = tpu.memref_slice %arg5[%dma_wait3A_309, %dma_wait3A_310] : memref<32x1000000xf32, #tpu.memory_space<hbm>> -> memref<32x128xf32, #tpu.memory_space<hbm>>
    %dma_wait3A_312 = arith.constant 128 : i32
    %dma_wait3A_313 = arith.constant 0 : i32
    %dma_wait3A_314 = tpu.memref_slice %arg12[%dma_wait3A_312, %dma_wait3A_313] : memref<256x128xf32, #tpu.memory_space<vmem>> -> memref<32x128xf32, #tpu.memory_space<vmem>>
    %dma_wait3A_315 = arith.constant 0 : i32
    %dma_wait3A_316 = arith.constant 0 : i32
    %dma_wait3A_317 = tpu.memref_slice %arg5[%dma_wait3A_315, %dma_wait3A_316] : memref<32x1000000xf32, #tpu.memory_space<hbm>> -> memref<32x128xf32, #tpu.memory_space<hbm>>
    tpu.wait_dma2 semaphore(%arg19 : memref<!tpu.dma_semaphore, #tpu.memory_space<semaphore_mem>>) src(%dma_wait3A_317 : memref<32x128xf32, #tpu.memory_space<hbm>>) dst(%dma_wait3A_314 : memref<32x128xf32, #tpu.memory_space<vmem>>)
    %dma_wait3A_318 = arith.constant 160 : i32
    %dma_wait3A_319 = arith.constant 0 : i32
    %dma_wait3A_320 = tpu.memref_slice %arg11[%dma_wait3A_318, %dma_wait3A_319] : memref<256x128xf32, #tpu.memory_space<vmem>> -> memref<32x128xf32, #tpu.memory_space<vmem>>
    %dma_wait3A_321 = arith.constant 0 : i32
    %dma_wait3A_322 = arith.constant 0 : i32
    %dma_wait3A_323 = tpu.memref_slice %arg4[%dma_wait3A_321, %dma_wait3A_322] : memref<32x1000000xf32, #tpu.memory_space<hbm>> -> memref<32x128xf32, #tpu.memory_space<hbm>>
    %dma_wait3A_324 = arith.constant 160 : i32
    %dma_wait3A_325 = arith.constant 0 : i32
    %dma_wait3A_326 = tpu.memref_slice %arg11[%dma_wait3A_324, %dma_wait3A_325] : memref<256x128xf32, #tpu.memory_space<vmem>> -> memref<32x128xf32, #tpu.memory_space<vmem>>
    %dma_wait3A_327 = arith.constant 0 : i32
    %dma_wait3A_328 = arith.constant 0 : i32
    %dma_wait3A_329 = tpu.memref_slice %arg4[%dma_wait3A_327, %dma_wait3A_328] : memref<32x1000000xf32, #tpu.memory_space<hbm>> -> memref<32x128xf32, #tpu.memory_space<hbm>>
    tpu.wait_dma2 semaphore(%arg19 : memref<!tpu.dma_semaphore, #tpu.memory_space<semaphore_mem>>) src(%dma_wait3A_329 : memref<32x128xf32, #tpu.memory_space<hbm>>) dst(%dma_wait3A_326 : memref<32x128xf32, #tpu.memory_space<vmem>>)
    %dma_wait3A_330 = arith.constant 160 : i32
    %dma_wait3A_331 = arith.constant 0 : i32
    %dma_wait3A_332 = tpu.memref_slice %arg12[%dma_wait3A_330, %dma_wait3A_331] : memref<256x128xf32, #tpu.memory_space<vmem>> -> memref<32x128xf32, #tpu.memory_space<vmem>>
    %dma_wait3A_333 = arith.constant 0 : i32
    %dma_wait3A_334 = arith.constant 0 : i32
    %dma_wait3A_335 = tpu.memref_slice %arg5[%dma_wait3A_333, %dma_wait3A_334] : memref<32x1000000xf32, #tpu.memory_space<hbm>> -> memref<32x128xf32, #tpu.memory_space<hbm>>
    %dma_wait3A_336 = arith.constant 160 : i32
    %dma_wait3A_337 = arith.constant 0 : i32
    %dma_wait3A_338 = tpu.memref_slice %arg12[%dma_wait3A_336, %dma_wait3A_337] : memref<256x128xf32, #tpu.memory_space<vmem>> -> memref<32x128xf32, #tpu.memory_space<vmem>>
    %dma_wait3A_339 = arith.constant 0 : i32
    %dma_wait3A_340 = arith.constant 0 : i32
    %dma_wait3A_341 = tpu.memref_slice %arg5[%dma_wait3A_339, %dma_wait3A_340] : memref<32x1000000xf32, #tpu.memory_space<hbm>> -> memref<32x128xf32, #tpu.memory_space<hbm>>
    tpu.wait_dma2 semaphore(%arg19 : memref<!tpu.dma_semaphore, #tpu.memory_space<semaphore_mem>>) src(%dma_wait3A_341 : memref<32x128xf32, #tpu.memory_space<hbm>>) dst(%dma_wait3A_338 : memref<32x128xf32, #tpu.memory_space<vmem>>)
    %dma_wait3A_342 = arith.constant 0 : i32
    %dma_wait3A_343 = tpu.memref_slice %arg6[%dma_wait3A_342] : memref<1000000xf32, #tpu.memory_space<hbm>> -> memref<4096xf32, #tpu.memory_space<hbm>>
    %dma_wait3A_344 = arith.constant 0 : i32
    %dma_wait3A_345 = tpu.memref_slice %arg6[%dma_wait3A_344] : memref<1000000xf32, #tpu.memory_space<hbm>> -> memref<4096xf32, #tpu.memory_space<hbm>>
    tpu.wait_dma2 semaphore(%arg21 : memref<!tpu.dma_semaphore, #tpu.memory_space<semaphore_mem>>) src(%dma_wait3A_345 : memref<4096xf32, #tpu.memory_space<hbm>>) dst(%arg14 : memref<4096xf32, #tpu.memory_space<vmem>>)
    %dma_wait3A_346 = arith.constant 0 : i32
    %dma_wait3A_347 = tpu.memref_slice %arg7[%dma_wait3A_346] : memref<1000000xf32, #tpu.memory_space<hbm>> -> memref<4096xf32, #tpu.memory_space<hbm>>
    %dma_wait3A_348 = arith.constant 0 : i32
    %dma_wait3A_349 = tpu.memref_slice %arg7[%dma_wait3A_348] : memref<1000000xf32, #tpu.memory_space<hbm>> -> memref<4096xf32, #tpu.memory_space<hbm>>
    tpu.wait_dma2 semaphore(%arg21 : memref<!tpu.dma_semaphore, #tpu.memory_space<semaphore_mem>>) src(%dma_wait3A_349 : memref<4096xf32, #tpu.memory_space<hbm>>) dst(%arg15 : memref<4096xf32, #tpu.memory_space<vmem>>)
    %scan3A_350 = arith.constant 0 : i32
    %scan3A_351 = arith.constant 0 : i32
    %scan3A_352 = arith.constant 32 : i32
    %scan3A_353 = arith.addi %scan3A_351, %scan3A_352 : i32
    %scan3A_354 = arith.constant 1 : i32
    scf.for %scan3A_356 = %scan3A_351 to %scan3A_353 step %scan3A_354  : i32 {
      %mul3A_357 = arith.constant 16 : i32
      %mul3A_358 = arith.muli %scan3A_356, %mul3A_357 : i32
      %get3A_359 = arith.index_cast %mul3A_358 : i32 to index
      %get3A_360 = tpu.vector_load %arg9[%get3A_359] {strides = array<i32>} : memref<512xi32, #tpu.memory_space<vmem>>, vector<16xi32>,
      %get3A_361 = arith.index_cast %mul3A_358 : i32 to index
      %get3A_362 = tpu.vector_load %arg10[%get3A_361] {strides = array<i32>} : memref<512xi32, #tpu.memory_space<vmem>>, vector<16xi32>,
      %mul3A_363 = arith.constant 16 : i32
      %mul3A_364 = arith.muli %scan3A_356, %mul3A_363 : i32
      %add3A_365 = vector.broadcast %mul3A_364 : i32 to vector<16xi32>
      %add3A_366 = arith.addi %add3A_365, %iota3A : vector<16xi32>
      %mul3A_367 = arith.constant 8 : i32
      %mul3A_368 = vector.broadcast %mul3A_367 : i32 to vector<16xi32>
      %mul3A_369 = arith.muli %add3A_366, %mul3A_368 : vector<16xi32>
      %and3A = arith.constant 7 : i32
      %and3A_370 = vector.broadcast %and3A : i32 to vector<16xi32>
      %and3A_371 = arith.andi %get3A_360, %and3A_370 : vector<16xi32>
      %add3A_372 = arith.addi %mul3A_369, %and3A_371 : vector<16xi32>
      %gather3A = tpu.vector_load_idx %arg14[%add3A_372] : memref<4096xf32, #tpu.memory_space<vmem>>[vector<16xi32>], vector<16xf32>,
      %mul3A_373 = arith.constant 16 : i32
      %mul3A_374 = arith.muli %scan3A_356, %mul3A_373 : i32
      %add3A_375 = vector.broadcast %mul3A_374 : i32 to vector<16xi32>
      %add3A_376 = arith.addi %add3A_375, %iota3A : vector<16xi32>
      %mul3A_377 = arith.constant 8 : i32
      %mul3A_378 = vector.broadcast %mul3A_377 : i32 to vector<16xi32>
      %mul3A_379 = arith.muli %add3A_376, %mul3A_378 : vector<16xi32>
      %and3A_380 = arith.constant 7 : i32
      %and3A_381 = vector.broadcast %and3A_380 : i32 to vector<16xi32>
      %and3A_382 = arith.andi %get3A_362, %and3A_381 : vector<16xi32>
      %add3A_383 = arith.addi %mul3A_379, %and3A_382 : vector<16xi32>
      %gather3A_384 = tpu.vector_load_idx %arg15[%add3A_383] : memref<4096xf32, #tpu.memory_space<vmem>>[vector<16xi32>], vector<16xf32>,
      %add3A_385 = arith.addf %gather3A, %gather3A_384 : vector<16xf32>
      %broadcast_in_dim3A = arith.constant 0.000000e+00 : f32
      %broadcast_in_dim3A_386 = vector.broadcast %broadcast_in_dim3A : f32 to vector<16xf32>
      %broadcast_in_dim3A_387 = arith.constant 0.000000e+00 : f32
      %broadcast_in_dim3A_388 = vector.broadcast %broadcast_in_dim3A_387 : f32 to vector<16xf32>
      %broadcast_in_dim3A_389 = arith.constant 0.000000e+00 : f32
      %broadcast_in_dim3A_390 = vector.broadcast %broadcast_in_dim3A_389 : f32 to vector<16xf32>
      %mul3A_391 = arith.constant 16 : i32
      %mul3A_392 = arith.muli %scan3A_356, %mul3A_391 : i32
      %add3A_393 = arith.constant 0 : i32
      %add3A_394 = arith.addi %add3A_393, %mul3A_392 : i32
      %get3A_395 = arith.index_cast %add3A_394 : i32 to index
      %get3A_396 = tpu.vector_load %arg13[%get3A_395] {strides = array<i32>} : memref<8192xf32, #tpu.memory_space<vmem>>, vector<16xf32>,
      %add3A_397 = arith.addf %add3A_385, %get3A_396 : vector<16xf32>
      %mul3A_398 = arith.constant 16 : i32
      %mul3A_399 = arith.muli %scan3A_356, %mul3A_398 : i32
      %add3A_400 = arith.constant 512 : i32
      %add3A_401 = arith.addi %add3A_400, %mul3A_399 : i32
      %get3A_402 = arith.index_cast %add3A_401 : i32 to index
      %get3A_403 = tpu.vector_load %arg13[%get3A_402] {strides = array<i32>} : memref<8192xf32, #tpu.memory_space<vmem>>, vector<16xf32>,
      %add3A_404 = arith.addf %broadcast_in_dim3A_386, %get3A_403 : vector<16xf32>
      %mul3A_405 = arith.constant 16 : i32
      %mul3A_406 = arith.muli %scan3A_356, %mul3A_405 : i32
      %add3A_407 = arith.constant 1024 : i32
      %add3A_408 = arith.addi %add3A_407, %mul3A_406 : i32
      %get3A_409 = arith.index_cast %add3A_408 : i32 to index
      %get3A_410 = tpu.vector_load %arg13[%get3A_409] {strides = array<i32>} : memref<8192xf32, #tpu.memory_space<vmem>>, vector<16xf32>,
      %add3A_411 = arith.addf %broadcast_in_dim3A_388, %get3A_410 : vector<16xf32>
      %mul3A_412 = arith.constant 16 : i32
      %mul3A_413 = arith.muli %scan3A_356, %mul3A_412 : i32
      %add3A_414 = arith.constant 1536 : i32
      %add3A_415 = arith.addi %add3A_414, %mul3A_413 : i32
      %get3A_416 = arith.index_cast %add3A_415 : i32 to index
      %get3A_417 = tpu.vector_load %arg13[%get3A_416] {strides = array<i32>} : memref<8192xf32, #tpu.memory_space<vmem>>, vector<16xf32>,
      %add3A_418 = arith.addf %broadcast_in_dim3A_390, %get3A_417 : vector<16xf32>
      %mul3A_419 = arith.constant 16 : i32
      %mul3A_420 = arith.muli %scan3A_356, %mul3A_419 : i32
      %add3A_421 = arith.constant 2048 : i32
      %add3A_422 = arith.addi %add3A_421, %mul3A_420 : i32
      %get3A_423 = arith.index_cast %add3A_422 : i32 to index
      %get3A_424 = tpu.vector_load %arg13[%get3A_423] {strides = array<i32>} : memref<8192xf32, #tpu.memory_space<vmem>>, vector<16xf32>,
      %add3A_425 = arith.addf %add3A_397, %get3A_424 : vector<16xf32>
      %mul3A_426 = arith.constant 16 : i32
      %mul3A_427 = arith.muli %scan3A_356, %mul3A_426 : i32
      %add3A_428 = arith.constant 2560 : i32
      %add3A_429 = arith.addi %add3A_428, %mul3A_427 : i32
      %get3A_430 = arith.index_cast %add3A_429 : i32 to index
      %get3A_431 = tpu.vector_load %arg13[%get3A_430] {strides = array<i32>} : memref<8192xf32, #tpu.memory_space<vmem>>, vector<16xf32>,
      %add3A_432 = arith.addf %add3A_404, %get3A_431 : vector<16xf32>
      %mul3A_433 = arith.constant 16 : i32
      %mul3A_434 = arith.muli %scan3A_356, %mul3A_433 : i32
      %add3A_435 = arith.constant 3072 : i32
      %add3A_436 = arith.addi %add3A_435, %mul3A_434 : i32
      %get3A_437 = arith.index_cast %add3A_436 : i32 to index
      %get3A_438 = tpu.vector_load %arg13[%get3A_437] {strides = array<i32>} : memref<8192xf32, #tpu.memory_space<vmem>>, vector<16xf32>,
      %add3A_439 = arith.addf %add3A_411, %get3A_438 : vector<16xf32>
      %mul3A_440 = arith.constant 16 : i32
      %mul3A_441 = arith.muli %scan3A_356, %mul3A_440 : i32
      %add3A_442 = arith.constant 3584 : i32
      %add3A_443 = arith.addi %add3A_442, %mul3A_441 : i32
      %get3A_444 = arith.index_cast %add3A_443 : i32 to index
      %get3A_445 = tpu.vector_load %arg13[%get3A_444] {strides = array<i32>} : memref<8192xf32, #tpu.memory_space<vmem>>, vector<16xf32>,
      %add3A_446 = arith.addf %add3A_418, %get3A_445 : vector<16xf32>
      %mul3A_447 = arith.constant 16 : i32
      %mul3A_448 = arith.muli %scan3A_356, %mul3A_447 : i32
      %add3A_449 = arith.constant 4096 : i32
      %add3A_450 = arith.addi %add3A_449, %mul3A_448 : i32
      %get3A_451 = arith.index_cast %add3A_450 : i32 to index
      %get3A_452 = tpu.vector_load %arg13[%get3A_451] {strides = array<i32>} : memref<8192xf32, #tpu.memory_space<vmem>>, vector<16xf32>,
      %add3A_453 = arith.addf %add3A_425, %get3A_452 : vector<16xf32>
      %mul3A_454 = arith.constant 16 : i32
      %mul3A_455 = arith.muli %scan3A_356, %mul3A_454 : i32
      %add3A_456 = arith.constant 4608 : i32
      %add3A_457 = arith.addi %add3A_456, %mul3A_455 : i32
      %get3A_458 = arith.index_cast %add3A_457 : i32 to index
      %get3A_459 = tpu.vector_load %arg13[%get3A_458] {strides = array<i32>} : memref<8192xf32, #tpu.memory_space<vmem>>, vector<16xf32>,
      %add3A_460 = arith.addf %add3A_432, %get3A_459 : vector<16xf32>
      %mul3A_461 = arith.constant 16 : i32
      %mul3A_462 = arith.muli %scan3A_356, %mul3A_461 : i32
      %add3A_463 = arith.constant 5120 : i32
      %add3A_464 = arith.addi %add3A_463, %mul3A_462 : i32
      %get3A_465 = arith.index_cast %add3A_464 : i32 to index
      %get3A_466 = tpu.vector_load %arg13[%get3A_465] {strides = array<i32>} : memref<8192xf32, #tpu.memory_space<vmem>>, vector<16xf32>,
      %add3A_467 = arith.addf %add3A_439, %get3A_466 : vector<16xf32>
      %mul3A_468 = arith.constant 16 : i32
      %mul3A_469 = arith.muli %scan3A_356, %mul3A_468 : i32
      %add3A_470 = arith.constant 5632 : i32
      %add3A_471 = arith.addi %add3A_470, %mul3A_469 : i32
      %get3A_472 = arith.index_cast %add3A_471 : i32 to index
      %get3A_473 = tpu.vector_load %arg13[%get3A_472] {strides = array<i32>} : memref<8192xf32, #tpu.memory_space<vmem>>, vector<16xf32>,
      %add3A_474 = arith.addf %add3A_446, %get3A_473 : vector<16xf32>
      %mul3A_475 = arith.constant 16 : i32
      %mul3A_476 = arith.muli %scan3A_356, %mul3A_475 : i32
      %add3A_477 = arith.constant 6144 : i32
      %add3A_478 = arith.addi %add3A_477, %mul3A_476 : i32
      %get3A_479 = arith.index_cast %add3A_478 : i32 to index
      %get3A_480 = tpu.vector_load %arg13[%get3A_479] {strides = array<i32>} : memref<8192xf32, #tpu.memory_space<vmem>>, vector<16xf32>,
      %add3A_481 = arith.addf %add3A_453, %get3A_480 : vector<16xf32>
      %mul3A_482 = arith.constant 16 : i32
      %mul3A_483 = arith.muli %scan3A_356, %mul3A_482 : i32
      %add3A_484 = arith.constant 6656 : i32
      %add3A_485 = arith.addi %add3A_484, %mul3A_483 : i32
      %get3A_486 = arith.index_cast %add3A_485 : i32 to index
      %get3A_487 = tpu.vector_load %arg13[%get3A_486] {strides = array<i32>} : memref<8192xf32, #tpu.memory_space<vmem>>, vector<16xf32>,
      %add3A_488 = arith.addf %add3A_460, %get3A_487 : vector<16xf32>
      %mul3A_489 = arith.constant 16 : i32
      %mul3A_490 = arith.muli %scan3A_356, %mul3A_489 : i32
      %add3A_491 = arith.constant 7168 : i32
      %add3A_492 = arith.addi %add3A_491, %mul3A_490 : i32
      %get3A_493 = arith.index_cast %add3A_492 : i32 to index
      %get3A_494 = tpu.vector_load %arg13[%get3A_493] {strides = array<i32>} : memref<8192xf32, #tpu.memory_space<vmem>>, vector<16xf32>,
      %add3A_495 = arith.addf %add3A_467, %get3A_494 : vector<16xf32>
      %mul3A_496 = arith.constant 16 : i32
      %mul3A_497 = arith.muli %scan3A_356, %mul3A_496 : i32
      %add3A_498 = arith.constant 7680 : i32
      %add3A_499 = arith.addi %add3A_498, %mul3A_497 : i32
      %get3A_500 = arith.index_cast %add3A_499 : i32 to index
      %get3A_501 = tpu.vector_load %arg13[%get3A_500] {strides = array<i32>} : memref<8192xf32, #tpu.memory_space<vmem>>, vector<16xf32>,
      %add3A_502 = arith.addf %add3A_474, %get3A_501 : vector<16xf32>
      %add3A_503 = arith.addf %add3A_481, %add3A_488 : vector<16xf32>
      %add3A_504 = arith.addf %add3A_495, %add3A_502 : vector<16xf32>
      %add3A_505 = arith.addf %add3A_503, %add3A_504 : vector<16xf32>
      %neg3A = arith.constant 0.000000e+00 : f32
      %neg3A_506 = vector.broadcast %neg3A : f32 to vector<16xf32>
      %neg3A_507 = arith.subf %neg3A_506, %add3A_505 : vector<16xf32>
      %exp3A = math.exp %neg3A_507 : vector<16xf32>
      %add3A_508 = arith.constant 1.000000e+00 : f32
      %add3A_509 = vector.broadcast %add3A_508 : f32 to vector<16xf32>
      %add3A_510 = arith.addf %add3A_509, %exp3A : vector<16xf32>
      %div3A = arith.constant 1.000000e+00 : f32
      %div3A_511 = vector.broadcast %div3A : f32 to vector<16xf32>
      %div3A_512 = arith.divf %div3A_511, %add3A_510 : vector<16xf32>
      %swap3A = arith.index_cast %mul3A_358 : i32 to index
      %swap3A_513 = tpu.vector_load %arg16[%swap3A] {strides = array<i32>} : memref<512xf32, #tpu.memory_space<vmem>>, vector<16xf32>,
      tpu.vector_store %arg16[%swap3A], %div3A_512 {strides = array<i32>} : memref<512xf32, #tpu.memory_space<vmem>>, vector<16xf32>,
    }
    %scan3A_355 = arith.constant 32 : i32
    "tpu.region"() ({
      %run_scoped3A = tpu.sem_alloc : memref<!tpu.dma_semaphore, #tpu.memory_space<semaphore_mem>>
      %dma_start3A_356 = tpu.memref_slice %arg8[%mul3A_2] : memref<16384xf32, #tpu.memory_space<hbm>> -> memref<512xf32, #tpu.memory_space<hbm>>
      %dma_start3A_357 = tpu.memref_slice %arg8[%mul3A_2] : memref<16384xf32, #tpu.memory_space<hbm>> -> memref<512xf32, #tpu.memory_space<hbm>>
      tpu.enqueue_dma source(%arg16 : memref<512xf32, #tpu.memory_space<vmem>>) target(%dma_start3A_357 : memref<512xf32, #tpu.memory_space<hbm>>) target_semaphore(%run_scoped3A : memref<!tpu.dma_semaphore, #tpu.memory_space<semaphore_mem>>)
      %dma_wait3A_358 = tpu.memref_slice %arg8[%mul3A_2] : memref<16384xf32, #tpu.memory_space<hbm>> -> memref<512xf32, #tpu.memory_space<hbm>>
      %dma_wait3A_359 = tpu.memref_slice %arg8[%mul3A_2] : memref<16384xf32, #tpu.memory_space<hbm>> -> memref<512xf32, #tpu.memory_space<hbm>>
      tpu.wait_dma2 semaphore(%run_scoped3A : memref<!tpu.dma_semaphore, #tpu.memory_space<semaphore_mem>>) src(%arg16 : memref<512xf32, #tpu.memory_space<vmem>>) dst(%dma_wait3A_359 : memref<512xf32, #tpu.memory_space<hbm>>)
      tpu.yield
    }) : () -> ()
    return
  }
}

</mosaic_0001>

<sc_bundles>
// kernel: kernel.3.cloned.1.call-start
scs
__scs_entry_jumppad:
0x0: {  	(pc) =	sbr.rel $0x88, $3  }
0x1: {  	(tag) =	ssettag $0x0;
	lr =	simm.s32 $0x1  }
0x2: {  	[smem:$0x3F9B] =	sst lr;
	_ =	strace $0xD0000000  }
0x3: {  	_ = 	snop  }
0x4: {  	_ = 	snop  }
0x5: {  	_ = 	snop  }
0x6: {  	_ = 	snop  }
0x7: {  	_ = 	snop  }
__scs_overlays_trampoline_lowered:
0x8: {  	[smem:$0x3FAA] =	sst s0  }
0x9: {  	[smem:$0x3FAB] =	sst s1  }
0xa: {  	[smem:$0x3FAC] =	sst s2  }
0xb: {  	[smem:$0x3FAD] =	sst s3  }
0xc: {  	[smem:$0x3FAE] =	sst s4  }
0xd: {  	[smem:$0x3FAF] =	sst s5  }
0xe: {  	[smem:$0x3FB0] =	sst s6  }
0xf: {  	[smem:$0x3FB1] =	sst s7  }
0x10: {  	[smem:$0x3FB2] =	sst s8  }
0x11: {  	[smem:$0x3FB3] =	sst s9;
	s0 =	simm.s32 @!p0 $0x0  }
0x12: {  	s1 =	sld [smem:$0x3F99];
	s0 =	simm.s32 @p0 $0x1  }
0x13: {  	[smem:$0x3FB4] =	sst s0;
	s0 =	simm.s32 @!p1 $0x0  }
0x14: {  	s2 =	sld [smem:$0x3F98];
	s0 =	simm.s32 @p1 $0x1  }
0x15: {  	[smem:$0x3FB5] =	sst s0;
	s0 =	simm.s32 @!p2 $0x0  }
0x16: {  	s3 =	sld [smem:$0x3FDB];
	s0 =	simm.s32 @p2 $0x1  }
0x17: {  	s4 =	simm.s32 $0x1BF5;
	[smem:$0x3FB7] =	sst s0  }
0x18: {  	s0 =	sld [smem:$0x3F9A];
	_ =	swait.ge [sflag:s4], $0x0  }
0x19: {  	s7 =	sld [smem:$0x3F9B]  }
0x1a: {  	s8 =	sadd.s32 $0xFFFFE003, lr  }
0x1b: {  	s9 =	sadd.s32 $0xFFFFFEF7, lr;
	s5 =	simm.s32 $0xFFFFFFFF;
	p2 =	slt.u32 s8, $0xFFFFF086  }
0x1c: {  	p1 =	slt.u32 s9, $0xF7A;
	s5 =	simm.s32 @!p2 $0x0  }
0x1d: {  	s5 =	simm.s32 @p1 $0x1;
	p0 =	seq.s32 s7, s2  }
0x1e: {  	s7 =	smul.u32 @!p0 $0xF7A, s2;
	p2 =	seq.s32 @!p0 s5, $0x0  }
0x1f: {  	s9 =	smul.u32 $0xF7A, s1;
	s8 =	simm.s32 @!p0 $0x1BF5;
	p2 =	por !p2, p0  }
0x20: {  	[sflag:s8] =	ssyncset.s32 @!p0 $0xFFFFF086;
	s6 =	sadd.s32 @!p0 s3, s7;
	s7 =	simm.s32 @!p0 $0x108  }
0x21: {  	s3 =	sadd.s32 s3, s9;
	s6 =	sadd.s32 @!p0 $0x88, s6;
	s7 =	simm.s32 @p2 $0x1082  }
0x22: {  	[simem:s7], [sflag:s8] =	dma.local @!p0 [hbm:s6], $0xF7A  }
0x23: {  	s9 =	sor.u32 $0xD0000000, s2;
	s6 =	simm.s32 $0x108;
	_ =	swait.ge @!p0 [sflag:s8], $0x0  }
0x24: {  	s3 =	sadd.s32 $0x88, s3;
	s6 =	simm.s32 @!p1 $0x1082;
	[sflag:s4] =	ssyncset.s32 $0xFFFFF086  }
0x25: {  	[simem:s6], [sflag:s4] =	dma.local [hbm:s3], $0xF7A  }
0x26: {  	[smem:$0x3F9B] =	sst s1;
	(tag) =	ssettag s2;
	_ =	strace s9  }
0x27: {  	s1 =	sld [smem:$0x3FAB]  }
0x28: {  	s2 =	sld [smem:$0x3FAC]  }
0x29: {  	s4 =	sld [smem:$0x3FAE]  }
0x2a: {  	p0 =	seq.s32 s5, $0x0;
	s5 =	sld [smem:$0x3FAF]  }
0x2b: {  	s6 =	sld [smem:$0x3FB0]  }
0x2c: {  	s7 =	sld [smem:$0x3FB1]  }
0x2d: {  	s3 =	simm.s32 $0x108;
	s8 =	sld [smem:$0x3FB2]  }
0x2e: {  	s3 =	simm.s32 @!p0 $0x1082;
	s9 =	sld [smem:$0x3FB3]  }
0x2f: {  	lr =	sadd.s32 s0, s3;
	s0 =	sld [smem:$0x3FAA]  }
0x30: {  	s3 =	sld [smem:$0x3FAD]  }
0x31: {  	[smem:$0x3FB6] =	sst s10  }
0x32: {  	s10 =	sld [smem:$0x3FB4];
	_ =	sdelay $0x3  }
0x33: {  	p0 =	seq.s32 s10, $0x1;
	s10 =	sld [smem:$0x3FB6];
	_ =	sdelay $0x3  }
0x34: {  	[smem:$0x3FB6] =	sst s10  }
0x35: {  	s10 =	sld [smem:$0x3FB5];
	_ =	sdelay $0x3  }
0x36: {  	p1 =	seq.s32 s10, $0x1;
	s10 =	sld [smem:$0x3FB6];
	_ =	sdelay $0x3  }
0x37: {  	[smem:$0x3FB6] =	sst s10  }
0x38: {  	s10 =	sld [smem:$0x3FB7]  }
0x39: {  	_ = 	snop;
	(pc) =	sbr.ind lr, $3  }
0x3a: {  	_ = 	snop  }
0x3b: {  	_ = 	snop  }
0x3c: {  	p2 =	seq.s32 s10, $0x1;
	s10 =	sld [smem:$0x3FB6]  }
0x3d: {  	_ =	shalt  }
0x3e: {  	_ =	shalt  }
0x3f: {  	_ =	shalt  }
0x40: {  	_ =	shalt  }
0x41: {  	_ =	shalt  }
0x42: {  	_ =	shalt  }
0x43: {  	_ =	shalt  }
0x44: {  	_ =	shalt  }
0x45: {  	_ =	shalt  }
0x46: {  	_ =	shalt  }
0x47: {  	_ =	shalt  }
0x48: {  	_ =	shalt  }
0x49: {  	_ =	shalt  }
0x4a: {  	_ =	shalt  }
0x4b: {  	_ =	shalt  }
0x4c: {  	_ =	shalt  }
0x4d: {  	_ =	shalt  }
0x4e: {  	_ =	shalt  }
0x4f: {  	_ =	shalt  }
0x50: {  	_ =	shalt  }
0x51: {  	_ =	shalt  }
0x52: {  	_ =	shalt  }
0x53: {  	_ =	shalt  }
0x54: {  	_ =	shalt  }
0x55: {  	_ =	shalt  }
0x56: {  	_ =	shalt  }
0x57: {  	_ =	shalt  }
0x58: {  	_ =	shalt  }
0x59: {  	_ =	shalt  }
0x5a: {  	_ =	shalt  }
0x5b: {  	_ =	shalt  }
0x5c: {  	_ =	shalt  }
0x5d: {  	_ =	shalt  }
0x5e: {  	_ =	shalt  }
0x5f: {  	_ =	shalt  }
0x60: {  	_ =	shalt  }
0x61: {  	_ =	shalt  }
0x62: {  	_ =	shalt  }
0x63: {  	_ =	shalt  }
0x64: {  	_ =	shalt  }
0x65: {  	_ =	shalt  }
0x66: {  	_ =	shalt  }
0x67: {  	_ =	shalt  }
0x68: {  	_ =	shalt  }
0x69: {  	_ =	shalt  }
0x6a: {  	_ =	shalt  }
0x6b: {  	_ =	shalt  }
0x6c: {  	_ =	shalt  }
0x6d: {  	_ =	shalt  }
0x6e: {  	_ =	shalt  }
0x6f: {  	_ =	shalt  }
0x70: {  	_ =	shalt  }
0x71: {  	_ =	shalt  }
0x72: {  	_ =	shalt  }
0x73: {  	_ =	shalt  }
0x74: {  	_ =	shalt  }
0x75: {  	_ =	shalt  }
0x76: {  	_ =	shalt  }
0x77: {  	_ =	shalt  }
0x78: {  	_ =	shalt  }
0x79: {  	_ =	shalt  }
0x7a: {  	_ =	shalt  }
0x7b: {  	_ =	shalt  }
0x7c: {  	_ =	shalt  }
0x7d: {  	_ =	shalt  }
0x7e: {  	_ =	shalt  }
0x7f: {  	_ =	shalt  }
0x80: {  	_ =	shalt  }
0x81: {  	_ =	shalt  }
0x82: {  	_ =	shalt  }
0x83: {  	_ =	shalt  }
0x84: {  	_ =	shalt  }
0x85: {  	_ =	shalt  }
0x86: {  	_ =	shalt  }
0x87: {  	_ =	shalt  }
.Lfunc_end0:
.L_simem_size_0:
called_computation_lowered:
.L_overlay_start_0:
0x88: {  	s2 =	sld [smem:$0x3FD9]  }
0x89: {  	s3 =	sld [smem:$0x3FFE];
	_ =	sdelay $0x1  }
0x8a: {  	s1 =	srdreg.scid  }
0x8b: {  	s0 =	sand.u32 $0x1, s1  }
0x8c: {  	s17 =	sshll.u32 s0, $0xA;
	s2 =	sadd.s32 s3, s2  }
0x8d: {  	s2 =	sadd.s32 s2, s17  }
0x8e: {  	[smem:$0x3FC2] =	sst s2  }
0x8f: {  	_ = 	snop  }
0x90: {  	s2 =	sld [smem:$0x3FC9]  }
0x91: {  	s18 =	sld [smem:$0x3FC8]  }
0x92: {  	s4 =	sld [smem:$0x3FC7]  }
0x93: {  	s5 =	sld [smem:$0x3FC6]  }
0x94: {  	s6 =	sld [smem:$0x3FD0];
	(tm) =	ssettm $0x1  }
0x95: {  	s7 =	sld [smem:$0x3FFB];
	_ =	sdelay $0x3  }
0x96: {  	_ =	strace s7  }
0x97: {  	s7 =	sld [smem:$0x3FFC];
	_ =	sdelay $0x3  }
0x98: {  	_ =	strace s7  }
0x99: {  	s7 =	sld [smem:$0x3FFD];
	_ =	sdelay $0x3  }
0x9a: {  	_ =	strace s7  }
0x9b: {  	_ =	strace $0x8FFFFFFF  }
0x9c: {  	s19 =	sld [smem:$0x3FDB];
	_ =	sdelay $0x1  }
0x9d: {  	s8 =	simm.s32 $_scs_section_size  }
0x9e: {  	s9 =	simm.s32 $_size__tile_overlayer_lowered;
	s10 =	simm.s32 $_tile_overlayer_lowered  }
0x9f: {  	s22 =	simm.s32 $0x1BFF;
	s21 =	sshll.u32 s10, $0x1;
	s7 =	sadd.s32 s8, s19  }
0xa0: {  	s11 =	simm.s32 $0x0;
	s20 =	sshll.u32 s9, $0x1;
	s9 =	sadd.s32 s21, s7  }
0xa1: {  	[timem:s11], [sflag:s22] =	dma.local [hbm:s9], s20  }
0xa2: {  	_ =	swait.ge [sflag:s22], s20  }
0xa3: {  	s8 =	ssub.s32 $0x0, s20;
	[sflag:s22] =	ssyncset.done $0x0  }
0xa4: {  	[sflag:s22] =	ssyncadd.s32 s8;
	_ =	sdelay $0x1  }
0xa5: {  	s23 =	simm.s32 $0x1B8B  }
0xa6: {  	_ =	swait.ge [sflag:s23], $0x1  }
0xa7: {  	[sflag:s23] =	ssyncset.done $0x0  }
0xa8: {  	s25 =	simm.s32 $0x1B8E;
	s24 =	sld [smem:$0x3FFE];
	[sflag:s23] =	ssyncadd.s32 $0xFFFFFFFF  }
0xa9: {  	s26 =	simm.s32 $execute0_lowered;
	[smem:$0x3FD2] =	sst s25  }
0xaa: {  	s9 =	sshll.u32 s26, $0x1;
	_ =	strace $0x80000046;
	[dreg:$0x1] =	wrdreg $0xFFFFFFFF  }
0xab: {  	s28 =	simm.s32 $_size_execute0_lowered;
	s7 =	sadd.s32 s7, s9;
	[dreg:$0x0] =	wrdreg $0x0  }
0xac: {  	s9 =	sshll.u32 s28, $0x1;
	[dreg:$0x2] =	wrdreg s7  }
0xad: {  	[dreg:$0x3] =	wrdreg s9  }
0xae: {  	[dreg:$0x4] =	wrdreg $0xC0  }
0xaf: {  	_ =	task [dreg:s11], $0x5FFFF  }
0xb0: {  	[dreg:$0x1] =	wrdreg $0xFFFFFFFF  }
0xb1: {  	[dreg:$0x0] =	wrdreg $0x60  }
0xb2: {  	[dreg:$0x2] =	wrdreg s2  }
0xb3: {  	[dreg:$0x3] =	wrdreg s18  }
0xb4: {  	[dreg:$0x4] =	wrdreg s4  }
0xb5: {  	[dreg:$0x5] =	wrdreg s5  }
0xb6: {  	[dreg:$0x6] =	wrdreg s24  }
0xb7: {  	[dreg:$0x7] =	wrdreg s6  }
0xb8: {  	[dreg:$0x8] =	wrdreg $0x9  }
0xb9: {  	_ =	task.clear_ibuf [dreg:s11], $0x9FFFF;
	_ =	strace $0x90000046  }
0xba: {  	s29 =	simm.s32 $0x9;
	_ =	strace $0x80000048  }
0xbb: {  	_ =	swait.ge [sflag:s29], $0x1  }
0xbc: {  	[sflag:s29] =	ssyncadd.s32 $0xFFFFFFFF  }
0xbd: {  	_ =	strace $0x90000048  }
0xbe: {  	_ =	sfence  }
0xbf: {  	s30 =	sld [smem:$0x0];
	_ =	sdelay $0x2  }
0xc0: {  	s31 =	sshll.u32 s1, $0xD;
	s1 =	sshrl.u32 s1, $0x2  }
0xc1: {  	s3 =	sand.u32 $0x4000, s31;
	s1 =	sadd.s32 s1, s30  }
0xc2: {  	s0 =	sor.u32 s3, s0;
	s1 =	sshll.u32 s1, $0x11  }
0xc3: {  	s0 =	sor.u32 s1, s0  }
0xc4: {  	s0 =	sadd.s32 $0x8F2B, s0  }
0xc5: {  	[sflag:s0] =	ssyncadd.remote.s32 $0x1  }
0xc6: {  	_ =	sfence.sel $0xFFFF  }
0xc7: {  	[dreg:$0x0] =	wrdreg $0xFFFFFFFF;
	(pc) =	sbr.abs _section_cstart, $3  }
0xc8: {  	[dreg:$0x1] =	wrdreg $0xFFFFFFFF  }
0xc9: {  	_ =	task.clear_ibuf [dreg:s11], $0x2FFFF;
	_ =	strace $0x9FFFFFFF  }
0xca: {  	(tm) =	ssettm $0x7FFFFFFF  }
0xcb: {  	_ =	shalt  }
tec
execute0_lowered:
.L_overlay_start_1:
0x0: {  	(tag) =	ssettag $0x1  }
0x1: {  	s0 =	rddreg [dreg:$0x0]  }
0x2: {  	s1 =	rddreg [dreg:$0x1]  }
0x3: {  	s19 =	rddreg [dreg:$0x2]  }
0x4: {  	s20 =	rddreg [dreg:$0x3]  }
0x5: {  	s21 =	rddreg [dreg:$0x4]  }
0x6: {  	s2 =	rddreg [dreg:$0x5];
	s24 =	simm.s32 $0x0  }
0x7: {  	s3 =	srdreg.scid;
	s6 =	stileid.u32;
	s12 =	simm.s32 $0x7A1400  }
0x8: {  	s13 =	simm.s32 $0x400;
	s14 =	simm.s32 $0x8400;
	s11 =	simm.s32 $0x4400  }
0x9: {  	s15 =	simm.s32 $0xC400;
	s16 =	simm.s32 $0x5400;
	s17 =	simm.s32 $0xD400  }
0xa: {  	s23 =	simm.s32 $0xE400;
	s30 =	simm.s32 $0x7400;
	s25 =	simm.s32 $0xF400  }
0xb: {  	s31 =	simm.s32 $0x10400;
	s10 =	simm.s32 $0x13400;
	s5 =	simm.s32 $0x0  }
0xc: {  	s22 =	simm.s32 $0x2;
	s9 =	simm.s32 $0x7A1400;
	[smem:$0x7FF] =	sst s24  }
0xd: {  	v17 =	vlaneseq.u32;
	s3 =	sand.u32 $0x1, s3;
	s7 =	sshll.u32 s6, $0x7;
	s6 =	sadd.s32 $0x1EA00, s21  }
0xe: {  	v0 =	vmul.u32 $0x80, v17;
	_ =	strace $0x80000047;
	s4 =	ssub.s32 $0x2, s3;
	s3 =	sshll.u32 s3, $0x6  }
0xf: {  	v2 =	vmul.u32 $0x200, v17;
	v17 =	vmul.u32 $0x8, v17;
	s8 =	sshrl.u32 s4, $0x1;
	s3 =	sor.u32 s3, s7;
	s7 =	simm.s32 $0x3400  }
0x10: {  	v1 =	vor.u32 $0x800, v0;
	v3 =	vor.u32 $0x1000, v0;
	v4 =	vor.u32 $0x1800, v0;
	s4 =	ssub.s32 s4, s8;
	s0 =	sadd.s32 s0, s3;
	s26 =	sadd.s32 s1, s3  }
0x11: {  	v5 =	vor.u32 $0x2000, v0;
	v6 =	vor.u32 $0x2800, v0;
	v7 =	vor.u32 $0x3000, v0;
	s28 =	sadd.s32 s2, s3;
	s1 =	simm.s32 $0x6;
	[dreg:$0x7] =	wrdreg s0  }
0x12: {  	v8 =	vor.u32 $0x3800, v0;
	v9 =	vor.u32 $0x4000, v0;
	v10 =	vor.u32 $0x4800, v0;
	s2 =	simm.s32 $0x9400;
	s3 =	simm.s32 $0x2400;
	[dreg:$0x8] =	wrdreg s26  }
0x13: {  	v11 =	vor.u32 $0x5000, v0;
	v12 =	vor.u32 $0x5800, v0;
	v13 =	vor.u32 $0x6000, v0;
	s8 =	simm.s32 $0xB400;
	[dreg:$0x9] =	wrdreg s28;
	s29 =	smax.u32 s4, $0x1  }
0x14: {  	v14 =	vor.u32 $0x6800, v0;
	v15 =	vor.u32 $0x7000, v0;
	v16 =	vor.u32 $0x7800, v0;
	s26 =	simm.s32 $0x1400;
	s4 =	simm.s32 $0xA400;
	[dreg:$0xa] =	wrdreg s29  }
.LBB2_1:
0x15: {  	[dreg:$0xb] =	wrdreg s5  }
0x16: {  	s0 =	rddreg [dreg:$0x7]  }
0x17: {  	[tilespmem:s24], [sflag:$0x6] =	stream.linear.gather [hbm4b:s0+s24], $0x200, $0x38;
	[tilespmem:$0x14600] =	vst v63  }
0x18: {  	_ =	swait.ge [sflag:s1], $0x200  }
0x19: {  	[sflag:s1] =	ssyncset.done $0x0  }
0x1a: {  	s5 =	simm.s32 $0x200;
	s29 =	rddreg [dreg:$0x8];
	[sflag:s1] =	ssyncadd.s32 $0xFFFFFE00  }
0x1b: {  	[tilespmem:s5], [sflag:$0x6] =	stream.linear.gather [hbm4b:s29+s24], $0x200, $0x38;
	[tilespmem:$0x14600] =	vst v63  }
0x1c: {  	_ =	swait.ge [sflag:s1], $0x200  }
0x1d: {  	[sflag:s1] =	ssyncset.done $0x0  }
0x1e: {  	[sflag:s1] =	ssyncadd.s32 $0xFFFFFE00  }
0x1f: {  	v18 =	vld [tilespmem:$0x0]  }
0x20: {  	v19 =	vld [tilespmem:$0x200];
	_ =	sdelay $0x3  }
0x21: {  	(v2sf) =	vpush v18, $0x0  }
0x22: {  	(v2sf) =	vpush v19, $0x0;
	_ =	sdelay $0x1  }
0x23: {  	(v2sf) =	vpush v18, $0x1;
	_ =	sdelay $0x5  }
0x24: {  	(v2sf) =	vpush v19, $0x1;
	_ =	sdelay $0x5  }
0x25: {  	s18 =	spop (v2sf);
	(v2sf) =	vpush v18, $0x2  }
0x26: {  	s28 =	spop (v2sf);
	(v2sf) =	vpush v19, $0x2;
	_ =	sdelay $0x1  }
0x27: {  	s1 =	sand.u32 $0xFFFFF80, s18;
	s29 =	spop (v2sf);
	(v2sf) =	vpush v18, $0x3  }
0x28: {  	s1 =	sadd.s32 s19, s1  }
0x29: {  	[tilespmem:s13], [sflag:$0x1] =	stream.strided.gather [hbm4b:s1+s13], $0x1000, s12, s13, $0x38;
	[tilespmem:$0x14600] =	vst v63  }
0x2a: {  	s1 =	sand.u32 $0xFFFFF80, s28  }
0x2b: {  	s1 =	sadd.s32 s20, s1  }
0x2c: {  	(v2sf) =	vpush v19, $0x3;
	[tilespmem:s14], [sflag:$0x1] =	stream.strided.gather [hbm4b:s1+s13], $0x1000, s12, s13, $0x38;
	[tilespmem:$0x14600] =	vst v63  }
0x2d: {  	s0 =	spop (v2sf);
	(v2sf) =	vpush v18, $0x4;
	s1 =	sand.u32 $0xFFFFF80, s29  }
0x2e: {  	s1 =	sadd.s32 s19, s1  }
0x2f: {  	[tilespmem:s26], [sflag:$0x1] =	stream.strided.gather [hbm4b:s1+s13], $0x1000, s12, s13, $0x38;
	[tilespmem:$0x14600] =	vst v63  }
0x30: {  	s1 =	sand.u32 $0xFFFFF80, s0  }
0x31: {  	s1 =	sadd.s32 s20, s1  }
0x32: {  	[tilespmem:s2], [sflag:$0x1] =	stream.strided.gather [hbm4b:s1+s13], $0x1000, s12, s13, $0x38;
	[tilespmem:$0x14600] =	vst v63  }
0x33: {  	s18 =	spop (v2sf);
	(v2sf) =	vpush v19, $0x4  }
0x34: {  	s28 =	spop (v2sf);
	(v2sf) =	vpush v18, $0x5  }
0x35: {  	s1 =	sand.u32 $0xFFFFF80, s18  }
0x36: {  	s1 =	sadd.s32 s19, s1;
	s29 =	spop (v2sf)  }
0x37: {  	(v2sf) =	vpush v19, $0x5;
	[tilespmem:s3], [sflag:$0x2] =	stream.strided.gather [hbm4b:s1+s13], $0x1000, s12, s13, $0x38;
	[tilespmem:$0x14600] =	vst v63  }
0x38: {  	s1 =	sand.u32 $0xFFFFF80, s28  }
0x39: {  	s1 =	sadd.s32 s20, s1  }
0x3a: {  	[tilespmem:s4], [sflag:$0x2] =	stream.strided.gather [hbm4b:s1+s13], $0x1000, s12, s13, $0x38;
	[tilespmem:$0x14600] =	vst v63  }
0x3b: {  	s0 =	spop (v2sf);
	s1 =	sand.u32 $0xFFFFF80, s29  }
0x3c: {  	s3 =	sand.u32 $0xFFFFF80, s0;
	s4 =	spop (v2sf);
	s1 =	sadd.s32 s19, s1  }
0x3d: {  	[tilespmem:s7], [sflag:$0x2] =	stream.strided.gather [hbm4b:s1+s13], $0x1000, s12, s13, $0x38;
	[tilespmem:$0x14600] =	vst v63  }
0x3e: {  	s1 =	sadd.s32 s20, s3;
	s7 =	sand.u32 $0xFFFFF80, s4  }
0x3f: {  	[tilespmem:s8], [sflag:$0x2] =	stream.strided.gather [hbm4b:s1+s13], $0x1000, s12, s13, $0x38;
	[tilespmem:$0x14600] =	vst v63  }
0x40: {  	s1 =	sadd.s32 s19, s7  }
0x41: {  	[tilespmem:s11], [sflag:$0x3] =	stream.strided.gather [hbm4b:s1+s13], $0x1000, s12, s13, $0x38;
	[tilespmem:$0x14600] =	vst v63  }
0x42: {  	s8 =	spop (v2sf)  }
0x43: {  	s11 =	sand.u32 $0xFFFFF80, s8;
	s18 =	spop (v2sf)  }
0x44: {  	s1 =	sadd.s32 s20, s11;
	s28 =	sand.u32 $0xFFFFF80, s18  }
0x45: {  	[tilespmem:s15], [sflag:$0x3] =	stream.strided.gather [hbm4b:s1+s13], $0x1000, s12, s13, $0x38;
	[tilespmem:$0x14600] =	vst v63  }
0x46: {  	s29 =	spop (v2sf);
	s1 =	sadd.s32 s19, s28  }
0x47: {  	[tilespmem:s16], [sflag:$0x3] =	stream.strided.gather [hbm4b:s1+s13], $0x1000, s12, s13, $0x38;
	[tilespmem:$0x14600] =	vst v63  }
0x48: {  	s0 =	simm.s32 $0x0;
	s1 =	sand.u32 $0xFFFFF80, s29  }
0x49: {  	s3 =	simm.s32 $0x0;
	s4 =	simm.s32 $0x3;
	s1 =	sadd.s32 s20, s1  }
0x4a: {  	[tilespmem:s17], [sflag:$0x3] =	stream.strided.gather [hbm4b:s1+s13], $0x1000, s12, s13, $0x38;
	[tilespmem:$0x14600] =	vst v63  }
0x4b: {  	s8 =	simm.s32 $0xF;
	s15 =	simm.s32 $0x1;
	s1 =	simm.s32 $0x1  }
.LBB2_2:
0x4c: {  	v21 =	vld [tilespmem:s0+$0x0];
	_ =	sdelay $0x1  }
0x4d: {  	v20 =	vld [tilespmem:s5+$0x0];
	_ =	sdelay $0x2  }
0x4e: {  	(v2sf) =	vpush v21, $0x6;
	_ =	sdelay $0x1  }
0x4f: {  	(v2sf) =	vpush v20, $0x6  }
0x50: {  	(v2sf) =	vpush v21, $0x7;
	_ =	sdelay $0x1  }
0x51: {  	(v2sf) =	vpush v20, $0x7;
	_ =	sdelay $0x5  }
0x52: {  	(v2sf) =	vpush v21, $0x0;
	_ =	sdelay $0x1  }
0x53: {  	[dreg:$0xe] =	wrdreg s1  }
0x54: {  	[dreg:$0xd] =	wrdreg s0  }
0x55: {  	s29 =	rddreg [dreg:$0xe];
	s18 =	spop (v2sf);
	(v2sf) =	vpush v20, $0x0  }
0x56: {  	[dreg:$0xc] =	wrdreg s5;
	s5 =	simm.s32 $0x6400;
	s0 =	smin.u32 s29, $0x1F  }
0x57: {  	s1 =	sshll.u32 s0, $0x4;
	s2 =	sand.u32 $0xFFFFF80, s18;
	s28 =	spop (v2sf)  }
0x58: {  	v19 =	vld [tilespmem:s1+$0x0];
	s2 =	sadd.s32 s19, s2;
	s7 =	sand.u32 $0xFFFFF80, s28;
	s17 =	spop (v2sf)  }
0x59: {  	v18 =	vld [tilespmem:s1+$0x200];
	(v2sf) =	vpush v21, $0x1;
	[tilespmem:s5], [sflag:$0x4] =	stream.strided.gather [hbm4b:s2+s13], $0x1000, s12, s13, $0x38  }
0x5a: {  	(v2sf) =	vpush v20, $0x1;
	s1 =	sadd.s32 s20, s7;
	s11 =	sand.u32 $0xFFFFF80, s17;
	s29 =	spop (v2sf)  }
0x5b: {  	[tilespmem:s23], [sflag:$0x4] =	stream.strided.gather [hbm4b:s1+s13], $0x1000, s12, s13, $0x38;
	[tilespmem:$0x14600] =	vst v63  }
0x5c: {  	s16 =	sand.u32 $0xFFFFF80, s29;
	s1 =	sadd.s32 s19, s11  }
0x5d: {  	[tilespmem:s30], [sflag:$0x4] =	stream.strided.gather [hbm4b:s1+s13], $0x1000, s12, s13, $0x38;
	[tilespmem:$0x14600] =	vst v63  }
0x5e: {  	s1 =	sadd.s32 s20, s16  }
0x5f: {  	[tilespmem:s25], [sflag:$0x4] =	stream.strided.gather [hbm4b:s1+s13], $0x1000, s12, s13, $0x38;
	[tilespmem:$0x14600] =	vst v63  }
0x60: {  	s1 =	spop (v2sf)  }
0x61: {  	s16 =	sshra.s32 s3, $0x2;
	s23 =	sshrl.u32 s1, $0x3  }
0x62: {  	s11 =	sadd.s32 $0x12400, s16;
	s2 =	sadd.s32 s21, s23  }
0x63: {  	[tilespmem:s11], [sflag:$0x5] =	stream.linear.gather [hbm4b:s2+s24], $0x8, $0x38;
	[tilespmem:$0x14600] =	vst v63  }
0x64: {  	[dreg:$0xf] =	wrdreg s3;
	s3 =	spop (v2sf)  }
0x65: {  	s25 =	sshrl.u32 s3, $0x3  }
0x66: {  	s0 =	sadd.s32 $0x13400, s16;
	s2 =	sadd.s32 s6, s25  }
0x67: {  	[tilespmem:s0], [sflag:$0x5] =	stream.linear.gather [hbm4b:s2+s24], $0x8, $0x38;
	[tilespmem:$0x14600] =	vst v63  }
0x68: {  	s2 =	spop (v2sf)  }
0x69: {  	s30 =	smov.u32 s19;
	s7 =	sshrl.u32 s2, $0x3;
	s19 =	spop (v2sf)  }
0x6a: {  	s23 =	sadd.s32 $0x12408, s16;
	s11 =	sadd.s32 s21, s7;
	s25 =	sshrl.u32 s19, $0x3  }
0x6b: {  	[tilespmem:s23], [sflag:$0x5] =	stream.linear.gather [hbm4b:s11+s24], $0x8, $0x38;
	[tilespmem:$0x14600] =	vst v63  }
0x6c: {  	s7 =	sadd.s32 $0x13408, s16;
	s11 =	sadd.s32 s6, s25  }
0x6d: {  	[tilespmem:s7], [sflag:$0x5] =	stream.linear.gather [hbm4b:s11+s24], $0x8, $0x38;
	[tilespmem:$0x14600] =	vst v63  }
0x6e: {  	_ =	swait.ge [sflag:s15], $0x1000  }
0x6f: {  	[sflag:s15] =	ssyncset.done $0x0  }
0x70: {  	[sflag:s15] =	ssyncadd.s32 $0xFFFFF000  }
0x71: {  	_ =	swait.ge [sflag:s15], $0x1000  }
0x72: {  	[sflag:s15] =	ssyncset.done $0x0  }
0x73: {  	[sflag:s15] =	ssyncadd.s32 $0xFFFFF000  }
0x74: {  	s1 =	sand.u32 $0x7F, s1;
	_ =	swait.ge [sflag:s15], $0x1000  }
0x75: {  	v22 =	vor.u32 s1, v0;
	[sflag:s15] =	ssyncset.done $0x0  }
0x76: {  	v23 =	vor.u32 s1, v1;
	s3 =	sand.u32 $0x7F, s3;
	[sflag:s15] =	ssyncadd.s32 $0xFFFFF000  }
0x77: {  	v24 =	vor.u32 s3, v0;
	_ =	swait.ge [sflag:s15], $0x1000  }
0x78: {  	v25 =	vor.u32 s3, v1;
	[sflag:s15] =	ssyncset.done $0x0  }
0x79: {  	[sflag:s15] =	ssyncadd.s32 $0xFFFFF000  }
0x7a: {  	v22 =	vld.idx.msk [tilespmem:v22+s13+$0x0], $0xffff  }
0x7b: {  	v23 =	vld.idx.msk [tilespmem:v23+s13+$0x0], $0xffff  }
0x7c: {  	v24 =	vld.idx.msk [tilespmem:v24+s14+$0x0], $0xffff  }
0x7d: {  	v25 =	vld.idx.msk [tilespmem:v25+s14+$0x0], $0xffff;
	_ =	sdelay $0x2  }
0x7e: {  	s0 =	smov.u32 s20;
	s20 =	sadd.s32 $0xFFFFFFF1, s8;
	(v2sf) =	vpush v21, $0x8  }
0x7f: {  	v49 =	vor.u32 s20, v2;
	s23 =	sand.u32 $0x7F, s2  }
0x80: {  	v50 =	vor.u32 s23, v3;
	v22 =	vmul.f32 v24, v22;
	v23 =	vmul.f32 v25, v23  }
0x81: {  	s25 =	sand.u32 $0x7F, s19;
	v26 =	vor.u32 s23, v4;
	(v2sf) =	vpush v20, $0x8  }
0x82: {  	v51 =	vor.u32 s25, v3;
	v22 =	vadd.f32 v23, v22  }
0x83: {  	v27 =	vor.u32 s25, v4  }
0x84: {  	(v2sf) =	vpush v21, $0x9;
	[tilespmem:v49+s31+$0x0] =	vst.idx.msk $0xffff, v22  }
0x85: {  	v22 =	vld.idx.msk [tilespmem:v50+s13+$0x0], $0xffff  }
0x86: {  	(v2sf) =	vpush v20, $0x9;
	v24 =	vld.idx.msk [tilespmem:v26+s13+$0x0], $0xffff  }
0x87: {  	v23 =	vld.idx.msk [tilespmem:v51+s14+$0x0], $0xffff  }
0x88: {  	v52 =	vld.idx.msk [tilespmem:v27+s14+$0x0], $0xffff;
	_ =	sdelay $0x2  }
0x89: {  	s3 =	sadd.s32 $0xFFFFFFF2, s8;
	(v2sf) =	vpush v21, $0x2  }
0x8a: {  	v53 =	vor.u32 s3, v2  }
0x8b: {  	s19 =	spop (v2sf);
	(v2sf) =	vpush v20, $0x2;
	v22 =	vmul.f32 v23, v22;
	v54 =	vmul.f32 v52, v24;
	_ =	sdelay $0x1  }
0x8c: {  	v22 =	vadd.f32 v54, v22  }
0x8d: {  	s7 =	sand.u32 $0xFFFFF80, s19;
	s20 =	spop (v2sf)  }
0x8e: {  	s1 =	sadd.s32 s30, s7;
	s11 =	sand.u32 $0xFFFFF80, s20;
	[tilespmem:v53+s31+$0x0] =	vst.idx.msk $0xffff, v22  }
0x8f: {  	(v2sf) =	vpush v21, $0x3;
	[tilespmem:s13], [sflag:$0x1] =	stream.strided.gather [hbm4b:s1+s13], $0x1000, s12, s13, $0x38;
	[tilespmem:$0x14600] =	vst v63  }
0x90: {  	s23 =	spop (v2sf);
	(v2sf) =	vpush v20, $0x3;
	s1 =	sadd.s32 s0, s11  }
0x91: {  	[tilespmem:s14], [sflag:$0x1] =	stream.strided.gather [hbm4b:s1+s13], $0x1000, s12, s13, $0x38;
	[tilespmem:$0x14600] =	vst v63  }
0x92: {  	s25 =	spop (v2sf);
	s1 =	sand.u32 $0xFFFFF80, s23  }
0x93: {  	s3 =	sand.u32 $0xFFFFF80, s25;
	s1 =	sadd.s32 s30, s1  }
0x94: {  	[tilespmem:s26], [sflag:$0x1] =	stream.strided.gather [hbm4b:s1+s13], $0x1000, s12, s13, $0x38;
	[tilespmem:$0x14600] =	vst v63  }
0x95: {  	s7 =	simm.s32 $0x9400;
	s1 =	sadd.s32 s0, s3  }
0x96: {  	[tilespmem:s7], [sflag:$0x1] =	stream.strided.gather [hbm4b:s1+s13], $0x1000, s12, s13, $0x38;
	[tilespmem:$0x14600] =	vst v63  }
0x97: {  	s1 =	spop (v2sf)  }
0x98: {  	s11 =	sshrl.u32 s1, $0x3  }
0x99: {  	s12 =	sadd.s32 $0x12410, s16;
	s3 =	spop (v2sf);
	s2 =	sadd.s32 s21, s11  }
0x9a: {  	[tilespmem:s12], [sflag:$0x5] =	stream.linear.gather [hbm4b:s2+s24], $0x8, $0x38;
	[tilespmem:$0x14600] =	vst v63  }
0x9b: {  	[dreg:$0x10] =	wrdreg s23;
	s23 =	sshrl.u32 s3, $0x3  }
0x9c: {  	[dreg:$0x11] =	wrdreg s25;
	s25 =	sadd.s32 $0x13410, s16;
	s2 =	sadd.s32 s6, s23  }
0x9d: {  	[tilespmem:s25], [sflag:$0x5] =	stream.linear.gather [hbm4b:s2+s24], $0x8, $0x38;
	[tilespmem:$0x14600] =	vst v63  }
0x9e: {  	s2 =	spop (v2sf)  }
0x9f: {  	s7 =	sadd.s32 $0x12418, s16;
	s26 =	sshrl.u32 s2, $0x3;
	s23 =	spop (v2sf)  }
0xa0: {  	s12 =	simm.s32 $0x0;
	s11 =	sadd.s32 s21, s26;
	s25 =	sshrl.u32 s23, $0x3  }
0xa1: {  	[tilespmem:s7], [sflag:$0x5] =	stream.linear.gather [hbm4b:s11+s12], $0x8, $0x38;
	[tilespmem:$0x14600] =	vst v63  }
0xa2: {  	s26 =	sadd.s32 $0x13418, s16;
	s11 =	sadd.s32 s6, s25  }
0xa3: {  	[tilespmem:s26], [sflag:$0x5] =	stream.linear.gather [hbm4b:s11+s12], $0x8, $0x38;
	[tilespmem:$0x14600] =	vst v63  }
0xa4: {  	_ =	swait.ge [sflag:s22], $0x1000  }
0xa5: {  	[sflag:s22] =	ssyncset.done $0x0  }
0xa6: {  	[sflag:s22] =	ssyncadd.s32 $0xFFFFF000  }
0xa7: {  	_ =	swait.ge [sflag:s22], $0x1000  }
0xa8: {  	[sflag:s22] =	ssyncset.done $0x0  }
0xa9: {  	[sflag:s22] =	ssyncadd.s32 $0xFFFFF000  }
0xaa: {  	s1 =	sand.u32 $0x7F, s1;
	_ =	swait.ge [sflag:s22], $0x1000  }
0xab: {  	v55 =	vor.u32 s1, v5;
	[sflag:s22] =	ssyncset.done $0x0  }
0xac: {  	v56 =	vor.u32 s1, v6;
	s3 =	sand.u32 $0x7F, s3;
	[sflag:s22] =	ssyncadd.s32 $0xFFFFF000  }
0xad: {  	v57 =	vor.u32 s3, v5;
	_ =	swait.ge [sflag:s22], $0x1000  }
0xae: {  	v58 =	vor.u32 s3, v6;
	[sflag:s22] =	ssyncset.done $0x0  }
0xaf: {  	[sflag:s22] =	ssyncadd.s32 $0xFFFFF000  }
0xb0: {  	v22 =	vld.idx.msk [tilespmem:v55+s13+$0x0], $0xffff  }
0xb1: {  	v23 =	vld.idx.msk [tilespmem:v56+s13+$0x0], $0xffff  }
0xb2: {  	v24 =	vld.idx.msk [tilespmem:v57+s14+$0x0], $0xffff  }
0xb3: {  	v25 =	vld.idx.msk [tilespmem:v58+s14+$0x0], $0xffff;
	_ =	sdelay $0x2  }
0xb4: {  	s7 =	sadd.s32 $0xFFFFFFF3, s8;
	(v2sf) =	vpush v21, $0xA  }
0xb5: {  	v59 =	vor.u32 s7, v2;
	s11 =	sand.u32 $0x7F, s2  }
0xb6: {  	v60 =	vor.u32 s11, v7;
	v22 =	vmul.f32 v24, v22;
	v23 =	vmul.f32 v25, v23  }
0xb7: {  	s23 =	sand.u32 $0x7F, s23;
	v61 =	vor.u32 s11, v8;
	(v2sf) =	vpush v20, $0xA  }
0xb8: {  	v62 =	vor.u32 s23, v7;
	v22 =	vadd.f32 v23, v22  }
0xb9: {  	v63 =	vor.u32 s23, v8  }
0xba: {  	(v2sf) =	vpush v21, $0xB;
	[tilespmem:v59+s31+$0x0] =	vst.idx.msk $0xffff, v22  }
0xbb: {  	v22 =	vld.idx.msk [tilespmem:v60+s13+$0x0], $0xffff  }
0xbc: {  	(v2sf) =	vpush v20, $0xB;
	v24 =	vld.idx.msk [tilespmem:v61+s13+$0x0], $0xffff  }
0xbd: {  	v23 =	vld.idx.msk [tilespmem:v62+s14+$0x0], $0xffff  }
0xbe: {  	v29 =	vld.idx.msk [tilespmem:v63+s14+$0x0], $0xffff;
	_ =	sdelay $0x2  }
0xbf: {  	s24 =	sadd.s32 $0xFFFFFFF4, s8;
	(v2sf) =	vpush v21, $0x4  }
0xc0: {  	v30 =	vor.u32 s24, v2  }
0xc1: {  	s31 =	spop (v2sf);
	(v2sf) =	vpush v20, $0x4;
	v22 =	vmul.f32 v23, v22;
	v31 =	vmul.f32 v29, v24;
	_ =	sdelay $0x1  }
0xc2: {  	v22 =	vadd.f32 v31, v22  }
0xc3: {  	s2 =	simm.s32 $0x10400;
	s25 =	sand.u32 $0xFFFFF80, s31;
	s23 =	spop (v2sf)  }
0xc4: {  	s26 =	simm.s32 $0x2400;
	s1 =	sadd.s32 s30, s25;
	s3 =	sand.u32 $0xFFFFF80, s23;
	[tilespmem:v30+s2+$0x0] =	vst.idx.msk $0xffff, v22  }
0xc5: {  	(v2sf) =	vpush v21, $0x5;
	[tilespmem:s26], [sflag:$0x2] =	stream.strided.gather [hbm4b:s1+s13], $0x1000, s9, s13, $0x38;
	[tilespmem:$0x14600] =	vst v63  }
0xc6: {  	s7 =	simm.s32 $0xA400;
	s11 =	spop (v2sf);
	s1 =	sadd.s32 s0, s3  }
0xc7: {  	(v2sf) =	vpush v20, $0x5;
	[tilespmem:s7], [sflag:$0x2] =	stream.strided.gather [hbm4b:s1+s13], $0x1000, s9, s13, $0x38;
	[tilespmem:$0x14600] =	vst v63  }
0xc8: {  	s1 =	sand.u32 $0xFFFFF80, s11;
	s7 =	spop (v2sf)  }
0xc9: {  	s24 =	simm.s32 $0x3400;
	s1 =	sadd.s32 s30, s1;
	s25 =	sand.u32 $0xFFFFF80, s7  }
0xca: {  	[tilespmem:s24], [sflag:$0x2] =	stream.strided.gather [hbm4b:s1+s13], $0x1000, s9, s13, $0x38;
	[tilespmem:$0x14600] =	vst v63  }
0xcb: {  	s26 =	simm.s32 $0xB400;
	s1 =	sadd.s32 s0, s25  }
0xcc: {  	[tilespmem:s26], [sflag:$0x2] =	stream.strided.gather [hbm4b:s1+s13], $0x1000, s9, s13, $0x38;
	[tilespmem:$0x14600] =	vst v63  }
0xcd: {  	[dreg:$0x12] =	wrdreg s11;
	s1 =	spop (v2sf)  }
0xce: {  	[dreg:$0x13] =	wrdreg s7;
	s7 =	sshrl.u32 s1, $0x3  }
0xcf: {  	s24 =	sadd.s32 $0x12420, s16;
	s11 =	spop (v2sf);
	s3 =	sadd.s32 s21, s7  }
0xd0: {  	[tilespmem:s24], [sflag:$0x5] =	stream.linear.gather [hbm4b:s3+s12], $0x8, $0x38;
	[tilespmem:$0x14600] =	vst v63  }
0xd1: {  	s25 =	sshrl.u32 s11, $0x3  }
0xd2: {  	s26 =	sadd.s32 $0x13420, s16;
	s3 =	sadd.s32 s6, s25  }
0xd3: {  	[tilespmem:s26], [sflag:$0x5] =	stream.linear.gather [hbm4b:s3+s12], $0x8, $0x38;
	[tilespmem:$0x14600] =	vst v63  }
0xd4: {  	s3 =	spop (v2sf)  }
0xd5: {  	s7 =	sshrl.u32 s3, $0x3  }
0xd6: {  	s24 =	sadd.s32 $0x12428, s16;
	s26 =	spop (v2sf);
	s25 =	sadd.s32 s21, s7  }
0xd7: {  	[tilespmem:s24], [sflag:$0x5] =	stream.linear.gather [hbm4b:s25+s12], $0x8, $0x38;
	[tilespmem:$0x14600] =	vst v63  }
0xd8: {  	s25 =	sshrl.u32 s26, $0x3  }
0xd9: {  	s24 =	sadd.s32 $0x13428, s16;
	s7 =	sadd.s32 s6, s25  }
0xda: {  	[tilespmem:s24], [sflag:$0x5] =	stream.linear.gather [hbm4b:s7+s12], $0x8, $0x38;
	[tilespmem:$0x14600] =	vst v63  }
0xdb: {  	_ =	swait.ge [sflag:s4], $0x1000  }
0xdc: {  	[sflag:s4] =	ssyncset.done $0x0  }
0xdd: {  	[sflag:s4] =	ssyncadd.s32 $0xFFFFF000  }
0xde: {  	_ =	swait.ge [sflag:s4], $0x1000  }
0xdf: {  	[sflag:s4] =	ssyncset.done $0x0  }
0xe0: {  	[sflag:s4] =	ssyncadd.s32 $0xFFFFF000  }
0xe1: {  	s1 =	sand.u32 $0x7F, s1;
	_ =	swait.ge [sflag:s4], $0x1000  }
0xe2: {  	v32 =	vor.u32 s1, v9;
	[sflag:s4] =	ssyncset.done $0x0  }
0xe3: {  	v33 =	vor.u32 s1, v10;
	s25 =	sand.u32 $0x7F, s11;
	[sflag:s4] =	ssyncadd.s32 $0xFFFFF000  }
0xe4: {  	v34 =	vor.u32 s25, v9;
	_ =	swait.ge [sflag:s4], $0x1000  }
0xe5: {  	v35 =	vor.u32 s25, v10;
	[sflag:s4] =	ssyncset.done $0x0  }
0xe6: {  	[sflag:s4] =	ssyncadd.s32 $0xFFFFF000  }
0xe7: {  	v22 =	vld.idx.msk [tilespmem:v32+s13+$0x0], $0xffff  }
0xe8: {  	v23 =	vld.idx.msk [tilespmem:v33+s13+$0x0], $0xffff  }
0xe9: {  	v24 =	vld.idx.msk [tilespmem:v34+s14+$0x0], $0xffff  }
0xea: {  	v25 =	vld.idx.msk [tilespmem:v35+s14+$0x0], $0xffff;
	_ =	sdelay $0x2  }
0xeb: {  	s11 =	sadd.s32 $0xFFFFFFF5, s8;
	s24 =	sand.u32 $0x7F, s3  }
0xec: {  	v36 =	vor.u32 s11, v2;
	v37 =	vor.u32 s24, v11  }
0xed: {  	(v2sf) =	vpush v21, $0xC;
	v22 =	vmul.f32 v24, v22;
	v23 =	vmul.f32 v25, v23  }
0xee: {  	s25 =	sand.u32 $0x7F, s26;
	v38 =	vor.u32 s24, v12;
	(v2sf) =	vpush v20, $0xC  }
0xef: {  	v39 =	vor.u32 s25, v11;
	v22 =	vadd.f32 v23, v22  }
0xf0: {  	v40 =	vor.u32 s25, v12  }
0xf1: {  	[tilespmem:v36+s2+$0x0] =	vst.idx.msk $0xffff, v22  }
0xf2: {  	v22 =	vld.idx.msk [tilespmem:v37+s13+$0x0], $0xffff  }
0xf3: {  	(v2sf) =	vpush v21, $0xD;
	v24 =	vld.idx.msk [tilespmem:v38+s13+$0x0], $0xffff  }
0xf4: {  	(v2sf) =	vpush v20, $0xD;
	v23 =	vld.idx.msk [tilespmem:v39+s14+$0x0], $0xffff  }
0xf5: {  	v41 =	vld.idx.msk [tilespmem:v40+s14+$0x0], $0xffff;
	_ =	sdelay $0x2  }
0xf6: {  	s26 =	sadd.s32 $0xFFFFFFF6, s8  }
0xf7: {  	v42 =	vor.u32 s26, v2  }
0xf8: {  	v22 =	vmul.f32 v23, v22;
	v43 =	vmul.f32 v41, v24;
	_ =	sdelay $0x1  }
0xf9: {  	s25 =	spop (v2sf);
	v22 =	vadd.f32 v43, v22  }
0xfa: {  	s3 =	sand.u32 $0xFFFFF80, s25;
	s11 =	spop (v2sf)  }
0xfb: {  	s7 =	simm.s32 $0x4400;
	s1 =	sadd.s32 s30, s3;
	s24 =	sand.u32 $0xFFFFF80, s11;
	[tilespmem:v42+s2+$0x0] =	vst.idx.msk $0xffff, v22  }
0xfc: {  	[tilespmem:s7], [sflag:$0x3] =	stream.strided.gather [hbm4b:s1+s13], $0x1000, s9, s13, $0x38;
	[tilespmem:$0x14600] =	vst v63  }
0xfd: {  	s26 =	simm.s32 $0xC400;
	s1 =	sadd.s32 s0, s24  }
0xfe: {  	[tilespmem:s26], [sflag:$0x3] =	stream.strided.gather [hbm4b:s1+s13], $0x1000, s9, s13, $0x38;
	[tilespmem:$0x14600] =	vst v63  }
0xff: {  	s1 =	spop (v2sf)  }
0x100: {  	s3 =	sand.u32 $0xFFFFF80, s1;
	s24 =	spop (v2sf)  }
0x101: {  	s26 =	simm.s32 $0x5400;
	s7 =	sadd.s32 s30, s3;
	s3 =	sand.u32 $0xFFFFF80, s24  }
0x102: {  	[tilespmem:s26], [sflag:$0x3] =	stream.strided.gather [hbm4b:s7+s13], $0x1000, s9, s13, $0x38;
	[tilespmem:$0x14600] =	vst v63  }
0x103: {  	s7 =	sadd.s32 s0, s3;
	s26 =	simm.s32 $0xD400  }
0x104: {  	[tilespmem:s26], [sflag:$0x3] =	stream.strided.gather [hbm4b:s7+s13], $0x1000, s9, s13, $0x38;
	[tilespmem:$0x14600] =	vst v63  }
0x105: {  	s26 =	sshrl.u32 s18, $0x3  }
0x106: {  	s3 =	sadd.s32 $0x12430, s16;
	s7 =	sadd.s32 s21, s26;
	s26 =	sshrl.u32 s28, $0x3  }
0x107: {  	[tilespmem:s3], [sflag:$0x5] =	stream.linear.gather [hbm4b:s7+s12], $0x8, $0x38;
	[tilespmem:$0x14600] =	vst v63  }
0x108: {  	s3 =	sadd.s32 $0x13430, s16;
	s7 =	sadd.s32 s6, s26;
	s26 =	sshrl.u32 s17, $0x3  }
0x109: {  	[tilespmem:s3], [sflag:$0x5] =	stream.linear.gather [hbm4b:s7+s12], $0x8, $0x38;
	[tilespmem:$0x14600] =	vst v63  }
0x10a: {  	s3 =	sadd.s32 $0x12438, s16;
	s7 =	sadd.s32 s21, s26;
	s26 =	sshrl.u32 s29, $0x3  }
0x10b: {  	[tilespmem:s3], [sflag:$0x5] =	stream.linear.gather [hbm4b:s7+s12], $0x8, $0x38;
	[tilespmem:$0x14600] =	vst v63  }
0x10c: {  	s5 =	simm.s32 $0x4;
	s3 =	sadd.s32 $0x13438, s16;
	s7 =	sadd.s32 s6, s26  }
0x10d: {  	[tilespmem:s3], [sflag:$0x5] =	stream.linear.gather [hbm4b:s7+s12], $0x8, $0x38;
	[tilespmem:$0x14600] =	vst v63  }
0x10e: {  	_ =	swait.ge [sflag:s5], $0x1000  }
0x10f: {  	[sflag:s5] =	ssyncset.done $0x0  }
0x110: {  	[sflag:s5] =	ssyncadd.s32 $0xFFFFF000  }
0x111: {  	_ =	swait.ge [sflag:s5], $0x1000  }
0x112: {  	[sflag:s5] =	ssyncset.done $0x0  }
0x113: {  	[sflag:s5] =	ssyncadd.s32 $0xFFFFF000  }
0x114: {  	s26 =	sand.u32 $0x7F, s18;
	_ =	swait.ge [sflag:s5], $0x1000  }
0x115: {  	v44 =	vor.u32 s26, v13;
	[sflag:s5] =	ssyncset.done $0x0  }
0x116: {  	v45 =	vor.u32 s26, v14;
	s3 =	sand.u32 $0x7F, s28;
	[sflag:s5] =	ssyncadd.s32 $0xFFFFF000  }
0x117: {  	v46 =	vor.u32 s3, v13;
	_ =	swait.ge [sflag:s5], $0x1000  }
0x118: {  	v47 =	vor.u32 s3, v14;
	[sflag:s5] =	ssyncset.done $0x0  }
0x119: {  	[sflag:s5] =	ssyncadd.s32 $0xFFFFF000  }
0x11a: {  	v22 =	vld.idx.msk [tilespmem:v44+s13+$0x0], $0xffff  }
0x11b: {  	v23 =	vld.idx.msk [tilespmem:v45+s13+$0x0], $0xffff  }
0x11c: {  	v24 =	vld.idx.msk [tilespmem:v46+s14+$0x0], $0xffff  }
0x11d: {  	v25 =	vld.idx.msk [tilespmem:v47+s14+$0x0], $0xffff;
	_ =	sdelay $0x2  }
0x11e: {  	s26 =	sadd.s32 $0xFFFFFFF7, s8;
	s28 =	sand.u32 $0x7F, s17  }
0x11f: {  	v48 =	vor.u32 s26, v2;
	v49 =	vor.u32 s28, v15  }
0x120: {  	(v2sf) =	vpush v21, $0xE;
	v22 =	vmul.f32 v24, v22;
	v23 =	vmul.f32 v25, v23  }
0x121: {  	s29 =	sand.u32 $0x7F, s29;
	v50 =	vor.u32 s28, v16;
	(v2sf) =	vpush v20, $0xE  }
0x122: {  	v51 =	vor.u32 s29, v15;
	(v2sf) =	vpush v21, $0xF;
	v22 =	vadd.f32 v23, v22  }
0x123: {  	v52 =	vor.u32 s29, v16  }
0x124: {  	(v2sf) =	vpush v20, $0xF;
	[tilespmem:v48+s2+$0x0] =	vst.idx.msk $0xffff, v22  }
0x125: {  	v22 =	vld.idx.msk [tilespmem:v49+s13+$0x0], $0xffff  }
0x126: {  	v24 =	vld.idx.msk [tilespmem:v50+s13+$0x0], $0xffff  }
0x127: {  	v23 =	vld.idx.msk [tilespmem:v51+s14+$0x0], $0xffff  }
0x128: {  	v53 =	vld.idx.msk [tilespmem:v52+s14+$0x0], $0xffff;
	_ =	sdelay $0x2  }
0x129: {  	s3 =	sadd.s32 $0xFFFFFFF8, s8  }
0x12a: {  	v54 =	vor.u32 s3, v2  }
0x12b: {  	v22 =	vmul.f32 v23, v22;
	v21 =	vmul.f32 v53, v24;
	_ =	sdelay $0x1  }
0x12c: {  	s3 =	spop (v2sf);
	v21 =	vadd.f32 v21, v22  }
0x12d: {  	s26 =	simm.s32 $0x6400;
	s17 =	sand.u32 $0xFFFFF80, s3;
	s18 =	spop (v2sf)  }
0x12e: {  	s7 =	sadd.s32 s30, s17;
	s28 =	sand.u32 $0xFFFFF80, s18;
	s17 =	spop (v2sf);
	[tilespmem:v54+s2+$0x0] =	vst.idx.msk $0xffff, v21  }
0x12f: {  	[tilespmem:s26], [sflag:$0x4] =	stream.strided.gather [hbm4b:s7+s13], $0x1000, s9, s13, $0x38;
	[tilespmem:$0x14600] =	vst v63  }
0x130: {  	s7 =	sadd.s32 s0, s28;
	s28 =	spop (v2sf)  }
0x131: {  	s29 =	simm.s32 $0xE400;
	s26 =	sand.u32 $0xFFFFF80, s17;
	[dreg:$0x14] =	wrdreg s28  }
0x132: {  	[tilespmem:s29], [sflag:$0x4] =	stream.strided.gather [hbm4b:s7+s13], $0x1000, s9, s13, $0x38;
	[tilespmem:$0x14600] =	vst v63  }
0x133: {  	s28 =	sand.u32 $0xFFFFF80, s28;
	s7 =	sadd.s32 s30, s26;
	s29 =	simm.s32 $0x7400  }
0x134: {  	[tilespmem:s29], [sflag:$0x4] =	stream.strided.gather [hbm4b:s7+s13], $0x1000, s9, s13, $0x38;
	[tilespmem:$0x14600] =	vst v63  }
0x135: {  	s7 =	sadd.s32 s0, s28;
	s29 =	simm.s32 $0xF400;
	s28 =	sshrl.u32 s19, $0x3  }
0x136: {  	[tilespmem:s29], [sflag:$0x4] =	stream.strided.gather [hbm4b:s7+s13], $0x1000, s9, s13, $0x38;
	[tilespmem:$0x14600] =	vst v63  }
0x137: {  	s29 =	sadd.s32 $0x12440, s16;
	s7 =	sadd.s32 s21, s28;
	s28 =	sshrl.u32 s20, $0x3  }
0x138: {  	[tilespmem:s29], [sflag:$0x5] =	stream.linear.gather [hbm4b:s7+s12], $0x8, $0x38;
	[tilespmem:$0x14600] =	vst v63  }
0x139: {  	s7 =	sadd.s32 s6, s28;
	s28 =	rddreg [dreg:$0x10]  }
0x13a: {  	s29 =	sadd.s32 $0x13440, s16;
	s26 =	sshrl.u32 s28, $0x3  }
0x13b: {  	[tilespmem:s29], [sflag:$0x5] =	stream.linear.gather [hbm4b:s7+s12], $0x8, $0x38;
	[tilespmem:$0x14600] =	vst v63  }
0x13c: {  	s29 =	sadd.s32 $0x12448, s16;
	s7 =	sadd.s32 s21, s26  }
0x13d: {  	[tilespmem:s29], [sflag:$0x5] =	stream.linear.gather [hbm4b:s7+s12], $0x8, $0x38;
	[tilespmem:$0x14600] =	vst v63  }
0x13e: {  	s29 =	rddreg [dreg:$0x11]  }
0x13f: {  	s7 =	sshrl.u32 s29, $0x3  }
0x140: {  	s26 =	sadd.s32 $0x13448, s16;
	s7 =	sadd.s32 s6, s7  }
0x141: {  	[tilespmem:s26], [sflag:$0x5] =	stream.linear.gather [hbm4b:s7+s12], $0x8, $0x38;
	[tilespmem:$0x14600] =	vst v63  }
0x142: {  	_ =	swait.ge [sflag:s15], $0x1000  }
0x143: {  	[sflag:s15] =	ssyncset.done $0x0  }
0x144: {  	[sflag:s15] =	ssyncadd.s32 $0xFFFFF000  }
0x145: {  	_ =	swait.ge [sflag:s15], $0x1000  }
0x146: {  	[sflag:s15] =	ssyncset.done $0x0  }
0x147: {  	[sflag:s15] =	ssyncadd.s32 $0xFFFFF000  }
0x148: {  	s19 =	sand.u32 $0x7F, s19;
	_ =	swait.ge [sflag:s15], $0x1000  }
0x149: {  	v55 =	vor.u32 s19, v0;
	[sflag:s15] =	ssyncset.done $0x0  }
0x14a: {  	v56 =	vor.u32 s19, v1;
	s19 =	sand.u32 $0x7F, s20;
	[sflag:s15] =	ssyncadd.s32 $0xFFFFF000  }
0x14b: {  	v57 =	vor.u32 s19, v0;
	_ =	swait.ge [sflag:s15], $0x1000  }
0x14c: {  	v58 =	vor.u32 s19, v1;
	[sflag:s15] =	ssyncset.done $0x0  }
0x14d: {  	[sflag:s15] =	ssyncadd.s32 $0xFFFFF000  }
0x14e: {  	v20 =	vld.idx.msk [tilespmem:v55+s13+$0x0], $0xffff  }
0x14f: {  	v21 =	vld.idx.msk [tilespmem:v56+s13+$0x0], $0xffff  }
0x150: {  	v22 =	vld.idx.msk [tilespmem:v57+s14+$0x0], $0xffff  }
0x151: {  	v23 =	vld.idx.msk [tilespmem:v58+s14+$0x0], $0xffff;
	_ =	sdelay $0x2  }
0x152: {  	s20 =	sadd.s32 $0xFFFFFFF9, s8;
	s28 =	sand.u32 $0x7F, s28  }
0x153: {  	v59 =	vor.u32 s20, v2;
	v60 =	vor.u32 s28, v3  }
0x154: {  	(v2sf) =	vpush v19, $0x0;
	v20 =	vmul.f32 v22, v20;
	v21 =	vmul.f32 v23, v21  }
0x155: {  	v61 =	vor.u32 s28, v4;
	s29 =	sand.u32 $0x7F, s29  }
0x156: {  	v62 =	vor.u32 s29, v3;
	(v2sf) =	vpush v18, $0x0;
	v20 =	vadd.f32 v21, v20  }
0x157: {  	v63 =	vor.u32 s29, v4  }
0x158: {  	[tilespmem:v59+s2+$0x0] =	vst.idx.msk $0xffff, v20  }
0x159: {  	(v2sf) =	vpush v19, $0x1;
	v20 =	vld.idx.msk [tilespmem:v60+s13+$0x0], $0xffff  }
0x15a: {  	v28 =	vld.idx.msk [tilespmem:v61+s13+$0x0], $0xffff  }
0x15b: {  	v21 =	vld.idx.msk [tilespmem:v62+s14+$0x0], $0xffff  }
0x15c: {  	(v2sf) =	vpush v18, $0x1;
	v29 =	vld.idx.msk [tilespmem:v63+s14+$0x0], $0xffff;
	_ =	sdelay $0x2  }
0x15d: {  	s28 =	sadd.s32 $0xFFFFFFFA, s8  }
0x15e: {  	v30 =	vor.u32 s28, v2  }
0x15f: {  	v20 =	vmul.f32 v21, v20;
	v31 =	vmul.f32 v29, v28;
	_ =	sdelay $0x1  }
0x160: {  	s29 =	spop (v2sf);
	v20 =	vadd.f32 v31, v20  }
0x161: {  	s7 =	sand.u32 $0xFFFFF80, s29  }
0x162: {  	s7 =	sadd.s32 s30, s7;
	[tilespmem:v30+s2+$0x0] =	vst.idx.msk $0xffff, v20;
	s2 =	spop (v2sf)  }
0x163: {  	[tilespmem:s13], [sflag:$0x1] =	stream.strided.gather [hbm4b:s7+s13], $0x1000, s9, s13, $0x38;
	[tilespmem:$0x14600] =	vst v63  }
0x164: {  	s7 =	sand.u32 $0xFFFFF80, s2  }
0x165: {  	s19 =	spop (v2sf);
	s7 =	sadd.s32 s0, s7  }
0x166: {  	[tilespmem:s14], [sflag:$0x1] =	stream.strided.gather [hbm4b:s7+s13], $0x1000, s9, s13, $0x38;
	[tilespmem:$0x14600] =	vst v63  }
0x167: {  	s7 =	sand.u32 $0xFFFFF80, s19  }
0x168: {  	s26 =	simm.s32 $0x1400;
	s28 =	spop (v2sf);
	s7 =	sadd.s32 s30, s7  }
0x169: {  	[tilespmem:s26], [sflag:$0x1] =	stream.strided.gather [hbm4b:s7+s13], $0x1000, s9, s13, $0x38;
	[tilespmem:$0x14600] =	vst v63  }
0x16a: {  	s20 =	smov.u32 s0;
	s7 =	sand.u32 $0xFFFFF80, s28  }
0x16b: {  	s29 =	simm.s32 $0x9400;
	s7 =	sadd.s32 s0, s7;
	s0 =	sshrl.u32 s31, $0x3  }
0x16c: {  	[tilespmem:s29], [sflag:$0x1] =	stream.strided.gather [hbm4b:s7+s13], $0x1000, s9, s13, $0x38;
	[tilespmem:$0x14600] =	vst v63  }
0x16d: {  	s2 =	sadd.s32 $0x12450, s16;
	s19 =	sshrl.u32 s23, $0x3;
	s7 =	sadd.s32 s21, s0  }
0x16e: {  	[tilespmem:s2], [sflag:$0x5] =	stream.linear.gather [hbm4b:s7+s12], $0x8, $0x38;
	[tilespmem:$0x14600] =	vst v63  }
0x16f: {  	s28 =	sadd.s32 $0x13450, s16;
	s0 =	rddreg [dreg:$0x12];
	s7 =	sadd.s32 s6, s19  }
0x170: {  	[tilespmem:s28], [sflag:$0x5] =	stream.linear.gather [hbm4b:s7+s12], $0x8, $0x38;
	[tilespmem:$0x14600] =	vst v63  }
0x171: {  	s29 =	sshrl.u32 s0, $0x3;
	s28 =	rddreg [dreg:$0x13]  }
0x172: {  	s2 =	sadd.s32 $0x12458, s16;
	s7 =	sadd.s32 s21, s29;
	s19 =	sshrl.u32 s28, $0x3  }
0x173: {  	[tilespmem:s2], [sflag:$0x5] =	stream.linear.gather [hbm4b:s7+s12], $0x8, $0x38;
	[tilespmem:$0x14600] =	vst v63  }
0x174: {  	s29 =	sadd.s32 $0x13458, s16;
	s7 =	sadd.s32 s6, s19  }
0x175: {  	[tilespmem:s29], [sflag:$0x5] =	stream.linear.gather [hbm4b:s7+s12], $0x8, $0x38;
	[tilespmem:$0x14600] =	vst v63  }
0x176: {  	_ =	swait.ge [sflag:s22], $0x1000  }
0x177: {  	[sflag:s22] =	ssyncset.done $0x0  }
0x178: {  	[sflag:s22] =	ssyncadd.s32 $0xFFFFF000  }
0x179: {  	_ =	swait.ge [sflag:s22], $0x1000  }
0x17a: {  	[sflag:s22] =	ssyncset.done $0x0  }
0x17b: {  	[sflag:s22] =	ssyncadd.s32 $0xFFFFF000  }
0x17c: {  	s2 =	sand.u32 $0x7F, s31;
	_ =	swait.ge [sflag:s22], $0x1000  }
0x17d: {  	v32 =	vor.u32 s2, v5;
	[sflag:s22] =	ssyncset.done $0x0  }
0x17e: {  	s23 =	sand.u32 $0x7F, s23;
	v33 =	vor.u32 s2, v6;
	[sflag:s22] =	ssyncadd.s32 $0xFFFFF000  }
0x17f: {  	v34 =	vor.u32 s23, v5;
	_ =	swait.ge [sflag:s22], $0x1000  }
0x180: {  	v35 =	vor.u32 s23, v6;
	[sflag:s22] =	ssyncset.done $0x0  }
0x181: {  	[sflag:s22] =	ssyncadd.s32 $0xFFFFF000  }
0x182: {  	v20 =	vld.idx.msk [tilespmem:v32+s13+$0x0], $0xffff  }
0x183: {  	v21 =	vld.idx.msk [tilespmem:v33+s13+$0x0], $0xffff  }
0x184: {  	v22 =	vld.idx.msk [tilespmem:v34+s14+$0x0], $0xffff  }
0x185: {  	v23 =	vld.idx.msk [tilespmem:v35+s14+$0x0], $0xffff;
	_ =	sdelay $0x2  }
0x186: {  	s29 =	sadd.s32 $0xFFFFFFFB, s8;
	s7 =	sand.u32 $0x7F, s0  }
0x187: {  	v36 =	vor.u32 s29, v2;
	v37 =	vor.u32 s7, v7  }
0x188: {  	(v2sf) =	vpush v19, $0x2;
	v20 =	vmul.f32 v22, v20;
	v21 =	vmul.f32 v23, v21  }
0x189: {  	s28 =	sand.u32 $0x7F, s28;
	v38 =	vor.u32 s7, v8  }
0x18a: {  	v39 =	vor.u32 s28, v7;
	(v2sf) =	vpush v18, $0x2;
	v20 =	vadd.f32 v21, v20  }
0x18b: {  	s31 =	simm.s32 $0x10400;
	v40 =	vor.u32 s28, v8  }
0x18c: {  	[tilespmem:v36+s31+$0x0] =	vst.idx.msk $0xffff, v20  }
0x18d: {  	(v2sf) =	vpush v19, $0x3;
	v20 =	vld.idx.msk [tilespmem:v37+s13+$0x0], $0xffff  }
0x18e: {  	v41 =	vld.idx.msk [tilespmem:v38+s13+$0x0], $0xffff  }
0x18f: {  	v21 =	vld.idx.msk [tilespmem:v39+s14+$0x0], $0xffff  }
0x190: {  	(v2sf) =	vpush v18, $0x3;
	v42 =	vld.idx.msk [tilespmem:v40+s14+$0x0], $0xffff;
	_ =	sdelay $0x2  }
0x191: {  	s29 =	sadd.s32 $0xFFFFFFFC, s8  }
0x192: {  	v43 =	vor.u32 s29, v2  }
0x193: {  	v20 =	vmul.f32 v21, v20;
	v44 =	vmul.f32 v42, v41;
	_ =	sdelay $0x1  }
0x194: {  	s0 =	spop (v2sf);
	v20 =	vadd.f32 v44, v20  }
0x195: {  	s19 =	smov.u32 s30;
	s2 =	sand.u32 $0xFFFFF80, s0  }
0x196: {  	s7 =	simm.s32 $0x2400;
	s28 =	spop (v2sf);
	s2 =	sadd.s32 s19, s2;
	[tilespmem:v43+s31+$0x0] =	vst.idx.msk $0xffff, v20  }
0x197: {  	[tilespmem:s7], [sflag:$0x2] =	stream.strided.gather [hbm4b:s2+s13], $0x1000, s9, s13, $0x38;
	[tilespmem:$0x14600] =	vst v63  }
0x198: {  	s2 =	sand.u32 $0xFFFFF80, s28  }
0x199: {  	s29 =	simm.s32 $0xA400;
	s0 =	spop (v2sf);
	s2 =	sadd.s32 s20, s2  }
0x19a: {  	[tilespmem:s29], [sflag:$0x2] =	stream.strided.gather [hbm4b:s2+s13], $0x1000, s9, s13, $0x38;
	[tilespmem:$0x14600] =	vst v63  }
0x19b: {  	s2 =	sand.u32 $0xFFFFF80, s0  }
0x19c: {  	s7 =	simm.s32 $0x3400;
	s28 =	spop (v2sf);
	s2 =	sadd.s32 s19, s2  }
0x19d: {  	[tilespmem:s7], [sflag:$0x2] =	stream.strided.gather [hbm4b:s2+s13], $0x1000, s9, s13, $0x38;
	[tilespmem:$0x14600] =	vst v63  }
0x19e: {  	s2 =	sand.u32 $0xFFFFF80, s28  }
0x19f: {  	s29 =	simm.s32 $0xB400;
	s7 =	sshrl.u32 s25, $0x3;
	s2 =	sadd.s32 s20, s2  }
0x1a0: {  	[tilespmem:s29], [sflag:$0x2] =	stream.strided.gather [hbm4b:s2+s13], $0x1000, s9, s13, $0x38;
	[tilespmem:$0x14600] =	vst v63  }
0x1a1: {  	s28 =	sadd.s32 $0x12460, s16;
	s2 =	sadd.s32 s21, s7;
	s29 =	sshrl.u32 s11, $0x3  }
0x1a2: {  	[tilespmem:s28], [sflag:$0x5] =	stream.linear.gather [hbm4b:s2+s12], $0x8, $0x38;
	[tilespmem:$0x14600] =	vst v63  }
0x1a3: {  	s0 =	sadd.s32 $0x13460, s16;
	s7 =	sshrl.u32 s1, $0x3;
	s2 =	sadd.s32 s6, s29  }
0x1a4: {  	[tilespmem:s0], [sflag:$0x5] =	stream.linear.gather [hbm4b:s2+s12], $0x8, $0x38;
	[tilespmem:$0x14600] =	vst v63  }
0x1a5: {  	s28 =	sadd.s32 $0x12468, s16;
	s29 =	sshrl.u32 s24, $0x3;
	s2 =	sadd.s32 s21, s7  }
0x1a6: {  	[tilespmem:s28], [sflag:$0x5] =	stream.linear.gather [hbm4b:s2+s12], $0x8, $0x38;
	[tilespmem:$0x14600] =	vst v63  }
0x1a7: {  	s0 =	sadd.s32 $0x13468, s16;
	s2 =	sadd.s32 s6, s29  }
0x1a8: {  	[tilespmem:s0], [sflag:$0x5] =	stream.linear.gather [hbm4b:s2+s12], $0x8, $0x38;
	[tilespmem:$0x14600] =	vst v63  }
0x1a9: {  	_ =	swait.ge [sflag:s4], $0x1000  }
0x1aa: {  	[sflag:s4] =	ssyncset.done $0x0  }
0x1ab: {  	[sflag:s4] =	ssyncadd.s32 $0xFFFFF000  }
0x1ac: {  	_ =	swait.ge [sflag:s4], $0x1000  }
0x1ad: {  	[sflag:s4] =	ssyncset.done $0x0  }
0x1ae: {  	[sflag:s4] =	ssyncadd.s32 $0xFFFFF000  }
0x1af: {  	s7 =	sand.u32 $0x7F, s25;
	_ =	swait.ge [sflag:s4], $0x1000  }
0x1b0: {  	v45 =	vor.u32 s7, v9;
	[sflag:s4] =	ssyncset.done $0x0  }
0x1b1: {  	v46 =	vor.u32 s7, v10;
	s28 =	sand.u32 $0x7F, s11;
	[sflag:s4] =	ssyncadd.s32 $0xFFFFF000  }
0x1b2: {  	v47 =	vor.u32 s28, v9;
	_ =	swait.ge [sflag:s4], $0x1000  }
0x1b3: {  	v48 =	vor.u32 s28, v10;
	[sflag:s4] =	ssyncset.done $0x0  }
0x1b4: {  	[sflag:s4] =	ssyncadd.s32 $0xFFFFF000  }
0x1b5: {  	v20 =	vld.idx.msk [tilespmem:v45+s13+$0x0], $0xffff  }
0x1b6: {  	v21 =	vld.idx.msk [tilespmem:v46+s13+$0x0], $0xffff  }
0x1b7: {  	v22 =	vld.idx.msk [tilespmem:v47+s14+$0x0], $0xffff  }
0x1b8: {  	v23 =	vld.idx.msk [tilespmem:v48+s14+$0x0], $0xffff;
	_ =	sdelay $0x2  }
0x1b9: {  	s1 =	sand.u32 $0x7F, s1;
	s29 =	sadd.s32 $0xFFFFFFFD, s8  }
0x1ba: {  	v50 =	vor.u32 s1, v11;
	v49 =	vor.u32 s29, v2  }
0x1bb: {  	(v2sf) =	vpush v19, $0x4;
	v20 =	vmul.f32 v22, v20;
	v21 =	vmul.f32 v23, v21  }
0x1bc: {  	v51 =	vor.u32 s1, v12;
	s0 =	sand.u32 $0x7F, s24;
	(v2sf) =	vpush v18, $0x4  }
0x1bd: {  	v52 =	vor.u32 s0, v11;
	(v2sf) =	vpush v19, $0x5;
	v20 =	vadd.f32 v21, v20  }
0x1be: {  	v53 =	vor.u32 s0, v12  }
0x1bf: {  	[tilespmem:v49+s31+$0x0] =	vst.idx.msk $0xffff, v20  }
0x1c0: {  	v20 =	vld.idx.msk [tilespmem:v50+s13+$0x0], $0xffff  }
0x1c1: {  	(v2sf) =	vpush v18, $0x5;
	v19 =	vld.idx.msk [tilespmem:v51+s13+$0x0], $0xffff  }
0x1c2: {  	v21 =	vld.idx.msk [tilespmem:v52+s14+$0x0], $0xffff  }
0x1c3: {  	v54 =	vld.idx.msk [tilespmem:v53+s14+$0x0], $0xffff;
	_ =	sdelay $0x2  }
0x1c4: {  	s7 =	sadd.s32 $0xFFFFFFFE, s8  }
0x1c5: {  	v18 =	vor.u32 s7, v2  }
0x1c6: {  	v20 =	vmul.f32 v21, v20;
	v19 =	vmul.f32 v54, v19;
	_ =	sdelay $0x1  }
0x1c7: {  	s29 =	simm.s32 $0x4400;
	s11 =	spop (v2sf);
	v19 =	vadd.f32 v19, v20  }
0x1c8: {  	s12 =	simm.s32 $0x7A1400;
	s1 =	sand.u32 $0xFFFFF80, s11;
	s28 =	spop (v2sf)  }
0x1c9: {  	s1 =	sadd.s32 s19, s1;
	s2 =	sand.u32 $0xFFFFF80, s28;
	s7 =	spop (v2sf);
	[tilespmem:v18+s31+$0x0] =	vst.idx.msk $0xffff, v19  }
0x1ca: {  	[tilespmem:s29], [sflag:$0x3] =	stream.strided.gather [hbm4b:s1+s13], $0x1000, s12, s13, $0x38;
	[tilespmem:$0x14600] =	vst v63  }
0x1cb: {  	s11 =	simm.s32 $0xC400;
	s28 =	sand.u32 $0xFFFFF80, s7;
	s1 =	sadd.s32 s20, s2  }
0x1cc: {  	[tilespmem:s11], [sflag:$0x3] =	stream.strided.gather [hbm4b:s1+s13], $0x1000, s12, s13, $0x38;
	[tilespmem:$0x14600] =	vst v63  }
0x1cd: {  	s29 =	simm.s32 $0x5400;
	s2 =	spop (v2sf);
	s1 =	sadd.s32 s19, s28  }
0x1ce: {  	[tilespmem:s29], [sflag:$0x3] =	stream.strided.gather [hbm4b:s1+s13], $0x1000, s12, s13, $0x38;
	[tilespmem:$0x14600] =	vst v63  }
0x1cf: {  	s24 =	simm.s32 $0x0;
	s1 =	sand.u32 $0xFFFFF80, s2  }
0x1d0: {  	s7 =	simm.s32 $0xD400;
	s11 =	sshrl.u32 s3, $0x3;
	s1 =	sadd.s32 s20, s1  }
0x1d1: {  	[tilespmem:s7], [sflag:$0x3] =	stream.strided.gather [hbm4b:s1+s13], $0x1000, s12, s13, $0x38;
	[tilespmem:$0x14600] =	vst v63  }
0x1d2: {  	s28 =	sadd.s32 $0x12470, s16;
	s29 =	sshrl.u32 s18, $0x3;
	s1 =	sadd.s32 s21, s11  }
0x1d3: {  	[tilespmem:s28], [sflag:$0x5] =	stream.linear.gather [hbm4b:s1+s24], $0x8, $0x38;
	[tilespmem:$0x14600] =	vst v63  }
0x1d4: {  	s0 =	sadd.s32 $0x13470, s16;
	s2 =	sshrl.u32 s17, $0x3;
	s1 =	sadd.s32 s6, s29  }
0x1d5: {  	[tilespmem:s0], [sflag:$0x5] =	stream.linear.gather [hbm4b:s1+s24], $0x8, $0x38;
	[tilespmem:$0x14600] =	vst v63  }
0x1d6: {  	s7 =	sadd.s32 $0x12478, s16;
	s1 =	sadd.s32 s21, s2  }
0x1d7: {  	[tilespmem:s7], [sflag:$0x5] =	stream.linear.gather [hbm4b:s1+s24], $0x8, $0x38;
	[tilespmem:$0x14600] =	vst v63  }
0x1d8: {  	s7 =	rddreg [dreg:$0x14]  }
0x1d9: {  	s11 =	sshrl.u32 s7, $0x3  }
0x1da: {  	s28 =	sadd.s32 $0x13478, s16;
	s1 =	sadd.s32 s6, s11  }
0x1db: {  	[tilespmem:s28], [sflag:$0x5] =	stream.linear.gather [hbm4b:s1+s24], $0x8, $0x38;
	[tilespmem:$0x14600] =	vst v63  }
0x1dc: {  	_ =	swait.ge [sflag:s5], $0x1000  }
0x1dd: {  	[sflag:s5] =	ssyncset.done $0x0  }
0x1de: {  	[sflag:s5] =	ssyncadd.s32 $0xFFFFF000  }
0x1df: {  	_ =	swait.ge [sflag:s5], $0x1000  }
0x1e0: {  	[sflag:s5] =	ssyncset.done $0x0  }
0x1e1: {  	[sflag:s5] =	ssyncadd.s32 $0xFFFFF000  }
0x1e2: {  	s29 =	sand.u32 $0x7F, s3;
	_ =	swait.ge [sflag:s5], $0x1000  }
0x1e3: {  	v18 =	vor.u32 s29, v13;
	s0 =	sand.u32 $0x7F, s18;
	[sflag:s5] =	ssyncset.done $0x0  }
0x1e4: {  	v19 =	vor.u32 s29, v14;
	s2 =	simm.s32 $0x4;
	s3 =	rddreg [dreg:$0xf];
	[sflag:s5] =	ssyncadd.s32 $0xFFFFF000  }
0x1e5: {  	v55 =	vor.u32 s0, v13;
	s5 =	rddreg [dreg:$0xc];
	_ =	swait.ge [sflag:s2], $0x1000  }
0x1e6: {  	v56 =	vor.u32 s0, v14;
	[sflag:s2] =	ssyncset.done $0x0  }
0x1e7: {  	[sflag:s2] =	ssyncadd.s32 $0xFFFFF000  }
0x1e8: {  	v18 =	vld.idx.msk [tilespmem:v18+s13+$0x0], $0xffff  }
0x1e9: {  	v19 =	vld.idx.msk [tilespmem:v19+s13+$0x0], $0xffff  }
0x1ea: {  	v20 =	vld.idx.msk [tilespmem:v55+s14+$0x0], $0xffff  }
0x1eb: {  	v21 =	vld.idx.msk [tilespmem:v56+s14+$0x0], $0xffff;
	_ =	sdelay $0x2  }
0x1ec: {  	s16 =	sadd.s32 $0xFFFFFFFF, s8  }
0x1ed: {  	v57 =	vor.u32 s16, v2;
	s18 =	sand.u32 $0x7F, s17  }
0x1ee: {  	v58 =	vor.u32 s18, v15;
	v18 =	vmul.f32 v20, v18;
	v19 =	vmul.f32 v21, v19  }
0x1ef: {  	v59 =	vor.u32 s18, v16;
	s28 =	sand.u32 $0x7F, s7  }
0x1f0: {  	v60 =	vor.u32 s28, v16;
	v18 =	vadd.f32 v19, v18  }
0x1f1: {  	v19 =	vor.u32 s28, v15  }
0x1f2: {  	[tilespmem:v57+s31+$0x0] =	vst.idx.msk $0xffff, v18  }
0x1f3: {  	v18 =	vld.idx.msk [tilespmem:v58+s13+$0x0], $0xffff  }
0x1f4: {  	v61 =	vld.idx.msk [tilespmem:v59+s13+$0x0], $0xffff  }
0x1f5: {  	v62 =	vld.idx.msk [tilespmem:v60+s14+$0x0], $0xffff  }
0x1f6: {  	v19 =	vld.idx.msk [tilespmem:v19+s14+$0x0], $0xffff;
	_ =	sdelay $0x3  }
0x1f7: {  	v63 =	vor.u32 s8, v2;
	p0 =	sne.s32 s3, $0x3E00  }
.Ltmp0:
0x1f8: {  	v18 =	vmul.f32 v19, v18;
	v19 =	vmul.f32 v62, v61;
	(pc) =	sbr.rel @p0 .LBB2_2-.Ltmp0, $4  }
0x1f9: {  	s23 =	simm.s32 $0xE400  }
0x1fa: {  	s30 =	simm.s32 $0x7400;
	s25 =	simm.s32 $0xF400;
	s11 =	rddreg [dreg:$0xd];
	v18 =	vadd.f32 v19, v18  }
0x1fb: {  	s8 =	sadd.s32 $0x10, s8;
	s3 =	sadd.s32 $0x200, s3;
	s29 =	rddreg [dreg:$0xe]  }
0x1fc: {  	s5 =	sadd.s32 $0x10, s5;
	s1 =	sadd.s32 $0x1, s29;
	s0 =	sadd.s32 $0x10, s11;
	[tilespmem:v63+s31+$0x0] =	vst.idx.msk $0xffff, v18  }
0x1fd: {  	_ =	swait.ge [sflag:s15], $0x1000  }
0x1fe: {  	[sflag:s15] =	ssyncset.done $0x0  }
0x1ff: {  	[sflag:s15] =	ssyncadd.s32 $0xFFFFF000  }
0x200: {  	_ =	swait.ge [sflag:s15], $0x1000  }
0x201: {  	[sflag:s15] =	ssyncset.done $0x0  }
0x202: {  	[sflag:s15] =	ssyncadd.s32 $0xFFFFF000  }
0x203: {  	_ =	swait.ge [sflag:s15], $0x1000  }
0x204: {  	[sflag:s15] =	ssyncset.done $0x0  }
0x205: {  	[sflag:s15] =	ssyncadd.s32 $0xFFFFF000  }
0x206: {  	_ =	swait.ge [sflag:s15], $0x1000  }
0x207: {  	[sflag:s15] =	ssyncset.done $0x0  }
0x208: {  	[sflag:s15] =	ssyncadd.s32 $0xFFFFF000  }
0x209: {  	_ =	swait.ge [sflag:s22], $0x1000  }
0x20a: {  	[sflag:s22] =	ssyncset.done $0x0  }
0x20b: {  	[sflag:s22] =	ssyncadd.s32 $0xFFFFF000  }
0x20c: {  	_ =	swait.ge [sflag:s22], $0x1000  }
0x20d: {  	[sflag:s22] =	ssyncset.done $0x0  }
0x20e: {  	[sflag:s22] =	ssyncadd.s32 $0xFFFFF000  }
0x20f: {  	_ =	swait.ge [sflag:s22], $0x1000  }
0x210: {  	[sflag:s22] =	ssyncset.done $0x0  }
0x211: {  	[sflag:s22] =	ssyncadd.s32 $0xFFFFF000  }
0x212: {  	_ =	swait.ge [sflag:s22], $0x1000  }
0x213: {  	[sflag:s22] =	ssyncset.done $0x0  }
0x214: {  	[sflag:s22] =	ssyncadd.s32 $0xFFFFF000  }
0x215: {  	_ =	swait.ge [sflag:s4], $0x1000  }
0x216: {  	[sflag:s4] =	ssyncset.done $0x0  }
0x217: {  	[sflag:s4] =	ssyncadd.s32 $0xFFFFF000  }
0x218: {  	_ =	swait.ge [sflag:s4], $0x1000  }
0x219: {  	[sflag:s4] =	ssyncset.done $0x0  }
0x21a: {  	[sflag:s4] =	ssyncadd.s32 $0xFFFFF000  }
0x21b: {  	_ =	swait.ge [sflag:s4], $0x1000  }
0x21c: {  	[sflag:s4] =	ssyncset.done $0x0  }
0x21d: {  	[sflag:s4] =	ssyncadd.s32 $0xFFFFF000  }
0x21e: {  	_ =	swait.ge [sflag:s4], $0x1000  }
0x21f: {  	[sflag:s4] =	ssyncset.done $0x0  }
0x220: {  	s0 =	simm.s32 $0x5;
	[sflag:s4] =	ssyncadd.s32 $0xFFFFF000  }
0x221: {  	_ =	swait.ge [sflag:s0], $0x1000  }
0x222: {  	[sflag:s0] =	ssyncset.done $0x0  }
0x223: {  	[sflag:s0] =	ssyncadd.s32 $0xFFFFF000  }
0x224: {  	_ =	swait.ge [sflag:s0], $0x1000  }
0x225: {  	[sflag:s0] =	ssyncset.done $0x0  }
0x226: {  	s1 =	simm.s32 $0x0;
	[sflag:s0] =	ssyncadd.s32 $0xFFFFF000  }
0x227: {  	s2 =	simm.s32 $0x200;
	v18 =	vld [tilespmem:s1+$0x0]  }
0x228: {  	v19 =	vld [tilespmem:s2+$0x0]  }
0x229: {  	s29 =	sand.u32 $0x1F0, s1  }
0x22a: {  	v20 =	vmov s1;
	v21 =	vld [tilespmem:s29+$0x11C00]  }
0x22b: {  	v20 =	vshll.u32 v20, $0x3;
	v22 =	vld [tilespmem:s29+$0x11E00]  }
0x22c: {  	v20 =	vor.u32 v17, v20;
	v23 =	vld [tilespmem:s29+$0x11400];
	v18 =	vand.u32 $0x7, v18  }
0x22d: {  	v24 =	vld [tilespmem:s29+$0x10C00];
	v19 =	vand.u32 $0x7, v19;
	v18 =	vor.u32 v20, v18  }
0x22e: {  	v25 =	vld [tilespmem:s29+$0x10E00];
	v19 =	vor.u32 v20, v19  }
0x22f: {  	v27 =	vld [tilespmem:s29+$0x10600]  }
0x230: {  	v28 =	vld [tilespmem:s29+$0x10800]  }
0x231: {  	s0 =	simm.s32 $0x12400;
	v29 =	vld [tilespmem:s29+$0x10A00]  }
0x232: {  	v18 =	vld.idx.msk [tilespmem:v18+s0+$0x0], $0xffff  }
0x233: {  	v19 =	vld.idx.msk [tilespmem:v19+s10+$0x0], $0xffff  }
0x234: {  	s1 =	simm.s32 $0x10400;
	v30 =	vld [tilespmem:s29+$0x11000]  }
0x235: {  	v26 =	vld [tilespmem:s1+$0x0]  }
0x236: {  	v31 =	vld [tilespmem:s29+$0x11200]  }
0x237: {  	v32 =	vld [tilespmem:s29+$0x11A00]  }
0x238: {  	v20 =	vld [tilespmem:s29+$0x11600];
	v18 =	vadd.f32 v19, v18  }
0x239: {  	v27 =	vadd.f32 $0.0e+00, v27;
	v57 =	vadd.f32 $0.0e+00, v29;
	v19 =	vld [tilespmem:s29+$0x11800]  }
0x23a: {  	v60 =	vld [tilespmem:s29+$0x12200];
	v28 =	vadd.f32 $0.0e+00, v28;
	v18 =	vadd.f32 v26, v18  }
0x23b: {  	v58 =	vld [tilespmem:s29+$0x12000];
	v25 =	vadd.f32 v25, v27;
	v61 =	vadd.f32 v31, v57  }
0x23c: {  	v59 =	vadd.f32 v30, v28;
	v18 =	vadd.f32 v24, v18  }
0x23d: {  	v62 =	vadd.f32 v32, v61;
	v20 =	vadd.f32 v20, v25  }
0x23e: {  	v19 =	vadd.f32 v19, v59;
	v18 =	vadd.f32 v23, v18  }
0x23f: {  	v63 =	vadd.f32 v60, v62;
	v20 =	vadd.f32 v22, v20  }
0x240: {  	v19 =	vadd.f32 v58, v19;
	v18 =	vadd.f32 v21, v18;
	_ =	sdelay $0x1  }
0x241: {  	v19 =	vadd.f32 v63, v19;
	v18 =	vadd.f32 v20, v18;
	_ =	sdelay $0x1  }
0x242: {  	v18 =	vadd.f32 v19, v18;
	_ =	sdelay $0x1  }
0x243: {  	v18 =	vsub.f32 $0.0e+00, v18;
	_ =	sdelay $0x1  }
0x244: {  	v18 =	vmul.f32 $1.442695020e+00, v18;
	_ =	sdelay $0x1  }
0x245: {  	(erf) = vpow2.f32 v18;
	_ =	sdelay $0x8  }
0x246: {  	v18 =	vpop (erf)  }
0x247: {  	v18 =	vadd.f32 $1.000000000e+00, v18;
	_ =	sdelay $0x1  }
0x248: {  	(erf) = vrcp.f32 v18;
	_ =	sdelay $0x8  }
0x249: {  	s2 =	simm.s32 $0x14400;
	v18 =	vpop (erf)  }
0x24a: {  	s3 =	simm.s32 $0x10;
	[tilespmem:s2+$0x0] =	vst v18  }
0x24b: {  	s8 =	simm.s32 $0x210;
	v19 =	vld [tilespmem:s3+$0x0]  }
0x24c: {  	s11 =	simm.s32 $0x20;
	s15 =	simm.s32 $0x10;
	v18 =	vld [tilespmem:s8+$0x0]  }
.LBB2_4:
0x24d: {  	p0 =	sne.s32 s11, $0x1F0  }
0x24e: {  	v20 =	vmov s3;
	s7 =	sand.u32 $0x1F0, s3;
	s3 =	smov.u32 s11  }
0x24f: {  	v20 =	vshll.u32 v20, $0x3;
	v21 =	vld [tilespmem:s7+$0x11C00]  }
0x250: {  	v20 =	vor.u32 v17, v20;
	v19 =	vand.u32 $0x7, v19;
	v22 =	vld [tilespmem:s7+$0x11E00]  }
0x251: {  	v19 =	vor.u32 v20, v19;
	v18 =	vand.u32 $0x7, v18;
	v23 =	vld [tilespmem:s7+$0x11400]  }
0x252: {  	v18 =	vor.u32 v20, v18;
	v20 =	vld [tilespmem:s7+$0x11600]  }
0x253: {  	v24 =	vld [tilespmem:s7+$0x10C00]  }
0x254: {  	s1 =	sadd.s32 $0x10, s1;
	v25 =	vld [tilespmem:s7+$0x10E00]  }
0x255: {  	v26 =	vld [tilespmem:s1+$0x0]  }
0x256: {  	v19 =	vld.idx.msk [tilespmem:v19+s0+$0x0], $0xffff  }
0x257: {  	v18 =	vld.idx.msk [tilespmem:v18+s10+$0x0], $0xffff  }
0x258: {  	v27 =	vld [tilespmem:s7+$0x10600]  }
0x259: {  	v28 =	vld [tilespmem:s7+$0x10800]  }
0x25a: {  	v29 =	vld [tilespmem:s7+$0x10A00]  }
0x25b: {  	v30 =	vld [tilespmem:s7+$0x11000]  }
0x25c: {  	v31 =	vld [tilespmem:s7+$0x11200]  }
0x25d: {  	v18 =	vadd.f32 v18, v19;
	v19 =	vld [tilespmem:s7+$0x11800]  }
0x25e: {  	v27 =	vadd.f32 $0.0e+00, v27;
	v28 =	vadd.f32 $0.0e+00, v28;
	v32 =	vld [tilespmem:s7+$0x11A00]  }
0x25f: {  	v18 =	vadd.f32 v26, v18;
	v26 =	vadd.f32 $0.0e+00, v29;
	v29 =	vld [tilespmem:s7+$0x12000]  }
0x260: {  	v25 =	vadd.f32 v25, v27;
	v27 =	vadd.f32 v30, v28;
	v28 =	vld [tilespmem:s7+$0x12200]  }
0x261: {  	v18 =	vadd.f32 v24, v18;
	v24 =	vadd.f32 v31, v26  }
0x262: {  	v20 =	vadd.f32 v20, v25;
	v19 =	vadd.f32 v19, v27  }
0x263: {  	v18 =	vadd.f32 v23, v18;
	v23 =	vadd.f32 v32, v24  }
0x264: {  	v20 =	vadd.f32 v22, v20;
	v19 =	vadd.f32 v29, v19  }
0x265: {  	v18 =	vadd.f32 v21, v18;
	v21 =	vadd.f32 v28, v23;
	_ =	sdelay $0x1  }
0x266: {  	v18 =	vadd.f32 v20, v18;
	v19 =	vadd.f32 v21, v19;
	_ =	sdelay $0x1  }
0x267: {  	v18 =	vadd.f32 v19, v18;
	_ =	sdelay $0x1  }
0x268: {  	v18 =	vsub.f32 $0.0e+00, v18;
	_ =	sdelay $0x1  }
0x269: {  	v18 =	vmul.f32 $1.442695020e+00, v18;
	_ =	sdelay $0x1  }
0x26a: {  	(erf) = vpow2.f32 v18;
	_ =	sdelay $0x8  }
0x26b: {  	v18 =	vpop (erf)  }
0x26c: {  	v18 =	vadd.f32 $1.000000000e+00, v18;
	_ =	sdelay $0x1  }
0x26d: {  	(erf) = vrcp.f32 v18;
	_ =	sdelay $0x7  }
.Ltmp1:
0x26e: {  	(pc) =	sbr.rel @p0 .LBB2_4-.Ltmp1, $4  }
0x26f: {  	s2 =	sadd.s32 $0x10, s2;
	v18 =	vpop (erf)  }
0x270: {  	s15 =	sadd.s32 $0x10, s15;
	[tilespmem:s2+$0x0] =	vst v18  }
0x271: {  	s8 =	sadd.s32 $0x10, s8;
	v19 =	vld [tilespmem:s15+$0x0]  }
0x272: {  	s11 =	sadd.s32 $0x10, s11;
	v18 =	vld [tilespmem:s8+$0x0]  }
0x273: {  	s16 =	sand.u32 $0x1F0, s3  }
0x274: {  	v20 =	vmov s3;
	v21 =	vld [tilespmem:s16+$0x11C00]  }
0x275: {  	v20 =	vshll.u32 v20, $0x3;
	v22 =	vld [tilespmem:s16+$0x11E00]  }
0x276: {  	v23 =	vld [tilespmem:s16+$0x11400];
	v20 =	vor.u32 v17, v20;
	v19 =	vand.u32 $0x7, v19  }
0x277: {  	v56 =	vld [tilespmem:s16+$0x11600];
	v19 =	vor.u32 v20, v19;
	v18 =	vand.u32 $0x7, v18  }
0x278: {  	v24 =	vld [tilespmem:s16+$0x10C00];
	v18 =	vor.u32 v20, v18  }
0x279: {  	s1 =	sadd.s32 $0x10, s1;
	v25 =	vld [tilespmem:s16+$0x10E00]  }
0x27a: {  	v26 =	vld [tilespmem:s1+$0x0]  }
0x27b: {  	v27 =	vld [tilespmem:s16+$0x10600]  }
0x27c: {  	v19 =	vld.idx.msk [tilespmem:v19+s0+$0x0], $0xffff  }
0x27d: {  	v18 =	vld.idx.msk [tilespmem:v18+s10+$0x0], $0xffff  }
0x27e: {  	v29 =	vld [tilespmem:s16+$0x10A00]  }
0x27f: {  	v28 =	vld [tilespmem:s16+$0x10800]  }
0x280: {  	v31 =	vld [tilespmem:s16+$0x11200]  }
0x281: {  	v30 =	vld [tilespmem:s16+$0x11000]  }
0x282: {  	v32 =	vld [tilespmem:s16+$0x11A00];
	v18 =	vadd.f32 v18, v19  }
0x283: {  	v27 =	vadd.f32 $0.0e+00, v27;
	v57 =	vadd.f32 $0.0e+00, v29;
	v19 =	vld [tilespmem:s16+$0x11800]  }
0x284: {  	v60 =	vld [tilespmem:s16+$0x12200];
	v28 =	vadd.f32 $0.0e+00, v28;
	v18 =	vadd.f32 v26, v18  }
0x285: {  	v58 =	vld [tilespmem:s16+$0x12000];
	v25 =	vadd.f32 v25, v27;
	v61 =	vadd.f32 v31, v57  }
0x286: {  	v59 =	vadd.f32 v30, v28;
	v18 =	vadd.f32 v24, v18  }
0x287: {  	v20 =	vadd.f32 v56, v25;
	v62 =	vadd.f32 v32, v61  }
0x288: {  	v19 =	vadd.f32 v19, v59;
	v18 =	vadd.f32 v23, v18  }
0x289: {  	v20 =	vadd.f32 v22, v20;
	v63 =	vadd.f32 v60, v62  }
0x28a: {  	v19 =	vadd.f32 v58, v19;
	v18 =	vadd.f32 v21, v18;
	_ =	sdelay $0x1  }
0x28b: {  	v19 =	vadd.f32 v63, v19;
	v18 =	vadd.f32 v20, v18;
	_ =	sdelay $0x1  }
0x28c: {  	v18 =	vadd.f32 v19, v18;
	_ =	sdelay $0x1  }
0x28d: {  	v18 =	vsub.f32 $0.0e+00, v18;
	_ =	sdelay $0x1  }
0x28e: {  	v18 =	vmul.f32 $1.442695020e+00, v18;
	_ =	sdelay $0x1  }
0x28f: {  	(erf) = vpow2.f32 v18;
	_ =	sdelay $0x8  }
0x290: {  	v18 =	vpop (erf)  }
0x291: {  	v18 =	vadd.f32 $1.000000000e+00, v18;
	_ =	sdelay $0x1  }
0x292: {  	(erf) = vrcp.f32 v18;
	_ =	sdelay $0x8  }
0x293: {  	s17 =	sadd.s32 $0x10, s2;
	v18 =	vpop (erf)  }
0x294: {  	s18 =	rddreg [dreg:$0x9];
	s28 =	simm.s32 $0x14400;
	s1 =	simm.s32 $0x6;
	[tilespmem:s17+$0x0] =	vst v18  }
0x295: {  	[hbm4b:s18+s24] =	stream.linear.scatter [tilespmem:s28], [sflag:$0x6], $0x200, $0x38;
	[tilespmem:$0x14600] =	vst v63  }
0x296: {  	_ =	swait.ge [sflag:s1], $0x200  }
0x297: {  	s5 =	rddreg [dreg:$0xb]  }
0x298: {  	s29 =	rddreg [dreg:$0xa];
	s5 =	sadd.s32 $0x1, s5  }
0x299: {  	p0 =	sne.s32 s5, s29  }
.Ltmp2:
0x29a: {  	_ = 	snop;
	(pc) =	sbr.rel @p0 .LBB2_1-.Ltmp2, $4  }
0x29b: {  	s2 =	simm.s32 $0x9400;
	s3 =	simm.s32 $0x2400  }
0x29c: {  	s4 =	simm.s32 $0xA400;
	s7 =	simm.s32 $0x3400;
	s8 =	simm.s32 $0xB400  }
0x29d: {  	s11 =	simm.s32 $0x4400;
	s15 =	simm.s32 $0xC400;
	[sflag:s1] =	ssyncset.done $0x0  }
0x29e: {  	s16 =	simm.s32 $0x5400;
	s17 =	simm.s32 $0xD400;
	[sflag:s1] =	ssyncadd.s32 $0xFFFFFE00  }
0x29f: {  	_ =	sfence.sel $0x180000  }
0x2a0: {  	[bflag:$0x0] =	sbarrier.arrive $0xFFFF  }
0x2a1: {  	_ =	strace $0x90000047  }
0x2a2: {  	s0 =	stileid.u32;
	[bflag:$0x2] =	sbarrier.arrive $0xFFFF  }
0x2a3: {  	p0 =	sne.s32 s0, $0x0;
	s0 =	rddreg [dreg:$0x6]  }
0x2a4: {  	s0 =	sadd.s32 @!p0 $0x100000, s0  }
0x2a5: {  	[sflag:s0] =	ssyncadd.tile.s32 @!p0 $0x1;
	_ =	shalt  }
.Lfunc_end2:
_tile_overlayer_lowered:
.L_overlay_start_2:
0x2a6: {  	(tag) =	ssettag $0x2  }
0x2a7: {  	s0 =	rddreg [dreg:$0x0];
	s2 =	stileid.u32  }
0x2a8: {  	s1 =	rddreg [dreg:$0x1];
	p0 =	sne.s32 s2, $0x0  }
0x2a9: {  	s3 =	rddreg [dreg:$0x2];
	[bflag:$0x3] =	sbarrier.arrive $0xFFFF;
	s2 =	simm.s32 @!p0 $0x1C06  }
0x2aa: {  	[timem:s3], [sflag:s2] =	dma.local @!p0 [hbm:s0], s1  }
0x2ab: {  	s0 =	simm.s32 @!p0 $0x6  }
0x2ac: {  	_ =	swait.ge @!p0 [sflag:s0], s1  }
0x2ad: {  	s1 =	ssub.s32 @!p0 $0x0, s1;
	[sflag:s0] =	ssyncset.done @!p0 $0x0  }
0x2ae: {  	[sflag:s0] =	ssyncadd.s32 @!p0 s1  }
0x2af: {  	[bflag:$0x3] =	sbarrier.arrive $0xFFFF  }
0x2b0: {  	_ =	shalt  }

</sc_bundles>
